<compile_context>
chip_gen: v7x
topology: tpu7x:2x2x1
jax: 0.10.2.dev20260603
libtpu: 0.0.44.dev20260713+nightly
codegen_flags: <defaults>
</compile_context>

<pallas_src>
import functools

import jax
import jax.numpy as jnp
from jax import lax
from jax.experimental import pallas as pl
from jax.experimental.pallas import tpu as pltpu
from jax.experimental.pallas import tpu_sc as plsc

_B, _NT, _HID, _V, _EMB = 4096, 256, 1024, 1995, 300
_VP = 2048




def _make_bag_scatter(B, W, Kp, CH):
    try:
        info = plsc.get_sparse_core_info()
        NC, NS, L = info.num_cores, info.num_subcores, info.num_lanes
    except ValueError:
        NC, NS, L = 2, 16, 16
    NW = NC * NS
    RPW = B // NW
    NCHUNK = RPW // CH
    NFULL = W // L
    REM = W - NFULL * L
    SW = (NFULL + (1 if REM else 0)) * L
    UN = 4
    assert B % NW == 0 and RPW % CH == 0 and NFULL % UN == 0 and Kp % L == 0

    mesh = plsc.VectorSubcoreMesh(core_axis_name="c", subcore_axis_name="s",
                                  num_cores=NC, num_subcores=NS)

    @functools.partial(
        pl.kernel,
        out_type=jax.ShapeDtypeStruct((B, Kp), jnp.float32),
        mesh=mesh,
        compiler_params=pltpu.CompilerParams(needs_layout_passes=False,
                                             use_tc_tiling_on_sc=False),
        scratch_types=[
            pltpu.VMEM((CH * SW,), jnp.float32),
            pltpu.VMEM((CH * SW,), jnp.int32),
            pltpu.VMEM((CH * Kp,), jnp.float32),
        ],
    )
    def bag(w_hbm, i_hbm, out_hbm, wbuf, ibuf, acc):
        wid = lax.axis_index("s") * NC + lax.axis_index("c")

        def chunk(c, carry):
            rowbase = wid * RPW + c * CH
            for r in range(CH):
                pltpu.sync_copy(w_hbm.at[rowbase + r], wbuf.at[pl.ds(r * SW, W)])
                pltpu.sync_copy(i_hbm.at[rowbase + r], ibuf.at[pl.ds(r * SW, W)])

            def zbody(k, carry2):
                for u in range(UN):
                    acc[pl.ds((k * UN + u) * L, L)] = jnp.zeros((L,), jnp.float32)
                return carry2

            lax.fori_loop(0, CH * Kp // (L * UN), zbody, 0)

            for r in range(CH):
                roff = r * SW
                tgt = r * Kp

                def gbody(j, carry2, roff=roff, tgt=tgt):
                    for u in range(UN):
                        off = roff + (j * UN + u) * L
                        iv = ibuf[pl.ds(off, L)] + tgt
                        wv = wbuf[pl.ds(off, L)]
                        plsc.addupdate_scatter(acc, [iv], wv)
                    return carry2

                lax.fori_loop(0, NFULL // UN, gbody, 0)
                if REM:
                    valid = lax.iota(jnp.int32, L) < REM
                    toff = roff + NFULL * L
                    iv = jnp.where(valid, ibuf[pl.ds(toff, L)], 0) + tgt
                    wv = jnp.where(valid, wbuf[pl.ds(toff, L)], 0.0)
                    plsc.addupdate_scatter(acc, [iv], wv)

            for r in range(CH):
                pltpu.sync_copy(acc.at[pl.ds(r * Kp, Kp)],
                                out_hbm.at[rowbase + r])
            return carry

        lax.fori_loop(0, NCHUNK, chunk, 0)

    return bag




def _stats_label_kernel(theta_ref, w1_ref, b1_ref, stats_ref, lab_ref):
    i = pl.program_id(0)
    th = theta_ref[...]
    h = jnp.dot(th, w1_ref[...], preferred_element_type=jnp.float32) + b1_ref[...]
    part = jnp.concatenate(
        [jnp.sum(h, axis=0, keepdims=True), jnp.sum(h * h, axis=0, keepdims=True)],
        axis=0,
    )

    @pl.when(i == 0)
    def _():
        stats_ref[...] = part

    @pl.when(i != 0)
    def _():
        stats_ref[...] = stats_ref[...] + part

    m = jnp.max(th, axis=1, keepdims=True)
    col = lax.broadcasted_iota(jnp.int32, th.shape, 1)
    lab = jnp.min(jnp.where(th == m, col, _NT), axis=1)
    lab_ref[...] = lab[:, None]


def _bow_kernel(theta_ref, w1_ref, b1_ref, stats_ref, g_ref, be_ref, w2_ref,
                b2_ref, bow_ref):
    th = theta_ref[...]
    h = jnp.dot(th, w1_ref[...], preferred_element_type=jnp.float32) + b1_ref[...]
    mean = stats_ref[0:1, :] * (1.0 / _B)
    var = stats_ref[1:2, :] * (1.0 / _B) - mean * mean
    hn = (h - mean) / jnp.sqrt(var + 1e-5) * g_ref[...] + be_ref[...]
    hl = jnp.where(hn >= 0, hn, 0.01 * hn)
    logits = jnp.dot(hl, w2_ref[...], preferred_element_type=jnp.float32) + b2_ref[...]
    mx = jnp.max(logits, axis=1, keepdims=True)
    e = jnp.exp(logits - mx)
    p = e / jnp.sum(e, axis=1, keepdims=True)
    bow_ref[...] = p[:, :_V]


def _emb_kernel(s2_ref, wt_ref, s1_ref, tt_ref, z_ref, te_ref):
    z_ref[...] = jnp.dot(s2_ref[...], wt_ref[...], preferred_element_type=jnp.float32)
    te_ref[...] = jnp.dot(s1_ref[...], tt_ref[...], preferred_element_type=jnp.float32)




def kernel(theta, inputs_embedding, inputs_word_embedding, topic_table,
           word_table, W1, b1, gamma, beta, W2, b2):
    f32 = jnp.float32
    pad = _VP - _V
    W2p = jnp.pad(W2, ((0, 0), (0, pad)))
    b2p = jnp.pad(b2, (0, pad), constant_values=-1e30)
    wtp = jnp.pad(word_table, ((0, pad), (0, 0)))

    BBA, BBB, BBC = 512, 256, 512

    stats, lab = pl.pallas_call(
        _stats_label_kernel,
        grid=(_B // BBA,),
        in_specs=[
            pl.BlockSpec((BBA, _NT), lambda i: (i, 0)),
            pl.BlockSpec((_NT, _HID), lambda i: (0, 0)),
            pl.BlockSpec((1, _HID), lambda i: (0, 0)),
        ],
        out_specs=[
            pl.BlockSpec((2, _HID), lambda i: (0, 0)),
            pl.BlockSpec((BBA, 1), lambda i: (i, 0)),
        ],
        out_shape=[
            jax.ShapeDtypeStruct((2, _HID), f32),
            jax.ShapeDtypeStruct((_B, 1), jnp.int32),
        ],
    )(theta, W1, b1[None, :])

    bow = pl.pallas_call(
        _bow_kernel,
        grid=(_B // BBB,),
        in_specs=[
            pl.BlockSpec((BBB, _NT), lambda i: (i, 0)),
            pl.BlockSpec((_NT, _HID), lambda i: (0, 0)),
            pl.BlockSpec((1, _HID), lambda i: (0, 0)),
            pl.BlockSpec((2, _HID), lambda i: (0, 0)),
            pl.BlockSpec((1, _HID), lambda i: (0, 0)),
            pl.BlockSpec((1, _HID), lambda i: (0, 0)),
            pl.BlockSpec((_HID, _VP), lambda i: (0, 0)),
            pl.BlockSpec((1, _VP), lambda i: (0, 0)),
        ],
        out_specs=pl.BlockSpec((BBB, _V), lambda i: (i, 0)),
        out_shape=jax.ShapeDtypeStruct((_B, _V), f32),
    )(theta, W1, b1[None, :], stats, gamma[None, :], beta[None, :], W2p,
      b2p[None, :])

    s1 = _make_bag_scatter(_B, _NT, _NT, 16)(theta, inputs_embedding)
    s2 = _make_bag_scatter(_B, _V, _VP, 8)(bow, inputs_word_embedding)

    z, te = pl.pallas_call(
        _emb_kernel,
        grid=(_B // BBC,),
        in_specs=[
            pl.BlockSpec((BBC, _VP), lambda i: (i, 0)),
            pl.BlockSpec((_VP, _EMB), lambda i: (0, 0)),
            pl.BlockSpec((BBC, _NT), lambda i: (i, 0)),
            pl.BlockSpec((_NT, _EMB), lambda i: (0, 0)),
        ],
        out_specs=[
            pl.BlockSpec((BBC, _EMB), lambda i: (i, 0)),
            pl.BlockSpec((BBC, _EMB), lambda i: (i, 0)),
        ],
        out_shape=[
            jax.ShapeDtypeStruct((_B, _EMB), f32),
            jax.ShapeDtypeStruct((_B, _EMB), f32),
        ],
    )(s2, wtp, s1, topic_table)

    return (bow, te, z, lab.reshape(_B))

# --- scband reference (transcript-rebuilt; emitter-appended) ---
"""Pipeline reference for scband-contra-mean-generator-78761110274401 (READ-ONLY COPY).

The authoritative reference and input builder live on the scoring server;
editing this copy changes nothing except your own understanding.
"""

import jax, jax.numpy as jnp
import numpy as np

B, N_TOPIC, HID, V_DIM, EMB = 4096, 256, 1024, 1995, 300


def setup_inputs(seed: int = 0):
    key = jax.random.key(seed)
    ks = jax.random.split(key, 12)
    theta = jax.nn.softmax(jax.random.normal(ks[0], (B, N_TOPIC), jnp.float32), axis=1)
    inputs_embedding = jax.random.randint(ks[1], (B, N_TOPIC), 0, N_TOPIC, dtype=jnp.int32)
    inputs_word_embedding = jax.random.randint(ks[2], (B, V_DIM), 0, V_DIM, dtype=jnp.int32)
    topic_table = jax.random.normal(ks[3], (N_TOPIC, EMB), jnp.float32) * 0.02
    word_table = jax.random.uniform(ks[4], (V_DIM, EMB), jnp.float32)
    W1 = jax.random.normal(ks[5], (N_TOPIC, HID), jnp.float32) * (1.0 / np.sqrt(N_TOPIC))
    b1 = jnp.zeros((HID,), jnp.float32)
    gamma = jnp.ones((HID,), jnp.float32)
    beta = jnp.zeros((HID,), jnp.float32)
    W2 = jax.random.normal(ks[6], (HID, V_DIM), jnp.float32) * (1.0 / np.sqrt(HID))
    b2 = jnp.zeros((V_DIM,), jnp.float32)
    return {"theta": theta, "inputs_embedding": inputs_embedding,
            "inputs_word_embedding": inputs_word_embedding,
            "topic_table": topic_table, "word_table": word_table,
            "W1": W1, "b1": b1, "gamma": gamma, "beta": beta,
            "W2": W2, "b2": b2}


def _bag_sum(weights, idx, table):
    # EmbeddingBag(mode='sum', per_sample_weights): out[b] = sum_j weights[b,j] * table[idx[b,j]]
    # Implemented as scatter-add of weights into a [B, num_embeddings] matrix, then matmul.
    b = weights.shape[0]
    rows = jnp.arange(b, dtype=jnp.int32)[:, None]
    s = jnp.zeros((b, table.shape[0]), weights.dtype)
    s = s.at[rows, idx].add(weights)
    return s @ table


def reference(theta, inputs_embedding, inputs_word_embedding, topic_table, word_table,
              W1, b1, gamma, beta, W2, b2):
    topic_label = jnp.argmax(theta, axis=1)
    # self.embedding(inputs_embedding, per_sample_weights=theta).squeeze(dim=0)  (squeeze is a no-op for B>1)
    topic_embedding = _bag_sum(theta, inputs_embedding, topic_table)
    # generator_fc1: Linear -> BatchNorm1d (training-mode batch stats) -> LeakyReLU -> Linear
    h = theta @ W1 + b1
    mean = jnp.mean(h, axis=0)
    var = jnp.var(h, axis=0)
    h = (h - mean) / jnp.sqrt(var + 1e-5) * gamma + beta
    h = jnp.where(h >= 0, h, 0.01 * h)
    logits = h @ W2 + b2
    bow_out = jax.nn.softmax(logits, axis=1)
    z_features = _bag_sum(bow_out, inputs_word_embedding, word_table)
    return (bow_out, topic_embedding, z_features, topic_label)

if __name__ == "__main__":
    import jax
    _d = setup_inputs()
    print(jax.jit(kernel)(*tuple(_d.values())))

</pallas_src>

<mosaic_0001>
#map = affine_map<(d0, d1) -> (0, 0)>
module attributes {stable_mosaic.version = 14 : i64} {
  func.func @bag(%arg0: i32, %arg1: i32, %arg2: memref<4096x1995xf32, #tpu.memory_space<hbm>>, %arg3: memref<4096x1995xi32, #tpu.memory_space<hbm>>, %arg4: memref<4096x2048xf32, #tpu.memory_space<hbm>>, %arg5: memref<16000xf32, #tpu.memory_space<vmem>>, %arg6: memref<16000xi32, #tpu.memory_space<vmem>>, %arg7: memref<16384xf32, #tpu.memory_space<vmem>>) attributes {dimension_semantics = [#tpu.dimension_semantics<core_parallel>, #tpu.dimension_semantics<subcore_parallel>], iteration_bounds = array<i64: 2, 16>, scalar_prefetch = 0 : i64, scratch_operands = 3 : i64, tpu.core_type = #tpu.core_type<sc_vector_subcore>, window_params = [{transform_indices = #map}, {transform_indices = #map}, {transform_indices = #map}]} {
    %mul3A = arith.constant 2 : i32
    %mul3A_0 = arith.muli %arg1, %mul3A : i32
    %add3A = arith.addi %mul3A_0, %arg0 : i32
    %scan3A = arith.constant 0 : i32
    %scan3A_1 = arith.constant 0 : i32
    %scan3A_2 = arith.constant 16 : i32
    %scan3A_3 = arith.addi %scan3A_1, %scan3A_2 : i32
    %scan3A_4 = arith.constant 1 : i32
    scf.for %scan3A_6 = %scan3A_1 to %scan3A_3 step %scan3A_4  : i32 {
      %mul3A_7 = arith.constant 128 : i32
      %mul3A_8 = arith.muli %add3A, %mul3A_7 : i32
      %mul3A_9 = arith.constant 8 : i32
      %mul3A_10 = arith.muli %scan3A_6, %mul3A_9 : i32
      %add3A_11 = arith.addi %mul3A_8, %mul3A_10 : i32
      %add3A_12 = arith.constant 0 : i32
      %add3A_13 = arith.addi %add3A_11, %add3A_12 : i32
      "tpu.region"() ({
        %run_scoped3A = tpu.sem_alloc : memref<!tpu.dma_semaphore, #tpu.memory_space<semaphore_mem>>
        %dma_start3A = arith.constant 0 : i32
        %dma_start3A_244 = tpu.memref_slice %arg5[%dma_start3A] : memref<16000xf32, #tpu.memory_space<vmem>> -> memref<1995xf32, #tpu.memory_space<vmem>>
        %dma_start3A_245 = arith.constant 0 : i32
        %dma_start3A_246 = tpu.memref_slice %arg2[%add3A_13, %dma_start3A_245] : memref<4096x1995xf32, #tpu.memory_space<hbm>> -> memref<1x1995xf32, #tpu.memory_space<hbm>>
        %dma_start3A_247 = tpu.memref_squeeze %dma_start3A_246 : memref<1x1995xf32, #tpu.memory_space<hbm>> -> memref<1995xf32, #tpu.memory_space<hbm>>
        %dma_start3A_248 = arith.constant 0 : i32
        %dma_start3A_249 = tpu.memref_slice %arg5[%dma_start3A_248] : memref<16000xf32, #tpu.memory_space<vmem>> -> memref<1995xf32, #tpu.memory_space<vmem>>
        %dma_start3A_250 = arith.constant 0 : i32
        %dma_start3A_251 = tpu.memref_slice %arg2[%add3A_13, %dma_start3A_250] : memref<4096x1995xf32, #tpu.memory_space<hbm>> -> memref<1x1995xf32, #tpu.memory_space<hbm>>
        %dma_start3A_252 = tpu.memref_squeeze %dma_start3A_251 : memref<1x1995xf32, #tpu.memory_space<hbm>> -> memref<1995xf32, #tpu.memory_space<hbm>>
        tpu.enqueue_dma source(%dma_start3A_252 : memref<1995xf32, #tpu.memory_space<hbm>>) target(%dma_start3A_249 : memref<1995xf32, #tpu.memory_space<vmem>>) target_semaphore(%run_scoped3A : memref<!tpu.dma_semaphore, #tpu.memory_space<semaphore_mem>>)
        %dma_wait3A = arith.constant 0 : i32
        %dma_wait3A_253 = tpu.memref_slice %arg5[%dma_wait3A] : memref<16000xf32, #tpu.memory_space<vmem>> -> memref<1995xf32, #tpu.memory_space<vmem>>
        %dma_wait3A_254 = arith.constant 0 : i32
        %dma_wait3A_255 = tpu.memref_slice %arg2[%add3A_13, %dma_wait3A_254] : memref<4096x1995xf32, #tpu.memory_space<hbm>> -> memref<1x1995xf32, #tpu.memory_space<hbm>>
        %dma_wait3A_256 = tpu.memref_squeeze %dma_wait3A_255 : memref<1x1995xf32, #tpu.memory_space<hbm>> -> memref<1995xf32, #tpu.memory_space<hbm>>
        %dma_wait3A_257 = arith.constant 0 : i32
        %dma_wait3A_258 = tpu.memref_slice %arg5[%dma_wait3A_257] : memref<16000xf32, #tpu.memory_space<vmem>> -> memref<1995xf32, #tpu.memory_space<vmem>>
        %dma_wait3A_259 = arith.constant 0 : i32
        %dma_wait3A_260 = tpu.memref_slice %arg2[%add3A_13, %dma_wait3A_259] : memref<4096x1995xf32, #tpu.memory_space<hbm>> -> memref<1x1995xf32, #tpu.memory_space<hbm>>
        %dma_wait3A_261 = tpu.memref_squeeze %dma_wait3A_260 : memref<1x1995xf32, #tpu.memory_space<hbm>> -> memref<1995xf32, #tpu.memory_space<hbm>>
        tpu.wait_dma2 semaphore(%run_scoped3A : memref<!tpu.dma_semaphore, #tpu.memory_space<semaphore_mem>>) src(%dma_wait3A_261 : memref<1995xf32, #tpu.memory_space<hbm>>) dst(%dma_wait3A_258 : memref<1995xf32, #tpu.memory_space<vmem>>)
        tpu.yield
      }) : () -> ()
      %add3A_14 = arith.constant 0 : i32
      %add3A_15 = arith.addi %add3A_11, %add3A_14 : i32
      "tpu.region"() ({
        %run_scoped3A = tpu.sem_alloc : memref<!tpu.dma_semaphore, #tpu.memory_space<semaphore_mem>>
        %dma_start3A = arith.constant 0 : i32
        %dma_start3A_244 = tpu.memref_slice %arg6[%dma_start3A] : memref<16000xi32, #tpu.memory_space<vmem>> -> memref<1995xi32, #tpu.memory_space<vmem>>
        %dma_start3A_245 = arith.constant 0 : i32
        %dma_start3A_246 = tpu.memref_slice %arg3[%add3A_15, %dma_start3A_245] : memref<4096x1995xi32, #tpu.memory_space<hbm>> -> memref<1x1995xi32, #tpu.memory_space<hbm>>
        %dma_start3A_247 = tpu.memref_squeeze %dma_start3A_246 : memref<1x1995xi32, #tpu.memory_space<hbm>> -> memref<1995xi32, #tpu.memory_space<hbm>>
        %dma_start3A_248 = arith.constant 0 : i32
        %dma_start3A_249 = tpu.memref_slice %arg6[%dma_start3A_248] : memref<16000xi32, #tpu.memory_space<vmem>> -> memref<1995xi32, #tpu.memory_space<vmem>>
        %dma_start3A_250 = arith.constant 0 : i32
        %dma_start3A_251 = tpu.memref_slice %arg3[%add3A_15, %dma_start3A_250] : memref<4096x1995xi32, #tpu.memory_space<hbm>> -> memref<1x1995xi32, #tpu.memory_space<hbm>>
        %dma_start3A_252 = tpu.memref_squeeze %dma_start3A_251 : memref<1x1995xi32, #tpu.memory_space<hbm>> -> memref<1995xi32, #tpu.memory_space<hbm>>
        tpu.enqueue_dma source(%dma_start3A_252 : memref<1995xi32, #tpu.memory_space<hbm>>) target(%dma_start3A_249 : memref<1995xi32, #tpu.memory_space<vmem>>) target_semaphore(%run_scoped3A : memref<!tpu.dma_semaphore, #tpu.memory_space<semaphore_mem>>)
        %dma_wait3A = arith.constant 0 : i32
        %dma_wait3A_253 = tpu.memref_slice %arg6[%dma_wait3A] : memref<16000xi32, #tpu.memory_space<vmem>> -> memref<1995xi32, #tpu.memory_space<vmem>>
        %dma_wait3A_254 = arith.constant 0 : i32
        %dma_wait3A_255 = tpu.memref_slice %arg3[%add3A_15, %dma_wait3A_254] : memref<4096x1995xi32, #tpu.memory_space<hbm>> -> memref<1x1995xi32, #tpu.memory_space<hbm>>
        %dma_wait3A_256 = tpu.memref_squeeze %dma_wait3A_255 : memref<1x1995xi32, #tpu.memory_space<hbm>> -> memref<1995xi32, #tpu.memory_space<hbm>>
        %dma_wait3A_257 = arith.constant 0 : i32
        %dma_wait3A_258 = tpu.memref_slice %arg6[%dma_wait3A_257] : memref<16000xi32, #tpu.memory_space<vmem>> -> memref<1995xi32, #tpu.memory_space<vmem>>
        %dma_wait3A_259 = arith.constant 0 : i32
        %dma_wait3A_260 = tpu.memref_slice %arg3[%add3A_15, %dma_wait3A_259] : memref<4096x1995xi32, #tpu.memory_space<hbm>> -> memref<1x1995xi32, #tpu.memory_space<hbm>>
        %dma_wait3A_261 = tpu.memref_squeeze %dma_wait3A_260 : memref<1x1995xi32, #tpu.memory_space<hbm>> -> memref<1995xi32, #tpu.memory_space<hbm>>
        tpu.wait_dma2 semaphore(%run_scoped3A : memref<!tpu.dma_semaphore, #tpu.memory_space<semaphore_mem>>) src(%dma_wait3A_261 : memref<1995xi32, #tpu.memory_space<hbm>>) dst(%dma_wait3A_258 : memref<1995xi32, #tpu.memory_space<vmem>>)
        tpu.yield
      }) : () -> ()
      %add3A_16 = arith.constant 1 : i32
      %add3A_17 = arith.addi %add3A_11, %add3A_16 : i32
      "tpu.region"() ({
        %run_scoped3A = tpu.sem_alloc : memref<!tpu.dma_semaphore, #tpu.memory_space<semaphore_mem>>
        %dma_start3A = arith.constant 2000 : i32
        %dma_start3A_244 = tpu.memref_slice %arg5[%dma_start3A] : memref<16000xf32, #tpu.memory_space<vmem>> -> memref<1995xf32, #tpu.memory_space<vmem>>
        %dma_start3A_245 = arith.constant 0 : i32
        %dma_start3A_246 = tpu.memref_slice %arg2[%add3A_17, %dma_start3A_245] : memref<4096x1995xf32, #tpu.memory_space<hbm>> -> memref<1x1995xf32, #tpu.memory_space<hbm>>
        %dma_start3A_247 = tpu.memref_squeeze %dma_start3A_246 : memref<1x1995xf32, #tpu.memory_space<hbm>> -> memref<1995xf32, #tpu.memory_space<hbm>>
        %dma_start3A_248 = arith.constant 2000 : i32
        %dma_start3A_249 = tpu.memref_slice %arg5[%dma_start3A_248] : memref<16000xf32, #tpu.memory_space<vmem>> -> memref<1995xf32, #tpu.memory_space<vmem>>
        %dma_start3A_250 = arith.constant 0 : i32
        %dma_start3A_251 = tpu.memref_slice %arg2[%add3A_17, %dma_start3A_250] : memref<4096x1995xf32, #tpu.memory_space<hbm>> -> memref<1x1995xf32, #tpu.memory_space<hbm>>
        %dma_start3A_252 = tpu.memref_squeeze %dma_start3A_251 : memref<1x1995xf32, #tpu.memory_space<hbm>> -> memref<1995xf32, #tpu.memory_space<hbm>>
        tpu.enqueue_dma source(%dma_start3A_252 : memref<1995xf32, #tpu.memory_space<hbm>>) target(%dma_start3A_249 : memref<1995xf32, #tpu.memory_space<vmem>>) target_semaphore(%run_scoped3A : memref<!tpu.dma_semaphore, #tpu.memory_space<semaphore_mem>>)
        %dma_wait3A = arith.constant 2000 : i32
        %dma_wait3A_253 = tpu.memref_slice %arg5[%dma_wait3A] : memref<16000xf32, #tpu.memory_space<vmem>> -> memref<1995xf32, #tpu.memory_space<vmem>>
        %dma_wait3A_254 = arith.constant 0 : i32
        %dma_wait3A_255 = tpu.memref_slice %arg2[%add3A_17, %dma_wait3A_254] : memref<4096x1995xf32, #tpu.memory_space<hbm>> -> memref<1x1995xf32, #tpu.memory_space<hbm>>
        %dma_wait3A_256 = tpu.memref_squeeze %dma_wait3A_255 : memref<1x1995xf32, #tpu.memory_space<hbm>> -> memref<1995xf32, #tpu.memory_space<hbm>>
        %dma_wait3A_257 = arith.constant 2000 : i32
        %dma_wait3A_258 = tpu.memref_slice %arg5[%dma_wait3A_257] : memref<16000xf32, #tpu.memory_space<vmem>> -> memref<1995xf32, #tpu.memory_space<vmem>>
        %dma_wait3A_259 = arith.constant 0 : i32
        %dma_wait3A_260 = tpu.memref_slice %arg2[%add3A_17, %dma_wait3A_259] : memref<4096x1995xf32, #tpu.memory_space<hbm>> -> memref<1x1995xf32, #tpu.memory_space<hbm>>
        %dma_wait3A_261 = tpu.memref_squeeze %dma_wait3A_260 : memref<1x1995xf32, #tpu.memory_space<hbm>> -> memref<1995xf32, #tpu.memory_space<hbm>>
        tpu.wait_dma2 semaphore(%run_scoped3A : memref<!tpu.dma_semaphore, #tpu.memory_space<semaphore_mem>>) src(%dma_wait3A_261 : memref<1995xf32, #tpu.memory_space<hbm>>) dst(%dma_wait3A_258 : memref<1995xf32, #tpu.memory_space<vmem>>)
        tpu.yield
      }) : () -> ()
      %add3A_18 = arith.constant 1 : i32
      %add3A_19 = arith.addi %add3A_11, %add3A_18 : i32
      "tpu.region"() ({
        %run_scoped3A = tpu.sem_alloc : memref<!tpu.dma_semaphore, #tpu.memory_space<semaphore_mem>>
        %dma_start3A = arith.constant 2000 : i32
        %dma_start3A_244 = tpu.memref_slice %arg6[%dma_start3A] : memref<16000xi32, #tpu.memory_space<vmem>> -> memref<1995xi32, #tpu.memory_space<vmem>>
        %dma_start3A_245 = arith.constant 0 : i32
        %dma_start3A_246 = tpu.memref_slice %arg3[%add3A_19, %dma_start3A_245] : memref<4096x1995xi32, #tpu.memory_space<hbm>> -> memref<1x1995xi32, #tpu.memory_space<hbm>>
        %dma_start3A_247 = tpu.memref_squeeze %dma_start3A_246 : memref<1x1995xi32, #tpu.memory_space<hbm>> -> memref<1995xi32, #tpu.memory_space<hbm>>
        %dma_start3A_248 = arith.constant 2000 : i32
        %dma_start3A_249 = tpu.memref_slice %arg6[%dma_start3A_248] : memref<16000xi32, #tpu.memory_space<vmem>> -> memref<1995xi32, #tpu.memory_space<vmem>>
        %dma_start3A_250 = arith.constant 0 : i32
        %dma_start3A_251 = tpu.memref_slice %arg3[%add3A_19, %dma_start3A_250] : memref<4096x1995xi32, #tpu.memory_space<hbm>> -> memref<1x1995xi32, #tpu.memory_space<hbm>>
        %dma_start3A_252 = tpu.memref_squeeze %dma_start3A_251 : memref<1x1995xi32, #tpu.memory_space<hbm>> -> memref<1995xi32, #tpu.memory_space<hbm>>
        tpu.enqueue_dma source(%dma_start3A_252 : memref<1995xi32, #tpu.memory_space<hbm>>) target(%dma_start3A_249 : memref<1995xi32, #tpu.memory_space<vmem>>) target_semaphore(%run_scoped3A : memref<!tpu.dma_semaphore, #tpu.memory_space<semaphore_mem>>)
        %dma_wait3A = arith.constant 2000 : i32
        %dma_wait3A_253 = tpu.memref_slice %arg6[%dma_wait3A] : memref<16000xi32, #tpu.memory_space<vmem>> -> memref<1995xi32, #tpu.memory_space<vmem>>
        %dma_wait3A_254 = arith.constant 0 : i32
        %dma_wait3A_255 = tpu.memref_slice %arg3[%add3A_19, %dma_wait3A_254] : memref<4096x1995xi32, #tpu.memory_space<hbm>> -> memref<1x1995xi32, #tpu.memory_space<hbm>>
        %dma_wait3A_256 = tpu.memref_squeeze %dma_wait3A_255 : memref<1x1995xi32, #tpu.memory_space<hbm>> -> memref<1995xi32, #tpu.memory_space<hbm>>
        %dma_wait3A_257 = arith.constant 2000 : i32
        %dma_wait3A_258 = tpu.memref_slice %arg6[%dma_wait3A_257] : memref<16000xi32, #tpu.memory_space<vmem>> -> memref<1995xi32, #tpu.memory_space<vmem>>
        %dma_wait3A_259 = arith.constant 0 : i32
        %dma_wait3A_260 = tpu.memref_slice %arg3[%add3A_19, %dma_wait3A_259] : memref<4096x1995xi32, #tpu.memory_space<hbm>> -> memref<1x1995xi32, #tpu.memory_space<hbm>>
        %dma_wait3A_261 = tpu.memref_squeeze %dma_wait3A_260 : memref<1x1995xi32, #tpu.memory_space<hbm>> -> memref<1995xi32, #tpu.memory_space<hbm>>
        tpu.wait_dma2 semaphore(%run_scoped3A : memref<!tpu.dma_semaphore, #tpu.memory_space<semaphore_mem>>) src(%dma_wait3A_261 : memref<1995xi32, #tpu.memory_space<hbm>>) dst(%dma_wait3A_258 : memref<1995xi32, #tpu.memory_space<vmem>>)
        tpu.yield
      }) : () -> ()
      %add3A_20 = arith.constant 2 : i32
      %add3A_21 = arith.addi %add3A_11, %add3A_20 : i32
      "tpu.region"() ({
        %run_scoped3A = tpu.sem_alloc : memref<!tpu.dma_semaphore, #tpu.memory_space<semaphore_mem>>
        %dma_start3A = arith.constant 4000 : i32
        %dma_start3A_244 = tpu.memref_slice %arg5[%dma_start3A] : memref<16000xf32, #tpu.memory_space<vmem>> -> memref<1995xf32, #tpu.memory_space<vmem>>
        %dma_start3A_245 = arith.constant 0 : i32
        %dma_start3A_246 = tpu.memref_slice %arg2[%add3A_21, %dma_start3A_245] : memref<4096x1995xf32, #tpu.memory_space<hbm>> -> memref<1x1995xf32, #tpu.memory_space<hbm>>
        %dma_start3A_247 = tpu.memref_squeeze %dma_start3A_246 : memref<1x1995xf32, #tpu.memory_space<hbm>> -> memref<1995xf32, #tpu.memory_space<hbm>>
        %dma_start3A_248 = arith.constant 4000 : i32
        %dma_start3A_249 = tpu.memref_slice %arg5[%dma_start3A_248] : memref<16000xf32, #tpu.memory_space<vmem>> -> memref<1995xf32, #tpu.memory_space<vmem>>
        %dma_start3A_250 = arith.constant 0 : i32
        %dma_start3A_251 = tpu.memref_slice %arg2[%add3A_21, %dma_start3A_250] : memref<4096x1995xf32, #tpu.memory_space<hbm>> -> memref<1x1995xf32, #tpu.memory_space<hbm>>
        %dma_start3A_252 = tpu.memref_squeeze %dma_start3A_251 : memref<1x1995xf32, #tpu.memory_space<hbm>> -> memref<1995xf32, #tpu.memory_space<hbm>>
        tpu.enqueue_dma source(%dma_start3A_252 : memref<1995xf32, #tpu.memory_space<hbm>>) target(%dma_start3A_249 : memref<1995xf32, #tpu.memory_space<vmem>>) target_semaphore(%run_scoped3A : memref<!tpu.dma_semaphore, #tpu.memory_space<semaphore_mem>>)
        %dma_wait3A = arith.constant 4000 : i32
        %dma_wait3A_253 = tpu.memref_slice %arg5[%dma_wait3A] : memref<16000xf32, #tpu.memory_space<vmem>> -> memref<1995xf32, #tpu.memory_space<vmem>>
        %dma_wait3A_254 = arith.constant 0 : i32
        %dma_wait3A_255 = tpu.memref_slice %arg2[%add3A_21, %dma_wait3A_254] : memref<4096x1995xf32, #tpu.memory_space<hbm>> -> memref<1x1995xf32, #tpu.memory_space<hbm>>
        %dma_wait3A_256 = tpu.memref_squeeze %dma_wait3A_255 : memref<1x1995xf32, #tpu.memory_space<hbm>> -> memref<1995xf32, #tpu.memory_space<hbm>>
        %dma_wait3A_257 = arith.constant 4000 : i32
        %dma_wait3A_258 = tpu.memref_slice %arg5[%dma_wait3A_257] : memref<16000xf32, #tpu.memory_space<vmem>> -> memref<1995xf32, #tpu.memory_space<vmem>>
        %dma_wait3A_259 = arith.constant 0 : i32
        %dma_wait3A_260 = tpu.memref_slice %arg2[%add3A_21, %dma_wait3A_259] : memref<4096x1995xf32, #tpu.memory_space<hbm>> -> memref<1x1995xf32, #tpu.memory_space<hbm>>
        %dma_wait3A_261 = tpu.memref_squeeze %dma_wait3A_260 : memref<1x1995xf32, #tpu.memory_space<hbm>> -> memref<1995xf32, #tpu.memory_space<hbm>>
        tpu.wait_dma2 semaphore(%run_scoped3A : memref<!tpu.dma_semaphore, #tpu.memory_space<semaphore_mem>>) src(%dma_wait3A_261 : memref<1995xf32, #tpu.memory_space<hbm>>) dst(%dma_wait3A_258 : memref<1995xf32, #tpu.memory_space<vmem>>)
        tpu.yield
      }) : () -> ()
      %add3A_22 = arith.constant 2 : i32
      %add3A_23 = arith.addi %add3A_11, %add3A_22 : i32
      "tpu.region"() ({
        %run_scoped3A = tpu.sem_alloc : memref<!tpu.dma_semaphore, #tpu.memory_space<semaphore_mem>>
        %dma_start3A = arith.constant 4000 : i32
        %dma_start3A_244 = tpu.memref_slice %arg6[%dma_start3A] : memref<16000xi32, #tpu.memory_space<vmem>> -> memref<1995xi32, #tpu.memory_space<vmem>>
        %dma_start3A_245 = arith.constant 0 : i32
        %dma_start3A_246 = tpu.memref_slice %arg3[%add3A_23, %dma_start3A_245] : memref<4096x1995xi32, #tpu.memory_space<hbm>> -> memref<1x1995xi32, #tpu.memory_space<hbm>>
        %dma_start3A_247 = tpu.memref_squeeze %dma_start3A_246 : memref<1x1995xi32, #tpu.memory_space<hbm>> -> memref<1995xi32, #tpu.memory_space<hbm>>
        %dma_start3A_248 = arith.constant 4000 : i32
        %dma_start3A_249 = tpu.memref_slice %arg6[%dma_start3A_248] : memref<16000xi32, #tpu.memory_space<vmem>> -> memref<1995xi32, #tpu.memory_space<vmem>>
        %dma_start3A_250 = arith.constant 0 : i32
        %dma_start3A_251 = tpu.memref_slice %arg3[%add3A_23, %dma_start3A_250] : memref<4096x1995xi32, #tpu.memory_space<hbm>> -> memref<1x1995xi32, #tpu.memory_space<hbm>>
        %dma_start3A_252 = tpu.memref_squeeze %dma_start3A_251 : memref<1x1995xi32, #tpu.memory_space<hbm>> -> memref<1995xi32, #tpu.memory_space<hbm>>
        tpu.enqueue_dma source(%dma_start3A_252 : memref<1995xi32, #tpu.memory_space<hbm>>) target(%dma_start3A_249 : memref<1995xi32, #tpu.memory_space<vmem>>) target_semaphore(%run_scoped3A : memref<!tpu.dma_semaphore, #tpu.memory_space<semaphore_mem>>)
        %dma_wait3A = arith.constant 4000 : i32
        %dma_wait3A_253 = tpu.memref_slice %arg6[%dma_wait3A] : memref<16000xi32, #tpu.memory_space<vmem>> -> memref<1995xi32, #tpu.memory_space<vmem>>
        %dma_wait3A_254 = arith.constant 0 : i32
        %dma_wait3A_255 = tpu.memref_slice %arg3[%add3A_23, %dma_wait3A_254] : memref<4096x1995xi32, #tpu.memory_space<hbm>> -> memref<1x1995xi32, #tpu.memory_space<hbm>>
        %dma_wait3A_256 = tpu.memref_squeeze %dma_wait3A_255 : memref<1x1995xi32, #tpu.memory_space<hbm>> -> memref<1995xi32, #tpu.memory_space<hbm>>
        %dma_wait3A_257 = arith.constant 4000 : i32
        %dma_wait3A_258 = tpu.memref_slice %arg6[%dma_wait3A_257] : memref<16000xi32, #tpu.memory_space<vmem>> -> memref<1995xi32, #tpu.memory_space<vmem>>
        %dma_wait3A_259 = arith.constant 0 : i32
        %dma_wait3A_260 = tpu.memref_slice %arg3[%add3A_23, %dma_wait3A_259] : memref<4096x1995xi32, #tpu.memory_space<hbm>> -> memref<1x1995xi32, #tpu.memory_space<hbm>>
        %dma_wait3A_261 = tpu.memref_squeeze %dma_wait3A_260 : memref<1x1995xi32, #tpu.memory_space<hbm>> -> memref<1995xi32, #tpu.memory_space<hbm>>
        tpu.wait_dma2 semaphore(%run_scoped3A : memref<!tpu.dma_semaphore, #tpu.memory_space<semaphore_mem>>) src(%dma_wait3A_261 : memref<1995xi32, #tpu.memory_space<hbm>>) dst(%dma_wait3A_258 : memref<1995xi32, #tpu.memory_space<vmem>>)
        tpu.yield
      }) : () -> ()
      %add3A_24 = arith.constant 3 : i32
      %add3A_25 = arith.addi %add3A_11, %add3A_24 : i32
      "tpu.region"() ({
        %run_scoped3A = tpu.sem_alloc : memref<!tpu.dma_semaphore, #tpu.memory_space<semaphore_mem>>
        %dma_start3A = arith.constant 6000 : i32
        %dma_start3A_244 = tpu.memref_slice %arg5[%dma_start3A] : memref<16000xf32, #tpu.memory_space<vmem>> -> memref<1995xf32, #tpu.memory_space<vmem>>
        %dma_start3A_245 = arith.constant 0 : i32
        %dma_start3A_246 = tpu.memref_slice %arg2[%add3A_25, %dma_start3A_245] : memref<4096x1995xf32, #tpu.memory_space<hbm>> -> memref<1x1995xf32, #tpu.memory_space<hbm>>
        %dma_start3A_247 = tpu.memref_squeeze %dma_start3A_246 : memref<1x1995xf32, #tpu.memory_space<hbm>> -> memref<1995xf32, #tpu.memory_space<hbm>>
        %dma_start3A_248 = arith.constant 6000 : i32
        %dma_start3A_249 = tpu.memref_slice %arg5[%dma_start3A_248] : memref<16000xf32, #tpu.memory_space<vmem>> -> memref<1995xf32, #tpu.memory_space<vmem>>
        %dma_start3A_250 = arith.constant 0 : i32
        %dma_start3A_251 = tpu.memref_slice %arg2[%add3A_25, %dma_start3A_250] : memref<4096x1995xf32, #tpu.memory_space<hbm>> -> memref<1x1995xf32, #tpu.memory_space<hbm>>
        %dma_start3A_252 = tpu.memref_squeeze %dma_start3A_251 : memref<1x1995xf32, #tpu.memory_space<hbm>> -> memref<1995xf32, #tpu.memory_space<hbm>>
        tpu.enqueue_dma source(%dma_start3A_252 : memref<1995xf32, #tpu.memory_space<hbm>>) target(%dma_start3A_249 : memref<1995xf32, #tpu.memory_space<vmem>>) target_semaphore(%run_scoped3A : memref<!tpu.dma_semaphore, #tpu.memory_space<semaphore_mem>>)
        %dma_wait3A = arith.constant 6000 : i32
        %dma_wait3A_253 = tpu.memref_slice %arg5[%dma_wait3A] : memref<16000xf32, #tpu.memory_space<vmem>> -> memref<1995xf32, #tpu.memory_space<vmem>>
        %dma_wait3A_254 = arith.constant 0 : i32
        %dma_wait3A_255 = tpu.memref_slice %arg2[%add3A_25, %dma_wait3A_254] : memref<4096x1995xf32, #tpu.memory_space<hbm>> -> memref<1x1995xf32, #tpu.memory_space<hbm>>
        %dma_wait3A_256 = tpu.memref_squeeze %dma_wait3A_255 : memref<1x1995xf32, #tpu.memory_space<hbm>> -> memref<1995xf32, #tpu.memory_space<hbm>>
        %dma_wait3A_257 = arith.constant 6000 : i32
        %dma_wait3A_258 = tpu.memref_slice %arg5[%dma_wait3A_257] : memref<16000xf32, #tpu.memory_space<vmem>> -> memref<1995xf32, #tpu.memory_space<vmem>>
        %dma_wait3A_259 = arith.constant 0 : i32
        %dma_wait3A_260 = tpu.memref_slice %arg2[%add3A_25, %dma_wait3A_259] : memref<4096x1995xf32, #tpu.memory_space<hbm>> -> memref<1x1995xf32, #tpu.memory_space<hbm>>
        %dma_wait3A_261 = tpu.memref_squeeze %dma_wait3A_260 : memref<1x1995xf32, #tpu.memory_space<hbm>> -> memref<1995xf32, #tpu.memory_space<hbm>>
        tpu.wait_dma2 semaphore(%run_scoped3A : memref<!tpu.dma_semaphore, #tpu.memory_space<semaphore_mem>>) src(%dma_wait3A_261 : memref<1995xf32, #tpu.memory_space<hbm>>) dst(%dma_wait3A_258 : memref<1995xf32, #tpu.memory_space<vmem>>)
        tpu.yield
      }) : () -> ()
      %add3A_26 = arith.constant 3 : i32
      %add3A_27 = arith.addi %add3A_11, %add3A_26 : i32
      "tpu.region"() ({
        %run_scoped3A = tpu.sem_alloc : memref<!tpu.dma_semaphore, #tpu.memory_space<semaphore_mem>>
        %dma_start3A = arith.constant 6000 : i32
        %dma_start3A_244 = tpu.memref_slice %arg6[%dma_start3A] : memref<16000xi32, #tpu.memory_space<vmem>> -> memref<1995xi32, #tpu.memory_space<vmem>>
        %dma_start3A_245 = arith.constant 0 : i32
        %dma_start3A_246 = tpu.memref_slice %arg3[%add3A_27, %dma_start3A_245] : memref<4096x1995xi32, #tpu.memory_space<hbm>> -> memref<1x1995xi32, #tpu.memory_space<hbm>>
        %dma_start3A_247 = tpu.memref_squeeze %dma_start3A_246 : memref<1x1995xi32, #tpu.memory_space<hbm>> -> memref<1995xi32, #tpu.memory_space<hbm>>
        %dma_start3A_248 = arith.constant 6000 : i32
        %dma_start3A_249 = tpu.memref_slice %arg6[%dma_start3A_248] : memref<16000xi32, #tpu.memory_space<vmem>> -> memref<1995xi32, #tpu.memory_space<vmem>>
        %dma_start3A_250 = arith.constant 0 : i32
        %dma_start3A_251 = tpu.memref_slice %arg3[%add3A_27, %dma_start3A_250] : memref<4096x1995xi32, #tpu.memory_space<hbm>> -> memref<1x1995xi32, #tpu.memory_space<hbm>>
        %dma_start3A_252 = tpu.memref_squeeze %dma_start3A_251 : memref<1x1995xi32, #tpu.memory_space<hbm>> -> memref<1995xi32, #tpu.memory_space<hbm>>
        tpu.enqueue_dma source(%dma_start3A_252 : memref<1995xi32, #tpu.memory_space<hbm>>) target(%dma_start3A_249 : memref<1995xi32, #tpu.memory_space<vmem>>) target_semaphore(%run_scoped3A : memref<!tpu.dma_semaphore, #tpu.memory_space<semaphore_mem>>)
        %dma_wait3A = arith.constant 6000 : i32
        %dma_wait3A_253 = tpu.memref_slice %arg6[%dma_wait3A] : memref<16000xi32, #tpu.memory_space<vmem>> -> memref<1995xi32, #tpu.memory_space<vmem>>
        %dma_wait3A_254 = arith.constant 0 : i32
        %dma_wait3A_255 = tpu.memref_slice %arg3[%add3A_27, %dma_wait3A_254] : memref<4096x1995xi32, #tpu.memory_space<hbm>> -> memref<1x1995xi32, #tpu.memory_space<hbm>>
        %dma_wait3A_256 = tpu.memref_squeeze %dma_wait3A_255 : memref<1x1995xi32, #tpu.memory_space<hbm>> -> memref<1995xi32, #tpu.memory_space<hbm>>
        %dma_wait3A_257 = arith.constant 6000 : i32
        %dma_wait3A_258 = tpu.memref_slice %arg6[%dma_wait3A_257] : memref<16000xi32, #tpu.memory_space<vmem>> -> memref<1995xi32, #tpu.memory_space<vmem>>
        %dma_wait3A_259 = arith.constant 0 : i32
        %dma_wait3A_260 = tpu.memref_slice %arg3[%add3A_27, %dma_wait3A_259] : memref<4096x1995xi32, #tpu.memory_space<hbm>> -> memref<1x1995xi32, #tpu.memory_space<hbm>>
        %dma_wait3A_261 = tpu.memref_squeeze %dma_wait3A_260 : memref<1x1995xi32, #tpu.memory_space<hbm>> -> memref<1995xi32, #tpu.memory_space<hbm>>
        tpu.wait_dma2 semaphore(%run_scoped3A : memref<!tpu.dma_semaphore, #tpu.memory_space<semaphore_mem>>) src(%dma_wait3A_261 : memref<1995xi32, #tpu.memory_space<hbm>>) dst(%dma_wait3A_258 : memref<1995xi32, #tpu.memory_space<vmem>>)
        tpu.yield
      }) : () -> ()
      %add3A_28 = arith.constant 4 : i32
      %add3A_29 = arith.addi %add3A_11, %add3A_28 : i32
      "tpu.region"() ({
        %run_scoped3A = tpu.sem_alloc : memref<!tpu.dma_semaphore, #tpu.memory_space<semaphore_mem>>
        %dma_start3A = arith.constant 8000 : i32
        %dma_start3A_244 = tpu.memref_slice %arg5[%dma_start3A] : memref<16000xf32, #tpu.memory_space<vmem>> -> memref<1995xf32, #tpu.memory_space<vmem>>
        %dma_start3A_245 = arith.constant 0 : i32
        %dma_start3A_246 = tpu.memref_slice %arg2[%add3A_29, %dma_start3A_245] : memref<4096x1995xf32, #tpu.memory_space<hbm>> -> memref<1x1995xf32, #tpu.memory_space<hbm>>
        %dma_start3A_247 = tpu.memref_squeeze %dma_start3A_246 : memref<1x1995xf32, #tpu.memory_space<hbm>> -> memref<1995xf32, #tpu.memory_space<hbm>>
        %dma_start3A_248 = arith.constant 8000 : i32
        %dma_start3A_249 = tpu.memref_slice %arg5[%dma_start3A_248] : memref<16000xf32, #tpu.memory_space<vmem>> -> memref<1995xf32, #tpu.memory_space<vmem>>
        %dma_start3A_250 = arith.constant 0 : i32
        %dma_start3A_251 = tpu.memref_slice %arg2[%add3A_29, %dma_start3A_250] : memref<4096x1995xf32, #tpu.memory_space<hbm>> -> memref<1x1995xf32, #tpu.memory_space<hbm>>
        %dma_start3A_252 = tpu.memref_squeeze %dma_start3A_251 : memref<1x1995xf32, #tpu.memory_space<hbm>> -> memref<1995xf32, #tpu.memory_space<hbm>>
        tpu.enqueue_dma source(%dma_start3A_252 : memref<1995xf32, #tpu.memory_space<hbm>>) target(%dma_start3A_249 : memref<1995xf32, #tpu.memory_space<vmem>>) target_semaphore(%run_scoped3A : memref<!tpu.dma_semaphore, #tpu.memory_space<semaphore_mem>>)
        %dma_wait3A = arith.constant 8000 : i32
        %dma_wait3A_253 = tpu.memref_slice %arg5[%dma_wait3A] : memref<16000xf32, #tpu.memory_space<vmem>> -> memref<1995xf32, #tpu.memory_space<vmem>>
        %dma_wait3A_254 = arith.constant 0 : i32
        %dma_wait3A_255 = tpu.memref_slice %arg2[%add3A_29, %dma_wait3A_254] : memref<4096x1995xf32, #tpu.memory_space<hbm>> -> memref<1x1995xf32, #tpu.memory_space<hbm>>
        %dma_wait3A_256 = tpu.memref_squeeze %dma_wait3A_255 : memref<1x1995xf32, #tpu.memory_space<hbm>> -> memref<1995xf32, #tpu.memory_space<hbm>>
        %dma_wait3A_257 = arith.constant 8000 : i32
        %dma_wait3A_258 = tpu.memref_slice %arg5[%dma_wait3A_257] : memref<16000xf32, #tpu.memory_space<vmem>> -> memref<1995xf32, #tpu.memory_space<vmem>>
        %dma_wait3A_259 = arith.constant 0 : i32
        %dma_wait3A_260 = tpu.memref_slice %arg2[%add3A_29, %dma_wait3A_259] : memref<4096x1995xf32, #tpu.memory_space<hbm>> -> memref<1x1995xf32, #tpu.memory_space<hbm>>
        %dma_wait3A_261 = tpu.memref_squeeze %dma_wait3A_260 : memref<1x1995xf32, #tpu.memory_space<hbm>> -> memref<1995xf32, #tpu.memory_space<hbm>>
        tpu.wait_dma2 semaphore(%run_scoped3A : memref<!tpu.dma_semaphore, #tpu.memory_space<semaphore_mem>>) src(%dma_wait3A_261 : memref<1995xf32, #tpu.memory_space<hbm>>) dst(%dma_wait3A_258 : memref<1995xf32, #tpu.memory_space<vmem>>)
        tpu.yield
      }) : () -> ()
      %add3A_30 = arith.constant 4 : i32
      %add3A_31 = arith.addi %add3A_11, %add3A_30 : i32
      "tpu.region"() ({
        %run_scoped3A = tpu.sem_alloc : memref<!tpu.dma_semaphore, #tpu.memory_space<semaphore_mem>>
        %dma_start3A = arith.constant 8000 : i32
        %dma_start3A_244 = tpu.memref_slice %arg6[%dma_start3A] : memref<16000xi32, #tpu.memory_space<vmem>> -> memref<1995xi32, #tpu.memory_space<vmem>>
        %dma_start3A_245 = arith.constant 0 : i32
        %dma_start3A_246 = tpu.memref_slice %arg3[%add3A_31, %dma_start3A_245] : memref<4096x1995xi32, #tpu.memory_space<hbm>> -> memref<1x1995xi32, #tpu.memory_space<hbm>>
        %dma_start3A_247 = tpu.memref_squeeze %dma_start3A_246 : memref<1x1995xi32, #tpu.memory_space<hbm>> -> memref<1995xi32, #tpu.memory_space<hbm>>
        %dma_start3A_248 = arith.constant 8000 : i32
        %dma_start3A_249 = tpu.memref_slice %arg6[%dma_start3A_248] : memref<16000xi32, #tpu.memory_space<vmem>> -> memref<1995xi32, #tpu.memory_space<vmem>>
        %dma_start3A_250 = arith.constant 0 : i32
        %dma_start3A_251 = tpu.memref_slice %arg3[%add3A_31, %dma_start3A_250] : memref<4096x1995xi32, #tpu.memory_space<hbm>> -> memref<1x1995xi32, #tpu.memory_space<hbm>>
        %dma_start3A_252 = tpu.memref_squeeze %dma_start3A_251 : memref<1x1995xi32, #tpu.memory_space<hbm>> -> memref<1995xi32, #tpu.memory_space<hbm>>
        tpu.enqueue_dma source(%dma_start3A_252 : memref<1995xi32, #tpu.memory_space<hbm>>) target(%dma_start3A_249 : memref<1995xi32, #tpu.memory_space<vmem>>) target_semaphore(%run_scoped3A : memref<!tpu.dma_semaphore, #tpu.memory_space<semaphore_mem>>)
        %dma_wait3A = arith.constant 8000 : i32
        %dma_wait3A_253 = tpu.memref_slice %arg6[%dma_wait3A] : memref<16000xi32, #tpu.memory_space<vmem>> -> memref<1995xi32, #tpu.memory_space<vmem>>
        %dma_wait3A_254 = arith.constant 0 : i32
        %dma_wait3A_255 = tpu.memref_slice %arg3[%add3A_31, %dma_wait3A_254] : memref<4096x1995xi32, #tpu.memory_space<hbm>> -> memref<1x1995xi32, #tpu.memory_space<hbm>>
        %dma_wait3A_256 = tpu.memref_squeeze %dma_wait3A_255 : memref<1x1995xi32, #tpu.memory_space<hbm>> -> memref<1995xi32, #tpu.memory_space<hbm>>
        %dma_wait3A_257 = arith.constant 8000 : i32
        %dma_wait3A_258 = tpu.memref_slice %arg6[%dma_wait3A_257] : memref<16000xi32, #tpu.memory_space<vmem>> -> memref<1995xi32, #tpu.memory_space<vmem>>
        %dma_wait3A_259 = arith.constant 0 : i32
        %dma_wait3A_260 = tpu.memref_slice %arg3[%add3A_31, %dma_wait3A_259] : memref<4096x1995xi32, #tpu.memory_space<hbm>> -> memref<1x1995xi32, #tpu.memory_space<hbm>>
        %dma_wait3A_261 = tpu.memref_squeeze %dma_wait3A_260 : memref<1x1995xi32, #tpu.memory_space<hbm>> -> memref<1995xi32, #tpu.memory_space<hbm>>
        tpu.wait_dma2 semaphore(%run_scoped3A : memref<!tpu.dma_semaphore, #tpu.memory_space<semaphore_mem>>) src(%dma_wait3A_261 : memref<1995xi32, #tpu.memory_space<hbm>>) dst(%dma_wait3A_258 : memref<1995xi32, #tpu.memory_space<vmem>>)
        tpu.yield
      }) : () -> ()
      %add3A_32 = arith.constant 5 : i32
      %add3A_33 = arith.addi %add3A_11, %add3A_32 : i32
      "tpu.region"() ({
        %run_scoped3A = tpu.sem_alloc : memref<!tpu.dma_semaphore, #tpu.memory_space<semaphore_mem>>
        %dma_start3A = arith.constant 10000 : i32
        %dma_start3A_244 = tpu.memref_slice %arg5[%dma_start3A] : memref<16000xf32, #tpu.memory_space<vmem>> -> memref<1995xf32, #tpu.memory_space<vmem>>
        %dma_start3A_245 = arith.constant 0 : i32
        %dma_start3A_246 = tpu.memref_slice %arg2[%add3A_33, %dma_start3A_245] : memref<4096x1995xf32, #tpu.memory_space<hbm>> -> memref<1x1995xf32, #tpu.memory_space<hbm>>
        %dma_start3A_247 = tpu.memref_squeeze %dma_start3A_246 : memref<1x1995xf32, #tpu.memory_space<hbm>> -> memref<1995xf32, #tpu.memory_space<hbm>>
        %dma_start3A_248 = arith.constant 10000 : i32
        %dma_start3A_249 = tpu.memref_slice %arg5[%dma_start3A_248] : memref<16000xf32, #tpu.memory_space<vmem>> -> memref<1995xf32, #tpu.memory_space<vmem>>
        %dma_start3A_250 = arith.constant 0 : i32
        %dma_start3A_251 = tpu.memref_slice %arg2[%add3A_33, %dma_start3A_250] : memref<4096x1995xf32, #tpu.memory_space<hbm>> -> memref<1x1995xf32, #tpu.memory_space<hbm>>
        %dma_start3A_252 = tpu.memref_squeeze %dma_start3A_251 : memref<1x1995xf32, #tpu.memory_space<hbm>> -> memref<1995xf32, #tpu.memory_space<hbm>>
        tpu.enqueue_dma source(%dma_start3A_252 : memref<1995xf32, #tpu.memory_space<hbm>>) target(%dma_start3A_249 : memref<1995xf32, #tpu.memory_space<vmem>>) target_semaphore(%run_scoped3A : memref<!tpu.dma_semaphore, #tpu.memory_space<semaphore_mem>>)
        %dma_wait3A = arith.constant 10000 : i32
        %dma_wait3A_253 = tpu.memref_slice %arg5[%dma_wait3A] : memref<16000xf32, #tpu.memory_space<vmem>> -> memref<1995xf32, #tpu.memory_space<vmem>>
        %dma_wait3A_254 = arith.constant 0 : i32
        %dma_wait3A_255 = tpu.memref_slice %arg2[%add3A_33, %dma_wait3A_254] : memref<4096x1995xf32, #tpu.memory_space<hbm>> -> memref<1x1995xf32, #tpu.memory_space<hbm>>
        %dma_wait3A_256 = tpu.memref_squeeze %dma_wait3A_255 : memref<1x1995xf32, #tpu.memory_space<hbm>> -> memref<1995xf32, #tpu.memory_space<hbm>>
        %dma_wait3A_257 = arith.constant 10000 : i32
        %dma_wait3A_258 = tpu.memref_slice %arg5[%dma_wait3A_257] : memref<16000xf32, #tpu.memory_space<vmem>> -> memref<1995xf32, #tpu.memory_space<vmem>>
        %dma_wait3A_259 = arith.constant 0 : i32
        %dma_wait3A_260 = tpu.memref_slice %arg2[%add3A_33, %dma_wait3A_259] : memref<4096x1995xf32, #tpu.memory_space<hbm>> -> memref<1x1995xf32, #tpu.memory_space<hbm>>
        %dma_wait3A_261 = tpu.memref_squeeze %dma_wait3A_260 : memref<1x1995xf32, #tpu.memory_space<hbm>> -> memref<1995xf32, #tpu.memory_space<hbm>>
        tpu.wait_dma2 semaphore(%run_scoped3A : memref<!tpu.dma_semaphore, #tpu.memory_space<semaphore_mem>>) src(%dma_wait3A_261 : memref<1995xf32, #tpu.memory_space<hbm>>) dst(%dma_wait3A_258 : memref<1995xf32, #tpu.memory_space<vmem>>)
        tpu.yield
      }) : () -> ()
      %add3A_34 = arith.constant 5 : i32
      %add3A_35 = arith.addi %add3A_11, %add3A_34 : i32
      "tpu.region"() ({
        %run_scoped3A = tpu.sem_alloc : memref<!tpu.dma_semaphore, #tpu.memory_space<semaphore_mem>>
        %dma_start3A = arith.constant 10000 : i32
        %dma_start3A_244 = tpu.memref_slice %arg6[%dma_start3A] : memref<16000xi32, #tpu.memory_space<vmem>> -> memref<1995xi32, #tpu.memory_space<vmem>>
        %dma_start3A_245 = arith.constant 0 : i32
        %dma_start3A_246 = tpu.memref_slice %arg3[%add3A_35, %dma_start3A_245] : memref<4096x1995xi32, #tpu.memory_space<hbm>> -> memref<1x1995xi32, #tpu.memory_space<hbm>>
        %dma_start3A_247 = tpu.memref_squeeze %dma_start3A_246 : memref<1x1995xi32, #tpu.memory_space<hbm>> -> memref<1995xi32, #tpu.memory_space<hbm>>
        %dma_start3A_248 = arith.constant 10000 : i32
        %dma_start3A_249 = tpu.memref_slice %arg6[%dma_start3A_248] : memref<16000xi32, #tpu.memory_space<vmem>> -> memref<1995xi32, #tpu.memory_space<vmem>>
        %dma_start3A_250 = arith.constant 0 : i32
        %dma_start3A_251 = tpu.memref_slice %arg3[%add3A_35, %dma_start3A_250] : memref<4096x1995xi32, #tpu.memory_space<hbm>> -> memref<1x1995xi32, #tpu.memory_space<hbm>>
        %dma_start3A_252 = tpu.memref_squeeze %dma_start3A_251 : memref<1x1995xi32, #tpu.memory_space<hbm>> -> memref<1995xi32, #tpu.memory_space<hbm>>
        tpu.enqueue_dma source(%dma_start3A_252 : memref<1995xi32, #tpu.memory_space<hbm>>) target(%dma_start3A_249 : memref<1995xi32, #tpu.memory_space<vmem>>) target_semaphore(%run_scoped3A : memref<!tpu.dma_semaphore, #tpu.memory_space<semaphore_mem>>)
        %dma_wait3A = arith.constant 10000 : i32
        %dma_wait3A_253 = tpu.memref_slice %arg6[%dma_wait3A] : memref<16000xi32, #tpu.memory_space<vmem>> -> memref<1995xi32, #tpu.memory_space<vmem>>
        %dma_wait3A_254 = arith.constant 0 : i32
        %dma_wait3A_255 = tpu.memref_slice %arg3[%add3A_35, %dma_wait3A_254] : memref<4096x1995xi32, #tpu.memory_space<hbm>> -> memref<1x1995xi32, #tpu.memory_space<hbm>>
        %dma_wait3A_256 = tpu.memref_squeeze %dma_wait3A_255 : memref<1x1995xi32, #tpu.memory_space<hbm>> -> memref<1995xi32, #tpu.memory_space<hbm>>
        %dma_wait3A_257 = arith.constant 10000 : i32
        %dma_wait3A_258 = tpu.memref_slice %arg6[%dma_wait3A_257] : memref<16000xi32, #tpu.memory_space<vmem>> -> memref<1995xi32, #tpu.memory_space<vmem>>
        %dma_wait3A_259 = arith.constant 0 : i32
        %dma_wait3A_260 = tpu.memref_slice %arg3[%add3A_35, %dma_wait3A_259] : memref<4096x1995xi32, #tpu.memory_space<hbm>> -> memref<1x1995xi32, #tpu.memory_space<hbm>>
        %dma_wait3A_261 = tpu.memref_squeeze %dma_wait3A_260 : memref<1x1995xi32, #tpu.memory_space<hbm>> -> memref<1995xi32, #tpu.memory_space<hbm>>
        tpu.wait_dma2 semaphore(%run_scoped3A : memref<!tpu.dma_semaphore, #tpu.memory_space<semaphore_mem>>) src(%dma_wait3A_261 : memref<1995xi32, #tpu.memory_space<hbm>>) dst(%dma_wait3A_258 : memref<1995xi32, #tpu.memory_space<vmem>>)
        tpu.yield
      }) : () -> ()
      %add3A_36 = arith.constant 6 : i32
      %add3A_37 = arith.addi %add3A_11, %add3A_36 : i32
      "tpu.region"() ({
        %run_scoped3A = tpu.sem_alloc : memref<!tpu.dma_semaphore, #tpu.memory_space<semaphore_mem>>
        %dma_start3A = arith.constant 12000 : i32
        %dma_start3A_244 = tpu.memref_slice %arg5[%dma_start3A] : memref<16000xf32, #tpu.memory_space<vmem>> -> memref<1995xf32, #tpu.memory_space<vmem>>
        %dma_start3A_245 = arith.constant 0 : i32
        %dma_start3A_246 = tpu.memref_slice %arg2[%add3A_37, %dma_start3A_245] : memref<4096x1995xf32, #tpu.memory_space<hbm>> -> memref<1x1995xf32, #tpu.memory_space<hbm>>
        %dma_start3A_247 = tpu.memref_squeeze %dma_start3A_246 : memref<1x1995xf32, #tpu.memory_space<hbm>> -> memref<1995xf32, #tpu.memory_space<hbm>>
        %dma_start3A_248 = arith.constant 12000 : i32
        %dma_start3A_249 = tpu.memref_slice %arg5[%dma_start3A_248] : memref<16000xf32, #tpu.memory_space<vmem>> -> memref<1995xf32, #tpu.memory_space<vmem>>
        %dma_start3A_250 = arith.constant 0 : i32
        %dma_start3A_251 = tpu.memref_slice %arg2[%add3A_37, %dma_start3A_250] : memref<4096x1995xf32, #tpu.memory_space<hbm>> -> memref<1x1995xf32, #tpu.memory_space<hbm>>
        %dma_start3A_252 = tpu.memref_squeeze %dma_start3A_251 : memref<1x1995xf32, #tpu.memory_space<hbm>> -> memref<1995xf32, #tpu.memory_space<hbm>>
        tpu.enqueue_dma source(%dma_start3A_252 : memref<1995xf32, #tpu.memory_space<hbm>>) target(%dma_start3A_249 : memref<1995xf32, #tpu.memory_space<vmem>>) target_semaphore(%run_scoped3A : memref<!tpu.dma_semaphore, #tpu.memory_space<semaphore_mem>>)
        %dma_wait3A = arith.constant 12000 : i32
        %dma_wait3A_253 = tpu.memref_slice %arg5[%dma_wait3A] : memref<16000xf32, #tpu.memory_space<vmem>> -> memref<1995xf32, #tpu.memory_space<vmem>>
        %dma_wait3A_254 = arith.constant 0 : i32
        %dma_wait3A_255 = tpu.memref_slice %arg2[%add3A_37, %dma_wait3A_254] : memref<4096x1995xf32, #tpu.memory_space<hbm>> -> memref<1x1995xf32, #tpu.memory_space<hbm>>
        %dma_wait3A_256 = tpu.memref_squeeze %dma_wait3A_255 : memref<1x1995xf32, #tpu.memory_space<hbm>> -> memref<1995xf32, #tpu.memory_space<hbm>>
        %dma_wait3A_257 = arith.constant 12000 : i32
        %dma_wait3A_258 = tpu.memref_slice %arg5[%dma_wait3A_257] : memref<16000xf32, #tpu.memory_space<vmem>> -> memref<1995xf32, #tpu.memory_space<vmem>>
        %dma_wait3A_259 = arith.constant 0 : i32
        %dma_wait3A_260 = tpu.memref_slice %arg2[%add3A_37, %dma_wait3A_259] : memref<4096x1995xf32, #tpu.memory_space<hbm>> -> memref<1x1995xf32, #tpu.memory_space<hbm>>
        %dma_wait3A_261 = tpu.memref_squeeze %dma_wait3A_260 : memref<1x1995xf32, #tpu.memory_space<hbm>> -> memref<1995xf32, #tpu.memory_space<hbm>>
        tpu.wait_dma2 semaphore(%run_scoped3A : memref<!tpu.dma_semaphore, #tpu.memory_space<semaphore_mem>>) src(%dma_wait3A_261 : memref<1995xf32, #tpu.memory_space<hbm>>) dst(%dma_wait3A_258 : memref<1995xf32, #tpu.memory_space<vmem>>)
        tpu.yield
      }) : () -> ()
      %add3A_38 = arith.constant 6 : i32
      %add3A_39 = arith.addi %add3A_11, %add3A_38 : i32
      "tpu.region"() ({
        %run_scoped3A = tpu.sem_alloc : memref<!tpu.dma_semaphore, #tpu.memory_space<semaphore_mem>>
        %dma_start3A = arith.constant 12000 : i32
        %dma_start3A_244 = tpu.memref_slice %arg6[%dma_start3A] : memref<16000xi32, #tpu.memory_space<vmem>> -> memref<1995xi32, #tpu.memory_space<vmem>>
        %dma_start3A_245 = arith.constant 0 : i32
        %dma_start3A_246 = tpu.memref_slice %arg3[%add3A_39, %dma_start3A_245] : memref<4096x1995xi32, #tpu.memory_space<hbm>> -> memref<1x1995xi32, #tpu.memory_space<hbm>>
        %dma_start3A_247 = tpu.memref_squeeze %dma_start3A_246 : memref<1x1995xi32, #tpu.memory_space<hbm>> -> memref<1995xi32, #tpu.memory_space<hbm>>
        %dma_start3A_248 = arith.constant 12000 : i32
        %dma_start3A_249 = tpu.memref_slice %arg6[%dma_start3A_248] : memref<16000xi32, #tpu.memory_space<vmem>> -> memref<1995xi32, #tpu.memory_space<vmem>>
        %dma_start3A_250 = arith.constant 0 : i32
        %dma_start3A_251 = tpu.memref_slice %arg3[%add3A_39, %dma_start3A_250] : memref<4096x1995xi32, #tpu.memory_space<hbm>> -> memref<1x1995xi32, #tpu.memory_space<hbm>>
        %dma_start3A_252 = tpu.memref_squeeze %dma_start3A_251 : memref<1x1995xi32, #tpu.memory_space<hbm>> -> memref<1995xi32, #tpu.memory_space<hbm>>
        tpu.enqueue_dma source(%dma_start3A_252 : memref<1995xi32, #tpu.memory_space<hbm>>) target(%dma_start3A_249 : memref<1995xi32, #tpu.memory_space<vmem>>) target_semaphore(%run_scoped3A : memref<!tpu.dma_semaphore, #tpu.memory_space<semaphore_mem>>)
        %dma_wait3A = arith.constant 12000 : i32
        %dma_wait3A_253 = tpu.memref_slice %arg6[%dma_wait3A] : memref<16000xi32, #tpu.memory_space<vmem>> -> memref<1995xi32, #tpu.memory_space<vmem>>
        %dma_wait3A_254 = arith.constant 0 : i32
        %dma_wait3A_255 = tpu.memref_slice %arg3[%add3A_39, %dma_wait3A_254] : memref<4096x1995xi32, #tpu.memory_space<hbm>> -> memref<1x1995xi32, #tpu.memory_space<hbm>>
        %dma_wait3A_256 = tpu.memref_squeeze %dma_wait3A_255 : memref<1x1995xi32, #tpu.memory_space<hbm>> -> memref<1995xi32, #tpu.memory_space<hbm>>
        %dma_wait3A_257 = arith.constant 12000 : i32
        %dma_wait3A_258 = tpu.memref_slice %arg6[%dma_wait3A_257] : memref<16000xi32, #tpu.memory_space<vmem>> -> memref<1995xi32, #tpu.memory_space<vmem>>
        %dma_wait3A_259 = arith.constant 0 : i32
        %dma_wait3A_260 = tpu.memref_slice %arg3[%add3A_39, %dma_wait3A_259] : memref<4096x1995xi32, #tpu.memory_space<hbm>> -> memref<1x1995xi32, #tpu.memory_space<hbm>>
        %dma_wait3A_261 = tpu.memref_squeeze %dma_wait3A_260 : memref<1x1995xi32, #tpu.memory_space<hbm>> -> memref<1995xi32, #tpu.memory_space<hbm>>
        tpu.wait_dma2 semaphore(%run_scoped3A : memref<!tpu.dma_semaphore, #tpu.memory_space<semaphore_mem>>) src(%dma_wait3A_261 : memref<1995xi32, #tpu.memory_space<hbm>>) dst(%dma_wait3A_258 : memref<1995xi32, #tpu.memory_space<vmem>>)
        tpu.yield
      }) : () -> ()
      %add3A_40 = arith.constant 7 : i32
      %add3A_41 = arith.addi %add3A_11, %add3A_40 : i32
      "tpu.region"() ({
        %run_scoped3A = tpu.sem_alloc : memref<!tpu.dma_semaphore, #tpu.memory_space<semaphore_mem>>
        %dma_start3A = arith.constant 14000 : i32
        %dma_start3A_244 = tpu.memref_slice %arg5[%dma_start3A] : memref<16000xf32, #tpu.memory_space<vmem>> -> memref<1995xf32, #tpu.memory_space<vmem>>
        %dma_start3A_245 = arith.constant 0 : i32
        %dma_start3A_246 = tpu.memref_slice %arg2[%add3A_41, %dma_start3A_245] : memref<4096x1995xf32, #tpu.memory_space<hbm>> -> memref<1x1995xf32, #tpu.memory_space<hbm>>
        %dma_start3A_247 = tpu.memref_squeeze %dma_start3A_246 : memref<1x1995xf32, #tpu.memory_space<hbm>> -> memref<1995xf32, #tpu.memory_space<hbm>>
        %dma_start3A_248 = arith.constant 14000 : i32
        %dma_start3A_249 = tpu.memref_slice %arg5[%dma_start3A_248] : memref<16000xf32, #tpu.memory_space<vmem>> -> memref<1995xf32, #tpu.memory_space<vmem>>
        %dma_start3A_250 = arith.constant 0 : i32
        %dma_start3A_251 = tpu.memref_slice %arg2[%add3A_41, %dma_start3A_250] : memref<4096x1995xf32, #tpu.memory_space<hbm>> -> memref<1x1995xf32, #tpu.memory_space<hbm>>
        %dma_start3A_252 = tpu.memref_squeeze %dma_start3A_251 : memref<1x1995xf32, #tpu.memory_space<hbm>> -> memref<1995xf32, #tpu.memory_space<hbm>>
        tpu.enqueue_dma source(%dma_start3A_252 : memref<1995xf32, #tpu.memory_space<hbm>>) target(%dma_start3A_249 : memref<1995xf32, #tpu.memory_space<vmem>>) target_semaphore(%run_scoped3A : memref<!tpu.dma_semaphore, #tpu.memory_space<semaphore_mem>>)
        %dma_wait3A = arith.constant 14000 : i32
        %dma_wait3A_253 = tpu.memref_slice %arg5[%dma_wait3A] : memref<16000xf32, #tpu.memory_space<vmem>> -> memref<1995xf32, #tpu.memory_space<vmem>>
        %dma_wait3A_254 = arith.constant 0 : i32
        %dma_wait3A_255 = tpu.memref_slice %arg2[%add3A_41, %dma_wait3A_254] : memref<4096x1995xf32, #tpu.memory_space<hbm>> -> memref<1x1995xf32, #tpu.memory_space<hbm>>
        %dma_wait3A_256 = tpu.memref_squeeze %dma_wait3A_255 : memref<1x1995xf32, #tpu.memory_space<hbm>> -> memref<1995xf32, #tpu.memory_space<hbm>>
        %dma_wait3A_257 = arith.constant 14000 : i32
        %dma_wait3A_258 = tpu.memref_slice %arg5[%dma_wait3A_257] : memref<16000xf32, #tpu.memory_space<vmem>> -> memref<1995xf32, #tpu.memory_space<vmem>>
        %dma_wait3A_259 = arith.constant 0 : i32
        %dma_wait3A_260 = tpu.memref_slice %arg2[%add3A_41, %dma_wait3A_259] : memref<4096x1995xf32, #tpu.memory_space<hbm>> -> memref<1x1995xf32, #tpu.memory_space<hbm>>
        %dma_wait3A_261 = tpu.memref_squeeze %dma_wait3A_260 : memref<1x1995xf32, #tpu.memory_space<hbm>> -> memref<1995xf32, #tpu.memory_space<hbm>>
        tpu.wait_dma2 semaphore(%run_scoped3A : memref<!tpu.dma_semaphore, #tpu.memory_space<semaphore_mem>>) src(%dma_wait3A_261 : memref<1995xf32, #tpu.memory_space<hbm>>) dst(%dma_wait3A_258 : memref<1995xf32, #tpu.memory_space<vmem>>)
        tpu.yield
      }) : () -> ()
      %add3A_42 = arith.constant 7 : i32
      %add3A_43 = arith.addi %add3A_11, %add3A_42 : i32
      "tpu.region"() ({
        %run_scoped3A = tpu.sem_alloc : memref<!tpu.dma_semaphore, #tpu.memory_space<semaphore_mem>>
        %dma_start3A = arith.constant 14000 : i32
        %dma_start3A_244 = tpu.memref_slice %arg6[%dma_start3A] : memref<16000xi32, #tpu.memory_space<vmem>> -> memref<1995xi32, #tpu.memory_space<vmem>>
        %dma_start3A_245 = arith.constant 0 : i32
        %dma_start3A_246 = tpu.memref_slice %arg3[%add3A_43, %dma_start3A_245] : memref<4096x1995xi32, #tpu.memory_space<hbm>> -> memref<1x1995xi32, #tpu.memory_space<hbm>>
        %dma_start3A_247 = tpu.memref_squeeze %dma_start3A_246 : memref<1x1995xi32, #tpu.memory_space<hbm>> -> memref<1995xi32, #tpu.memory_space<hbm>>
        %dma_start3A_248 = arith.constant 14000 : i32
        %dma_start3A_249 = tpu.memref_slice %arg6[%dma_start3A_248] : memref<16000xi32, #tpu.memory_space<vmem>> -> memref<1995xi32, #tpu.memory_space<vmem>>
        %dma_start3A_250 = arith.constant 0 : i32
        %dma_start3A_251 = tpu.memref_slice %arg3[%add3A_43, %dma_start3A_250] : memref<4096x1995xi32, #tpu.memory_space<hbm>> -> memref<1x1995xi32, #tpu.memory_space<hbm>>
        %dma_start3A_252 = tpu.memref_squeeze %dma_start3A_251 : memref<1x1995xi32, #tpu.memory_space<hbm>> -> memref<1995xi32, #tpu.memory_space<hbm>>
        tpu.enqueue_dma source(%dma_start3A_252 : memref<1995xi32, #tpu.memory_space<hbm>>) target(%dma_start3A_249 : memref<1995xi32, #tpu.memory_space<vmem>>) target_semaphore(%run_scoped3A : memref<!tpu.dma_semaphore, #tpu.memory_space<semaphore_mem>>)
        %dma_wait3A = arith.constant 14000 : i32
        %dma_wait3A_253 = tpu.memref_slice %arg6[%dma_wait3A] : memref<16000xi32, #tpu.memory_space<vmem>> -> memref<1995xi32, #tpu.memory_space<vmem>>
        %dma_wait3A_254 = arith.constant 0 : i32
        %dma_wait3A_255 = tpu.memref_slice %arg3[%add3A_43, %dma_wait3A_254] : memref<4096x1995xi32, #tpu.memory_space<hbm>> -> memref<1x1995xi32, #tpu.memory_space<hbm>>
        %dma_wait3A_256 = tpu.memref_squeeze %dma_wait3A_255 : memref<1x1995xi32, #tpu.memory_space<hbm>> -> memref<1995xi32, #tpu.memory_space<hbm>>
        %dma_wait3A_257 = arith.constant 14000 : i32
        %dma_wait3A_258 = tpu.memref_slice %arg6[%dma_wait3A_257] : memref<16000xi32, #tpu.memory_space<vmem>> -> memref<1995xi32, #tpu.memory_space<vmem>>
        %dma_wait3A_259 = arith.constant 0 : i32
        %dma_wait3A_260 = tpu.memref_slice %arg3[%add3A_43, %dma_wait3A_259] : memref<4096x1995xi32, #tpu.memory_space<hbm>> -> memref<1x1995xi32, #tpu.memory_space<hbm>>
        %dma_wait3A_261 = tpu.memref_squeeze %dma_wait3A_260 : memref<1x1995xi32, #tpu.memory_space<hbm>> -> memref<1995xi32, #tpu.memory_space<hbm>>
        tpu.wait_dma2 semaphore(%run_scoped3A : memref<!tpu.dma_semaphore, #tpu.memory_space<semaphore_mem>>) src(%dma_wait3A_261 : memref<1995xi32, #tpu.memory_space<hbm>>) dst(%dma_wait3A_258 : memref<1995xi32, #tpu.memory_space<vmem>>)
        tpu.yield
      }) : () -> ()
      %scan3A_44 = arith.constant 0 : i32
      %scan3A_45 = arith.constant 0 : i32
      %scan3A_46 = arith.constant 256 : i32
      %scan3A_47 = arith.addi %scan3A_45, %scan3A_46 : i32
      %scan3A_48 = arith.constant 1 : i32
      scf.for %scan3A_244 = %scan3A_45 to %scan3A_47 step %scan3A_48  : i32 {
        %broadcast_in_dim3A_245 = arith.constant 0.000000e+00 : f32
        %broadcast_in_dim3A_246 = vector.broadcast %broadcast_in_dim3A_245 : f32 to vector<16xf32>
        %mul3A_247 = arith.constant 4 : i32
        %mul3A_248 = arith.muli %scan3A_244, %mul3A_247 : i32
        %add3A_249 = arith.constant 0 : i32
        %add3A_250 = arith.addi %mul3A_248, %add3A_249 : i32
        %mul3A_251 = arith.constant 16 : i32
        %mul3A_252 = arith.muli %add3A_250, %mul3A_251 : i32
        %swap3A = arith.index_cast %mul3A_252 : i32 to index
        %swap3A_253 = tpu.vector_load %arg7[%swap3A] {strides = array<i32>} : memref<16384xf32, #tpu.memory_space<vmem>>, vector<16xf32>,
        tpu.vector_store %arg7[%swap3A], %broadcast_in_dim3A_246 {strides = array<i32>} : memref<16384xf32, #tpu.memory_space<vmem>>, vector<16xf32>,
        %broadcast_in_dim3A_254 = arith.constant 0.000000e+00 : f32
        %broadcast_in_dim3A_255 = vector.broadcast %broadcast_in_dim3A_254 : f32 to vector<16xf32>
        %mul3A_256 = arith.constant 4 : i32
        %mul3A_257 = arith.muli %scan3A_244, %mul3A_256 : i32
        %add3A_258 = arith.constant 1 : i32
        %add3A_259 = arith.addi %mul3A_257, %add3A_258 : i32
        %mul3A_260 = arith.constant 16 : i32
        %mul3A_261 = arith.muli %add3A_259, %mul3A_260 : i32
        %swap3A_262 = arith.index_cast %mul3A_261 : i32 to index
        %swap3A_263 = tpu.vector_load %arg7[%swap3A_262] {strides = array<i32>} : memref<16384xf32, #tpu.memory_space<vmem>>, vector<16xf32>,
        tpu.vector_store %arg7[%swap3A_262], %broadcast_in_dim3A_255 {strides = array<i32>} : memref<16384xf32, #tpu.memory_space<vmem>>, vector<16xf32>,
        %broadcast_in_dim3A_264 = arith.constant 0.000000e+00 : f32
        %broadcast_in_dim3A_265 = vector.broadcast %broadcast_in_dim3A_264 : f32 to vector<16xf32>
        %mul3A_266 = arith.constant 4 : i32
        %mul3A_267 = arith.muli %scan3A_244, %mul3A_266 : i32
        %add3A_268 = arith.constant 2 : i32
        %add3A_269 = arith.addi %mul3A_267, %add3A_268 : i32
        %mul3A_270 = arith.constant 16 : i32
        %mul3A_271 = arith.muli %add3A_269, %mul3A_270 : i32
        %swap3A_272 = arith.index_cast %mul3A_271 : i32 to index
        %swap3A_273 = tpu.vector_load %arg7[%swap3A_272] {strides = array<i32>} : memref<16384xf32, #tpu.memory_space<vmem>>, vector<16xf32>,
        tpu.vector_store %arg7[%swap3A_272], %broadcast_in_dim3A_265 {strides = array<i32>} : memref<16384xf32, #tpu.memory_space<vmem>>, vector<16xf32>,
        %broadcast_in_dim3A_274 = arith.constant 0.000000e+00 : f32
        %broadcast_in_dim3A_275 = vector.broadcast %broadcast_in_dim3A_274 : f32 to vector<16xf32>
        %mul3A_276 = arith.constant 4 : i32
        %mul3A_277 = arith.muli %scan3A_244, %mul3A_276 : i32
        %add3A_278 = arith.constant 3 : i32
        %add3A_279 = arith.addi %mul3A_277, %add3A_278 : i32
        %mul3A_280 = arith.constant 16 : i32
        %mul3A_281 = arith.muli %add3A_279, %mul3A_280 : i32
        %swap3A_282 = arith.index_cast %mul3A_281 : i32 to index
        %swap3A_283 = tpu.vector_load %arg7[%swap3A_282] {strides = array<i32>} : memref<16384xf32, #tpu.memory_space<vmem>>, vector<16xf32>,
        tpu.vector_store %arg7[%swap3A_282], %broadcast_in_dim3A_275 {strides = array<i32>} : memref<16384xf32, #tpu.memory_space<vmem>>, vector<16xf32>,
      }
      %scan3A_49 = arith.constant 256 : i32
      %scan3A_50 = arith.constant 0 : i32
      %scan3A_51 = arith.constant 0 : i32
      %scan3A_52 = arith.constant 31 : i32
      %scan3A_53 = arith.addi %scan3A_51, %scan3A_52 : i32
      %scan3A_54 = arith.constant 1 : i32
      scf.for %scan3A_244 = %scan3A_51 to %scan3A_53 step %scan3A_54  : i32 {
        %mul3A_245 = arith.constant 4 : i32
        %mul3A_246 = arith.muli %scan3A_244, %mul3A_245 : i32
        %add3A_247 = arith.constant 0 : i32
        %add3A_248 = arith.addi %mul3A_246, %add3A_247 : i32
        %mul3A_249 = arith.constant 16 : i32
        %mul3A_250 = arith.muli %add3A_248, %mul3A_249 : i32
        %add3A_251 = arith.constant 0 : i32
        %add3A_252 = arith.addi %add3A_251, %mul3A_250 : i32
        %get3A_253 = arith.index_cast %add3A_252 : i32 to index
        %get3A_254 = tpu.vector_load %arg6[%get3A_253] {strides = array<i32>} : memref<16000xi32, #tpu.memory_space<vmem>>, vector<16xi32>,
        %add3A_255 = arith.constant 0 : i32
        %add3A_256 = vector.broadcast %add3A_255 : i32 to vector<16xi32>
        %add3A_257 = arith.addi %get3A_254, %add3A_256 : vector<16xi32>
        %get3A_258 = arith.index_cast %add3A_252 : i32 to index
        %get3A_259 = tpu.vector_load %arg5[%get3A_258] {strides = array<i32>} : memref<16000xf32, #tpu.memory_space<vmem>>, vector<16xf32>,
        tpu.vector_store_idx %arg7[%add3A_257], %get3A_259 {add = true} : memref<16384xf32, #tpu.memory_space<vmem>>[vector<16xi32>], vector<16xf32>,
        %mul3A_260 = arith.constant 4 : i32
        %mul3A_261 = arith.muli %scan3A_244, %mul3A_260 : i32
        %add3A_262 = arith.constant 1 : i32
        %add3A_263 = arith.addi %mul3A_261, %add3A_262 : i32
        %mul3A_264 = arith.constant 16 : i32
        %mul3A_265 = arith.muli %add3A_263, %mul3A_264 : i32
        %add3A_266 = arith.constant 0 : i32
        %add3A_267 = arith.addi %add3A_266, %mul3A_265 : i32
        %get3A_268 = arith.index_cast %add3A_267 : i32 to index
        %get3A_269 = tpu.vector_load %arg6[%get3A_268] {strides = array<i32>} : memref<16000xi32, #tpu.memory_space<vmem>>, vector<16xi32>,
        %add3A_270 = arith.constant 0 : i32
        %add3A_271 = vector.broadcast %add3A_270 : i32 to vector<16xi32>
        %add3A_272 = arith.addi %get3A_269, %add3A_271 : vector<16xi32>
        %get3A_273 = arith.index_cast %add3A_267 : i32 to index
        %get3A_274 = tpu.vector_load %arg5[%get3A_273] {strides = array<i32>} : memref<16000xf32, #tpu.memory_space<vmem>>, vector<16xf32>,
        tpu.vector_store_idx %arg7[%add3A_272], %get3A_274 {add = true} : memref<16384xf32, #tpu.memory_space<vmem>>[vector<16xi32>], vector<16xf32>,
        %mul3A_275 = arith.constant 4 : i32
        %mul3A_276 = arith.muli %scan3A_244, %mul3A_275 : i32
        %add3A_277 = arith.constant 2 : i32
        %add3A_278 = arith.addi %mul3A_276, %add3A_277 : i32
        %mul3A_279 = arith.constant 16 : i32
        %mul3A_280 = arith.muli %add3A_278, %mul3A_279 : i32
        %add3A_281 = arith.constant 0 : i32
        %add3A_282 = arith.addi %add3A_281, %mul3A_280 : i32
        %get3A_283 = arith.index_cast %add3A_282 : i32 to index
        %get3A_284 = tpu.vector_load %arg6[%get3A_283] {strides = array<i32>} : memref<16000xi32, #tpu.memory_space<vmem>>, vector<16xi32>,
        %add3A_285 = arith.constant 0 : i32
        %add3A_286 = vector.broadcast %add3A_285 : i32 to vector<16xi32>
        %add3A_287 = arith.addi %get3A_284, %add3A_286 : vector<16xi32>
        %get3A_288 = arith.index_cast %add3A_282 : i32 to index
        %get3A_289 = tpu.vector_load %arg5[%get3A_288] {strides = array<i32>} : memref<16000xf32, #tpu.memory_space<vmem>>, vector<16xf32>,
        tpu.vector_store_idx %arg7[%add3A_287], %get3A_289 {add = true} : memref<16384xf32, #tpu.memory_space<vmem>>[vector<16xi32>], vector<16xf32>,
        %mul3A_290 = arith.constant 4 : i32
        %mul3A_291 = arith.muli %scan3A_244, %mul3A_290 : i32
        %add3A_292 = arith.constant 3 : i32
        %add3A_293 = arith.addi %mul3A_291, %add3A_292 : i32
        %mul3A_294 = arith.constant 16 : i32
        %mul3A_295 = arith.muli %add3A_293, %mul3A_294 : i32
        %add3A_296 = arith.constant 0 : i32
        %add3A_297 = arith.addi %add3A_296, %mul3A_295 : i32
        %get3A_298 = arith.index_cast %add3A_297 : i32 to index
        %get3A_299 = tpu.vector_load %arg6[%get3A_298] {strides = array<i32>} : memref<16000xi32, #tpu.memory_space<vmem>>, vector<16xi32>,
        %add3A_300 = arith.constant 0 : i32
        %add3A_301 = vector.broadcast %add3A_300 : i32 to vector<16xi32>
        %add3A_302 = arith.addi %get3A_299, %add3A_301 : vector<16xi32>
        %get3A_303 = arith.index_cast %add3A_297 : i32 to index
        %get3A_304 = tpu.vector_load %arg5[%get3A_303] {strides = array<i32>} : memref<16000xf32, #tpu.memory_space<vmem>>, vector<16xf32>,
        tpu.vector_store_idx %arg7[%add3A_302], %get3A_304 {add = true} : memref<16384xf32, #tpu.memory_space<vmem>>[vector<16xi32>], vector<16xf32>,
      }
      %scan3A_55 = arith.constant 31 : i32
      %iota3A = tpu.iota {dimensions = array<i32: 0>} : vector<16xi32>
      %lt3A = arith.constant 11 : i32
      %lt3A_56 = vector.broadcast %lt3A : i32 to vector<16xi32>
      %lt3A_57 = arith.cmpi slt, %iota3A, %lt3A_56 : vector<16xi32>
      %get3A = arith.constant 1984 : index
      %get3A_58 = tpu.vector_load %arg6[%get3A] {strides = array<i32>} : memref<16000xi32, #tpu.memory_space<vmem>>, vector<16xi32>,
      %jit3A = arith.constant 0 : i32
      %broadcast_in_dim3A = vector.broadcast %jit3A : i32 to vector<16xi32>
      %select_n3A = arith.select %lt3A_57, %get3A_58, %broadcast_in_dim3A : vector<16xi1>, vector<16xi32>
      %add3A_59 = arith.constant 0 : i32
      %add3A_60 = vector.broadcast %add3A_59 : i32 to vector<16xi32>
      %add3A_61 = arith.addi %select_n3A, %add3A_60 : vector<16xi32>
      %get3A_62 = arith.constant 1984 : index
      %get3A_63 = tpu.vector_load %arg5[%get3A_62] {strides = array<i32>} : memref<16000xf32, #tpu.memory_space<vmem>>, vector<16xf32>,
      %jit3A_64 = arith.constant 0.000000e+00 : f32
      %broadcast_in_dim3A_65 = vector.broadcast %jit3A_64 : f32 to vector<16xf32>
      %select_n3A_66 = arith.select %lt3A_57, %get3A_63, %broadcast_in_dim3A_65 : vector<16xi1>, vector<16xf32>
      tpu.vector_store_idx %arg7[%add3A_61], %select_n3A_66 {add = true} : memref<16384xf32, #tpu.memory_space<vmem>>[vector<16xi32>], vector<16xf32>,
      %scan3A_67 = arith.constant 0 : i32
      %scan3A_68 = arith.constant 0 : i32
      %scan3A_69 = arith.constant 31 : i32
      %scan3A_70 = arith.addi %scan3A_68, %scan3A_69 : i32
      %scan3A_71 = arith.constant 1 : i32
      scf.for %scan3A_244 = %scan3A_68 to %scan3A_70 step %scan3A_71  : i32 {
        %mul3A_245 = arith.constant 4 : i32
        %mul3A_246 = arith.muli %scan3A_244, %mul3A_245 : i32
        %add3A_247 = arith.constant 0 : i32
        %add3A_248 = arith.addi %mul3A_246, %add3A_247 : i32
        %mul3A_249 = arith.constant 16 : i32
        %mul3A_250 = arith.muli %add3A_248, %mul3A_249 : i32
        %add3A_251 = arith.constant 2000 : i32
        %add3A_252 = arith.addi %add3A_251, %mul3A_250 : i32
        %get3A_253 = arith.index_cast %add3A_252 : i32 to index
        %get3A_254 = tpu.vector_load %arg6[%get3A_253] {strides = array<i32>} : memref<16000xi32, #tpu.memory_space<vmem>>, vector<16xi32>,
        %add3A_255 = arith.constant 2048 : i32
        %add3A_256 = vector.broadcast %add3A_255 : i32 to vector<16xi32>
        %add3A_257 = arith.addi %get3A_254, %add3A_256 : vector<16xi32>
        %get3A_258 = arith.index_cast %add3A_252 : i32 to index
        %get3A_259 = tpu.vector_load %arg5[%get3A_258] {strides = array<i32>} : memref<16000xf32, #tpu.memory_space<vmem>>, vector<16xf32>,
        tpu.vector_store_idx %arg7[%add3A_257], %get3A_259 {add = true} : memref<16384xf32, #tpu.memory_space<vmem>>[vector<16xi32>], vector<16xf32>,
        %mul3A_260 = arith.constant 4 : i32
        %mul3A_261 = arith.muli %scan3A_244, %mul3A_260 : i32
        %add3A_262 = arith.constant 1 : i32
        %add3A_263 = arith.addi %mul3A_261, %add3A_262 : i32
        %mul3A_264 = arith.constant 16 : i32
        %mul3A_265 = arith.muli %add3A_263, %mul3A_264 : i32
        %add3A_266 = arith.constant 2000 : i32
        %add3A_267 = arith.addi %add3A_266, %mul3A_265 : i32
        %get3A_268 = arith.index_cast %add3A_267 : i32 to index
        %get3A_269 = tpu.vector_load %arg6[%get3A_268] {strides = array<i32>} : memref<16000xi32, #tpu.memory_space<vmem>>, vector<16xi32>,
        %add3A_270 = arith.constant 2048 : i32
        %add3A_271 = vector.broadcast %add3A_270 : i32 to vector<16xi32>
        %add3A_272 = arith.addi %get3A_269, %add3A_271 : vector<16xi32>
        %get3A_273 = arith.index_cast %add3A_267 : i32 to index
        %get3A_274 = tpu.vector_load %arg5[%get3A_273] {strides = array<i32>} : memref<16000xf32, #tpu.memory_space<vmem>>, vector<16xf32>,
        tpu.vector_store_idx %arg7[%add3A_272], %get3A_274 {add = true} : memref<16384xf32, #tpu.memory_space<vmem>>[vector<16xi32>], vector<16xf32>,
        %mul3A_275 = arith.constant 4 : i32
        %mul3A_276 = arith.muli %scan3A_244, %mul3A_275 : i32
        %add3A_277 = arith.constant 2 : i32
        %add3A_278 = arith.addi %mul3A_276, %add3A_277 : i32
        %mul3A_279 = arith.constant 16 : i32
        %mul3A_280 = arith.muli %add3A_278, %mul3A_279 : i32
        %add3A_281 = arith.constant 2000 : i32
        %add3A_282 = arith.addi %add3A_281, %mul3A_280 : i32
        %get3A_283 = arith.index_cast %add3A_282 : i32 to index
        %get3A_284 = tpu.vector_load %arg6[%get3A_283] {strides = array<i32>} : memref<16000xi32, #tpu.memory_space<vmem>>, vector<16xi32>,
        %add3A_285 = arith.constant 2048 : i32
        %add3A_286 = vector.broadcast %add3A_285 : i32 to vector<16xi32>
        %add3A_287 = arith.addi %get3A_284, %add3A_286 : vector<16xi32>
        %get3A_288 = arith.index_cast %add3A_282 : i32 to index
        %get3A_289 = tpu.vector_load %arg5[%get3A_288] {strides = array<i32>} : memref<16000xf32, #tpu.memory_space<vmem>>, vector<16xf32>,
        tpu.vector_store_idx %arg7[%add3A_287], %get3A_289 {add = true} : memref<16384xf32, #tpu.memory_space<vmem>>[vector<16xi32>], vector<16xf32>,
        %mul3A_290 = arith.constant 4 : i32
        %mul3A_291 = arith.muli %scan3A_244, %mul3A_290 : i32
        %add3A_292 = arith.constant 3 : i32
        %add3A_293 = arith.addi %mul3A_291, %add3A_292 : i32
        %mul3A_294 = arith.constant 16 : i32
        %mul3A_295 = arith.muli %add3A_293, %mul3A_294 : i32
        %add3A_296 = arith.constant 2000 : i32
        %add3A_297 = arith.addi %add3A_296, %mul3A_295 : i32
        %get3A_298 = arith.index_cast %add3A_297 : i32 to index
        %get3A_299 = tpu.vector_load %arg6[%get3A_298] {strides = array<i32>} : memref<16000xi32, #tpu.memory_space<vmem>>, vector<16xi32>,
        %add3A_300 = arith.constant 2048 : i32
        %add3A_301 = vector.broadcast %add3A_300 : i32 to vector<16xi32>
        %add3A_302 = arith.addi %get3A_299, %add3A_301 : vector<16xi32>
        %get3A_303 = arith.index_cast %add3A_297 : i32 to index
        %get3A_304 = tpu.vector_load %arg5[%get3A_303] {strides = array<i32>} : memref<16000xf32, #tpu.memory_space<vmem>>, vector<16xf32>,
        tpu.vector_store_idx %arg7[%add3A_302], %get3A_304 {add = true} : memref<16384xf32, #tpu.memory_space<vmem>>[vector<16xi32>], vector<16xf32>,
      }
      %scan3A_72 = arith.constant 31 : i32
      %iota3A_73 = tpu.iota {dimensions = array<i32: 0>} : vector<16xi32>
      %lt3A_74 = arith.constant 11 : i32
      %lt3A_75 = vector.broadcast %lt3A_74 : i32 to vector<16xi32>
      %lt3A_76 = arith.cmpi slt, %iota3A_73, %lt3A_75 : vector<16xi32>
      %get3A_77 = arith.constant 3984 : index
      %get3A_78 = tpu.vector_load %arg6[%get3A_77] {strides = array<i32>} : memref<16000xi32, #tpu.memory_space<vmem>>, vector<16xi32>,
      %jit3A_79 = arith.constant 0 : i32
      %broadcast_in_dim3A_80 = vector.broadcast %jit3A_79 : i32 to vector<16xi32>
      %select_n3A_81 = arith.select %lt3A_76, %get3A_78, %broadcast_in_dim3A_80 : vector<16xi1>, vector<16xi32>
      %add3A_82 = arith.constant 2048 : i32
      %add3A_83 = vector.broadcast %add3A_82 : i32 to vector<16xi32>
      %add3A_84 = arith.addi %select_n3A_81, %add3A_83 : vector<16xi32>
      %get3A_85 = arith.constant 3984 : index
      %get3A_86 = tpu.vector_load %arg5[%get3A_85] {strides = array<i32>} : memref<16000xf32, #tpu.memory_space<vmem>>, vector<16xf32>,
      %jit3A_87 = arith.constant 0.000000e+00 : f32
      %broadcast_in_dim3A_88 = vector.broadcast %jit3A_87 : f32 to vector<16xf32>
      %select_n3A_89 = arith.select %lt3A_76, %get3A_86, %broadcast_in_dim3A_88 : vector<16xi1>, vector<16xf32>
      tpu.vector_store_idx %arg7[%add3A_84], %select_n3A_89 {add = true} : memref<16384xf32, #tpu.memory_space<vmem>>[vector<16xi32>], vector<16xf32>,
      %scan3A_90 = arith.constant 0 : i32
      %scan3A_91 = arith.constant 0 : i32
      %scan3A_92 = arith.constant 31 : i32
      %scan3A_93 = arith.addi %scan3A_91, %scan3A_92 : i32
      %scan3A_94 = arith.constant 1 : i32
      scf.for %scan3A_244 = %scan3A_91 to %scan3A_93 step %scan3A_94  : i32 {
        %mul3A_245 = arith.constant 4 : i32
        %mul3A_246 = arith.muli %scan3A_244, %mul3A_245 : i32
        %add3A_247 = arith.constant 0 : i32
        %add3A_248 = arith.addi %mul3A_246, %add3A_247 : i32
        %mul3A_249 = arith.constant 16 : i32
        %mul3A_250 = arith.muli %add3A_248, %mul3A_249 : i32
        %add3A_251 = arith.constant 4000 : i32
        %add3A_252 = arith.addi %add3A_251, %mul3A_250 : i32
        %get3A_253 = arith.index_cast %add3A_252 : i32 to index
        %get3A_254 = tpu.vector_load %arg6[%get3A_253] {strides = array<i32>} : memref<16000xi32, #tpu.memory_space<vmem>>, vector<16xi32>,
        %add3A_255 = arith.constant 4096 : i32
        %add3A_256 = vector.broadcast %add3A_255 : i32 to vector<16xi32>
        %add3A_257 = arith.addi %get3A_254, %add3A_256 : vector<16xi32>
        %get3A_258 = arith.index_cast %add3A_252 : i32 to index
        %get3A_259 = tpu.vector_load %arg5[%get3A_258] {strides = array<i32>} : memref<16000xf32, #tpu.memory_space<vmem>>, vector<16xf32>,
        tpu.vector_store_idx %arg7[%add3A_257], %get3A_259 {add = true} : memref<16384xf32, #tpu.memory_space<vmem>>[vector<16xi32>], vector<16xf32>,
        %mul3A_260 = arith.constant 4 : i32
        %mul3A_261 = arith.muli %scan3A_244, %mul3A_260 : i32
        %add3A_262 = arith.constant 1 : i32
        %add3A_263 = arith.addi %mul3A_261, %add3A_262 : i32
        %mul3A_264 = arith.constant 16 : i32
        %mul3A_265 = arith.muli %add3A_263, %mul3A_264 : i32
        %add3A_266 = arith.constant 4000 : i32
        %add3A_267 = arith.addi %add3A_266, %mul3A_265 : i32
        %get3A_268 = arith.index_cast %add3A_267 : i32 to index
        %get3A_269 = tpu.vector_load %arg6[%get3A_268] {strides = array<i32>} : memref<16000xi32, #tpu.memory_space<vmem>>, vector<16xi32>,
        %add3A_270 = arith.constant 4096 : i32
        %add3A_271 = vector.broadcast %add3A_270 : i32 to vector<16xi32>
        %add3A_272 = arith.addi %get3A_269, %add3A_271 : vector<16xi32>
        %get3A_273 = arith.index_cast %add3A_267 : i32 to index
        %get3A_274 = tpu.vector_load %arg5[%get3A_273] {strides = array<i32>} : memref<16000xf32, #tpu.memory_space<vmem>>, vector<16xf32>,
        tpu.vector_store_idx %arg7[%add3A_272], %get3A_274 {add = true} : memref<16384xf32, #tpu.memory_space<vmem>>[vector<16xi32>], vector<16xf32>,
        %mul3A_275 = arith.constant 4 : i32
        %mul3A_276 = arith.muli %scan3A_244, %mul3A_275 : i32
        %add3A_277 = arith.constant 2 : i32
        %add3A_278 = arith.addi %mul3A_276, %add3A_277 : i32
        %mul3A_279 = arith.constant 16 : i32
        %mul3A_280 = arith.muli %add3A_278, %mul3A_279 : i32
        %add3A_281 = arith.constant 4000 : i32
        %add3A_282 = arith.addi %add3A_281, %mul3A_280 : i32
        %get3A_283 = arith.index_cast %add3A_282 : i32 to index
        %get3A_284 = tpu.vector_load %arg6[%get3A_283] {strides = array<i32>} : memref<16000xi32, #tpu.memory_space<vmem>>, vector<16xi32>,
        %add3A_285 = arith.constant 4096 : i32
        %add3A_286 = vector.broadcast %add3A_285 : i32 to vector<16xi32>
        %add3A_287 = arith.addi %get3A_284, %add3A_286 : vector<16xi32>
        %get3A_288 = arith.index_cast %add3A_282 : i32 to index
        %get3A_289 = tpu.vector_load %arg5[%get3A_288] {strides = array<i32>} : memref<16000xf32, #tpu.memory_space<vmem>>, vector<16xf32>,
        tpu.vector_store_idx %arg7[%add3A_287], %get3A_289 {add = true} : memref<16384xf32, #tpu.memory_space<vmem>>[vector<16xi32>], vector<16xf32>,
        %mul3A_290 = arith.constant 4 : i32
        %mul3A_291 = arith.muli %scan3A_244, %mul3A_290 : i32
        %add3A_292 = arith.constant 3 : i32
        %add3A_293 = arith.addi %mul3A_291, %add3A_292 : i32
        %mul3A_294 = arith.constant 16 : i32
        %mul3A_295 = arith.muli %add3A_293, %mul3A_294 : i32
        %add3A_296 = arith.constant 4000 : i32
        %add3A_297 = arith.addi %add3A_296, %mul3A_295 : i32
        %get3A_298 = arith.index_cast %add3A_297 : i32 to index
        %get3A_299 = tpu.vector_load %arg6[%get3A_298] {strides = array<i32>} : memref<16000xi32, #tpu.memory_space<vmem>>, vector<16xi32>,
        %add3A_300 = arith.constant 4096 : i32
        %add3A_301 = vector.broadcast %add3A_300 : i32 to vector<16xi32>
        %add3A_302 = arith.addi %get3A_299, %add3A_301 : vector<16xi32>
        %get3A_303 = arith.index_cast %add3A_297 : i32 to index
        %get3A_304 = tpu.vector_load %arg5[%get3A_303] {strides = array<i32>} : memref<16000xf32, #tpu.memory_space<vmem>>, vector<16xf32>,
        tpu.vector_store_idx %arg7[%add3A_302], %get3A_304 {add = true} : memref<16384xf32, #tpu.memory_space<vmem>>[vector<16xi32>], vector<16xf32>,
      }
      %scan3A_95 = arith.constant 31 : i32
      %iota3A_96 = tpu.iota {dimensions = array<i32: 0>} : vector<16xi32>
      %lt3A_97 = arith.constant 11 : i32
      %lt3A_98 = vector.broadcast %lt3A_97 : i32 to vector<16xi32>
      %lt3A_99 = arith.cmpi slt, %iota3A_96, %lt3A_98 : vector<16xi32>
      %get3A_100 = arith.constant 5984 : index
      %get3A_101 = tpu.vector_load %arg6[%get3A_100] {strides = array<i32>} : memref<16000xi32, #tpu.memory_space<vmem>>, vector<16xi32>,
      %jit3A_102 = arith.constant 0 : i32
      %broadcast_in_dim3A_103 = vector.broadcast %jit3A_102 : i32 to vector<16xi32>
      %select_n3A_104 = arith.select %lt3A_99, %get3A_101, %broadcast_in_dim3A_103 : vector<16xi1>, vector<16xi32>
      %add3A_105 = arith.constant 4096 : i32
      %add3A_106 = vector.broadcast %add3A_105 : i32 to vector<16xi32>
      %add3A_107 = arith.addi %select_n3A_104, %add3A_106 : vector<16xi32>
      %get3A_108 = arith.constant 5984 : index
      %get3A_109 = tpu.vector_load %arg5[%get3A_108] {strides = array<i32>} : memref<16000xf32, #tpu.memory_space<vmem>>, vector<16xf32>,
      %jit3A_110 = arith.constant 0.000000e+00 : f32
      %broadcast_in_dim3A_111 = vector.broadcast %jit3A_110 : f32 to vector<16xf32>
      %select_n3A_112 = arith.select %lt3A_99, %get3A_109, %broadcast_in_dim3A_111 : vector<16xi1>, vector<16xf32>
      tpu.vector_store_idx %arg7[%add3A_107], %select_n3A_112 {add = true} : memref<16384xf32, #tpu.memory_space<vmem>>[vector<16xi32>], vector<16xf32>,
      %scan3A_113 = arith.constant 0 : i32
      %scan3A_114 = arith.constant 0 : i32
      %scan3A_115 = arith.constant 31 : i32
      %scan3A_116 = arith.addi %scan3A_114, %scan3A_115 : i32
      %scan3A_117 = arith.constant 1 : i32
      scf.for %scan3A_244 = %scan3A_114 to %scan3A_116 step %scan3A_117  : i32 {
        %mul3A_245 = arith.constant 4 : i32
        %mul3A_246 = arith.muli %scan3A_244, %mul3A_245 : i32
        %add3A_247 = arith.constant 0 : i32
        %add3A_248 = arith.addi %mul3A_246, %add3A_247 : i32
        %mul3A_249 = arith.constant 16 : i32
        %mul3A_250 = arith.muli %add3A_248, %mul3A_249 : i32
        %add3A_251 = arith.constant 6000 : i32
        %add3A_252 = arith.addi %add3A_251, %mul3A_250 : i32
        %get3A_253 = arith.index_cast %add3A_252 : i32 to index
        %get3A_254 = tpu.vector_load %arg6[%get3A_253] {strides = array<i32>} : memref<16000xi32, #tpu.memory_space<vmem>>, vector<16xi32>,
        %add3A_255 = arith.constant 6144 : i32
        %add3A_256 = vector.broadcast %add3A_255 : i32 to vector<16xi32>
        %add3A_257 = arith.addi %get3A_254, %add3A_256 : vector<16xi32>
        %get3A_258 = arith.index_cast %add3A_252 : i32 to index
        %get3A_259 = tpu.vector_load %arg5[%get3A_258] {strides = array<i32>} : memref<16000xf32, #tpu.memory_space<vmem>>, vector<16xf32>,
        tpu.vector_store_idx %arg7[%add3A_257], %get3A_259 {add = true} : memref<16384xf32, #tpu.memory_space<vmem>>[vector<16xi32>], vector<16xf32>,
        %mul3A_260 = arith.constant 4 : i32
        %mul3A_261 = arith.muli %scan3A_244, %mul3A_260 : i32
        %add3A_262 = arith.constant 1 : i32
        %add3A_263 = arith.addi %mul3A_261, %add3A_262 : i32
        %mul3A_264 = arith.constant 16 : i32
        %mul3A_265 = arith.muli %add3A_263, %mul3A_264 : i32
        %add3A_266 = arith.constant 6000 : i32
        %add3A_267 = arith.addi %add3A_266, %mul3A_265 : i32
        %get3A_268 = arith.index_cast %add3A_267 : i32 to index
        %get3A_269 = tpu.vector_load %arg6[%get3A_268] {strides = array<i32>} : memref<16000xi32, #tpu.memory_space<vmem>>, vector<16xi32>,
        %add3A_270 = arith.constant 6144 : i32
        %add3A_271 = vector.broadcast %add3A_270 : i32 to vector<16xi32>
        %add3A_272 = arith.addi %get3A_269, %add3A_271 : vector<16xi32>
        %get3A_273 = arith.index_cast %add3A_267 : i32 to index
        %get3A_274 = tpu.vector_load %arg5[%get3A_273] {strides = array<i32>} : memref<16000xf32, #tpu.memory_space<vmem>>, vector<16xf32>,
        tpu.vector_store_idx %arg7[%add3A_272], %get3A_274 {add = true} : memref<16384xf32, #tpu.memory_space<vmem>>[vector<16xi32>], vector<16xf32>,
        %mul3A_275 = arith.constant 4 : i32
        %mul3A_276 = arith.muli %scan3A_244, %mul3A_275 : i32
        %add3A_277 = arith.constant 2 : i32
        %add3A_278 = arith.addi %mul3A_276, %add3A_277 : i32
        %mul3A_279 = arith.constant 16 : i32
        %mul3A_280 = arith.muli %add3A_278, %mul3A_279 : i32
        %add3A_281 = arith.constant 6000 : i32
        %add3A_282 = arith.addi %add3A_281, %mul3A_280 : i32
        %get3A_283 = arith.index_cast %add3A_282 : i32 to index
        %get3A_284 = tpu.vector_load %arg6[%get3A_283] {strides = array<i32>} : memref<16000xi32, #tpu.memory_space<vmem>>, vector<16xi32>,
        %add3A_285 = arith.constant 6144 : i32
        %add3A_286 = vector.broadcast %add3A_285 : i32 to vector<16xi32>
        %add3A_287 = arith.addi %get3A_284, %add3A_286 : vector<16xi32>
        %get3A_288 = arith.index_cast %add3A_282 : i32 to index
        %get3A_289 = tpu.vector_load %arg5[%get3A_288] {strides = array<i32>} : memref<16000xf32, #tpu.memory_space<vmem>>, vector<16xf32>,
        tpu.vector_store_idx %arg7[%add3A_287], %get3A_289 {add = true} : memref<16384xf32, #tpu.memory_space<vmem>>[vector<16xi32>], vector<16xf32>,
        %mul3A_290 = arith.constant 4 : i32
        %mul3A_291 = arith.muli %scan3A_244, %mul3A_290 : i32
        %add3A_292 = arith.constant 3 : i32
        %add3A_293 = arith.addi %mul3A_291, %add3A_292 : i32
        %mul3A_294 = arith.constant 16 : i32
        %mul3A_295 = arith.muli %add3A_293, %mul3A_294 : i32
        %add3A_296 = arith.constant 6000 : i32
        %add3A_297 = arith.addi %add3A_296, %mul3A_295 : i32
        %get3A_298 = arith.index_cast %add3A_297 : i32 to index
        %get3A_299 = tpu.vector_load %arg6[%get3A_298] {strides = array<i32>} : memref<16000xi32, #tpu.memory_space<vmem>>, vector<16xi32>,
        %add3A_300 = arith.constant 6144 : i32
        %add3A_301 = vector.broadcast %add3A_300 : i32 to vector<16xi32>
        %add3A_302 = arith.addi %get3A_299, %add3A_301 : vector<16xi32>
        %get3A_303 = arith.index_cast %add3A_297 : i32 to index
        %get3A_304 = tpu.vector_load %arg5[%get3A_303] {strides = array<i32>} : memref<16000xf32, #tpu.memory_space<vmem>>, vector<16xf32>,
        tpu.vector_store_idx %arg7[%add3A_302], %get3A_304 {add = true} : memref<16384xf32, #tpu.memory_space<vmem>>[vector<16xi32>], vector<16xf32>,
      }
      %scan3A_118 = arith.constant 31 : i32
      %iota3A_119 = tpu.iota {dimensions = array<i32: 0>} : vector<16xi32>
      %lt3A_120 = arith.constant 11 : i32
      %lt3A_121 = vector.broadcast %lt3A_120 : i32 to vector<16xi32>
      %lt3A_122 = arith.cmpi slt, %iota3A_119, %lt3A_121 : vector<16xi32>
      %get3A_123 = arith.constant 7984 : index
      %get3A_124 = tpu.vector_load %arg6[%get3A_123] {strides = array<i32>} : memref<16000xi32, #tpu.memory_space<vmem>>, vector<16xi32>,
      %jit3A_125 = arith.constant 0 : i32
      %broadcast_in_dim3A_126 = vector.broadcast %jit3A_125 : i32 to vector<16xi32>
      %select_n3A_127 = arith.select %lt3A_122, %get3A_124, %broadcast_in_dim3A_126 : vector<16xi1>, vector<16xi32>
      %add3A_128 = arith.constant 6144 : i32
      %add3A_129 = vector.broadcast %add3A_128 : i32 to vector<16xi32>
      %add3A_130 = arith.addi %select_n3A_127, %add3A_129 : vector<16xi32>
      %get3A_131 = arith.constant 7984 : index
      %get3A_132 = tpu.vector_load %arg5[%get3A_131] {strides = array<i32>} : memref<16000xf32, #tpu.memory_space<vmem>>, vector<16xf32>,
      %jit3A_133 = arith.constant 0.000000e+00 : f32
      %broadcast_in_dim3A_134 = vector.broadcast %jit3A_133 : f32 to vector<16xf32>
      %select_n3A_135 = arith.select %lt3A_122, %get3A_132, %broadcast_in_dim3A_134 : vector<16xi1>, vector<16xf32>
      tpu.vector_store_idx %arg7[%add3A_130], %select_n3A_135 {add = true} : memref<16384xf32, #tpu.memory_space<vmem>>[vector<16xi32>], vector<16xf32>,
      %scan3A_136 = arith.constant 0 : i32
      %scan3A_137 = arith.constant 0 : i32
      %scan3A_138 = arith.constant 31 : i32
      %scan3A_139 = arith.addi %scan3A_137, %scan3A_138 : i32
      %scan3A_140 = arith.constant 1 : i32
      scf.for %scan3A_244 = %scan3A_137 to %scan3A_139 step %scan3A_140  : i32 {
        %mul3A_245 = arith.constant 4 : i32
        %mul3A_246 = arith.muli %scan3A_244, %mul3A_245 : i32
        %add3A_247 = arith.constant 0 : i32
        %add3A_248 = arith.addi %mul3A_246, %add3A_247 : i32
        %mul3A_249 = arith.constant 16 : i32
        %mul3A_250 = arith.muli %add3A_248, %mul3A_249 : i32
        %add3A_251 = arith.constant 8000 : i32
        %add3A_252 = arith.addi %add3A_251, %mul3A_250 : i32
        %get3A_253 = arith.index_cast %add3A_252 : i32 to index
        %get3A_254 = tpu.vector_load %arg6[%get3A_253] {strides = array<i32>} : memref<16000xi32, #tpu.memory_space<vmem>>, vector<16xi32>,
        %add3A_255 = arith.constant 8192 : i32
        %add3A_256 = vector.broadcast %add3A_255 : i32 to vector<16xi32>
        %add3A_257 = arith.addi %get3A_254, %add3A_256 : vector<16xi32>
        %get3A_258 = arith.index_cast %add3A_252 : i32 to index
        %get3A_259 = tpu.vector_load %arg5[%get3A_258] {strides = array<i32>} : memref<16000xf32, #tpu.memory_space<vmem>>, vector<16xf32>,
        tpu.vector_store_idx %arg7[%add3A_257], %get3A_259 {add = true} : memref<16384xf32, #tpu.memory_space<vmem>>[vector<16xi32>], vector<16xf32>,
        %mul3A_260 = arith.constant 4 : i32
        %mul3A_261 = arith.muli %scan3A_244, %mul3A_260 : i32
        %add3A_262 = arith.constant 1 : i32
        %add3A_263 = arith.addi %mul3A_261, %add3A_262 : i32
        %mul3A_264 = arith.constant 16 : i32
        %mul3A_265 = arith.muli %add3A_263, %mul3A_264 : i32
        %add3A_266 = arith.constant 8000 : i32
        %add3A_267 = arith.addi %add3A_266, %mul3A_265 : i32
        %get3A_268 = arith.index_cast %add3A_267 : i32 to index
        %get3A_269 = tpu.vector_load %arg6[%get3A_268] {strides = array<i32>} : memref<16000xi32, #tpu.memory_space<vmem>>, vector<16xi32>,
        %add3A_270 = arith.constant 8192 : i32
        %add3A_271 = vector.broadcast %add3A_270 : i32 to vector<16xi32>
        %add3A_272 = arith.addi %get3A_269, %add3A_271 : vector<16xi32>
        %get3A_273 = arith.index_cast %add3A_267 : i32 to index
        %get3A_274 = tpu.vector_load %arg5[%get3A_273] {strides = array<i32>} : memref<16000xf32, #tpu.memory_space<vmem>>, vector<16xf32>,
        tpu.vector_store_idx %arg7[%add3A_272], %get3A_274 {add = true} : memref<16384xf32, #tpu.memory_space<vmem>>[vector<16xi32>], vector<16xf32>,
        %mul3A_275 = arith.constant 4 : i32
        %mul3A_276 = arith.muli %scan3A_244, %mul3A_275 : i32
        %add3A_277 = arith.constant 2 : i32
        %add3A_278 = arith.addi %mul3A_276, %add3A_277 : i32
        %mul3A_279 = arith.constant 16 : i32
        %mul3A_280 = arith.muli %add3A_278, %mul3A_279 : i32
        %add3A_281 = arith.constant 8000 : i32
        %add3A_282 = arith.addi %add3A_281, %mul3A_280 : i32
        %get3A_283 = arith.index_cast %add3A_282 : i32 to index
        %get3A_284 = tpu.vector_load %arg6[%get3A_283] {strides = array<i32>} : memref<16000xi32, #tpu.memory_space<vmem>>, vector<16xi32>,
        %add3A_285 = arith.constant 8192 : i32
        %add3A_286 = vector.broadcast %add3A_285 : i32 to vector<16xi32>
        %add3A_287 = arith.addi %get3A_284, %add3A_286 : vector<16xi32>
        %get3A_288 = arith.index_cast %add3A_282 : i32 to index
        %get3A_289 = tpu.vector_load %arg5[%get3A_288] {strides = array<i32>} : memref<16000xf32, #tpu.memory_space<vmem>>, vector<16xf32>,
        tpu.vector_store_idx %arg7[%add3A_287], %get3A_289 {add = true} : memref<16384xf32, #tpu.memory_space<vmem>>[vector<16xi32>], vector<16xf32>,
        %mul3A_290 = arith.constant 4 : i32
        %mul3A_291 = arith.muli %scan3A_244, %mul3A_290 : i32
        %add3A_292 = arith.constant 3 : i32
        %add3A_293 = arith.addi %mul3A_291, %add3A_292 : i32
        %mul3A_294 = arith.constant 16 : i32
        %mul3A_295 = arith.muli %add3A_293, %mul3A_294 : i32
        %add3A_296 = arith.constant 8000 : i32
        %add3A_297 = arith.addi %add3A_296, %mul3A_295 : i32
        %get3A_298 = arith.index_cast %add3A_297 : i32 to index
        %get3A_299 = tpu.vector_load %arg6[%get3A_298] {strides = array<i32>} : memref<16000xi32, #tpu.memory_space<vmem>>, vector<16xi32>,
        %add3A_300 = arith.constant 8192 : i32
        %add3A_301 = vector.broadcast %add3A_300 : i32 to vector<16xi32>
        %add3A_302 = arith.addi %get3A_299, %add3A_301 : vector<16xi32>
        %get3A_303 = arith.index_cast %add3A_297 : i32 to index
        %get3A_304 = tpu.vector_load %arg5[%get3A_303] {strides = array<i32>} : memref<16000xf32, #tpu.memory_space<vmem>>, vector<16xf32>,
        tpu.vector_store_idx %arg7[%add3A_302], %get3A_304 {add = true} : memref<16384xf32, #tpu.memory_space<vmem>>[vector<16xi32>], vector<16xf32>,
      }
      %scan3A_141 = arith.constant 31 : i32
      %iota3A_142 = tpu.iota {dimensions = array<i32: 0>} : vector<16xi32>
      %lt3A_143 = arith.constant 11 : i32
      %lt3A_144 = vector.broadcast %lt3A_143 : i32 to vector<16xi32>
      %lt3A_145 = arith.cmpi slt, %iota3A_142, %lt3A_144 : vector<16xi32>
      %get3A_146 = arith.constant 9984 : index
      %get3A_147 = tpu.vector_load %arg6[%get3A_146] {strides = array<i32>} : memref<16000xi32, #tpu.memory_space<vmem>>, vector<16xi32>,
      %jit3A_148 = arith.constant 0 : i32
      %broadcast_in_dim3A_149 = vector.broadcast %jit3A_148 : i32 to vector<16xi32>
      %select_n3A_150 = arith.select %lt3A_145, %get3A_147, %broadcast_in_dim3A_149 : vector<16xi1>, vector<16xi32>
      %add3A_151 = arith.constant 8192 : i32
      %add3A_152 = vector.broadcast %add3A_151 : i32 to vector<16xi32>
      %add3A_153 = arith.addi %select_n3A_150, %add3A_152 : vector<16xi32>
      %get3A_154 = arith.constant 9984 : index
      %get3A_155 = tpu.vector_load %arg5[%get3A_154] {strides = array<i32>} : memref<16000xf32, #tpu.memory_space<vmem>>, vector<16xf32>,
      %jit3A_156 = arith.constant 0.000000e+00 : f32
      %broadcast_in_dim3A_157 = vector.broadcast %jit3A_156 : f32 to vector<16xf32>
      %select_n3A_158 = arith.select %lt3A_145, %get3A_155, %broadcast_in_dim3A_157 : vector<16xi1>, vector<16xf32>
      tpu.vector_store_idx %arg7[%add3A_153], %select_n3A_158 {add = true} : memref<16384xf32, #tpu.memory_space<vmem>>[vector<16xi32>], vector<16xf32>,
      %scan3A_159 = arith.constant 0 : i32
      %scan3A_160 = arith.constant 0 : i32
      %scan3A_161 = arith.constant 31 : i32
      %scan3A_162 = arith.addi %scan3A_160, %scan3A_161 : i32
      %scan3A_163 = arith.constant 1 : i32
      scf.for %scan3A_244 = %scan3A_160 to %scan3A_162 step %scan3A_163  : i32 {
        %mul3A_245 = arith.constant 4 : i32
        %mul3A_246 = arith.muli %scan3A_244, %mul3A_245 : i32
        %add3A_247 = arith.constant 0 : i32
        %add3A_248 = arith.addi %mul3A_246, %add3A_247 : i32
        %mul3A_249 = arith.constant 16 : i32
        %mul3A_250 = arith.muli %add3A_248, %mul3A_249 : i32
        %add3A_251 = arith.constant 10000 : i32
        %add3A_252 = arith.addi %add3A_251, %mul3A_250 : i32
        %get3A_253 = arith.index_cast %add3A_252 : i32 to index
        %get3A_254 = tpu.vector_load %arg6[%get3A_253] {strides = array<i32>} : memref<16000xi32, #tpu.memory_space<vmem>>, vector<16xi32>,
        %add3A_255 = arith.constant 10240 : i32
        %add3A_256 = vector.broadcast %add3A_255 : i32 to vector<16xi32>
        %add3A_257 = arith.addi %get3A_254, %add3A_256 : vector<16xi32>
        %get3A_258 = arith.index_cast %add3A_252 : i32 to index
        %get3A_259 = tpu.vector_load %arg5[%get3A_258] {strides = array<i32>} : memref<16000xf32, #tpu.memory_space<vmem>>, vector<16xf32>,
        tpu.vector_store_idx %arg7[%add3A_257], %get3A_259 {add = true} : memref<16384xf32, #tpu.memory_space<vmem>>[vector<16xi32>], vector<16xf32>,
        %mul3A_260 = arith.constant 4 : i32
        %mul3A_261 = arith.muli %scan3A_244, %mul3A_260 : i32
        %add3A_262 = arith.constant 1 : i32
        %add3A_263 = arith.addi %mul3A_261, %add3A_262 : i32
        %mul3A_264 = arith.constant 16 : i32
        %mul3A_265 = arith.muli %add3A_263, %mul3A_264 : i32
        %add3A_266 = arith.constant 10000 : i32
        %add3A_267 = arith.addi %add3A_266, %mul3A_265 : i32
        %get3A_268 = arith.index_cast %add3A_267 : i32 to index
        %get3A_269 = tpu.vector_load %arg6[%get3A_268] {strides = array<i32>} : memref<16000xi32, #tpu.memory_space<vmem>>, vector<16xi32>,
        %add3A_270 = arith.constant 10240 : i32
        %add3A_271 = vector.broadcast %add3A_270 : i32 to vector<16xi32>
        %add3A_272 = arith.addi %get3A_269, %add3A_271 : vector<16xi32>
        %get3A_273 = arith.index_cast %add3A_267 : i32 to index
        %get3A_274 = tpu.vector_load %arg5[%get3A_273] {strides = array<i32>} : memref<16000xf32, #tpu.memory_space<vmem>>, vector<16xf32>,
        tpu.vector_store_idx %arg7[%add3A_272], %get3A_274 {add = true} : memref<16384xf32, #tpu.memory_space<vmem>>[vector<16xi32>], vector<16xf32>,
        %mul3A_275 = arith.constant 4 : i32
        %mul3A_276 = arith.muli %scan3A_244, %mul3A_275 : i32
        %add3A_277 = arith.constant 2 : i32
        %add3A_278 = arith.addi %mul3A_276, %add3A_277 : i32
        %mul3A_279 = arith.constant 16 : i32
        %mul3A_280 = arith.muli %add3A_278, %mul3A_279 : i32
        %add3A_281 = arith.constant 10000 : i32
        %add3A_282 = arith.addi %add3A_281, %mul3A_280 : i32
        %get3A_283 = arith.index_cast %add3A_282 : i32 to index
        %get3A_284 = tpu.vector_load %arg6[%get3A_283] {strides = array<i32>} : memref<16000xi32, #tpu.memory_space<vmem>>, vector<16xi32>,
        %add3A_285 = arith.constant 10240 : i32
        %add3A_286 = vector.broadcast %add3A_285 : i32 to vector<16xi32>
        %add3A_287 = arith.addi %get3A_284, %add3A_286 : vector<16xi32>
        %get3A_288 = arith.index_cast %add3A_282 : i32 to index
        %get3A_289 = tpu.vector_load %arg5[%get3A_288] {strides = array<i32>} : memref<16000xf32, #tpu.memory_space<vmem>>, vector<16xf32>,
        tpu.vector_store_idx %arg7[%add3A_287], %get3A_289 {add = true} : memref<16384xf32, #tpu.memory_space<vmem>>[vector<16xi32>], vector<16xf32>,
        %mul3A_290 = arith.constant 4 : i32
        %mul3A_291 = arith.muli %scan3A_244, %mul3A_290 : i32
        %add3A_292 = arith.constant 3 : i32
        %add3A_293 = arith.addi %mul3A_291, %add3A_292 : i32
        %mul3A_294 = arith.constant 16 : i32
        %mul3A_295 = arith.muli %add3A_293, %mul3A_294 : i32
        %add3A_296 = arith.constant 10000 : i32
        %add3A_297 = arith.addi %add3A_296, %mul3A_295 : i32
        %get3A_298 = arith.index_cast %add3A_297 : i32 to index
        %get3A_299 = tpu.vector_load %arg6[%get3A_298] {strides = array<i32>} : memref<16000xi32, #tpu.memory_space<vmem>>, vector<16xi32>,
        %add3A_300 = arith.constant 10240 : i32
        %add3A_301 = vector.broadcast %add3A_300 : i32 to vector<16xi32>
        %add3A_302 = arith.addi %get3A_299, %add3A_301 : vector<16xi32>
        %get3A_303 = arith.index_cast %add3A_297 : i32 to index
        %get3A_304 = tpu.vector_load %arg5[%get3A_303] {strides = array<i32>} : memref<16000xf32, #tpu.memory_space<vmem>>, vector<16xf32>,
        tpu.vector_store_idx %arg7[%add3A_302], %get3A_304 {add = true} : memref<16384xf32, #tpu.memory_space<vmem>>[vector<16xi32>], vector<16xf32>,
      }
      %scan3A_164 = arith.constant 31 : i32
      %iota3A_165 = tpu.iota {dimensions = array<i32: 0>} : vector<16xi32>
      %lt3A_166 = arith.constant 11 : i32
      %lt3A_167 = vector.broadcast %lt3A_166 : i32 to vector<16xi32>
      %lt3A_168 = arith.cmpi slt, %iota3A_165, %lt3A_167 : vector<16xi32>
      %get3A_169 = arith.constant 11984 : index
      %get3A_170 = tpu.vector_load %arg6[%get3A_169] {strides = array<i32>} : memref<16000xi32, #tpu.memory_space<vmem>>, vector<16xi32>,
      %jit3A_171 = arith.constant 0 : i32
      %broadcast_in_dim3A_172 = vector.broadcast %jit3A_171 : i32 to vector<16xi32>
      %select_n3A_173 = arith.select %lt3A_168, %get3A_170, %broadcast_in_dim3A_172 : vector<16xi1>, vector<16xi32>
      %add3A_174 = arith.constant 10240 : i32
      %add3A_175 = vector.broadcast %add3A_174 : i32 to vector<16xi32>
      %add3A_176 = arith.addi %select_n3A_173, %add3A_175 : vector<16xi32>
      %get3A_177 = arith.constant 11984 : index
      %get3A_178 = tpu.vector_load %arg5[%get3A_177] {strides = array<i32>} : memref<16000xf32, #tpu.memory_space<vmem>>, vector<16xf32>,
      %jit3A_179 = arith.constant 0.000000e+00 : f32
      %broadcast_in_dim3A_180 = vector.broadcast %jit3A_179 : f32 to vector<16xf32>
      %select_n3A_181 = arith.select %lt3A_168, %get3A_178, %broadcast_in_dim3A_180 : vector<16xi1>, vector<16xf32>
      tpu.vector_store_idx %arg7[%add3A_176], %select_n3A_181 {add = true} : memref<16384xf32, #tpu.memory_space<vmem>>[vector<16xi32>], vector<16xf32>,
      %scan3A_182 = arith.constant 0 : i32
      %scan3A_183 = arith.constant 0 : i32
      %scan3A_184 = arith.constant 31 : i32
      %scan3A_185 = arith.addi %scan3A_183, %scan3A_184 : i32
      %scan3A_186 = arith.constant 1 : i32
      scf.for %scan3A_244 = %scan3A_183 to %scan3A_185 step %scan3A_186  : i32 {
        %mul3A_245 = arith.constant 4 : i32
        %mul3A_246 = arith.muli %scan3A_244, %mul3A_245 : i32
        %add3A_247 = arith.constant 0 : i32
        %add3A_248 = arith.addi %mul3A_246, %add3A_247 : i32
        %mul3A_249 = arith.constant 16 : i32
        %mul3A_250 = arith.muli %add3A_248, %mul3A_249 : i32
        %add3A_251 = arith.constant 12000 : i32
        %add3A_252 = arith.addi %add3A_251, %mul3A_250 : i32
        %get3A_253 = arith.index_cast %add3A_252 : i32 to index
        %get3A_254 = tpu.vector_load %arg6[%get3A_253] {strides = array<i32>} : memref<16000xi32, #tpu.memory_space<vmem>>, vector<16xi32>,
        %add3A_255 = arith.constant 12288 : i32
        %add3A_256 = vector.broadcast %add3A_255 : i32 to vector<16xi32>
        %add3A_257 = arith.addi %get3A_254, %add3A_256 : vector<16xi32>
        %get3A_258 = arith.index_cast %add3A_252 : i32 to index
        %get3A_259 = tpu.vector_load %arg5[%get3A_258] {strides = array<i32>} : memref<16000xf32, #tpu.memory_space<vmem>>, vector<16xf32>,
        tpu.vector_store_idx %arg7[%add3A_257], %get3A_259 {add = true} : memref<16384xf32, #tpu.memory_space<vmem>>[vector<16xi32>], vector<16xf32>,
        %mul3A_260 = arith.constant 4 : i32
        %mul3A_261 = arith.muli %scan3A_244, %mul3A_260 : i32
        %add3A_262 = arith.constant 1 : i32
        %add3A_263 = arith.addi %mul3A_261, %add3A_262 : i32
        %mul3A_264 = arith.constant 16 : i32
        %mul3A_265 = arith.muli %add3A_263, %mul3A_264 : i32
        %add3A_266 = arith.constant 12000 : i32
        %add3A_267 = arith.addi %add3A_266, %mul3A_265 : i32
        %get3A_268 = arith.index_cast %add3A_267 : i32 to index
        %get3A_269 = tpu.vector_load %arg6[%get3A_268] {strides = array<i32>} : memref<16000xi32, #tpu.memory_space<vmem>>, vector<16xi32>,
        %add3A_270 = arith.constant 12288 : i32
        %add3A_271 = vector.broadcast %add3A_270 : i32 to vector<16xi32>
        %add3A_272 = arith.addi %get3A_269, %add3A_271 : vector<16xi32>
        %get3A_273 = arith.index_cast %add3A_267 : i32 to index
        %get3A_274 = tpu.vector_load %arg5[%get3A_273] {strides = array<i32>} : memref<16000xf32, #tpu.memory_space<vmem>>, vector<16xf32>,
        tpu.vector_store_idx %arg7[%add3A_272], %get3A_274 {add = true} : memref<16384xf32, #tpu.memory_space<vmem>>[vector<16xi32>], vector<16xf32>,
        %mul3A_275 = arith.constant 4 : i32
        %mul3A_276 = arith.muli %scan3A_244, %mul3A_275 : i32
        %add3A_277 = arith.constant 2 : i32
        %add3A_278 = arith.addi %mul3A_276, %add3A_277 : i32
        %mul3A_279 = arith.constant 16 : i32
        %mul3A_280 = arith.muli %add3A_278, %mul3A_279 : i32
        %add3A_281 = arith.constant 12000 : i32
        %add3A_282 = arith.addi %add3A_281, %mul3A_280 : i32
        %get3A_283 = arith.index_cast %add3A_282 : i32 to index
        %get3A_284 = tpu.vector_load %arg6[%get3A_283] {strides = array<i32>} : memref<16000xi32, #tpu.memory_space<vmem>>, vector<16xi32>,
        %add3A_285 = arith.constant 12288 : i32
        %add3A_286 = vector.broadcast %add3A_285 : i32 to vector<16xi32>
        %add3A_287 = arith.addi %get3A_284, %add3A_286 : vector<16xi32>
        %get3A_288 = arith.index_cast %add3A_282 : i32 to index
        %get3A_289 = tpu.vector_load %arg5[%get3A_288] {strides = array<i32>} : memref<16000xf32, #tpu.memory_space<vmem>>, vector<16xf32>,
        tpu.vector_store_idx %arg7[%add3A_287], %get3A_289 {add = true} : memref<16384xf32, #tpu.memory_space<vmem>>[vector<16xi32>], vector<16xf32>,
        %mul3A_290 = arith.constant 4 : i32
        %mul3A_291 = arith.muli %scan3A_244, %mul3A_290 : i32
        %add3A_292 = arith.constant 3 : i32
        %add3A_293 = arith.addi %mul3A_291, %add3A_292 : i32
        %mul3A_294 = arith.constant 16 : i32
        %mul3A_295 = arith.muli %add3A_293, %mul3A_294 : i32
        %add3A_296 = arith.constant 12000 : i32
        %add3A_297 = arith.addi %add3A_296, %mul3A_295 : i32
        %get3A_298 = arith.index_cast %add3A_297 : i32 to index
        %get3A_299 = tpu.vector_load %arg6[%get3A_298] {strides = array<i32>} : memref<16000xi32, #tpu.memory_space<vmem>>, vector<16xi32>,
        %add3A_300 = arith.constant 12288 : i32
        %add3A_301 = vector.broadcast %add3A_300 : i32 to vector<16xi32>
        %add3A_302 = arith.addi %get3A_299, %add3A_301 : vector<16xi32>
        %get3A_303 = arith.index_cast %add3A_297 : i32 to index
        %get3A_304 = tpu.vector_load %arg5[%get3A_303] {strides = array<i32>} : memref<16000xf32, #tpu.memory_space<vmem>>, vector<16xf32>,
        tpu.vector_store_idx %arg7[%add3A_302], %get3A_304 {add = true} : memref<16384xf32, #tpu.memory_space<vmem>>[vector<16xi32>], vector<16xf32>,
      }
      %scan3A_187 = arith.constant 31 : i32
      %iota3A_188 = tpu.iota {dimensions = array<i32: 0>} : vector<16xi32>
      %lt3A_189 = arith.constant 11 : i32
      %lt3A_190 = vector.broadcast %lt3A_189 : i32 to vector<16xi32>
      %lt3A_191 = arith.cmpi slt, %iota3A_188, %lt3A_190 : vector<16xi32>
      %get3A_192 = arith.constant 13984 : index
      %get3A_193 = tpu.vector_load %arg6[%get3A_192] {strides = array<i32>} : memref<16000xi32, #tpu.memory_space<vmem>>, vector<16xi32>,
      %jit3A_194 = arith.constant 0 : i32
      %broadcast_in_dim3A_195 = vector.broadcast %jit3A_194 : i32 to vector<16xi32>
      %select_n3A_196 = arith.select %lt3A_191, %get3A_193, %broadcast_in_dim3A_195 : vector<16xi1>, vector<16xi32>
      %add3A_197 = arith.constant 12288 : i32
      %add3A_198 = vector.broadcast %add3A_197 : i32 to vector<16xi32>
      %add3A_199 = arith.addi %select_n3A_196, %add3A_198 : vector<16xi32>
      %get3A_200 = arith.constant 13984 : index
      %get3A_201 = tpu.vector_load %arg5[%get3A_200] {strides = array<i32>} : memref<16000xf32, #tpu.memory_space<vmem>>, vector<16xf32>,
      %jit3A_202 = arith.constant 0.000000e+00 : f32
      %broadcast_in_dim3A_203 = vector.broadcast %jit3A_202 : f32 to vector<16xf32>
      %select_n3A_204 = arith.select %lt3A_191, %get3A_201, %broadcast_in_dim3A_203 : vector<16xi1>, vector<16xf32>
      tpu.vector_store_idx %arg7[%add3A_199], %select_n3A_204 {add = true} : memref<16384xf32, #tpu.memory_space<vmem>>[vector<16xi32>], vector<16xf32>,
      %scan3A_205 = arith.constant 0 : i32
      %scan3A_206 = arith.constant 0 : i32
      %scan3A_207 = arith.constant 31 : i32
      %scan3A_208 = arith.addi %scan3A_206, %scan3A_207 : i32
      %scan3A_209 = arith.constant 1 : i32
      scf.for %scan3A_244 = %scan3A_206 to %scan3A_208 step %scan3A_209  : i32 {
        %mul3A_245 = arith.constant 4 : i32
        %mul3A_246 = arith.muli %scan3A_244, %mul3A_245 : i32
        %add3A_247 = arith.constant 0 : i32
        %add3A_248 = arith.addi %mul3A_246, %add3A_247 : i32
        %mul3A_249 = arith.constant 16 : i32
        %mul3A_250 = arith.muli %add3A_248, %mul3A_249 : i32
        %add3A_251 = arith.constant 14000 : i32
        %add3A_252 = arith.addi %add3A_251, %mul3A_250 : i32
        %get3A_253 = arith.index_cast %add3A_252 : i32 to index
        %get3A_254 = tpu.vector_load %arg6[%get3A_253] {strides = array<i32>} : memref<16000xi32, #tpu.memory_space<vmem>>, vector<16xi32>,
        %add3A_255 = arith.constant 14336 : i32
        %add3A_256 = vector.broadcast %add3A_255 : i32 to vector<16xi32>
        %add3A_257 = arith.addi %get3A_254, %add3A_256 : vector<16xi32>
        %get3A_258 = arith.index_cast %add3A_252 : i32 to index
        %get3A_259 = tpu.vector_load %arg5[%get3A_258] {strides = array<i32>} : memref<16000xf32, #tpu.memory_space<vmem>>, vector<16xf32>,
        tpu.vector_store_idx %arg7[%add3A_257], %get3A_259 {add = true} : memref<16384xf32, #tpu.memory_space<vmem>>[vector<16xi32>], vector<16xf32>,
        %mul3A_260 = arith.constant 4 : i32
        %mul3A_261 = arith.muli %scan3A_244, %mul3A_260 : i32
        %add3A_262 = arith.constant 1 : i32
        %add3A_263 = arith.addi %mul3A_261, %add3A_262 : i32
        %mul3A_264 = arith.constant 16 : i32
        %mul3A_265 = arith.muli %add3A_263, %mul3A_264 : i32
        %add3A_266 = arith.constant 14000 : i32
        %add3A_267 = arith.addi %add3A_266, %mul3A_265 : i32
        %get3A_268 = arith.index_cast %add3A_267 : i32 to index
        %get3A_269 = tpu.vector_load %arg6[%get3A_268] {strides = array<i32>} : memref<16000xi32, #tpu.memory_space<vmem>>, vector<16xi32>,
        %add3A_270 = arith.constant 14336 : i32
        %add3A_271 = vector.broadcast %add3A_270 : i32 to vector<16xi32>
        %add3A_272 = arith.addi %get3A_269, %add3A_271 : vector<16xi32>
        %get3A_273 = arith.index_cast %add3A_267 : i32 to index
        %get3A_274 = tpu.vector_load %arg5[%get3A_273] {strides = array<i32>} : memref<16000xf32, #tpu.memory_space<vmem>>, vector<16xf32>,
        tpu.vector_store_idx %arg7[%add3A_272], %get3A_274 {add = true} : memref<16384xf32, #tpu.memory_space<vmem>>[vector<16xi32>], vector<16xf32>,
        %mul3A_275 = arith.constant 4 : i32
        %mul3A_276 = arith.muli %scan3A_244, %mul3A_275 : i32
        %add3A_277 = arith.constant 2 : i32
        %add3A_278 = arith.addi %mul3A_276, %add3A_277 : i32
        %mul3A_279 = arith.constant 16 : i32
        %mul3A_280 = arith.muli %add3A_278, %mul3A_279 : i32
        %add3A_281 = arith.constant 14000 : i32
        %add3A_282 = arith.addi %add3A_281, %mul3A_280 : i32
        %get3A_283 = arith.index_cast %add3A_282 : i32 to index
        %get3A_284 = tpu.vector_load %arg6[%get3A_283] {strides = array<i32>} : memref<16000xi32, #tpu.memory_space<vmem>>, vector<16xi32>,
        %add3A_285 = arith.constant 14336 : i32
        %add3A_286 = vector.broadcast %add3A_285 : i32 to vector<16xi32>
        %add3A_287 = arith.addi %get3A_284, %add3A_286 : vector<16xi32>
        %get3A_288 = arith.index_cast %add3A_282 : i32 to index
        %get3A_289 = tpu.vector_load %arg5[%get3A_288] {strides = array<i32>} : memref<16000xf32, #tpu.memory_space<vmem>>, vector<16xf32>,
        tpu.vector_store_idx %arg7[%add3A_287], %get3A_289 {add = true} : memref<16384xf32, #tpu.memory_space<vmem>>[vector<16xi32>], vector<16xf32>,
        %mul3A_290 = arith.constant 4 : i32
        %mul3A_291 = arith.muli %scan3A_244, %mul3A_290 : i32
        %add3A_292 = arith.constant 3 : i32
        %add3A_293 = arith.addi %mul3A_291, %add3A_292 : i32
        %mul3A_294 = arith.constant 16 : i32
        %mul3A_295 = arith.muli %add3A_293, %mul3A_294 : i32
        %add3A_296 = arith.constant 14000 : i32
        %add3A_297 = arith.addi %add3A_296, %mul3A_295 : i32
        %get3A_298 = arith.index_cast %add3A_297 : i32 to index
        %get3A_299 = tpu.vector_load %arg6[%get3A_298] {strides = array<i32>} : memref<16000xi32, #tpu.memory_space<vmem>>, vector<16xi32>,
        %add3A_300 = arith.constant 14336 : i32
        %add3A_301 = vector.broadcast %add3A_300 : i32 to vector<16xi32>
        %add3A_302 = arith.addi %get3A_299, %add3A_301 : vector<16xi32>
        %get3A_303 = arith.index_cast %add3A_297 : i32 to index
        %get3A_304 = tpu.vector_load %arg5[%get3A_303] {strides = array<i32>} : memref<16000xf32, #tpu.memory_space<vmem>>, vector<16xf32>,
        tpu.vector_store_idx %arg7[%add3A_302], %get3A_304 {add = true} : memref<16384xf32, #tpu.memory_space<vmem>>[vector<16xi32>], vector<16xf32>,
      }
      %scan3A_210 = arith.constant 31 : i32
      %iota3A_211 = tpu.iota {dimensions = array<i32: 0>} : vector<16xi32>
      %lt3A_212 = arith.constant 11 : i32
      %lt3A_213 = vector.broadcast %lt3A_212 : i32 to vector<16xi32>
      %lt3A_214 = arith.cmpi slt, %iota3A_211, %lt3A_213 : vector<16xi32>
      %get3A_215 = arith.constant 15984 : index
      %get3A_216 = tpu.vector_load %arg6[%get3A_215] {strides = array<i32>} : memref<16000xi32, #tpu.memory_space<vmem>>, vector<16xi32>,
      %jit3A_217 = arith.constant 0 : i32
      %broadcast_in_dim3A_218 = vector.broadcast %jit3A_217 : i32 to vector<16xi32>
      %select_n3A_219 = arith.select %lt3A_214, %get3A_216, %broadcast_in_dim3A_218 : vector<16xi1>, vector<16xi32>
      %add3A_220 = arith.constant 14336 : i32
      %add3A_221 = vector.broadcast %add3A_220 : i32 to vector<16xi32>
      %add3A_222 = arith.addi %select_n3A_219, %add3A_221 : vector<16xi32>
      %get3A_223 = arith.constant 15984 : index
      %get3A_224 = tpu.vector_load %arg5[%get3A_223] {strides = array<i32>} : memref<16000xf32, #tpu.memory_space<vmem>>, vector<16xf32>,
      %jit3A_225 = arith.constant 0.000000e+00 : f32
      %broadcast_in_dim3A_226 = vector.broadcast %jit3A_225 : f32 to vector<16xf32>
      %select_n3A_227 = arith.select %lt3A_214, %get3A_224, %broadcast_in_dim3A_226 : vector<16xi1>, vector<16xf32>
      tpu.vector_store_idx %arg7[%add3A_222], %select_n3A_227 {add = true} : memref<16384xf32, #tpu.memory_space<vmem>>[vector<16xi32>], vector<16xf32>,
      %add3A_228 = arith.constant 0 : i32
      %add3A_229 = arith.addi %add3A_11, %add3A_228 : i32
      "tpu.region"() ({
        %run_scoped3A = tpu.sem_alloc : memref<!tpu.dma_semaphore, #tpu.memory_space<semaphore_mem>>
        %dma_start3A = arith.constant 0 : i32
        %dma_start3A_244 = tpu.memref_slice %arg7[%dma_start3A] : memref<16384xf32, #tpu.memory_space<vmem>> -> memref<2048xf32, #tpu.memory_space<vmem>>
        %dma_start3A_245 = arith.constant 0 : i32
        %dma_start3A_246 = tpu.memref_slice %arg4[%add3A_229, %dma_start3A_245] : memref<4096x2048xf32, #tpu.memory_space<hbm>> -> memref<1x2048xf32, #tpu.memory_space<hbm>>
        %dma_start3A_247 = tpu.memref_squeeze %dma_start3A_246 : memref<1x2048xf32, #tpu.memory_space<hbm>> -> memref<2048xf32, #tpu.memory_space<hbm>>
        %dma_start3A_248 = arith.constant 0 : i32
        %dma_start3A_249 = tpu.memref_slice %arg4[%add3A_229, %dma_start3A_248] : memref<4096x2048xf32, #tpu.memory_space<hbm>> -> memref<1x2048xf32, #tpu.memory_space<hbm>>
        %dma_start3A_250 = tpu.memref_squeeze %dma_start3A_249 : memref<1x2048xf32, #tpu.memory_space<hbm>> -> memref<2048xf32, #tpu.memory_space<hbm>>
        %dma_start3A_251 = arith.constant 0 : i32
        %dma_start3A_252 = tpu.memref_slice %arg7[%dma_start3A_251] : memref<16384xf32, #tpu.memory_space<vmem>> -> memref<2048xf32, #tpu.memory_space<vmem>>
        tpu.enqueue_dma source(%dma_start3A_252 : memref<2048xf32, #tpu.memory_space<vmem>>) target(%dma_start3A_250 : memref<2048xf32, #tpu.memory_space<hbm>>) target_semaphore(%run_scoped3A : memref<!tpu.dma_semaphore, #tpu.memory_space<semaphore_mem>>)
        %dma_wait3A = arith.constant 0 : i32
        %dma_wait3A_253 = tpu.memref_slice %arg7[%dma_wait3A] : memref<16384xf32, #tpu.memory_space<vmem>> -> memref<2048xf32, #tpu.memory_space<vmem>>
        %dma_wait3A_254 = arith.constant 0 : i32
        %dma_wait3A_255 = tpu.memref_slice %arg4[%add3A_229, %dma_wait3A_254] : memref<4096x2048xf32, #tpu.memory_space<hbm>> -> memref<1x2048xf32, #tpu.memory_space<hbm>>
        %dma_wait3A_256 = tpu.memref_squeeze %dma_wait3A_255 : memref<1x2048xf32, #tpu.memory_space<hbm>> -> memref<2048xf32, #tpu.memory_space<hbm>>
        %dma_wait3A_257 = arith.constant 0 : i32
        %dma_wait3A_258 = tpu.memref_slice %arg4[%add3A_229, %dma_wait3A_257] : memref<4096x2048xf32, #tpu.memory_space<hbm>> -> memref<1x2048xf32, #tpu.memory_space<hbm>>
        %dma_wait3A_259 = tpu.memref_squeeze %dma_wait3A_258 : memref<1x2048xf32, #tpu.memory_space<hbm>> -> memref<2048xf32, #tpu.memory_space<hbm>>
        %dma_wait3A_260 = arith.constant 0 : i32
        %dma_wait3A_261 = tpu.memref_slice %arg7[%dma_wait3A_260] : memref<16384xf32, #tpu.memory_space<vmem>> -> memref<2048xf32, #tpu.memory_space<vmem>>
        tpu.wait_dma2 semaphore(%run_scoped3A : memref<!tpu.dma_semaphore, #tpu.memory_space<semaphore_mem>>) src(%dma_wait3A_261 : memref<2048xf32, #tpu.memory_space<vmem>>) dst(%dma_wait3A_259 : memref<2048xf32, #tpu.memory_space<hbm>>)
        tpu.yield
      }) : () -> ()
      %add3A_230 = arith.constant 1 : i32
      %add3A_231 = arith.addi %add3A_11, %add3A_230 : i32
      "tpu.region"() ({
        %run_scoped3A = tpu.sem_alloc : memref<!tpu.dma_semaphore, #tpu.memory_space<semaphore_mem>>
        %dma_start3A = arith.constant 2048 : i32
        %dma_start3A_244 = tpu.memref_slice %arg7[%dma_start3A] : memref<16384xf32, #tpu.memory_space<vmem>> -> memref<2048xf32, #tpu.memory_space<vmem>>
        %dma_start3A_245 = arith.constant 0 : i32
        %dma_start3A_246 = tpu.memref_slice %arg4[%add3A_231, %dma_start3A_245] : memref<4096x2048xf32, #tpu.memory_space<hbm>> -> memref<1x2048xf32, #tpu.memory_space<hbm>>
        %dma_start3A_247 = tpu.memref_squeeze %dma_start3A_246 : memref<1x2048xf32, #tpu.memory_space<hbm>> -> memref<2048xf32, #tpu.memory_space<hbm>>
        %dma_start3A_248 = arith.constant 0 : i32
        %dma_start3A_249 = tpu.memref_slice %arg4[%add3A_231, %dma_start3A_248] : memref<4096x2048xf32, #tpu.memory_space<hbm>> -> memref<1x2048xf32, #tpu.memory_space<hbm>>
        %dma_start3A_250 = tpu.memref_squeeze %dma_start3A_249 : memref<1x2048xf32, #tpu.memory_space<hbm>> -> memref<2048xf32, #tpu.memory_space<hbm>>
        %dma_start3A_251 = arith.constant 2048 : i32
        %dma_start3A_252 = tpu.memref_slice %arg7[%dma_start3A_251] : memref<16384xf32, #tpu.memory_space<vmem>> -> memref<2048xf32, #tpu.memory_space<vmem>>
        tpu.enqueue_dma source(%dma_start3A_252 : memref<2048xf32, #tpu.memory_space<vmem>>) target(%dma_start3A_250 : memref<2048xf32, #tpu.memory_space<hbm>>) target_semaphore(%run_scoped3A : memref<!tpu.dma_semaphore, #tpu.memory_space<semaphore_mem>>)
        %dma_wait3A = arith.constant 2048 : i32
        %dma_wait3A_253 = tpu.memref_slice %arg7[%dma_wait3A] : memref<16384xf32, #tpu.memory_space<vmem>> -> memref<2048xf32, #tpu.memory_space<vmem>>
        %dma_wait3A_254 = arith.constant 0 : i32
        %dma_wait3A_255 = tpu.memref_slice %arg4[%add3A_231, %dma_wait3A_254] : memref<4096x2048xf32, #tpu.memory_space<hbm>> -> memref<1x2048xf32, #tpu.memory_space<hbm>>
        %dma_wait3A_256 = tpu.memref_squeeze %dma_wait3A_255 : memref<1x2048xf32, #tpu.memory_space<hbm>> -> memref<2048xf32, #tpu.memory_space<hbm>>
        %dma_wait3A_257 = arith.constant 0 : i32
        %dma_wait3A_258 = tpu.memref_slice %arg4[%add3A_231, %dma_wait3A_257] : memref<4096x2048xf32, #tpu.memory_space<hbm>> -> memref<1x2048xf32, #tpu.memory_space<hbm>>
        %dma_wait3A_259 = tpu.memref_squeeze %dma_wait3A_258 : memref<1x2048xf32, #tpu.memory_space<hbm>> -> memref<2048xf32, #tpu.memory_space<hbm>>
        %dma_wait3A_260 = arith.constant 2048 : i32
        %dma_wait3A_261 = tpu.memref_slice %arg7[%dma_wait3A_260] : memref<16384xf32, #tpu.memory_space<vmem>> -> memref<2048xf32, #tpu.memory_space<vmem>>
        tpu.wait_dma2 semaphore(%run_scoped3A : memref<!tpu.dma_semaphore, #tpu.memory_space<semaphore_mem>>) src(%dma_wait3A_261 : memref<2048xf32, #tpu.memory_space<vmem>>) dst(%dma_wait3A_259 : memref<2048xf32, #tpu.memory_space<hbm>>)
        tpu.yield
      }) : () -> ()
      %add3A_232 = arith.constant 2 : i32
      %add3A_233 = arith.addi %add3A_11, %add3A_232 : i32
      "tpu.region"() ({
        %run_scoped3A = tpu.sem_alloc : memref<!tpu.dma_semaphore, #tpu.memory_space<semaphore_mem>>
        %dma_start3A = arith.constant 4096 : i32
        %dma_start3A_244 = tpu.memref_slice %arg7[%dma_start3A] : memref<16384xf32, #tpu.memory_space<vmem>> -> memref<2048xf32, #tpu.memory_space<vmem>>
        %dma_start3A_245 = arith.constant 0 : i32
        %dma_start3A_246 = tpu.memref_slice %arg4[%add3A_233, %dma_start3A_245] : memref<4096x2048xf32, #tpu.memory_space<hbm>> -> memref<1x2048xf32, #tpu.memory_space<hbm>>
        %dma_start3A_247 = tpu.memref_squeeze %dma_start3A_246 : memref<1x2048xf32, #tpu.memory_space<hbm>> -> memref<2048xf32, #tpu.memory_space<hbm>>
        %dma_start3A_248 = arith.constant 0 : i32
        %dma_start3A_249 = tpu.memref_slice %arg4[%add3A_233, %dma_start3A_248] : memref<4096x2048xf32, #tpu.memory_space<hbm>> -> memref<1x2048xf32, #tpu.memory_space<hbm>>
        %dma_start3A_250 = tpu.memref_squeeze %dma_start3A_249 : memref<1x2048xf32, #tpu.memory_space<hbm>> -> memref<2048xf32, #tpu.memory_space<hbm>>
        %dma_start3A_251 = arith.constant 4096 : i32
        %dma_start3A_252 = tpu.memref_slice %arg7[%dma_start3A_251] : memref<16384xf32, #tpu.memory_space<vmem>> -> memref<2048xf32, #tpu.memory_space<vmem>>
        tpu.enqueue_dma source(%dma_start3A_252 : memref<2048xf32, #tpu.memory_space<vmem>>) target(%dma_start3A_250 : memref<2048xf32, #tpu.memory_space<hbm>>) target_semaphore(%run_scoped3A : memref<!tpu.dma_semaphore, #tpu.memory_space<semaphore_mem>>)
        %dma_wait3A = arith.constant 4096 : i32
        %dma_wait3A_253 = tpu.memref_slice %arg7[%dma_wait3A] : memref<16384xf32, #tpu.memory_space<vmem>> -> memref<2048xf32, #tpu.memory_space<vmem>>
        %dma_wait3A_254 = arith.constant 0 : i32
        %dma_wait3A_255 = tpu.memref_slice %arg4[%add3A_233, %dma_wait3A_254] : memref<4096x2048xf32, #tpu.memory_space<hbm>> -> memref<1x2048xf32, #tpu.memory_space<hbm>>
        %dma_wait3A_256 = tpu.memref_squeeze %dma_wait3A_255 : memref<1x2048xf32, #tpu.memory_space<hbm>> -> memref<2048xf32, #tpu.memory_space<hbm>>
        %dma_wait3A_257 = arith.constant 0 : i32
        %dma_wait3A_258 = tpu.memref_slice %arg4[%add3A_233, %dma_wait3A_257] : memref<4096x2048xf32, #tpu.memory_space<hbm>> -> memref<1x2048xf32, #tpu.memory_space<hbm>>
        %dma_wait3A_259 = tpu.memref_squeeze %dma_wait3A_258 : memref<1x2048xf32, #tpu.memory_space<hbm>> -> memref<2048xf32, #tpu.memory_space<hbm>>
        %dma_wait3A_260 = arith.constant 4096 : i32
        %dma_wait3A_261 = tpu.memref_slice %arg7[%dma_wait3A_260] : memref<16384xf32, #tpu.memory_space<vmem>> -> memref<2048xf32, #tpu.memory_space<vmem>>
        tpu.wait_dma2 semaphore(%run_scoped3A : memref<!tpu.dma_semaphore, #tpu.memory_space<semaphore_mem>>) src(%dma_wait3A_261 : memref<2048xf32, #tpu.memory_space<vmem>>) dst(%dma_wait3A_259 : memref<2048xf32, #tpu.memory_space<hbm>>)
        tpu.yield
      }) : () -> ()
      %add3A_234 = arith.constant 3 : i32
      %add3A_235 = arith.addi %add3A_11, %add3A_234 : i32
      "tpu.region"() ({
        %run_scoped3A = tpu.sem_alloc : memref<!tpu.dma_semaphore, #tpu.memory_space<semaphore_mem>>
        %dma_start3A = arith.constant 6144 : i32
        %dma_start3A_244 = tpu.memref_slice %arg7[%dma_start3A] : memref<16384xf32, #tpu.memory_space<vmem>> -> memref<2048xf32, #tpu.memory_space<vmem>>
        %dma_start3A_245 = arith.constant 0 : i32
        %dma_start3A_246 = tpu.memref_slice %arg4[%add3A_235, %dma_start3A_245] : memref<4096x2048xf32, #tpu.memory_space<hbm>> -> memref<1x2048xf32, #tpu.memory_space<hbm>>
        %dma_start3A_247 = tpu.memref_squeeze %dma_start3A_246 : memref<1x2048xf32, #tpu.memory_space<hbm>> -> memref<2048xf32, #tpu.memory_space<hbm>>
        %dma_start3A_248 = arith.constant 0 : i32
        %dma_start3A_249 = tpu.memref_slice %arg4[%add3A_235, %dma_start3A_248] : memref<4096x2048xf32, #tpu.memory_space<hbm>> -> memref<1x2048xf32, #tpu.memory_space<hbm>>
        %dma_start3A_250 = tpu.memref_squeeze %dma_start3A_249 : memref<1x2048xf32, #tpu.memory_space<hbm>> -> memref<2048xf32, #tpu.memory_space<hbm>>
        %dma_start3A_251 = arith.constant 6144 : i32
        %dma_start3A_252 = tpu.memref_slice %arg7[%dma_start3A_251] : memref<16384xf32, #tpu.memory_space<vmem>> -> memref<2048xf32, #tpu.memory_space<vmem>>
        tpu.enqueue_dma source(%dma_start3A_252 : memref<2048xf32, #tpu.memory_space<vmem>>) target(%dma_start3A_250 : memref<2048xf32, #tpu.memory_space<hbm>>) target_semaphore(%run_scoped3A : memref<!tpu.dma_semaphore, #tpu.memory_space<semaphore_mem>>)
        %dma_wait3A = arith.constant 6144 : i32
        %dma_wait3A_253 = tpu.memref_slice %arg7[%dma_wait3A] : memref<16384xf32, #tpu.memory_space<vmem>> -> memref<2048xf32, #tpu.memory_space<vmem>>
        %dma_wait3A_254 = arith.constant 0 : i32
        %dma_wait3A_255 = tpu.memref_slice %arg4[%add3A_235, %dma_wait3A_254] : memref<4096x2048xf32, #tpu.memory_space<hbm>> -> memref<1x2048xf32, #tpu.memory_space<hbm>>
        %dma_wait3A_256 = tpu.memref_squeeze %dma_wait3A_255 : memref<1x2048xf32, #tpu.memory_space<hbm>> -> memref<2048xf32, #tpu.memory_space<hbm>>
        %dma_wait3A_257 = arith.constant 0 : i32
        %dma_wait3A_258 = tpu.memref_slice %arg4[%add3A_235, %dma_wait3A_257] : memref<4096x2048xf32, #tpu.memory_space<hbm>> -> memref<1x2048xf32, #tpu.memory_space<hbm>>
        %dma_wait3A_259 = tpu.memref_squeeze %dma_wait3A_258 : memref<1x2048xf32, #tpu.memory_space<hbm>> -> memref<2048xf32, #tpu.memory_space<hbm>>
        %dma_wait3A_260 = arith.constant 6144 : i32
        %dma_wait3A_261 = tpu.memref_slice %arg7[%dma_wait3A_260] : memref<16384xf32, #tpu.memory_space<vmem>> -> memref<2048xf32, #tpu.memory_space<vmem>>
        tpu.wait_dma2 semaphore(%run_scoped3A : memref<!tpu.dma_semaphore, #tpu.memory_space<semaphore_mem>>) src(%dma_wait3A_261 : memref<2048xf32, #tpu.memory_space<vmem>>) dst(%dma_wait3A_259 : memref<2048xf32, #tpu.memory_space<hbm>>)
        tpu.yield
      }) : () -> ()
      %add3A_236 = arith.constant 4 : i32
      %add3A_237 = arith.addi %add3A_11, %add3A_236 : i32
      "tpu.region"() ({
        %run_scoped3A = tpu.sem_alloc : memref<!tpu.dma_semaphore, #tpu.memory_space<semaphore_mem>>
        %dma_start3A = arith.constant 8192 : i32
        %dma_start3A_244 = tpu.memref_slice %arg7[%dma_start3A] : memref<16384xf32, #tpu.memory_space<vmem>> -> memref<2048xf32, #tpu.memory_space<vmem>>
        %dma_start3A_245 = arith.constant 0 : i32
        %dma_start3A_246 = tpu.memref_slice %arg4[%add3A_237, %dma_start3A_245] : memref<4096x2048xf32, #tpu.memory_space<hbm>> -> memref<1x2048xf32, #tpu.memory_space<hbm>>
        %dma_start3A_247 = tpu.memref_squeeze %dma_start3A_246 : memref<1x2048xf32, #tpu.memory_space<hbm>> -> memref<2048xf32, #tpu.memory_space<hbm>>
        %dma_start3A_248 = arith.constant 0 : i32
        %dma_start3A_249 = tpu.memref_slice %arg4[%add3A_237, %dma_start3A_248] : memref<4096x2048xf32, #tpu.memory_space<hbm>> -> memref<1x2048xf32, #tpu.memory_space<hbm>>
        %dma_start3A_250 = tpu.memref_squeeze %dma_start3A_249 : memref<1x2048xf32, #tpu.memory_space<hbm>> -> memref<2048xf32, #tpu.memory_space<hbm>>
        %dma_start3A_251 = arith.constant 8192 : i32
        %dma_start3A_252 = tpu.memref_slice %arg7[%dma_start3A_251] : memref<16384xf32, #tpu.memory_space<vmem>> -> memref<2048xf32, #tpu.memory_space<vmem>>
        tpu.enqueue_dma source(%dma_start3A_252 : memref<2048xf32, #tpu.memory_space<vmem>>) target(%dma_start3A_250 : memref<2048xf32, #tpu.memory_space<hbm>>) target_semaphore(%run_scoped3A : memref<!tpu.dma_semaphore, #tpu.memory_space<semaphore_mem>>)
        %dma_wait3A = arith.constant 8192 : i32
        %dma_wait3A_253 = tpu.memref_slice %arg7[%dma_wait3A] : memref<16384xf32, #tpu.memory_space<vmem>> -> memref<2048xf32, #tpu.memory_space<vmem>>
        %dma_wait3A_254 = arith.constant 0 : i32
        %dma_wait3A_255 = tpu.memref_slice %arg4[%add3A_237, %dma_wait3A_254] : memref<4096x2048xf32, #tpu.memory_space<hbm>> -> memref<1x2048xf32, #tpu.memory_space<hbm>>
        %dma_wait3A_256 = tpu.memref_squeeze %dma_wait3A_255 : memref<1x2048xf32, #tpu.memory_space<hbm>> -> memref<2048xf32, #tpu.memory_space<hbm>>
        %dma_wait3A_257 = arith.constant 0 : i32
        %dma_wait3A_258 = tpu.memref_slice %arg4[%add3A_237, %dma_wait3A_257] : memref<4096x2048xf32, #tpu.memory_space<hbm>> -> memref<1x2048xf32, #tpu.memory_space<hbm>>
        %dma_wait3A_259 = tpu.memref_squeeze %dma_wait3A_258 : memref<1x2048xf32, #tpu.memory_space<hbm>> -> memref<2048xf32, #tpu.memory_space<hbm>>
        %dma_wait3A_260 = arith.constant 8192 : i32
        %dma_wait3A_261 = tpu.memref_slice %arg7[%dma_wait3A_260] : memref<16384xf32, #tpu.memory_space<vmem>> -> memref<2048xf32, #tpu.memory_space<vmem>>
        tpu.wait_dma2 semaphore(%run_scoped3A : memref<!tpu.dma_semaphore, #tpu.memory_space<semaphore_mem>>) src(%dma_wait3A_261 : memref<2048xf32, #tpu.memory_space<vmem>>) dst(%dma_wait3A_259 : memref<2048xf32, #tpu.memory_space<hbm>>)
        tpu.yield
      }) : () -> ()
      %add3A_238 = arith.constant 5 : i32
      %add3A_239 = arith.addi %add3A_11, %add3A_238 : i32
      "tpu.region"() ({
        %run_scoped3A = tpu.sem_alloc : memref<!tpu.dma_semaphore, #tpu.memory_space<semaphore_mem>>
        %dma_start3A = arith.constant 10240 : i32
        %dma_start3A_244 = tpu.memref_slice %arg7[%dma_start3A] : memref<16384xf32, #tpu.memory_space<vmem>> -> memref<2048xf32, #tpu.memory_space<vmem>>
        %dma_start3A_245 = arith.constant 0 : i32
        %dma_start3A_246 = tpu.memref_slice %arg4[%add3A_239, %dma_start3A_245] : memref<4096x2048xf32, #tpu.memory_space<hbm>> -> memref<1x2048xf32, #tpu.memory_space<hbm>>
        %dma_start3A_247 = tpu.memref_squeeze %dma_start3A_246 : memref<1x2048xf32, #tpu.memory_space<hbm>> -> memref<2048xf32, #tpu.memory_space<hbm>>
        %dma_start3A_248 = arith.constant 0 : i32
        %dma_start3A_249 = tpu.memref_slice %arg4[%add3A_239, %dma_start3A_248] : memref<4096x2048xf32, #tpu.memory_space<hbm>> -> memref<1x2048xf32, #tpu.memory_space<hbm>>
        %dma_start3A_250 = tpu.memref_squeeze %dma_start3A_249 : memref<1x2048xf32, #tpu.memory_space<hbm>> -> memref<2048xf32, #tpu.memory_space<hbm>>
        %dma_start3A_251 = arith.constant 10240 : i32
        %dma_start3A_252 = tpu.memref_slice %arg7[%dma_start3A_251] : memref<16384xf32, #tpu.memory_space<vmem>> -> memref<2048xf32, #tpu.memory_space<vmem>>
        tpu.enqueue_dma source(%dma_start3A_252 : memref<2048xf32, #tpu.memory_space<vmem>>) target(%dma_start3A_250 : memref<2048xf32, #tpu.memory_space<hbm>>) target_semaphore(%run_scoped3A : memref<!tpu.dma_semaphore, #tpu.memory_space<semaphore_mem>>)
        %dma_wait3A = arith.constant 10240 : i32
        %dma_wait3A_253 = tpu.memref_slice %arg7[%dma_wait3A] : memref<16384xf32, #tpu.memory_space<vmem>> -> memref<2048xf32, #tpu.memory_space<vmem>>
        %dma_wait3A_254 = arith.constant 0 : i32
        %dma_wait3A_255 = tpu.memref_slice %arg4[%add3A_239, %dma_wait3A_254] : memref<4096x2048xf32, #tpu.memory_space<hbm>> -> memref<1x2048xf32, #tpu.memory_space<hbm>>
        %dma_wait3A_256 = tpu.memref_squeeze %dma_wait3A_255 : memref<1x2048xf32, #tpu.memory_space<hbm>> -> memref<2048xf32, #tpu.memory_space<hbm>>
        %dma_wait3A_257 = arith.constant 0 : i32
        %dma_wait3A_258 = tpu.memref_slice %arg4[%add3A_239, %dma_wait3A_257] : memref<4096x2048xf32, #tpu.memory_space<hbm>> -> memref<1x2048xf32, #tpu.memory_space<hbm>>
        %dma_wait3A_259 = tpu.memref_squeeze %dma_wait3A_258 : memref<1x2048xf32, #tpu.memory_space<hbm>> -> memref<2048xf32, #tpu.memory_space<hbm>>
        %dma_wait3A_260 = arith.constant 10240 : i32
        %dma_wait3A_261 = tpu.memref_slice %arg7[%dma_wait3A_260] : memref<16384xf32, #tpu.memory_space<vmem>> -> memref<2048xf32, #tpu.memory_space<vmem>>
        tpu.wait_dma2 semaphore(%run_scoped3A : memref<!tpu.dma_semaphore, #tpu.memory_space<semaphore_mem>>) src(%dma_wait3A_261 : memref<2048xf32, #tpu.memory_space<vmem>>) dst(%dma_wait3A_259 : memref<2048xf32, #tpu.memory_space<hbm>>)
        tpu.yield
      }) : () -> ()
      %add3A_240 = arith.constant 6 : i32
      %add3A_241 = arith.addi %add3A_11, %add3A_240 : i32
      "tpu.region"() ({
        %run_scoped3A = tpu.sem_alloc : memref<!tpu.dma_semaphore, #tpu.memory_space<semaphore_mem>>
        %dma_start3A = arith.constant 12288 : i32
        %dma_start3A_244 = tpu.memref_slice %arg7[%dma_start3A] : memref<16384xf32, #tpu.memory_space<vmem>> -> memref<2048xf32, #tpu.memory_space<vmem>>
        %dma_start3A_245 = arith.constant 0 : i32
        %dma_start3A_246 = tpu.memref_slice %arg4[%add3A_241, %dma_start3A_245] : memref<4096x2048xf32, #tpu.memory_space<hbm>> -> memref<1x2048xf32, #tpu.memory_space<hbm>>
        %dma_start3A_247 = tpu.memref_squeeze %dma_start3A_246 : memref<1x2048xf32, #tpu.memory_space<hbm>> -> memref<2048xf32, #tpu.memory_space<hbm>>
        %dma_start3A_248 = arith.constant 0 : i32
        %dma_start3A_249 = tpu.memref_slice %arg4[%add3A_241, %dma_start3A_248] : memref<4096x2048xf32, #tpu.memory_space<hbm>> -> memref<1x2048xf32, #tpu.memory_space<hbm>>
        %dma_start3A_250 = tpu.memref_squeeze %dma_start3A_249 : memref<1x2048xf32, #tpu.memory_space<hbm>> -> memref<2048xf32, #tpu.memory_space<hbm>>
        %dma_start3A_251 = arith.constant 12288 : i32
        %dma_start3A_252 = tpu.memref_slice %arg7[%dma_start3A_251] : memref<16384xf32, #tpu.memory_space<vmem>> -> memref<2048xf32, #tpu.memory_space<vmem>>
        tpu.enqueue_dma source(%dma_start3A_252 : memref<2048xf32, #tpu.memory_space<vmem>>) target(%dma_start3A_250 : memref<2048xf32, #tpu.memory_space<hbm>>) target_semaphore(%run_scoped3A : memref<!tpu.dma_semaphore, #tpu.memory_space<semaphore_mem>>)
        %dma_wait3A = arith.constant 12288 : i32
        %dma_wait3A_253 = tpu.memref_slice %arg7[%dma_wait3A] : memref<16384xf32, #tpu.memory_space<vmem>> -> memref<2048xf32, #tpu.memory_space<vmem>>
        %dma_wait3A_254 = arith.constant 0 : i32
        %dma_wait3A_255 = tpu.memref_slice %arg4[%add3A_241, %dma_wait3A_254] : memref<4096x2048xf32, #tpu.memory_space<hbm>> -> memref<1x2048xf32, #tpu.memory_space<hbm>>
        %dma_wait3A_256 = tpu.memref_squeeze %dma_wait3A_255 : memref<1x2048xf32, #tpu.memory_space<hbm>> -> memref<2048xf32, #tpu.memory_space<hbm>>
        %dma_wait3A_257 = arith.constant 0 : i32
        %dma_wait3A_258 = tpu.memref_slice %arg4[%add3A_241, %dma_wait3A_257] : memref<4096x2048xf32, #tpu.memory_space<hbm>> -> memref<1x2048xf32, #tpu.memory_space<hbm>>
        %dma_wait3A_259 = tpu.memref_squeeze %dma_wait3A_258 : memref<1x2048xf32, #tpu.memory_space<hbm>> -> memref<2048xf32, #tpu.memory_space<hbm>>
        %dma_wait3A_260 = arith.constant 12288 : i32
        %dma_wait3A_261 = tpu.memref_slice %arg7[%dma_wait3A_260] : memref<16384xf32, #tpu.memory_space<vmem>> -> memref<2048xf32, #tpu.memory_space<vmem>>
        tpu.wait_dma2 semaphore(%run_scoped3A : memref<!tpu.dma_semaphore, #tpu.memory_space<semaphore_mem>>) src(%dma_wait3A_261 : memref<2048xf32, #tpu.memory_space<vmem>>) dst(%dma_wait3A_259 : memref<2048xf32, #tpu.memory_space<hbm>>)
        tpu.yield
      }) : () -> ()
      %add3A_242 = arith.constant 7 : i32
      %add3A_243 = arith.addi %add3A_11, %add3A_242 : i32
      "tpu.region"() ({
        %run_scoped3A = tpu.sem_alloc : memref<!tpu.dma_semaphore, #tpu.memory_space<semaphore_mem>>
        %dma_start3A = arith.constant 14336 : i32
        %dma_start3A_244 = tpu.memref_slice %arg7[%dma_start3A] : memref<16384xf32, #tpu.memory_space<vmem>> -> memref<2048xf32, #tpu.memory_space<vmem>>
        %dma_start3A_245 = arith.constant 0 : i32
        %dma_start3A_246 = tpu.memref_slice %arg4[%add3A_243, %dma_start3A_245] : memref<4096x2048xf32, #tpu.memory_space<hbm>> -> memref<1x2048xf32, #tpu.memory_space<hbm>>
        %dma_start3A_247 = tpu.memref_squeeze %dma_start3A_246 : memref<1x2048xf32, #tpu.memory_space<hbm>> -> memref<2048xf32, #tpu.memory_space<hbm>>
        %dma_start3A_248 = arith.constant 0 : i32
        %dma_start3A_249 = tpu.memref_slice %arg4[%add3A_243, %dma_start3A_248] : memref<4096x2048xf32, #tpu.memory_space<hbm>> -> memref<1x2048xf32, #tpu.memory_space<hbm>>
        %dma_start3A_250 = tpu.memref_squeeze %dma_start3A_249 : memref<1x2048xf32, #tpu.memory_space<hbm>> -> memref<2048xf32, #tpu.memory_space<hbm>>
        %dma_start3A_251 = arith.constant 14336 : i32
        %dma_start3A_252 = tpu.memref_slice %arg7[%dma_start3A_251] : memref<16384xf32, #tpu.memory_space<vmem>> -> memref<2048xf32, #tpu.memory_space<vmem>>
        tpu.enqueue_dma source(%dma_start3A_252 : memref<2048xf32, #tpu.memory_space<vmem>>) target(%dma_start3A_250 : memref<2048xf32, #tpu.memory_space<hbm>>) target_semaphore(%run_scoped3A : memref<!tpu.dma_semaphore, #tpu.memory_space<semaphore_mem>>)
        %dma_wait3A = arith.constant 14336 : i32
        %dma_wait3A_253 = tpu.memref_slice %arg7[%dma_wait3A] : memref<16384xf32, #tpu.memory_space<vmem>> -> memref<2048xf32, #tpu.memory_space<vmem>>
        %dma_wait3A_254 = arith.constant 0 : i32
        %dma_wait3A_255 = tpu.memref_slice %arg4[%add3A_243, %dma_wait3A_254] : memref<4096x2048xf32, #tpu.memory_space<hbm>> -> memref<1x2048xf32, #tpu.memory_space<hbm>>
        %dma_wait3A_256 = tpu.memref_squeeze %dma_wait3A_255 : memref<1x2048xf32, #tpu.memory_space<hbm>> -> memref<2048xf32, #tpu.memory_space<hbm>>
        %dma_wait3A_257 = arith.constant 0 : i32
        %dma_wait3A_258 = tpu.memref_slice %arg4[%add3A_243, %dma_wait3A_257] : memref<4096x2048xf32, #tpu.memory_space<hbm>> -> memref<1x2048xf32, #tpu.memory_space<hbm>>
        %dma_wait3A_259 = tpu.memref_squeeze %dma_wait3A_258 : memref<1x2048xf32, #tpu.memory_space<hbm>> -> memref<2048xf32, #tpu.memory_space<hbm>>
        %dma_wait3A_260 = arith.constant 14336 : i32
        %dma_wait3A_261 = tpu.memref_slice %arg7[%dma_wait3A_260] : memref<16384xf32, #tpu.memory_space<vmem>> -> memref<2048xf32, #tpu.memory_space<vmem>>
        tpu.wait_dma2 semaphore(%run_scoped3A : memref<!tpu.dma_semaphore, #tpu.memory_space<semaphore_mem>>) src(%dma_wait3A_261 : memref<2048xf32, #tpu.memory_space<vmem>>) dst(%dma_wait3A_259 : memref<2048xf32, #tpu.memory_space<hbm>>)
        tpu.yield
      }) : () -> ()
    }
    %scan3A_5 = arith.constant 16 : i32
    return
  }
}

#map = affine_map<(d0, d1) -> (0, 0)>
module attributes {stable_mosaic.version = 14 : i64} {
  func.func @bag(%arg0: i32, %arg1: i32, %arg2: memref<4096x256xf32, #tpu.memory_space<hbm>>, %arg3: memref<4096x256xi32, #tpu.memory_space<hbm>>, %arg4: memref<4096x256xf32, #tpu.memory_space<hbm>>, %arg5: memref<4096xf32, #tpu.memory_space<vmem>>, %arg6: memref<4096xi32, #tpu.memory_space<vmem>>, %arg7: memref<4096xf32, #tpu.memory_space<vmem>>) attributes {dimension_semantics = [#tpu.dimension_semantics<core_parallel>, #tpu.dimension_semantics<subcore_parallel>], iteration_bounds = array<i64: 2, 16>, scalar_prefetch = 0 : i64, scratch_operands = 3 : i64, tpu.core_type = #tpu.core_type<sc_vector_subcore>, window_params = [{transform_indices = #map}, {transform_indices = #map}, {transform_indices = #map}]} {
    %mul3A = arith.constant 2 : i32
    %mul3A_0 = arith.muli %arg1, %mul3A : i32
    %add3A = arith.addi %mul3A_0, %arg0 : i32
    %scan3A = arith.constant 0 : i32
    %scan3A_1 = arith.constant 0 : i32
    %scan3A_2 = arith.constant 8 : i32
    %scan3A_3 = arith.addi %scan3A_1, %scan3A_2 : i32
    %scan3A_4 = arith.constant 1 : i32
    scf.for %scan3A_6 = %scan3A_1 to %scan3A_3 step %scan3A_4  : i32 {
      %mul3A_7 = arith.constant 128 : i32
      %mul3A_8 = arith.muli %add3A, %mul3A_7 : i32
      %mul3A_9 = arith.constant 16 : i32
      %mul3A_10 = arith.muli %scan3A_6, %mul3A_9 : i32
      %add3A_11 = arith.addi %mul3A_8, %mul3A_10 : i32
      %add3A_12 = arith.constant 0 : i32
      %add3A_13 = arith.addi %add3A_11, %add3A_12 : i32
      "tpu.region"() ({
        %run_scoped3A = tpu.sem_alloc : memref<!tpu.dma_semaphore, #tpu.memory_space<semaphore_mem>>
        %dma_start3A = arith.constant 0 : i32
        %dma_start3A_210 = tpu.memref_slice %arg5[%dma_start3A] : memref<4096xf32, #tpu.memory_space<vmem>> -> memref<256xf32, #tpu.memory_space<vmem>>
        %dma_start3A_211 = arith.constant 0 : i32
        %dma_start3A_212 = tpu.memref_slice %arg2[%add3A_13, %dma_start3A_211] : memref<4096x256xf32, #tpu.memory_space<hbm>> -> memref<1x256xf32, #tpu.memory_space<hbm>>
        %dma_start3A_213 = tpu.memref_squeeze %dma_start3A_212 : memref<1x256xf32, #tpu.memory_space<hbm>> -> memref<256xf32, #tpu.memory_space<hbm>>
        %dma_start3A_214 = arith.constant 0 : i32
        %dma_start3A_215 = tpu.memref_slice %arg5[%dma_start3A_214] : memref<4096xf32, #tpu.memory_space<vmem>> -> memref<256xf32, #tpu.memory_space<vmem>>
        %dma_start3A_216 = arith.constant 0 : i32
        %dma_start3A_217 = tpu.memref_slice %arg2[%add3A_13, %dma_start3A_216] : memref<4096x256xf32, #tpu.memory_space<hbm>> -> memref<1x256xf32, #tpu.memory_space<hbm>>
        %dma_start3A_218 = tpu.memref_squeeze %dma_start3A_217 : memref<1x256xf32, #tpu.memory_space<hbm>> -> memref<256xf32, #tpu.memory_space<hbm>>
        tpu.enqueue_dma source(%dma_start3A_218 : memref<256xf32, #tpu.memory_space<hbm>>) target(%dma_start3A_215 : memref<256xf32, #tpu.memory_space<vmem>>) target_semaphore(%run_scoped3A : memref<!tpu.dma_semaphore, #tpu.memory_space<semaphore_mem>>)
        %dma_wait3A = arith.constant 0 : i32
        %dma_wait3A_219 = tpu.memref_slice %arg5[%dma_wait3A] : memref<4096xf32, #tpu.memory_space<vmem>> -> memref<256xf32, #tpu.memory_space<vmem>>
        %dma_wait3A_220 = arith.constant 0 : i32
        %dma_wait3A_221 = tpu.memref_slice %arg2[%add3A_13, %dma_wait3A_220] : memref<4096x256xf32, #tpu.memory_space<hbm>> -> memref<1x256xf32, #tpu.memory_space<hbm>>
        %dma_wait3A_222 = tpu.memref_squeeze %dma_wait3A_221 : memref<1x256xf32, #tpu.memory_space<hbm>> -> memref<256xf32, #tpu.memory_space<hbm>>
        %dma_wait3A_223 = arith.constant 0 : i32
        %dma_wait3A_224 = tpu.memref_slice %arg5[%dma_wait3A_223] : memref<4096xf32, #tpu.memory_space<vmem>> -> memref<256xf32, #tpu.memory_space<vmem>>
        %dma_wait3A_225 = arith.constant 0 : i32
        %dma_wait3A_226 = tpu.memref_slice %arg2[%add3A_13, %dma_wait3A_225] : memref<4096x256xf32, #tpu.memory_space<hbm>> -> memref<1x256xf32, #tpu.memory_space<hbm>>
        %dma_wait3A_227 = tpu.memref_squeeze %dma_wait3A_226 : memref<1x256xf32, #tpu.memory_space<hbm>> -> memref<256xf32, #tpu.memory_space<hbm>>
        tpu.wait_dma2 semaphore(%run_scoped3A : memref<!tpu.dma_semaphore, #tpu.memory_space<semaphore_mem>>) src(%dma_wait3A_227 : memref<256xf32, #tpu.memory_space<hbm>>) dst(%dma_wait3A_224 : memref<256xf32, #tpu.memory_space<vmem>>)
        tpu.yield
      }) : () -> ()
      %add3A_14 = arith.constant 0 : i32
      %add3A_15 = arith.addi %add3A_11, %add3A_14 : i32
      "tpu.region"() ({
        %run_scoped3A = tpu.sem_alloc : memref<!tpu.dma_semaphore, #tpu.memory_space<semaphore_mem>>
        %dma_start3A = arith.constant 0 : i32
        %dma_start3A_210 = tpu.memref_slice %arg6[%dma_start3A] : memref<4096xi32, #tpu.memory_space<vmem>> -> memref<256xi32, #tpu.memory_space<vmem>>
        %dma_start3A_211 = arith.constant 0 : i32
        %dma_start3A_212 = tpu.memref_slice %arg3[%add3A_15, %dma_start3A_211] : memref<4096x256xi32, #tpu.memory_space<hbm>> -> memref<1x256xi32, #tpu.memory_space<hbm>>
        %dma_start3A_213 = tpu.memref_squeeze %dma_start3A_212 : memref<1x256xi32, #tpu.memory_space<hbm>> -> memref<256xi32, #tpu.memory_space<hbm>>
        %dma_start3A_214 = arith.constant 0 : i32
        %dma_start3A_215 = tpu.memref_slice %arg6[%dma_start3A_214] : memref<4096xi32, #tpu.memory_space<vmem>> -> memref<256xi32, #tpu.memory_space<vmem>>
        %dma_start3A_216 = arith.constant 0 : i32
        %dma_start3A_217 = tpu.memref_slice %arg3[%add3A_15, %dma_start3A_216] : memref<4096x256xi32, #tpu.memory_space<hbm>> -> memref<1x256xi32, #tpu.memory_space<hbm>>
        %dma_start3A_218 = tpu.memref_squeeze %dma_start3A_217 : memref<1x256xi32, #tpu.memory_space<hbm>> -> memref<256xi32, #tpu.memory_space<hbm>>
        tpu.enqueue_dma source(%dma_start3A_218 : memref<256xi32, #tpu.memory_space<hbm>>) target(%dma_start3A_215 : memref<256xi32, #tpu.memory_space<vmem>>) target_semaphore(%run_scoped3A : memref<!tpu.dma_semaphore, #tpu.memory_space<semaphore_mem>>)
        %dma_wait3A = arith.constant 0 : i32
        %dma_wait3A_219 = tpu.memref_slice %arg6[%dma_wait3A] : memref<4096xi32, #tpu.memory_space<vmem>> -> memref<256xi32, #tpu.memory_space<vmem>>
        %dma_wait3A_220 = arith.constant 0 : i32
        %dma_wait3A_221 = tpu.memref_slice %arg3[%add3A_15, %dma_wait3A_220] : memref<4096x256xi32, #tpu.memory_space<hbm>> -> memref<1x256xi32, #tpu.memory_space<hbm>>
        %dma_wait3A_222 = tpu.memref_squeeze %dma_wait3A_221 : memref<1x256xi32, #tpu.memory_space<hbm>> -> memref<256xi32, #tpu.memory_space<hbm>>
        %dma_wait3A_223 = arith.constant 0 : i32
        %dma_wait3A_224 = tpu.memref_slice %arg6[%dma_wait3A_223] : memref<4096xi32, #tpu.memory_space<vmem>> -> memref<256xi32, #tpu.memory_space<vmem>>
        %dma_wait3A_225 = arith.constant 0 : i32
        %dma_wait3A_226 = tpu.memref_slice %arg3[%add3A_15, %dma_wait3A_225] : memref<4096x256xi32, #tpu.memory_space<hbm>> -> memref<1x256xi32, #tpu.memory_space<hbm>>
        %dma_wait3A_227 = tpu.memref_squeeze %dma_wait3A_226 : memref<1x256xi32, #tpu.memory_space<hbm>> -> memref<256xi32, #tpu.memory_space<hbm>>
        tpu.wait_dma2 semaphore(%run_scoped3A : memref<!tpu.dma_semaphore, #tpu.memory_space<semaphore_mem>>) src(%dma_wait3A_227 : memref<256xi32, #tpu.memory_space<hbm>>) dst(%dma_wait3A_224 : memref<256xi32, #tpu.memory_space<vmem>>)
        tpu.yield
      }) : () -> ()
      %add3A_16 = arith.constant 1 : i32
      %add3A_17 = arith.addi %add3A_11, %add3A_16 : i32
      "tpu.region"() ({
        %run_scoped3A = tpu.sem_alloc : memref<!tpu.dma_semaphore, #tpu.memory_space<semaphore_mem>>
        %dma_start3A = arith.constant 256 : i32
        %dma_start3A_210 = tpu.memref_slice %arg5[%dma_start3A] : memref<4096xf32, #tpu.memory_space<vmem>> -> memref<256xf32, #tpu.memory_space<vmem>>
        %dma_start3A_211 = arith.constant 0 : i32
        %dma_start3A_212 = tpu.memref_slice %arg2[%add3A_17, %dma_start3A_211] : memref<4096x256xf32, #tpu.memory_space<hbm>> -> memref<1x256xf32, #tpu.memory_space<hbm>>
        %dma_start3A_213 = tpu.memref_squeeze %dma_start3A_212 : memref<1x256xf32, #tpu.memory_space<hbm>> -> memref<256xf32, #tpu.memory_space<hbm>>
        %dma_start3A_214 = arith.constant 256 : i32
        %dma_start3A_215 = tpu.memref_slice %arg5[%dma_start3A_214] : memref<4096xf32, #tpu.memory_space<vmem>> -> memref<256xf32, #tpu.memory_space<vmem>>
        %dma_start3A_216 = arith.constant 0 : i32
        %dma_start3A_217 = tpu.memref_slice %arg2[%add3A_17, %dma_start3A_216] : memref<4096x256xf32, #tpu.memory_space<hbm>> -> memref<1x256xf32, #tpu.memory_space<hbm>>
        %dma_start3A_218 = tpu.memref_squeeze %dma_start3A_217 : memref<1x256xf32, #tpu.memory_space<hbm>> -> memref<256xf32, #tpu.memory_space<hbm>>
        tpu.enqueue_dma source(%dma_start3A_218 : memref<256xf32, #tpu.memory_space<hbm>>) target(%dma_start3A_215 : memref<256xf32, #tpu.memory_space<vmem>>) target_semaphore(%run_scoped3A : memref<!tpu.dma_semaphore, #tpu.memory_space<semaphore_mem>>)
        %dma_wait3A = arith.constant 256 : i32
        %dma_wait3A_219 = tpu.memref_slice %arg5[%dma_wait3A] : memref<4096xf32, #tpu.memory_space<vmem>> -> memref<256xf32, #tpu.memory_space<vmem>>
        %dma_wait3A_220 = arith.constant 0 : i32
        %dma_wait3A_221 = tpu.memref_slice %arg2[%add3A_17, %dma_wait3A_220] : memref<4096x256xf32, #tpu.memory_space<hbm>> -> memref<1x256xf32, #tpu.memory_space<hbm>>
        %dma_wait3A_222 = tpu.memref_squeeze %dma_wait3A_221 : memref<1x256xf32, #tpu.memory_space<hbm>> -> memref<256xf32, #tpu.memory_space<hbm>>
        %dma_wait3A_223 = arith.constant 256 : i32
        %dma_wait3A_224 = tpu.memref_slice %arg5[%dma_wait3A_223] : memref<4096xf32, #tpu.memory_space<vmem>> -> memref<256xf32, #tpu.memory_space<vmem>>
        %dma_wait3A_225 = arith.constant 0 : i32
        %dma_wait3A_226 = tpu.memref_slice %arg2[%add3A_17, %dma_wait3A_225] : memref<4096x256xf32, #tpu.memory_space<hbm>> -> memref<1x256xf32, #tpu.memory_space<hbm>>
        %dma_wait3A_227 = tpu.memref_squeeze %dma_wait3A_226 : memref<1x256xf32, #tpu.memory_space<hbm>> -> memref<256xf32, #tpu.memory_space<hbm>>
        tpu.wait_dma2 semaphore(%run_scoped3A : memref<!tpu.dma_semaphore, #tpu.memory_space<semaphore_mem>>) src(%dma_wait3A_227 : memref<256xf32, #tpu.memory_space<hbm>>) dst(%dma_wait3A_224 : memref<256xf32, #tpu.memory_space<vmem>>)
        tpu.yield
      }) : () -> ()
      %add3A_18 = arith.constant 1 : i32
      %add3A_19 = arith.addi %add3A_11, %add3A_18 : i32
      "tpu.region"() ({
        %run_scoped3A = tpu.sem_alloc : memref<!tpu.dma_semaphore, #tpu.memory_space<semaphore_mem>>
        %dma_start3A = arith.constant 256 : i32
        %dma_start3A_210 = tpu.memref_slice %arg6[%dma_start3A] : memref<4096xi32, #tpu.memory_space<vmem>> -> memref<256xi32, #tpu.memory_space<vmem>>
        %dma_start3A_211 = arith.constant 0 : i32
        %dma_start3A_212 = tpu.memref_slice %arg3[%add3A_19, %dma_start3A_211] : memref<4096x256xi32, #tpu.memory_space<hbm>> -> memref<1x256xi32, #tpu.memory_space<hbm>>
        %dma_start3A_213 = tpu.memref_squeeze %dma_start3A_212 : memref<1x256xi32, #tpu.memory_space<hbm>> -> memref<256xi32, #tpu.memory_space<hbm>>
        %dma_start3A_214 = arith.constant 256 : i32
        %dma_start3A_215 = tpu.memref_slice %arg6[%dma_start3A_214] : memref<4096xi32, #tpu.memory_space<vmem>> -> memref<256xi32, #tpu.memory_space<vmem>>
        %dma_start3A_216 = arith.constant 0 : i32
        %dma_start3A_217 = tpu.memref_slice %arg3[%add3A_19, %dma_start3A_216] : memref<4096x256xi32, #tpu.memory_space<hbm>> -> memref<1x256xi32, #tpu.memory_space<hbm>>
        %dma_start3A_218 = tpu.memref_squeeze %dma_start3A_217 : memref<1x256xi32, #tpu.memory_space<hbm>> -> memref<256xi32, #tpu.memory_space<hbm>>
        tpu.enqueue_dma source(%dma_start3A_218 : memref<256xi32, #tpu.memory_space<hbm>>) target(%dma_start3A_215 : memref<256xi32, #tpu.memory_space<vmem>>) target_semaphore(%run_scoped3A : memref<!tpu.dma_semaphore, #tpu.memory_space<semaphore_mem>>)
        %dma_wait3A = arith.constant 256 : i32
        %dma_wait3A_219 = tpu.memref_slice %arg6[%dma_wait3A] : memref<4096xi32, #tpu.memory_space<vmem>> -> memref<256xi32, #tpu.memory_space<vmem>>
        %dma_wait3A_220 = arith.constant 0 : i32
        %dma_wait3A_221 = tpu.memref_slice %arg3[%add3A_19, %dma_wait3A_220] : memref<4096x256xi32, #tpu.memory_space<hbm>> -> memref<1x256xi32, #tpu.memory_space<hbm>>
        %dma_wait3A_222 = tpu.memref_squeeze %dma_wait3A_221 : memref<1x256xi32, #tpu.memory_space<hbm>> -> memref<256xi32, #tpu.memory_space<hbm>>
        %dma_wait3A_223 = arith.constant 256 : i32
        %dma_wait3A_224 = tpu.memref_slice %arg6[%dma_wait3A_223] : memref<4096xi32, #tpu.memory_space<vmem>> -> memref<256xi32, #tpu.memory_space<vmem>>
        %dma_wait3A_225 = arith.constant 0 : i32
        %dma_wait3A_226 = tpu.memref_slice %arg3[%add3A_19, %dma_wait3A_225] : memref<4096x256xi32, #tpu.memory_space<hbm>> -> memref<1x256xi32, #tpu.memory_space<hbm>>
        %dma_wait3A_227 = tpu.memref_squeeze %dma_wait3A_226 : memref<1x256xi32, #tpu.memory_space<hbm>> -> memref<256xi32, #tpu.memory_space<hbm>>
        tpu.wait_dma2 semaphore(%run_scoped3A : memref<!tpu.dma_semaphore, #tpu.memory_space<semaphore_mem>>) src(%dma_wait3A_227 : memref<256xi32, #tpu.memory_space<hbm>>) dst(%dma_wait3A_224 : memref<256xi32, #tpu.memory_space<vmem>>)
        tpu.yield
      }) : () -> ()
      %add3A_20 = arith.constant 2 : i32
      %add3A_21 = arith.addi %add3A_11, %add3A_20 : i32
      "tpu.region"() ({
        %run_scoped3A = tpu.sem_alloc : memref<!tpu.dma_semaphore, #tpu.memory_space<semaphore_mem>>
        %dma_start3A = arith.constant 512 : i32
        %dma_start3A_210 = tpu.memref_slice %arg5[%dma_start3A] : memref<4096xf32, #tpu.memory_space<vmem>> -> memref<256xf32, #tpu.memory_space<vmem>>
        %dma_start3A_211 = arith.constant 0 : i32
        %dma_start3A_212 = tpu.memref_slice %arg2[%add3A_21, %dma_start3A_211] : memref<4096x256xf32, #tpu.memory_space<hbm>> -> memref<1x256xf32, #tpu.memory_space<hbm>>
        %dma_start3A_213 = tpu.memref_squeeze %dma_start3A_212 : memref<1x256xf32, #tpu.memory_space<hbm>> -> memref<256xf32, #tpu.memory_space<hbm>>
        %dma_start3A_214 = arith.constant 512 : i32
        %dma_start3A_215 = tpu.memref_slice %arg5[%dma_start3A_214] : memref<4096xf32, #tpu.memory_space<vmem>> -> memref<256xf32, #tpu.memory_space<vmem>>
        %dma_start3A_216 = arith.constant 0 : i32
        %dma_start3A_217 = tpu.memref_slice %arg2[%add3A_21, %dma_start3A_216] : memref<4096x256xf32, #tpu.memory_space<hbm>> -> memref<1x256xf32, #tpu.memory_space<hbm>>
        %dma_start3A_218 = tpu.memref_squeeze %dma_start3A_217 : memref<1x256xf32, #tpu.memory_space<hbm>> -> memref<256xf32, #tpu.memory_space<hbm>>
        tpu.enqueue_dma source(%dma_start3A_218 : memref<256xf32, #tpu.memory_space<hbm>>) target(%dma_start3A_215 : memref<256xf32, #tpu.memory_space<vmem>>) target_semaphore(%run_scoped3A : memref<!tpu.dma_semaphore, #tpu.memory_space<semaphore_mem>>)
        %dma_wait3A = arith.constant 512 : i32
        %dma_wait3A_219 = tpu.memref_slice %arg5[%dma_wait3A] : memref<4096xf32, #tpu.memory_space<vmem>> -> memref<256xf32, #tpu.memory_space<vmem>>
        %dma_wait3A_220 = arith.constant 0 : i32
        %dma_wait3A_221 = tpu.memref_slice %arg2[%add3A_21, %dma_wait3A_220] : memref<4096x256xf32, #tpu.memory_space<hbm>> -> memref<1x256xf32, #tpu.memory_space<hbm>>
        %dma_wait3A_222 = tpu.memref_squeeze %dma_wait3A_221 : memref<1x256xf32, #tpu.memory_space<hbm>> -> memref<256xf32, #tpu.memory_space<hbm>>
        %dma_wait3A_223 = arith.constant 512 : i32
        %dma_wait3A_224 = tpu.memref_slice %arg5[%dma_wait3A_223] : memref<4096xf32, #tpu.memory_space<vmem>> -> memref<256xf32, #tpu.memory_space<vmem>>
        %dma_wait3A_225 = arith.constant 0 : i32
        %dma_wait3A_226 = tpu.memref_slice %arg2[%add3A_21, %dma_wait3A_225] : memref<4096x256xf32, #tpu.memory_space<hbm>> -> memref<1x256xf32, #tpu.memory_space<hbm>>
        %dma_wait3A_227 = tpu.memref_squeeze %dma_wait3A_226 : memref<1x256xf32, #tpu.memory_space<hbm>> -> memref<256xf32, #tpu.memory_space<hbm>>
        tpu.wait_dma2 semaphore(%run_scoped3A : memref<!tpu.dma_semaphore, #tpu.memory_space<semaphore_mem>>) src(%dma_wait3A_227 : memref<256xf32, #tpu.memory_space<hbm>>) dst(%dma_wait3A_224 : memref<256xf32, #tpu.memory_space<vmem>>)
        tpu.yield
      }) : () -> ()
      %add3A_22 = arith.constant 2 : i32
      %add3A_23 = arith.addi %add3A_11, %add3A_22 : i32
      "tpu.region"() ({
        %run_scoped3A = tpu.sem_alloc : memref<!tpu.dma_semaphore, #tpu.memory_space<semaphore_mem>>
        %dma_start3A = arith.constant 512 : i32
        %dma_start3A_210 = tpu.memref_slice %arg6[%dma_start3A] : memref<4096xi32, #tpu.memory_space<vmem>> -> memref<256xi32, #tpu.memory_space<vmem>>
        %dma_start3A_211 = arith.constant 0 : i32
        %dma_start3A_212 = tpu.memref_slice %arg3[%add3A_23, %dma_start3A_211] : memref<4096x256xi32, #tpu.memory_space<hbm>> -> memref<1x256xi32, #tpu.memory_space<hbm>>
        %dma_start3A_213 = tpu.memref_squeeze %dma_start3A_212 : memref<1x256xi32, #tpu.memory_space<hbm>> -> memref<256xi32, #tpu.memory_space<hbm>>
        %dma_start3A_214 = arith.constant 512 : i32
        %dma_start3A_215 = tpu.memref_slice %arg6[%dma_start3A_214] : memref<4096xi32, #tpu.memory_space<vmem>> -> memref<256xi32, #tpu.memory_space<vmem>>
        %dma_start3A_216 = arith.constant 0 : i32
        %dma_start3A_217 = tpu.memref_slice %arg3[%add3A_23, %dma_start3A_216] : memref<4096x256xi32, #tpu.memory_space<hbm>> -> memref<1x256xi32, #tpu.memory_space<hbm>>
        %dma_start3A_218 = tpu.memref_squeeze %dma_start3A_217 : memref<1x256xi32, #tpu.memory_space<hbm>> -> memref<256xi32, #tpu.memory_space<hbm>>
        tpu.enqueue_dma source(%dma_start3A_218 : memref<256xi32, #tpu.memory_space<hbm>>) target(%dma_start3A_215 : memref<256xi32, #tpu.memory_space<vmem>>) target_semaphore(%run_scoped3A : memref<!tpu.dma_semaphore, #tpu.memory_space<semaphore_mem>>)
        %dma_wait3A = arith.constant 512 : i32
        %dma_wait3A_219 = tpu.memref_slice %arg6[%dma_wait3A] : memref<4096xi32, #tpu.memory_space<vmem>> -> memref<256xi32, #tpu.memory_space<vmem>>
        %dma_wait3A_220 = arith.constant 0 : i32
        %dma_wait3A_221 = tpu.memref_slice %arg3[%add3A_23, %dma_wait3A_220] : memref<4096x256xi32, #tpu.memory_space<hbm>> -> memref<1x256xi32, #tpu.memory_space<hbm>>
        %dma_wait3A_222 = tpu.memref_squeeze %dma_wait3A_221 : memref<1x256xi32, #tpu.memory_space<hbm>> -> memref<256xi32, #tpu.memory_space<hbm>>
        %dma_wait3A_223 = arith.constant 512 : i32
        %dma_wait3A_224 = tpu.memref_slice %arg6[%dma_wait3A_223] : memref<4096xi32, #tpu.memory_space<vmem>> -> memref<256xi32, #tpu.memory_space<vmem>>
        %dma_wait3A_225 = arith.constant 0 : i32
        %dma_wait3A_226 = tpu.memref_slice %arg3[%add3A_23, %dma_wait3A_225] : memref<4096x256xi32, #tpu.memory_space<hbm>> -> memref<1x256xi32, #tpu.memory_space<hbm>>
        %dma_wait3A_227 = tpu.memref_squeeze %dma_wait3A_226 : memref<1x256xi32, #tpu.memory_space<hbm>> -> memref<256xi32, #tpu.memory_space<hbm>>
        tpu.wait_dma2 semaphore(%run_scoped3A : memref<!tpu.dma_semaphore, #tpu.memory_space<semaphore_mem>>) src(%dma_wait3A_227 : memref<256xi32, #tpu.memory_space<hbm>>) dst(%dma_wait3A_224 : memref<256xi32, #tpu.memory_space<vmem>>)
        tpu.yield
      }) : () -> ()
      %add3A_24 = arith.constant 3 : i32
      %add3A_25 = arith.addi %add3A_11, %add3A_24 : i32
      "tpu.region"() ({
        %run_scoped3A = tpu.sem_alloc : memref<!tpu.dma_semaphore, #tpu.memory_space<semaphore_mem>>
        %dma_start3A = arith.constant 768 : i32
        %dma_start3A_210 = tpu.memref_slice %arg5[%dma_start3A] : memref<4096xf32, #tpu.memory_space<vmem>> -> memref<256xf32, #tpu.memory_space<vmem>>
        %dma_start3A_211 = arith.constant 0 : i32
        %dma_start3A_212 = tpu.memref_slice %arg2[%add3A_25, %dma_start3A_211] : memref<4096x256xf32, #tpu.memory_space<hbm>> -> memref<1x256xf32, #tpu.memory_space<hbm>>
        %dma_start3A_213 = tpu.memref_squeeze %dma_start3A_212 : memref<1x256xf32, #tpu.memory_space<hbm>> -> memref<256xf32, #tpu.memory_space<hbm>>
        %dma_start3A_214 = arith.constant 768 : i32
        %dma_start3A_215 = tpu.memref_slice %arg5[%dma_start3A_214] : memref<4096xf32, #tpu.memory_space<vmem>> -> memref<256xf32, #tpu.memory_space<vmem>>
        %dma_start3A_216 = arith.constant 0 : i32
        %dma_start3A_217 = tpu.memref_slice %arg2[%add3A_25, %dma_start3A_216] : memref<4096x256xf32, #tpu.memory_space<hbm>> -> memref<1x256xf32, #tpu.memory_space<hbm>>
        %dma_start3A_218 = tpu.memref_squeeze %dma_start3A_217 : memref<1x256xf32, #tpu.memory_space<hbm>> -> memref<256xf32, #tpu.memory_space<hbm>>
        tpu.enqueue_dma source(%dma_start3A_218 : memref<256xf32, #tpu.memory_space<hbm>>) target(%dma_start3A_215 : memref<256xf32, #tpu.memory_space<vmem>>) target_semaphore(%run_scoped3A : memref<!tpu.dma_semaphore, #tpu.memory_space<semaphore_mem>>)
        %dma_wait3A = arith.constant 768 : i32
        %dma_wait3A_219 = tpu.memref_slice %arg5[%dma_wait3A] : memref<4096xf32, #tpu.memory_space<vmem>> -> memref<256xf32, #tpu.memory_space<vmem>>
        %dma_wait3A_220 = arith.constant 0 : i32
        %dma_wait3A_221 = tpu.memref_slice %arg2[%add3A_25, %dma_wait3A_220] : memref<4096x256xf32, #tpu.memory_space<hbm>> -> memref<1x256xf32, #tpu.memory_space<hbm>>
        %dma_wait3A_222 = tpu.memref_squeeze %dma_wait3A_221 : memref<1x256xf32, #tpu.memory_space<hbm>> -> memref<256xf32, #tpu.memory_space<hbm>>
        %dma_wait3A_223 = arith.constant 768 : i32
        %dma_wait3A_224 = tpu.memref_slice %arg5[%dma_wait3A_223] : memref<4096xf32, #tpu.memory_space<vmem>> -> memref<256xf32, #tpu.memory_space<vmem>>
        %dma_wait3A_225 = arith.constant 0 : i32
        %dma_wait3A_226 = tpu.memref_slice %arg2[%add3A_25, %dma_wait3A_225] : memref<4096x256xf32, #tpu.memory_space<hbm>> -> memref<1x256xf32, #tpu.memory_space<hbm>>
        %dma_wait3A_227 = tpu.memref_squeeze %dma_wait3A_226 : memref<1x256xf32, #tpu.memory_space<hbm>> -> memref<256xf32, #tpu.memory_space<hbm>>
        tpu.wait_dma2 semaphore(%run_scoped3A : memref<!tpu.dma_semaphore, #tpu.memory_space<semaphore_mem>>) src(%dma_wait3A_227 : memref<256xf32, #tpu.memory_space<hbm>>) dst(%dma_wait3A_224 : memref<256xf32, #tpu.memory_space<vmem>>)
        tpu.yield
      }) : () -> ()
      %add3A_26 = arith.constant 3 : i32
      %add3A_27 = arith.addi %add3A_11, %add3A_26 : i32
      "tpu.region"() ({
        %run_scoped3A = tpu.sem_alloc : memref<!tpu.dma_semaphore, #tpu.memory_space<semaphore_mem>>
        %dma_start3A = arith.constant 768 : i32
        %dma_start3A_210 = tpu.memref_slice %arg6[%dma_start3A] : memref<4096xi32, #tpu.memory_space<vmem>> -> memref<256xi32, #tpu.memory_space<vmem>>
        %dma_start3A_211 = arith.constant 0 : i32
        %dma_start3A_212 = tpu.memref_slice %arg3[%add3A_27, %dma_start3A_211] : memref<4096x256xi32, #tpu.memory_space<hbm>> -> memref<1x256xi32, #tpu.memory_space<hbm>>
        %dma_start3A_213 = tpu.memref_squeeze %dma_start3A_212 : memref<1x256xi32, #tpu.memory_space<hbm>> -> memref<256xi32, #tpu.memory_space<hbm>>
        %dma_start3A_214 = arith.constant 768 : i32
        %dma_start3A_215 = tpu.memref_slice %arg6[%dma_start3A_214] : memref<4096xi32, #tpu.memory_space<vmem>> -> memref<256xi32, #tpu.memory_space<vmem>>
        %dma_start3A_216 = arith.constant 0 : i32
        %dma_start3A_217 = tpu.memref_slice %arg3[%add3A_27, %dma_start3A_216] : memref<4096x256xi32, #tpu.memory_space<hbm>> -> memref<1x256xi32, #tpu.memory_space<hbm>>
        %dma_start3A_218 = tpu.memref_squeeze %dma_start3A_217 : memref<1x256xi32, #tpu.memory_space<hbm>> -> memref<256xi32, #tpu.memory_space<hbm>>
        tpu.enqueue_dma source(%dma_start3A_218 : memref<256xi32, #tpu.memory_space<hbm>>) target(%dma_start3A_215 : memref<256xi32, #tpu.memory_space<vmem>>) target_semaphore(%run_scoped3A : memref<!tpu.dma_semaphore, #tpu.memory_space<semaphore_mem>>)
        %dma_wait3A = arith.constant 768 : i32
        %dma_wait3A_219 = tpu.memref_slice %arg6[%dma_wait3A] : memref<4096xi32, #tpu.memory_space<vmem>> -> memref<256xi32, #tpu.memory_space<vmem>>
        %dma_wait3A_220 = arith.constant 0 : i32
        %dma_wait3A_221 = tpu.memref_slice %arg3[%add3A_27, %dma_wait3A_220] : memref<4096x256xi32, #tpu.memory_space<hbm>> -> memref<1x256xi32, #tpu.memory_space<hbm>>
        %dma_wait3A_222 = tpu.memref_squeeze %dma_wait3A_221 : memref<1x256xi32, #tpu.memory_space<hbm>> -> memref<256xi32, #tpu.memory_space<hbm>>
        %dma_wait3A_223 = arith.constant 768 : i32
        %dma_wait3A_224 = tpu.memref_slice %arg6[%dma_wait3A_223] : memref<4096xi32, #tpu.memory_space<vmem>> -> memref<256xi32, #tpu.memory_space<vmem>>
        %dma_wait3A_225 = arith.constant 0 : i32
        %dma_wait3A_226 = tpu.memref_slice %arg3[%add3A_27, %dma_wait3A_225] : memref<4096x256xi32, #tpu.memory_space<hbm>> -> memref<1x256xi32, #tpu.memory_space<hbm>>
        %dma_wait3A_227 = tpu.memref_squeeze %dma_wait3A_226 : memref<1x256xi32, #tpu.memory_space<hbm>> -> memref<256xi32, #tpu.memory_space<hbm>>
        tpu.wait_dma2 semaphore(%run_scoped3A : memref<!tpu.dma_semaphore, #tpu.memory_space<semaphore_mem>>) src(%dma_wait3A_227 : memref<256xi32, #tpu.memory_space<hbm>>) dst(%dma_wait3A_224 : memref<256xi32, #tpu.memory_space<vmem>>)
        tpu.yield
      }) : () -> ()
      %add3A_28 = arith.constant 4 : i32
      %add3A_29 = arith.addi %add3A_11, %add3A_28 : i32
      "tpu.region"() ({
        %run_scoped3A = tpu.sem_alloc : memref<!tpu.dma_semaphore, #tpu.memory_space<semaphore_mem>>
        %dma_start3A = arith.constant 1024 : i32
        %dma_start3A_210 = tpu.memref_slice %arg5[%dma_start3A] : memref<4096xf32, #tpu.memory_space<vmem>> -> memref<256xf32, #tpu.memory_space<vmem>>
        %dma_start3A_211 = arith.constant 0 : i32
        %dma_start3A_212 = tpu.memref_slice %arg2[%add3A_29, %dma_start3A_211] : memref<4096x256xf32, #tpu.memory_space<hbm>> -> memref<1x256xf32, #tpu.memory_space<hbm>>
        %dma_start3A_213 = tpu.memref_squeeze %dma_start3A_212 : memref<1x256xf32, #tpu.memory_space<hbm>> -> memref<256xf32, #tpu.memory_space<hbm>>
        %dma_start3A_214 = arith.constant 1024 : i32
        %dma_start3A_215 = tpu.memref_slice %arg5[%dma_start3A_214] : memref<4096xf32, #tpu.memory_space<vmem>> -> memref<256xf32, #tpu.memory_space<vmem>>
        %dma_start3A_216 = arith.constant 0 : i32
        %dma_start3A_217 = tpu.memref_slice %arg2[%add3A_29, %dma_start3A_216] : memref<4096x256xf32, #tpu.memory_space<hbm>> -> memref<1x256xf32, #tpu.memory_space<hbm>>
        %dma_start3A_218 = tpu.memref_squeeze %dma_start3A_217 : memref<1x256xf32, #tpu.memory_space<hbm>> -> memref<256xf32, #tpu.memory_space<hbm>>
        tpu.enqueue_dma source(%dma_start3A_218 : memref<256xf32, #tpu.memory_space<hbm>>) target(%dma_start3A_215 : memref<256xf32, #tpu.memory_space<vmem>>) target_semaphore(%run_scoped3A : memref<!tpu.dma_semaphore, #tpu.memory_space<semaphore_mem>>)
        %dma_wait3A = arith.constant 1024 : i32
        %dma_wait3A_219 = tpu.memref_slice %arg5[%dma_wait3A] : memref<4096xf32, #tpu.memory_space<vmem>> -> memref<256xf32, #tpu.memory_space<vmem>>
        %dma_wait3A_220 = arith.constant 0 : i32
        %dma_wait3A_221 = tpu.memref_slice %arg2[%add3A_29, %dma_wait3A_220] : memref<4096x256xf32, #tpu.memory_space<hbm>> -> memref<1x256xf32, #tpu.memory_space<hbm>>
        %dma_wait3A_222 = tpu.memref_squeeze %dma_wait3A_221 : memref<1x256xf32, #tpu.memory_space<hbm>> -> memref<256xf32, #tpu.memory_space<hbm>>
        %dma_wait3A_223 = arith.constant 1024 : i32
        %dma_wait3A_224 = tpu.memref_slice %arg5[%dma_wait3A_223] : memref<4096xf32, #tpu.memory_space<vmem>> -> memref<256xf32, #tpu.memory_space<vmem>>
        %dma_wait3A_225 = arith.constant 0 : i32
        %dma_wait3A_226 = tpu.memref_slice %arg2[%add3A_29, %dma_wait3A_225] : memref<4096x256xf32, #tpu.memory_space<hbm>> -> memref<1x256xf32, #tpu.memory_space<hbm>>
        %dma_wait3A_227 = tpu.memref_squeeze %dma_wait3A_226 : memref<1x256xf32, #tpu.memory_space<hbm>> -> memref<256xf32, #tpu.memory_space<hbm>>
        tpu.wait_dma2 semaphore(%run_scoped3A : memref<!tpu.dma_semaphore, #tpu.memory_space<semaphore_mem>>) src(%dma_wait3A_227 : memref<256xf32, #tpu.memory_space<hbm>>) dst(%dma_wait3A_224 : memref<256xf32, #tpu.memory_space<vmem>>)
        tpu.yield
      }) : () -> ()
      %add3A_30 = arith.constant 4 : i32
      %add3A_31 = arith.addi %add3A_11, %add3A_30 : i32
      "tpu.region"() ({
        %run_scoped3A = tpu.sem_alloc : memref<!tpu.dma_semaphore, #tpu.memory_space<semaphore_mem>>
        %dma_start3A = arith.constant 1024 : i32
        %dma_start3A_210 = tpu.memref_slice %arg6[%dma_start3A] : memref<4096xi32, #tpu.memory_space<vmem>> -> memref<256xi32, #tpu.memory_space<vmem>>
        %dma_start3A_211 = arith.constant 0 : i32
        %dma_start3A_212 = tpu.memref_slice %arg3[%add3A_31, %dma_start3A_211] : memref<4096x256xi32, #tpu.memory_space<hbm>> -> memref<1x256xi32, #tpu.memory_space<hbm>>
        %dma_start3A_213 = tpu.memref_squeeze %dma_start3A_212 : memref<1x256xi32, #tpu.memory_space<hbm>> -> memref<256xi32, #tpu.memory_space<hbm>>
        %dma_start3A_214 = arith.constant 1024 : i32
        %dma_start3A_215 = tpu.memref_slice %arg6[%dma_start3A_214] : memref<4096xi32, #tpu.memory_space<vmem>> -> memref<256xi32, #tpu.memory_space<vmem>>
        %dma_start3A_216 = arith.constant 0 : i32
        %dma_start3A_217 = tpu.memref_slice %arg3[%add3A_31, %dma_start3A_216] : memref<4096x256xi32, #tpu.memory_space<hbm>> -> memref<1x256xi32, #tpu.memory_space<hbm>>
        %dma_start3A_218 = tpu.memref_squeeze %dma_start3A_217 : memref<1x256xi32, #tpu.memory_space<hbm>> -> memref<256xi32, #tpu.memory_space<hbm>>
        tpu.enqueue_dma source(%dma_start3A_218 : memref<256xi32, #tpu.memory_space<hbm>>) target(%dma_start3A_215 : memref<256xi32, #tpu.memory_space<vmem>>) target_semaphore(%run_scoped3A : memref<!tpu.dma_semaphore, #tpu.memory_space<semaphore_mem>>)
        %dma_wait3A = arith.constant 1024 : i32
        %dma_wait3A_219 = tpu.memref_slice %arg6[%dma_wait3A] : memref<4096xi32, #tpu.memory_space<vmem>> -> memref<256xi32, #tpu.memory_space<vmem>>
        %dma_wait3A_220 = arith.constant 0 : i32
        %dma_wait3A_221 = tpu.memref_slice %arg3[%add3A_31, %dma_wait3A_220] : memref<4096x256xi32, #tpu.memory_space<hbm>> -> memref<1x256xi32, #tpu.memory_space<hbm>>
        %dma_wait3A_222 = tpu.memref_squeeze %dma_wait3A_221 : memref<1x256xi32, #tpu.memory_space<hbm>> -> memref<256xi32, #tpu.memory_space<hbm>>
        %dma_wait3A_223 = arith.constant 1024 : i32
        %dma_wait3A_224 = tpu.memref_slice %arg6[%dma_wait3A_223] : memref<4096xi32, #tpu.memory_space<vmem>> -> memref<256xi32, #tpu.memory_space<vmem>>
        %dma_wait3A_225 = arith.constant 0 : i32
        %dma_wait3A_226 = tpu.memref_slice %arg3[%add3A_31, %dma_wait3A_225] : memref<4096x256xi32, #tpu.memory_space<hbm>> -> memref<1x256xi32, #tpu.memory_space<hbm>>
        %dma_wait3A_227 = tpu.memref_squeeze %dma_wait3A_226 : memref<1x256xi32, #tpu.memory_space<hbm>> -> memref<256xi32, #tpu.memory_space<hbm>>
        tpu.wait_dma2 semaphore(%run_scoped3A : memref<!tpu.dma_semaphore, #tpu.memory_space<semaphore_mem>>) src(%dma_wait3A_227 : memref<256xi32, #tpu.memory_space<hbm>>) dst(%dma_wait3A_224 : memref<256xi32, #tpu.memory_space<vmem>>)
        tpu.yield
      }) : () -> ()
      %add3A_32 = arith.constant 5 : i32
      %add3A_33 = arith.addi %add3A_11, %add3A_32 : i32
      "tpu.region"() ({
        %run_scoped3A = tpu.sem_alloc : memref<!tpu.dma_semaphore, #tpu.memory_space<semaphore_mem>>
        %dma_start3A = arith.constant 1280 : i32
        %dma_start3A_210 = tpu.memref_slice %arg5[%dma_start3A] : memref<4096xf32, #tpu.memory_space<vmem>> -> memref<256xf32, #tpu.memory_space<vmem>>
        %dma_start3A_211 = arith.constant 0 : i32
        %dma_start3A_212 = tpu.memref_slice %arg2[%add3A_33, %dma_start3A_211] : memref<4096x256xf32, #tpu.memory_space<hbm>> -> memref<1x256xf32, #tpu.memory_space<hbm>>
        %dma_start3A_213 = tpu.memref_squeeze %dma_start3A_212 : memref<1x256xf32, #tpu.memory_space<hbm>> -> memref<256xf32, #tpu.memory_space<hbm>>
        %dma_start3A_214 = arith.constant 1280 : i32
        %dma_start3A_215 = tpu.memref_slice %arg5[%dma_start3A_214] : memref<4096xf32, #tpu.memory_space<vmem>> -> memref<256xf32, #tpu.memory_space<vmem>>
        %dma_start3A_216 = arith.constant 0 : i32
        %dma_start3A_217 = tpu.memref_slice %arg2[%add3A_33, %dma_start3A_216] : memref<4096x256xf32, #tpu.memory_space<hbm>> -> memref<1x256xf32, #tpu.memory_space<hbm>>
        %dma_start3A_218 = tpu.memref_squeeze %dma_start3A_217 : memref<1x256xf32, #tpu.memory_space<hbm>> -> memref<256xf32, #tpu.memory_space<hbm>>
        tpu.enqueue_dma source(%dma_start3A_218 : memref<256xf32, #tpu.memory_space<hbm>>) target(%dma_start3A_215 : memref<256xf32, #tpu.memory_space<vmem>>) target_semaphore(%run_scoped3A : memref<!tpu.dma_semaphore, #tpu.memory_space<semaphore_mem>>)
        %dma_wait3A = arith.constant 1280 : i32
        %dma_wait3A_219 = tpu.memref_slice %arg5[%dma_wait3A] : memref<4096xf32, #tpu.memory_space<vmem>> -> memref<256xf32, #tpu.memory_space<vmem>>
        %dma_wait3A_220 = arith.constant 0 : i32
        %dma_wait3A_221 = tpu.memref_slice %arg2[%add3A_33, %dma_wait3A_220] : memref<4096x256xf32, #tpu.memory_space<hbm>> -> memref<1x256xf32, #tpu.memory_space<hbm>>
        %dma_wait3A_222 = tpu.memref_squeeze %dma_wait3A_221 : memref<1x256xf32, #tpu.memory_space<hbm>> -> memref<256xf32, #tpu.memory_space<hbm>>
        %dma_wait3A_223 = arith.constant 1280 : i32
        %dma_wait3A_224 = tpu.memref_slice %arg5[%dma_wait3A_223] : memref<4096xf32, #tpu.memory_space<vmem>> -> memref<256xf32, #tpu.memory_space<vmem>>
        %dma_wait3A_225 = arith.constant 0 : i32
        %dma_wait3A_226 = tpu.memref_slice %arg2[%add3A_33, %dma_wait3A_225] : memref<4096x256xf32, #tpu.memory_space<hbm>> -> memref<1x256xf32, #tpu.memory_space<hbm>>
        %dma_wait3A_227 = tpu.memref_squeeze %dma_wait3A_226 : memref<1x256xf32, #tpu.memory_space<hbm>> -> memref<256xf32, #tpu.memory_space<hbm>>
        tpu.wait_dma2 semaphore(%run_scoped3A : memref<!tpu.dma_semaphore, #tpu.memory_space<semaphore_mem>>) src(%dma_wait3A_227 : memref<256xf32, #tpu.memory_space<hbm>>) dst(%dma_wait3A_224 : memref<256xf32, #tpu.memory_space<vmem>>)
        tpu.yield
      }) : () -> ()
      %add3A_34 = arith.constant 5 : i32
      %add3A_35 = arith.addi %add3A_11, %add3A_34 : i32
      "tpu.region"() ({
        %run_scoped3A = tpu.sem_alloc : memref<!tpu.dma_semaphore, #tpu.memory_space<semaphore_mem>>
        %dma_start3A = arith.constant 1280 : i32
        %dma_start3A_210 = tpu.memref_slice %arg6[%dma_start3A] : memref<4096xi32, #tpu.memory_space<vmem>> -> memref<256xi32, #tpu.memory_space<vmem>>
        %dma_start3A_211 = arith.constant 0 : i32
        %dma_start3A_212 = tpu.memref_slice %arg3[%add3A_35, %dma_start3A_211] : memref<4096x256xi32, #tpu.memory_space<hbm>> -> memref<1x256xi32, #tpu.memory_space<hbm>>
        %dma_start3A_213 = tpu.memref_squeeze %dma_start3A_212 : memref<1x256xi32, #tpu.memory_space<hbm>> -> memref<256xi32, #tpu.memory_space<hbm>>
        %dma_start3A_214 = arith.constant 1280 : i32
        %dma_start3A_215 = tpu.memref_slice %arg6[%dma_start3A_214] : memref<4096xi32, #tpu.memory_space<vmem>> -> memref<256xi32, #tpu.memory_space<vmem>>
        %dma_start3A_216 = arith.constant 0 : i32
        %dma_start3A_217 = tpu.memref_slice %arg3[%add3A_35, %dma_start3A_216] : memref<4096x256xi32, #tpu.memory_space<hbm>> -> memref<1x256xi32, #tpu.memory_space<hbm>>
        %dma_start3A_218 = tpu.memref_squeeze %dma_start3A_217 : memref<1x256xi32, #tpu.memory_space<hbm>> -> memref<256xi32, #tpu.memory_space<hbm>>
        tpu.enqueue_dma source(%dma_start3A_218 : memref<256xi32, #tpu.memory_space<hbm>>) target(%dma_start3A_215 : memref<256xi32, #tpu.memory_space<vmem>>) target_semaphore(%run_scoped3A : memref<!tpu.dma_semaphore, #tpu.memory_space<semaphore_mem>>)
        %dma_wait3A = arith.constant 1280 : i32
        %dma_wait3A_219 = tpu.memref_slice %arg6[%dma_wait3A] : memref<4096xi32, #tpu.memory_space<vmem>> -> memref<256xi32, #tpu.memory_space<vmem>>
        %dma_wait3A_220 = arith.constant 0 : i32
        %dma_wait3A_221 = tpu.memref_slice %arg3[%add3A_35, %dma_wait3A_220] : memref<4096x256xi32, #tpu.memory_space<hbm>> -> memref<1x256xi32, #tpu.memory_space<hbm>>
        %dma_wait3A_222 = tpu.memref_squeeze %dma_wait3A_221 : memref<1x256xi32, #tpu.memory_space<hbm>> -> memref<256xi32, #tpu.memory_space<hbm>>
        %dma_wait3A_223 = arith.constant 1280 : i32
        %dma_wait3A_224 = tpu.memref_slice %arg6[%dma_wait3A_223] : memref<4096xi32, #tpu.memory_space<vmem>> -> memref<256xi32, #tpu.memory_space<vmem>>
        %dma_wait3A_225 = arith.constant 0 : i32
        %dma_wait3A_226 = tpu.memref_slice %arg3[%add3A_35, %dma_wait3A_225] : memref<4096x256xi32, #tpu.memory_space<hbm>> -> memref<1x256xi32, #tpu.memory_space<hbm>>
        %dma_wait3A_227 = tpu.memref_squeeze %dma_wait3A_226 : memref<1x256xi32, #tpu.memory_space<hbm>> -> memref<256xi32, #tpu.memory_space<hbm>>
        tpu.wait_dma2 semaphore(%run_scoped3A : memref<!tpu.dma_semaphore, #tpu.memory_space<semaphore_mem>>) src(%dma_wait3A_227 : memref<256xi32, #tpu.memory_space<hbm>>) dst(%dma_wait3A_224 : memref<256xi32, #tpu.memory_space<vmem>>)
        tpu.yield
      }) : () -> ()
      %add3A_36 = arith.constant 6 : i32
      %add3A_37 = arith.addi %add3A_11, %add3A_36 : i32
      "tpu.region"() ({
        %run_scoped3A = tpu.sem_alloc : memref<!tpu.dma_semaphore, #tpu.memory_space<semaphore_mem>>
        %dma_start3A = arith.constant 1536 : i32
        %dma_start3A_210 = tpu.memref_slice %arg5[%dma_start3A] : memref<4096xf32, #tpu.memory_space<vmem>> -> memref<256xf32, #tpu.memory_space<vmem>>
        %dma_start3A_211 = arith.constant 0 : i32
        %dma_start3A_212 = tpu.memref_slice %arg2[%add3A_37, %dma_start3A_211] : memref<4096x256xf32, #tpu.memory_space<hbm>> -> memref<1x256xf32, #tpu.memory_space<hbm>>
        %dma_start3A_213 = tpu.memref_squeeze %dma_start3A_212 : memref<1x256xf32, #tpu.memory_space<hbm>> -> memref<256xf32, #tpu.memory_space<hbm>>
        %dma_start3A_214 = arith.constant 1536 : i32
        %dma_start3A_215 = tpu.memref_slice %arg5[%dma_start3A_214] : memref<4096xf32, #tpu.memory_space<vmem>> -> memref<256xf32, #tpu.memory_space<vmem>>
        %dma_start3A_216 = arith.constant 0 : i32
        %dma_start3A_217 = tpu.memref_slice %arg2[%add3A_37, %dma_start3A_216] : memref<4096x256xf32, #tpu.memory_space<hbm>> -> memref<1x256xf32, #tpu.memory_space<hbm>>
        %dma_start3A_218 = tpu.memref_squeeze %dma_start3A_217 : memref<1x256xf32, #tpu.memory_space<hbm>> -> memref<256xf32, #tpu.memory_space<hbm>>
        tpu.enqueue_dma source(%dma_start3A_218 : memref<256xf32, #tpu.memory_space<hbm>>) target(%dma_start3A_215 : memref<256xf32, #tpu.memory_space<vmem>>) target_semaphore(%run_scoped3A : memref<!tpu.dma_semaphore, #tpu.memory_space<semaphore_mem>>)
        %dma_wait3A = arith.constant 1536 : i32
        %dma_wait3A_219 = tpu.memref_slice %arg5[%dma_wait3A] : memref<4096xf32, #tpu.memory_space<vmem>> -> memref<256xf32, #tpu.memory_space<vmem>>
        %dma_wait3A_220 = arith.constant 0 : i32
        %dma_wait3A_221 = tpu.memref_slice %arg2[%add3A_37, %dma_wait3A_220] : memref<4096x256xf32, #tpu.memory_space<hbm>> -> memref<1x256xf32, #tpu.memory_space<hbm>>
        %dma_wait3A_222 = tpu.memref_squeeze %dma_wait3A_221 : memref<1x256xf32, #tpu.memory_space<hbm>> -> memref<256xf32, #tpu.memory_space<hbm>>
        %dma_wait3A_223 = arith.constant 1536 : i32
        %dma_wait3A_224 = tpu.memref_slice %arg5[%dma_wait3A_223] : memref<4096xf32, #tpu.memory_space<vmem>> -> memref<256xf32, #tpu.memory_space<vmem>>
        %dma_wait3A_225 = arith.constant 0 : i32
        %dma_wait3A_226 = tpu.memref_slice %arg2[%add3A_37, %dma_wait3A_225] : memref<4096x256xf32, #tpu.memory_space<hbm>> -> memref<1x256xf32, #tpu.memory_space<hbm>>
        %dma_wait3A_227 = tpu.memref_squeeze %dma_wait3A_226 : memref<1x256xf32, #tpu.memory_space<hbm>> -> memref<256xf32, #tpu.memory_space<hbm>>
        tpu.wait_dma2 semaphore(%run_scoped3A : memref<!tpu.dma_semaphore, #tpu.memory_space<semaphore_mem>>) src(%dma_wait3A_227 : memref<256xf32, #tpu.memory_space<hbm>>) dst(%dma_wait3A_224 : memref<256xf32, #tpu.memory_space<vmem>>)
        tpu.yield
      }) : () -> ()
      %add3A_38 = arith.constant 6 : i32
      %add3A_39 = arith.addi %add3A_11, %add3A_38 : i32
      "tpu.region"() ({
        %run_scoped3A = tpu.sem_alloc : memref<!tpu.dma_semaphore, #tpu.memory_space<semaphore_mem>>
        %dma_start3A = arith.constant 1536 : i32
        %dma_start3A_210 = tpu.memref_slice %arg6[%dma_start3A] : memref<4096xi32, #tpu.memory_space<vmem>> -> memref<256xi32, #tpu.memory_space<vmem>>
        %dma_start3A_211 = arith.constant 0 : i32
        %dma_start3A_212 = tpu.memref_slice %arg3[%add3A_39, %dma_start3A_211] : memref<4096x256xi32, #tpu.memory_space<hbm>> -> memref<1x256xi32, #tpu.memory_space<hbm>>
        %dma_start3A_213 = tpu.memref_squeeze %dma_start3A_212 : memref<1x256xi32, #tpu.memory_space<hbm>> -> memref<256xi32, #tpu.memory_space<hbm>>
        %dma_start3A_214 = arith.constant 1536 : i32
        %dma_start3A_215 = tpu.memref_slice %arg6[%dma_start3A_214] : memref<4096xi32, #tpu.memory_space<vmem>> -> memref<256xi32, #tpu.memory_space<vmem>>
        %dma_start3A_216 = arith.constant 0 : i32
        %dma_start3A_217 = tpu.memref_slice %arg3[%add3A_39, %dma_start3A_216] : memref<4096x256xi32, #tpu.memory_space<hbm>> -> memref<1x256xi32, #tpu.memory_space<hbm>>
        %dma_start3A_218 = tpu.memref_squeeze %dma_start3A_217 : memref<1x256xi32, #tpu.memory_space<hbm>> -> memref<256xi32, #tpu.memory_space<hbm>>
        tpu.enqueue_dma source(%dma_start3A_218 : memref<256xi32, #tpu.memory_space<hbm>>) target(%dma_start3A_215 : memref<256xi32, #tpu.memory_space<vmem>>) target_semaphore(%run_scoped3A : memref<!tpu.dma_semaphore, #tpu.memory_space<semaphore_mem>>)
        %dma_wait3A = arith.constant 1536 : i32
        %dma_wait3A_219 = tpu.memref_slice %arg6[%dma_wait3A] : memref<4096xi32, #tpu.memory_space<vmem>> -> memref<256xi32, #tpu.memory_space<vmem>>
        %dma_wait3A_220 = arith.constant 0 : i32
        %dma_wait3A_221 = tpu.memref_slice %arg3[%add3A_39, %dma_wait3A_220] : memref<4096x256xi32, #tpu.memory_space<hbm>> -> memref<1x256xi32, #tpu.memory_space<hbm>>
        %dma_wait3A_222 = tpu.memref_squeeze %dma_wait3A_221 : memref<1x256xi32, #tpu.memory_space<hbm>> -> memref<256xi32, #tpu.memory_space<hbm>>
        %dma_wait3A_223 = arith.constant 1536 : i32
        %dma_wait3A_224 = tpu.memref_slice %arg6[%dma_wait3A_223] : memref<4096xi32, #tpu.memory_space<vmem>> -> memref<256xi32, #tpu.memory_space<vmem>>
        %dma_wait3A_225 = arith.constant 0 : i32
        %dma_wait3A_226 = tpu.memref_slice %arg3[%add3A_39, %dma_wait3A_225] : memref<4096x256xi32, #tpu.memory_space<hbm>> -> memref<1x256xi32, #tpu.memory_space<hbm>>
        %dma_wait3A_227 = tpu.memref_squeeze %dma_wait3A_226 : memref<1x256xi32, #tpu.memory_space<hbm>> -> memref<256xi32, #tpu.memory_space<hbm>>
        tpu.wait_dma2 semaphore(%run_scoped3A : memref<!tpu.dma_semaphore, #tpu.memory_space<semaphore_mem>>) src(%dma_wait3A_227 : memref<256xi32, #tpu.memory_space<hbm>>) dst(%dma_wait3A_224 : memref<256xi32, #tpu.memory_space<vmem>>)
        tpu.yield
      }) : () -> ()
      %add3A_40 = arith.constant 7 : i32
      %add3A_41 = arith.addi %add3A_11, %add3A_40 : i32
      "tpu.region"() ({
        %run_scoped3A = tpu.sem_alloc : memref<!tpu.dma_semaphore, #tpu.memory_space<semaphore_mem>>
        %dma_start3A = arith.constant 1792 : i32
        %dma_start3A_210 = tpu.memref_slice %arg5[%dma_start3A] : memref<4096xf32, #tpu.memory_space<vmem>> -> memref<256xf32, #tpu.memory_space<vmem>>
        %dma_start3A_211 = arith.constant 0 : i32
        %dma_start3A_212 = tpu.memref_slice %arg2[%add3A_41, %dma_start3A_211] : memref<4096x256xf32, #tpu.memory_space<hbm>> -> memref<1x256xf32, #tpu.memory_space<hbm>>
        %dma_start3A_213 = tpu.memref_squeeze %dma_start3A_212 : memref<1x256xf32, #tpu.memory_space<hbm>> -> memref<256xf32, #tpu.memory_space<hbm>>
        %dma_start3A_214 = arith.constant 1792 : i32
        %dma_start3A_215 = tpu.memref_slice %arg5[%dma_start3A_214] : memref<4096xf32, #tpu.memory_space<vmem>> -> memref<256xf32, #tpu.memory_space<vmem>>
        %dma_start3A_216 = arith.constant 0 : i32
        %dma_start3A_217 = tpu.memref_slice %arg2[%add3A_41, %dma_start3A_216] : memref<4096x256xf32, #tpu.memory_space<hbm>> -> memref<1x256xf32, #tpu.memory_space<hbm>>
        %dma_start3A_218 = tpu.memref_squeeze %dma_start3A_217 : memref<1x256xf32, #tpu.memory_space<hbm>> -> memref<256xf32, #tpu.memory_space<hbm>>
        tpu.enqueue_dma source(%dma_start3A_218 : memref<256xf32, #tpu.memory_space<hbm>>) target(%dma_start3A_215 : memref<256xf32, #tpu.memory_space<vmem>>) target_semaphore(%run_scoped3A : memref<!tpu.dma_semaphore, #tpu.memory_space<semaphore_mem>>)
        %dma_wait3A = arith.constant 1792 : i32
        %dma_wait3A_219 = tpu.memref_slice %arg5[%dma_wait3A] : memref<4096xf32, #tpu.memory_space<vmem>> -> memref<256xf32, #tpu.memory_space<vmem>>
        %dma_wait3A_220 = arith.constant 0 : i32
        %dma_wait3A_221 = tpu.memref_slice %arg2[%add3A_41, %dma_wait3A_220] : memref<4096x256xf32, #tpu.memory_space<hbm>> -> memref<1x256xf32, #tpu.memory_space<hbm>>
        %dma_wait3A_222 = tpu.memref_squeeze %dma_wait3A_221 : memref<1x256xf32, #tpu.memory_space<hbm>> -> memref<256xf32, #tpu.memory_space<hbm>>
        %dma_wait3A_223 = arith.constant 1792 : i32
        %dma_wait3A_224 = tpu.memref_slice %arg5[%dma_wait3A_223] : memref<4096xf32, #tpu.memory_space<vmem>> -> memref<256xf32, #tpu.memory_space<vmem>>
        %dma_wait3A_225 = arith.constant 0 : i32
        %dma_wait3A_226 = tpu.memref_slice %arg2[%add3A_41, %dma_wait3A_225] : memref<4096x256xf32, #tpu.memory_space<hbm>> -> memref<1x256xf32, #tpu.memory_space<hbm>>
        %dma_wait3A_227 = tpu.memref_squeeze %dma_wait3A_226 : memref<1x256xf32, #tpu.memory_space<hbm>> -> memref<256xf32, #tpu.memory_space<hbm>>
        tpu.wait_dma2 semaphore(%run_scoped3A : memref<!tpu.dma_semaphore, #tpu.memory_space<semaphore_mem>>) src(%dma_wait3A_227 : memref<256xf32, #tpu.memory_space<hbm>>) dst(%dma_wait3A_224 : memref<256xf32, #tpu.memory_space<vmem>>)
        tpu.yield
      }) : () -> ()
      %add3A_42 = arith.constant 7 : i32
      %add3A_43 = arith.addi %add3A_11, %add3A_42 : i32
      "tpu.region"() ({
        %run_scoped3A = tpu.sem_alloc : memref<!tpu.dma_semaphore, #tpu.memory_space<semaphore_mem>>
        %dma_start3A = arith.constant 1792 : i32
        %dma_start3A_210 = tpu.memref_slice %arg6[%dma_start3A] : memref<4096xi32, #tpu.memory_space<vmem>> -> memref<256xi32, #tpu.memory_space<vmem>>
        %dma_start3A_211 = arith.constant 0 : i32
        %dma_start3A_212 = tpu.memref_slice %arg3[%add3A_43, %dma_start3A_211] : memref<4096x256xi32, #tpu.memory_space<hbm>> -> memref<1x256xi32, #tpu.memory_space<hbm>>
        %dma_start3A_213 = tpu.memref_squeeze %dma_start3A_212 : memref<1x256xi32, #tpu.memory_space<hbm>> -> memref<256xi32, #tpu.memory_space<hbm>>
        %dma_start3A_214 = arith.constant 1792 : i32
        %dma_start3A_215 = tpu.memref_slice %arg6[%dma_start3A_214] : memref<4096xi32, #tpu.memory_space<vmem>> -> memref<256xi32, #tpu.memory_space<vmem>>
        %dma_start3A_216 = arith.constant 0 : i32
        %dma_start3A_217 = tpu.memref_slice %arg3[%add3A_43, %dma_start3A_216] : memref<4096x256xi32, #tpu.memory_space<hbm>> -> memref<1x256xi32, #tpu.memory_space<hbm>>
        %dma_start3A_218 = tpu.memref_squeeze %dma_start3A_217 : memref<1x256xi32, #tpu.memory_space<hbm>> -> memref<256xi32, #tpu.memory_space<hbm>>
        tpu.enqueue_dma source(%dma_start3A_218 : memref<256xi32, #tpu.memory_space<hbm>>) target(%dma_start3A_215 : memref<256xi32, #tpu.memory_space<vmem>>) target_semaphore(%run_scoped3A : memref<!tpu.dma_semaphore, #tpu.memory_space<semaphore_mem>>)
        %dma_wait3A = arith.constant 1792 : i32
        %dma_wait3A_219 = tpu.memref_slice %arg6[%dma_wait3A] : memref<4096xi32, #tpu.memory_space<vmem>> -> memref<256xi32, #tpu.memory_space<vmem>>
        %dma_wait3A_220 = arith.constant 0 : i32
        %dma_wait3A_221 = tpu.memref_slice %arg3[%add3A_43, %dma_wait3A_220] : memref<4096x256xi32, #tpu.memory_space<hbm>> -> memref<1x256xi32, #tpu.memory_space<hbm>>
        %dma_wait3A_222 = tpu.memref_squeeze %dma_wait3A_221 : memref<1x256xi32, #tpu.memory_space<hbm>> -> memref<256xi32, #tpu.memory_space<hbm>>
        %dma_wait3A_223 = arith.constant 1792 : i32
        %dma_wait3A_224 = tpu.memref_slice %arg6[%dma_wait3A_223] : memref<4096xi32, #tpu.memory_space<vmem>> -> memref<256xi32, #tpu.memory_space<vmem>>
        %dma_wait3A_225 = arith.constant 0 : i32
        %dma_wait3A_226 = tpu.memref_slice %arg3[%add3A_43, %dma_wait3A_225] : memref<4096x256xi32, #tpu.memory_space<hbm>> -> memref<1x256xi32, #tpu.memory_space<hbm>>
        %dma_wait3A_227 = tpu.memref_squeeze %dma_wait3A_226 : memref<1x256xi32, #tpu.memory_space<hbm>> -> memref<256xi32, #tpu.memory_space<hbm>>
        tpu.wait_dma2 semaphore(%run_scoped3A : memref<!tpu.dma_semaphore, #tpu.memory_space<semaphore_mem>>) src(%dma_wait3A_227 : memref<256xi32, #tpu.memory_space<hbm>>) dst(%dma_wait3A_224 : memref<256xi32, #tpu.memory_space<vmem>>)
        tpu.yield
      }) : () -> ()
      %add3A_44 = arith.constant 8 : i32
      %add3A_45 = arith.addi %add3A_11, %add3A_44 : i32
      "tpu.region"() ({
        %run_scoped3A = tpu.sem_alloc : memref<!tpu.dma_semaphore, #tpu.memory_space<semaphore_mem>>
        %dma_start3A = arith.constant 2048 : i32
        %dma_start3A_210 = tpu.memref_slice %arg5[%dma_start3A] : memref<4096xf32, #tpu.memory_space<vmem>> -> memref<256xf32, #tpu.memory_space<vmem>>
        %dma_start3A_211 = arith.constant 0 : i32
        %dma_start3A_212 = tpu.memref_slice %arg2[%add3A_45, %dma_start3A_211] : memref<4096x256xf32, #tpu.memory_space<hbm>> -> memref<1x256xf32, #tpu.memory_space<hbm>>
        %dma_start3A_213 = tpu.memref_squeeze %dma_start3A_212 : memref<1x256xf32, #tpu.memory_space<hbm>> -> memref<256xf32, #tpu.memory_space<hbm>>
        %dma_start3A_214 = arith.constant 2048 : i32
        %dma_start3A_215 = tpu.memref_slice %arg5[%dma_start3A_214] : memref<4096xf32, #tpu.memory_space<vmem>> -> memref<256xf32, #tpu.memory_space<vmem>>
        %dma_start3A_216 = arith.constant 0 : i32
        %dma_start3A_217 = tpu.memref_slice %arg2[%add3A_45, %dma_start3A_216] : memref<4096x256xf32, #tpu.memory_space<hbm>> -> memref<1x256xf32, #tpu.memory_space<hbm>>
        %dma_start3A_218 = tpu.memref_squeeze %dma_start3A_217 : memref<1x256xf32, #tpu.memory_space<hbm>> -> memref<256xf32, #tpu.memory_space<hbm>>
        tpu.enqueue_dma source(%dma_start3A_218 : memref<256xf32, #tpu.memory_space<hbm>>) target(%dma_start3A_215 : memref<256xf32, #tpu.memory_space<vmem>>) target_semaphore(%run_scoped3A : memref<!tpu.dma_semaphore, #tpu.memory_space<semaphore_mem>>)
        %dma_wait3A = arith.constant 2048 : i32
        %dma_wait3A_219 = tpu.memref_slice %arg5[%dma_wait3A] : memref<4096xf32, #tpu.memory_space<vmem>> -> memref<256xf32, #tpu.memory_space<vmem>>
        %dma_wait3A_220 = arith.constant 0 : i32
        %dma_wait3A_221 = tpu.memref_slice %arg2[%add3A_45, %dma_wait3A_220] : memref<4096x256xf32, #tpu.memory_space<hbm>> -> memref<1x256xf32, #tpu.memory_space<hbm>>
        %dma_wait3A_222 = tpu.memref_squeeze %dma_wait3A_221 : memref<1x256xf32, #tpu.memory_space<hbm>> -> memref<256xf32, #tpu.memory_space<hbm>>
        %dma_wait3A_223 = arith.constant 2048 : i32
        %dma_wait3A_224 = tpu.memref_slice %arg5[%dma_wait3A_223] : memref<4096xf32, #tpu.memory_space<vmem>> -> memref<256xf32, #tpu.memory_space<vmem>>
        %dma_wait3A_225 = arith.constant 0 : i32
        %dma_wait3A_226 = tpu.memref_slice %arg2[%add3A_45, %dma_wait3A_225] : memref<4096x256xf32, #tpu.memory_space<hbm>> -> memref<1x256xf32, #tpu.memory_space<hbm>>
        %dma_wait3A_227 = tpu.memref_squeeze %dma_wait3A_226 : memref<1x256xf32, #tpu.memory_space<hbm>> -> memref<256xf32, #tpu.memory_space<hbm>>
        tpu.wait_dma2 semaphore(%run_scoped3A : memref<!tpu.dma_semaphore, #tpu.memory_space<semaphore_mem>>) src(%dma_wait3A_227 : memref<256xf32, #tpu.memory_space<hbm>>) dst(%dma_wait3A_224 : memref<256xf32, #tpu.memory_space<vmem>>)
        tpu.yield
      }) : () -> ()
      %add3A_46 = arith.constant 8 : i32
      %add3A_47 = arith.addi %add3A_11, %add3A_46 : i32
      "tpu.region"() ({
        %run_scoped3A = tpu.sem_alloc : memref<!tpu.dma_semaphore, #tpu.memory_space<semaphore_mem>>
        %dma_start3A = arith.constant 2048 : i32
        %dma_start3A_210 = tpu.memref_slice %arg6[%dma_start3A] : memref<4096xi32, #tpu.memory_space<vmem>> -> memref<256xi32, #tpu.memory_space<vmem>>
        %dma_start3A_211 = arith.constant 0 : i32
        %dma_start3A_212 = tpu.memref_slice %arg3[%add3A_47, %dma_start3A_211] : memref<4096x256xi32, #tpu.memory_space<hbm>> -> memref<1x256xi32, #tpu.memory_space<hbm>>
        %dma_start3A_213 = tpu.memref_squeeze %dma_start3A_212 : memref<1x256xi32, #tpu.memory_space<hbm>> -> memref<256xi32, #tpu.memory_space<hbm>>
        %dma_start3A_214 = arith.constant 2048 : i32
        %dma_start3A_215 = tpu.memref_slice %arg6[%dma_start3A_214] : memref<4096xi32, #tpu.memory_space<vmem>> -> memref<256xi32, #tpu.memory_space<vmem>>
        %dma_start3A_216 = arith.constant 0 : i32
        %dma_start3A_217 = tpu.memref_slice %arg3[%add3A_47, %dma_start3A_216] : memref<4096x256xi32, #tpu.memory_space<hbm>> -> memref<1x256xi32, #tpu.memory_space<hbm>>
        %dma_start3A_218 = tpu.memref_squeeze %dma_start3A_217 : memref<1x256xi32, #tpu.memory_space<hbm>> -> memref<256xi32, #tpu.memory_space<hbm>>
        tpu.enqueue_dma source(%dma_start3A_218 : memref<256xi32, #tpu.memory_space<hbm>>) target(%dma_start3A_215 : memref<256xi32, #tpu.memory_space<vmem>>) target_semaphore(%run_scoped3A : memref<!tpu.dma_semaphore, #tpu.memory_space<semaphore_mem>>)
        %dma_wait3A = arith.constant 2048 : i32
        %dma_wait3A_219 = tpu.memref_slice %arg6[%dma_wait3A] : memref<4096xi32, #tpu.memory_space<vmem>> -> memref<256xi32, #tpu.memory_space<vmem>>
        %dma_wait3A_220 = arith.constant 0 : i32
        %dma_wait3A_221 = tpu.memref_slice %arg3[%add3A_47, %dma_wait3A_220] : memref<4096x256xi32, #tpu.memory_space<hbm>> -> memref<1x256xi32, #tpu.memory_space<hbm>>
        %dma_wait3A_222 = tpu.memref_squeeze %dma_wait3A_221 : memref<1x256xi32, #tpu.memory_space<hbm>> -> memref<256xi32, #tpu.memory_space<hbm>>
        %dma_wait3A_223 = arith.constant 2048 : i32
        %dma_wait3A_224 = tpu.memref_slice %arg6[%dma_wait3A_223] : memref<4096xi32, #tpu.memory_space<vmem>> -> memref<256xi32, #tpu.memory_space<vmem>>
        %dma_wait3A_225 = arith.constant 0 : i32
        %dma_wait3A_226 = tpu.memref_slice %arg3[%add3A_47, %dma_wait3A_225] : memref<4096x256xi32, #tpu.memory_space<hbm>> -> memref<1x256xi32, #tpu.memory_space<hbm>>
        %dma_wait3A_227 = tpu.memref_squeeze %dma_wait3A_226 : memref<1x256xi32, #tpu.memory_space<hbm>> -> memref<256xi32, #tpu.memory_space<hbm>>
        tpu.wait_dma2 semaphore(%run_scoped3A : memref<!tpu.dma_semaphore, #tpu.memory_space<semaphore_mem>>) src(%dma_wait3A_227 : memref<256xi32, #tpu.memory_space<hbm>>) dst(%dma_wait3A_224 : memref<256xi32, #tpu.memory_space<vmem>>)
        tpu.yield
      }) : () -> ()
      %add3A_48 = arith.constant 9 : i32
      %add3A_49 = arith.addi %add3A_11, %add3A_48 : i32
      "tpu.region"() ({
        %run_scoped3A = tpu.sem_alloc : memref<!tpu.dma_semaphore, #tpu.memory_space<semaphore_mem>>
        %dma_start3A = arith.constant 2304 : i32
        %dma_start3A_210 = tpu.memref_slice %arg5[%dma_start3A] : memref<4096xf32, #tpu.memory_space<vmem>> -> memref<256xf32, #tpu.memory_space<vmem>>
        %dma_start3A_211 = arith.constant 0 : i32
        %dma_start3A_212 = tpu.memref_slice %arg2[%add3A_49, %dma_start3A_211] : memref<4096x256xf32, #tpu.memory_space<hbm>> -> memref<1x256xf32, #tpu.memory_space<hbm>>
        %dma_start3A_213 = tpu.memref_squeeze %dma_start3A_212 : memref<1x256xf32, #tpu.memory_space<hbm>> -> memref<256xf32, #tpu.memory_space<hbm>>
        %dma_start3A_214 = arith.constant 2304 : i32
        %dma_start3A_215 = tpu.memref_slice %arg5[%dma_start3A_214] : memref<4096xf32, #tpu.memory_space<vmem>> -> memref<256xf32, #tpu.memory_space<vmem>>
        %dma_start3A_216 = arith.constant 0 : i32
        %dma_start3A_217 = tpu.memref_slice %arg2[%add3A_49, %dma_start3A_216] : memref<4096x256xf32, #tpu.memory_space<hbm>> -> memref<1x256xf32, #tpu.memory_space<hbm>>
        %dma_start3A_218 = tpu.memref_squeeze %dma_start3A_217 : memref<1x256xf32, #tpu.memory_space<hbm>> -> memref<256xf32, #tpu.memory_space<hbm>>
        tpu.enqueue_dma source(%dma_start3A_218 : memref<256xf32, #tpu.memory_space<hbm>>) target(%dma_start3A_215 : memref<256xf32, #tpu.memory_space<vmem>>) target_semaphore(%run_scoped3A : memref<!tpu.dma_semaphore, #tpu.memory_space<semaphore_mem>>)
        %dma_wait3A = arith.constant 2304 : i32
        %dma_wait3A_219 = tpu.memref_slice %arg5[%dma_wait3A] : memref<4096xf32, #tpu.memory_space<vmem>> -> memref<256xf32, #tpu.memory_space<vmem>>
        %dma_wait3A_220 = arith.constant 0 : i32
        %dma_wait3A_221 = tpu.memref_slice %arg2[%add3A_49, %dma_wait3A_220] : memref<4096x256xf32, #tpu.memory_space<hbm>> -> memref<1x256xf32, #tpu.memory_space<hbm>>
        %dma_wait3A_222 = tpu.memref_squeeze %dma_wait3A_221 : memref<1x256xf32, #tpu.memory_space<hbm>> -> memref<256xf32, #tpu.memory_space<hbm>>
        %dma_wait3A_223 = arith.constant 2304 : i32
        %dma_wait3A_224 = tpu.memref_slice %arg5[%dma_wait3A_223] : memref<4096xf32, #tpu.memory_space<vmem>> -> memref<256xf32, #tpu.memory_space<vmem>>
        %dma_wait3A_225 = arith.constant 0 : i32
        %dma_wait3A_226 = tpu.memref_slice %arg2[%add3A_49, %dma_wait3A_225] : memref<4096x256xf32, #tpu.memory_space<hbm>> -> memref<1x256xf32, #tpu.memory_space<hbm>>
        %dma_wait3A_227 = tpu.memref_squeeze %dma_wait3A_226 : memref<1x256xf32, #tpu.memory_space<hbm>> -> memref<256xf32, #tpu.memory_space<hbm>>
        tpu.wait_dma2 semaphore(%run_scoped3A : memref<!tpu.dma_semaphore, #tpu.memory_space<semaphore_mem>>) src(%dma_wait3A_227 : memref<256xf32, #tpu.memory_space<hbm>>) dst(%dma_wait3A_224 : memref<256xf32, #tpu.memory_space<vmem>>)
        tpu.yield
      }) : () -> ()
      %add3A_50 = arith.constant 9 : i32
      %add3A_51 = arith.addi %add3A_11, %add3A_50 : i32
      "tpu.region"() ({
        %run_scoped3A = tpu.sem_alloc : memref<!tpu.dma_semaphore, #tpu.memory_space<semaphore_mem>>
        %dma_start3A = arith.constant 2304 : i32
        %dma_start3A_210 = tpu.memref_slice %arg6[%dma_start3A] : memref<4096xi32, #tpu.memory_space<vmem>> -> memref<256xi32, #tpu.memory_space<vmem>>
        %dma_start3A_211 = arith.constant 0 : i32
        %dma_start3A_212 = tpu.memref_slice %arg3[%add3A_51, %dma_start3A_211] : memref<4096x256xi32, #tpu.memory_space<hbm>> -> memref<1x256xi32, #tpu.memory_space<hbm>>
        %dma_start3A_213 = tpu.memref_squeeze %dma_start3A_212 : memref<1x256xi32, #tpu.memory_space<hbm>> -> memref<256xi32, #tpu.memory_space<hbm>>
        %dma_start3A_214 = arith.constant 2304 : i32
        %dma_start3A_215 = tpu.memref_slice %arg6[%dma_start3A_214] : memref<4096xi32, #tpu.memory_space<vmem>> -> memref<256xi32, #tpu.memory_space<vmem>>
        %dma_start3A_216 = arith.constant 0 : i32
        %dma_start3A_217 = tpu.memref_slice %arg3[%add3A_51, %dma_start3A_216] : memref<4096x256xi32, #tpu.memory_space<hbm>> -> memref<1x256xi32, #tpu.memory_space<hbm>>
        %dma_start3A_218 = tpu.memref_squeeze %dma_start3A_217 : memref<1x256xi32, #tpu.memory_space<hbm>> -> memref<256xi32, #tpu.memory_space<hbm>>
        tpu.enqueue_dma source(%dma_start3A_218 : memref<256xi32, #tpu.memory_space<hbm>>) target(%dma_start3A_215 : memref<256xi32, #tpu.memory_space<vmem>>) target_semaphore(%run_scoped3A : memref<!tpu.dma_semaphore, #tpu.memory_space<semaphore_mem>>)
        %dma_wait3A = arith.constant 2304 : i32
        %dma_wait3A_219 = tpu.memref_slice %arg6[%dma_wait3A] : memref<4096xi32, #tpu.memory_space<vmem>> -> memref<256xi32, #tpu.memory_space<vmem>>
        %dma_wait3A_220 = arith.constant 0 : i32
        %dma_wait3A_221 = tpu.memref_slice %arg3[%add3A_51, %dma_wait3A_220] : memref<4096x256xi32, #tpu.memory_space<hbm>> -> memref<1x256xi32, #tpu.memory_space<hbm>>
        %dma_wait3A_222 = tpu.memref_squeeze %dma_wait3A_221 : memref<1x256xi32, #tpu.memory_space<hbm>> -> memref<256xi32, #tpu.memory_space<hbm>>
        %dma_wait3A_223 = arith.constant 2304 : i32
        %dma_wait3A_224 = tpu.memref_slice %arg6[%dma_wait3A_223] : memref<4096xi32, #tpu.memory_space<vmem>> -> memref<256xi32, #tpu.memory_space<vmem>>
        %dma_wait3A_225 = arith.constant 0 : i32
        %dma_wait3A_226 = tpu.memref_slice %arg3[%add3A_51, %dma_wait3A_225] : memref<4096x256xi32, #tpu.memory_space<hbm>> -> memref<1x256xi32, #tpu.memory_space<hbm>>
        %dma_wait3A_227 = tpu.memref_squeeze %dma_wait3A_226 : memref<1x256xi32, #tpu.memory_space<hbm>> -> memref<256xi32, #tpu.memory_space<hbm>>
        tpu.wait_dma2 semaphore(%run_scoped3A : memref<!tpu.dma_semaphore, #tpu.memory_space<semaphore_mem>>) src(%dma_wait3A_227 : memref<256xi32, #tpu.memory_space<hbm>>) dst(%dma_wait3A_224 : memref<256xi32, #tpu.memory_space<vmem>>)
        tpu.yield
      }) : () -> ()
      %add3A_52 = arith.constant 10 : i32
      %add3A_53 = arith.addi %add3A_11, %add3A_52 : i32
      "tpu.region"() ({
        %run_scoped3A = tpu.sem_alloc : memref<!tpu.dma_semaphore, #tpu.memory_space<semaphore_mem>>
        %dma_start3A = arith.constant 2560 : i32
        %dma_start3A_210 = tpu.memref_slice %arg5[%dma_start3A] : memref<4096xf32, #tpu.memory_space<vmem>> -> memref<256xf32, #tpu.memory_space<vmem>>
        %dma_start3A_211 = arith.constant 0 : i32
        %dma_start3A_212 = tpu.memref_slice %arg2[%add3A_53, %dma_start3A_211] : memref<4096x256xf32, #tpu.memory_space<hbm>> -> memref<1x256xf32, #tpu.memory_space<hbm>>
        %dma_start3A_213 = tpu.memref_squeeze %dma_start3A_212 : memref<1x256xf32, #tpu.memory_space<hbm>> -> memref<256xf32, #tpu.memory_space<hbm>>
        %dma_start3A_214 = arith.constant 2560 : i32
        %dma_start3A_215 = tpu.memref_slice %arg5[%dma_start3A_214] : memref<4096xf32, #tpu.memory_space<vmem>> -> memref<256xf32, #tpu.memory_space<vmem>>
        %dma_start3A_216 = arith.constant 0 : i32
        %dma_start3A_217 = tpu.memref_slice %arg2[%add3A_53, %dma_start3A_216] : memref<4096x256xf32, #tpu.memory_space<hbm>> -> memref<1x256xf32, #tpu.memory_space<hbm>>
        %dma_start3A_218 = tpu.memref_squeeze %dma_start3A_217 : memref<1x256xf32, #tpu.memory_space<hbm>> -> memref<256xf32, #tpu.memory_space<hbm>>
        tpu.enqueue_dma source(%dma_start3A_218 : memref<256xf32, #tpu.memory_space<hbm>>) target(%dma_start3A_215 : memref<256xf32, #tpu.memory_space<vmem>>) target_semaphore(%run_scoped3A : memref<!tpu.dma_semaphore, #tpu.memory_space<semaphore_mem>>)
        %dma_wait3A = arith.constant 2560 : i32
        %dma_wait3A_219 = tpu.memref_slice %arg5[%dma_wait3A] : memref<4096xf32, #tpu.memory_space<vmem>> -> memref<256xf32, #tpu.memory_space<vmem>>
        %dma_wait3A_220 = arith.constant 0 : i32
        %dma_wait3A_221 = tpu.memref_slice %arg2[%add3A_53, %dma_wait3A_220] : memref<4096x256xf32, #tpu.memory_space<hbm>> -> memref<1x256xf32, #tpu.memory_space<hbm>>
        %dma_wait3A_222 = tpu.memref_squeeze %dma_wait3A_221 : memref<1x256xf32, #tpu.memory_space<hbm>> -> memref<256xf32, #tpu.memory_space<hbm>>
        %dma_wait3A_223 = arith.constant 2560 : i32
        %dma_wait3A_224 = tpu.memref_slice %arg5[%dma_wait3A_223] : memref<4096xf32, #tpu.memory_space<vmem>> -> memref<256xf32, #tpu.memory_space<vmem>>
        %dma_wait3A_225 = arith.constant 0 : i32
        %dma_wait3A_226 = tpu.memref_slice %arg2[%add3A_53, %dma_wait3A_225] : memref<4096x256xf32, #tpu.memory_space<hbm>> -> memref<1x256xf32, #tpu.memory_space<hbm>>
        %dma_wait3A_227 = tpu.memref_squeeze %dma_wait3A_226 : memref<1x256xf32, #tpu.memory_space<hbm>> -> memref<256xf32, #tpu.memory_space<hbm>>
        tpu.wait_dma2 semaphore(%run_scoped3A : memref<!tpu.dma_semaphore, #tpu.memory_space<semaphore_mem>>) src(%dma_wait3A_227 : memref<256xf32, #tpu.memory_space<hbm>>) dst(%dma_wait3A_224 : memref<256xf32, #tpu.memory_space<vmem>>)
        tpu.yield
      }) : () -> ()
      %add3A_54 = arith.constant 10 : i32
      %add3A_55 = arith.addi %add3A_11, %add3A_54 : i32
      "tpu.region"() ({
        %run_scoped3A = tpu.sem_alloc : memref<!tpu.dma_semaphore, #tpu.memory_space<semaphore_mem>>
        %dma_start3A = arith.constant 2560 : i32
        %dma_start3A_210 = tpu.memref_slice %arg6[%dma_start3A] : memref<4096xi32, #tpu.memory_space<vmem>> -> memref<256xi32, #tpu.memory_space<vmem>>
        %dma_start3A_211 = arith.constant 0 : i32
        %dma_start3A_212 = tpu.memref_slice %arg3[%add3A_55, %dma_start3A_211] : memref<4096x256xi32, #tpu.memory_space<hbm>> -> memref<1x256xi32, #tpu.memory_space<hbm>>
        %dma_start3A_213 = tpu.memref_squeeze %dma_start3A_212 : memref<1x256xi32, #tpu.memory_space<hbm>> -> memref<256xi32, #tpu.memory_space<hbm>>
        %dma_start3A_214 = arith.constant 2560 : i32
        %dma_start3A_215 = tpu.memref_slice %arg6[%dma_start3A_214] : memref<4096xi32, #tpu.memory_space<vmem>> -> memref<256xi32, #tpu.memory_space<vmem>>
        %dma_start3A_216 = arith.constant 0 : i32
        %dma_start3A_217 = tpu.memref_slice %arg3[%add3A_55, %dma_start3A_216] : memref<4096x256xi32, #tpu.memory_space<hbm>> -> memref<1x256xi32, #tpu.memory_space<hbm>>
        %dma_start3A_218 = tpu.memref_squeeze %dma_start3A_217 : memref<1x256xi32, #tpu.memory_space<hbm>> -> memref<256xi32, #tpu.memory_space<hbm>>
        tpu.enqueue_dma source(%dma_start3A_218 : memref<256xi32, #tpu.memory_space<hbm>>) target(%dma_start3A_215 : memref<256xi32, #tpu.memory_space<vmem>>) target_semaphore(%run_scoped3A : memref<!tpu.dma_semaphore, #tpu.memory_space<semaphore_mem>>)
        %dma_wait3A = arith.constant 2560 : i32
        %dma_wait3A_219 = tpu.memref_slice %arg6[%dma_wait3A] : memref<4096xi32, #tpu.memory_space<vmem>> -> memref<256xi32, #tpu.memory_space<vmem>>
        %dma_wait3A_220 = arith.constant 0 : i32
        %dma_wait3A_221 = tpu.memref_slice %arg3[%add3A_55, %dma_wait3A_220] : memref<4096x256xi32, #tpu.memory_space<hbm>> -> memref<1x256xi32, #tpu.memory_space<hbm>>
        %dma_wait3A_222 = tpu.memref_squeeze %dma_wait3A_221 : memref<1x256xi32, #tpu.memory_space<hbm>> -> memref<256xi32, #tpu.memory_space<hbm>>
        %dma_wait3A_223 = arith.constant 2560 : i32
        %dma_wait3A_224 = tpu.memref_slice %arg6[%dma_wait3A_223] : memref<4096xi32, #tpu.memory_space<vmem>> -> memref<256xi32, #tpu.memory_space<vmem>>
        %dma_wait3A_225 = arith.constant 0 : i32
        %dma_wait3A_226 = tpu.memref_slice %arg3[%add3A_55, %dma_wait3A_225] : memref<4096x256xi32, #tpu.memory_space<hbm>> -> memref<1x256xi32, #tpu.memory_space<hbm>>
        %dma_wait3A_227 = tpu.memref_squeeze %dma_wait3A_226 : memref<1x256xi32, #tpu.memory_space<hbm>> -> memref<256xi32, #tpu.memory_space<hbm>>
        tpu.wait_dma2 semaphore(%run_scoped3A : memref<!tpu.dma_semaphore, #tpu.memory_space<semaphore_mem>>) src(%dma_wait3A_227 : memref<256xi32, #tpu.memory_space<hbm>>) dst(%dma_wait3A_224 : memref<256xi32, #tpu.memory_space<vmem>>)
        tpu.yield
      }) : () -> ()
      %add3A_56 = arith.constant 11 : i32
      %add3A_57 = arith.addi %add3A_11, %add3A_56 : i32
      "tpu.region"() ({
        %run_scoped3A = tpu.sem_alloc : memref<!tpu.dma_semaphore, #tpu.memory_space<semaphore_mem>>
        %dma_start3A = arith.constant 2816 : i32
        %dma_start3A_210 = tpu.memref_slice %arg5[%dma_start3A] : memref<4096xf32, #tpu.memory_space<vmem>> -> memref<256xf32, #tpu.memory_space<vmem>>
        %dma_start3A_211 = arith.constant 0 : i32
        %dma_start3A_212 = tpu.memref_slice %arg2[%add3A_57, %dma_start3A_211] : memref<4096x256xf32, #tpu.memory_space<hbm>> -> memref<1x256xf32, #tpu.memory_space<hbm>>
        %dma_start3A_213 = tpu.memref_squeeze %dma_start3A_212 : memref<1x256xf32, #tpu.memory_space<hbm>> -> memref<256xf32, #tpu.memory_space<hbm>>
        %dma_start3A_214 = arith.constant 2816 : i32
        %dma_start3A_215 = tpu.memref_slice %arg5[%dma_start3A_214] : memref<4096xf32, #tpu.memory_space<vmem>> -> memref<256xf32, #tpu.memory_space<vmem>>
        %dma_start3A_216 = arith.constant 0 : i32
        %dma_start3A_217 = tpu.memref_slice %arg2[%add3A_57, %dma_start3A_216] : memref<4096x256xf32, #tpu.memory_space<hbm>> -> memref<1x256xf32, #tpu.memory_space<hbm>>
        %dma_start3A_218 = tpu.memref_squeeze %dma_start3A_217 : memref<1x256xf32, #tpu.memory_space<hbm>> -> memref<256xf32, #tpu.memory_space<hbm>>
        tpu.enqueue_dma source(%dma_start3A_218 : memref<256xf32, #tpu.memory_space<hbm>>) target(%dma_start3A_215 : memref<256xf32, #tpu.memory_space<vmem>>) target_semaphore(%run_scoped3A : memref<!tpu.dma_semaphore, #tpu.memory_space<semaphore_mem>>)
        %dma_wait3A = arith.constant 2816 : i32
        %dma_wait3A_219 = tpu.memref_slice %arg5[%dma_wait3A] : memref<4096xf32, #tpu.memory_space<vmem>> -> memref<256xf32, #tpu.memory_space<vmem>>
        %dma_wait3A_220 = arith.constant 0 : i32
        %dma_wait3A_221 = tpu.memref_slice %arg2[%add3A_57, %dma_wait3A_220] : memref<4096x256xf32, #tpu.memory_space<hbm>> -> memref<1x256xf32, #tpu.memory_space<hbm>>
        %dma_wait3A_222 = tpu.memref_squeeze %dma_wait3A_221 : memref<1x256xf32, #tpu.memory_space<hbm>> -> memref<256xf32, #tpu.memory_space<hbm>>
        %dma_wait3A_223 = arith.constant 2816 : i32
        %dma_wait3A_224 = tpu.memref_slice %arg5[%dma_wait3A_223] : memref<4096xf32, #tpu.memory_space<vmem>> -> memref<256xf32, #tpu.memory_space<vmem>>
        %dma_wait3A_225 = arith.constant 0 : i32
        %dma_wait3A_226 = tpu.memref_slice %arg2[%add3A_57, %dma_wait3A_225] : memref<4096x256xf32, #tpu.memory_space<hbm>> -> memref<1x256xf32, #tpu.memory_space<hbm>>
        %dma_wait3A_227 = tpu.memref_squeeze %dma_wait3A_226 : memref<1x256xf32, #tpu.memory_space<hbm>> -> memref<256xf32, #tpu.memory_space<hbm>>
        tpu.wait_dma2 semaphore(%run_scoped3A : memref<!tpu.dma_semaphore, #tpu.memory_space<semaphore_mem>>) src(%dma_wait3A_227 : memref<256xf32, #tpu.memory_space<hbm>>) dst(%dma_wait3A_224 : memref<256xf32, #tpu.memory_space<vmem>>)
        tpu.yield
      }) : () -> ()
      %add3A_58 = arith.constant 11 : i32
      %add3A_59 = arith.addi %add3A_11, %add3A_58 : i32
      "tpu.region"() ({
        %run_scoped3A = tpu.sem_alloc : memref<!tpu.dma_semaphore, #tpu.memory_space<semaphore_mem>>
        %dma_start3A = arith.constant 2816 : i32
        %dma_start3A_210 = tpu.memref_slice %arg6[%dma_start3A] : memref<4096xi32, #tpu.memory_space<vmem>> -> memref<256xi32, #tpu.memory_space<vmem>>
        %dma_start3A_211 = arith.constant 0 : i32
        %dma_start3A_212 = tpu.memref_slice %arg3[%add3A_59, %dma_start3A_211] : memref<4096x256xi32, #tpu.memory_space<hbm>> -> memref<1x256xi32, #tpu.memory_space<hbm>>
        %dma_start3A_213 = tpu.memref_squeeze %dma_start3A_212 : memref<1x256xi32, #tpu.memory_space<hbm>> -> memref<256xi32, #tpu.memory_space<hbm>>
        %dma_start3A_214 = arith.constant 2816 : i32
        %dma_start3A_215 = tpu.memref_slice %arg6[%dma_start3A_214] : memref<4096xi32, #tpu.memory_space<vmem>> -> memref<256xi32, #tpu.memory_space<vmem>>
        %dma_start3A_216 = arith.constant 0 : i32
        %dma_start3A_217 = tpu.memref_slice %arg3[%add3A_59, %dma_start3A_216] : memref<4096x256xi32, #tpu.memory_space<hbm>> -> memref<1x256xi32, #tpu.memory_space<hbm>>
        %dma_start3A_218 = tpu.memref_squeeze %dma_start3A_217 : memref<1x256xi32, #tpu.memory_space<hbm>> -> memref<256xi32, #tpu.memory_space<hbm>>
        tpu.enqueue_dma source(%dma_start3A_218 : memref<256xi32, #tpu.memory_space<hbm>>) target(%dma_start3A_215 : memref<256xi32, #tpu.memory_space<vmem>>) target_semaphore(%run_scoped3A : memref<!tpu.dma_semaphore, #tpu.memory_space<semaphore_mem>>)
        %dma_wait3A = arith.constant 2816 : i32
        %dma_wait3A_219 = tpu.memref_slice %arg6[%dma_wait3A] : memref<4096xi32, #tpu.memory_space<vmem>> -> memref<256xi32, #tpu.memory_space<vmem>>
        %dma_wait3A_220 = arith.constant 0 : i32
        %dma_wait3A_221 = tpu.memref_slice %arg3[%add3A_59, %dma_wait3A_220] : memref<4096x256xi32, #tpu.memory_space<hbm>> -> memref<1x256xi32, #tpu.memory_space<hbm>>
        %dma_wait3A_222 = tpu.memref_squeeze %dma_wait3A_221 : memref<1x256xi32, #tpu.memory_space<hbm>> -> memref<256xi32, #tpu.memory_space<hbm>>
        %dma_wait3A_223 = arith.constant 2816 : i32
        %dma_wait3A_224 = tpu.memref_slice %arg6[%dma_wait3A_223] : memref<4096xi32, #tpu.memory_space<vmem>> -> memref<256xi32, #tpu.memory_space<vmem>>
        %dma_wait3A_225 = arith.constant 0 : i32
        %dma_wait3A_226 = tpu.memref_slice %arg3[%add3A_59, %dma_wait3A_225] : memref<4096x256xi32, #tpu.memory_space<hbm>> -> memref<1x256xi32, #tpu.memory_space<hbm>>
        %dma_wait3A_227 = tpu.memref_squeeze %dma_wait3A_226 : memref<1x256xi32, #tpu.memory_space<hbm>> -> memref<256xi32, #tpu.memory_space<hbm>>
        tpu.wait_dma2 semaphore(%run_scoped3A : memref<!tpu.dma_semaphore, #tpu.memory_space<semaphore_mem>>) src(%dma_wait3A_227 : memref<256xi32, #tpu.memory_space<hbm>>) dst(%dma_wait3A_224 : memref<256xi32, #tpu.memory_space<vmem>>)
        tpu.yield
      }) : () -> ()
      %add3A_60 = arith.constant 12 : i32
      %add3A_61 = arith.addi %add3A_11, %add3A_60 : i32
      "tpu.region"() ({
        %run_scoped3A = tpu.sem_alloc : memref<!tpu.dma_semaphore, #tpu.memory_space<semaphore_mem>>
        %dma_start3A = arith.constant 3072 : i32
        %dma_start3A_210 = tpu.memref_slice %arg5[%dma_start3A] : memref<4096xf32, #tpu.memory_space<vmem>> -> memref<256xf32, #tpu.memory_space<vmem>>
        %dma_start3A_211 = arith.constant 0 : i32
        %dma_start3A_212 = tpu.memref_slice %arg2[%add3A_61, %dma_start3A_211] : memref<4096x256xf32, #tpu.memory_space<hbm>> -> memref<1x256xf32, #tpu.memory_space<hbm>>
        %dma_start3A_213 = tpu.memref_squeeze %dma_start3A_212 : memref<1x256xf32, #tpu.memory_space<hbm>> -> memref<256xf32, #tpu.memory_space<hbm>>
        %dma_start3A_214 = arith.constant 3072 : i32
        %dma_start3A_215 = tpu.memref_slice %arg5[%dma_start3A_214] : memref<4096xf32, #tpu.memory_space<vmem>> -> memref<256xf32, #tpu.memory_space<vmem>>
        %dma_start3A_216 = arith.constant 0 : i32
        %dma_start3A_217 = tpu.memref_slice %arg2[%add3A_61, %dma_start3A_216] : memref<4096x256xf32, #tpu.memory_space<hbm>> -> memref<1x256xf32, #tpu.memory_space<hbm>>
        %dma_start3A_218 = tpu.memref_squeeze %dma_start3A_217 : memref<1x256xf32, #tpu.memory_space<hbm>> -> memref<256xf32, #tpu.memory_space<hbm>>
        tpu.enqueue_dma source(%dma_start3A_218 : memref<256xf32, #tpu.memory_space<hbm>>) target(%dma_start3A_215 : memref<256xf32, #tpu.memory_space<vmem>>) target_semaphore(%run_scoped3A : memref<!tpu.dma_semaphore, #tpu.memory_space<semaphore_mem>>)
        %dma_wait3A = arith.constant 3072 : i32
        %dma_wait3A_219 = tpu.memref_slice %arg5[%dma_wait3A] : memref<4096xf32, #tpu.memory_space<vmem>> -> memref<256xf32, #tpu.memory_space<vmem>>
        %dma_wait3A_220 = arith.constant 0 : i32
        %dma_wait3A_221 = tpu.memref_slice %arg2[%add3A_61, %dma_wait3A_220] : memref<4096x256xf32, #tpu.memory_space<hbm>> -> memref<1x256xf32, #tpu.memory_space<hbm>>
        %dma_wait3A_222 = tpu.memref_squeeze %dma_wait3A_221 : memref<1x256xf32, #tpu.memory_space<hbm>> -> memref<256xf32, #tpu.memory_space<hbm>>
        %dma_wait3A_223 = arith.constant 3072 : i32
        %dma_wait3A_224 = tpu.memref_slice %arg5[%dma_wait3A_223] : memref<4096xf32, #tpu.memory_space<vmem>> -> memref<256xf32, #tpu.memory_space<vmem>>
        %dma_wait3A_225 = arith.constant 0 : i32
        %dma_wait3A_226 = tpu.memref_slice %arg2[%add3A_61, %dma_wait3A_225] : memref<4096x256xf32, #tpu.memory_space<hbm>> -> memref<1x256xf32, #tpu.memory_space<hbm>>
        %dma_wait3A_227 = tpu.memref_squeeze %dma_wait3A_226 : memref<1x256xf32, #tpu.memory_space<hbm>> -> memref<256xf32, #tpu.memory_space<hbm>>
        tpu.wait_dma2 semaphore(%run_scoped3A : memref<!tpu.dma_semaphore, #tpu.memory_space<semaphore_mem>>) src(%dma_wait3A_227 : memref<256xf32, #tpu.memory_space<hbm>>) dst(%dma_wait3A_224 : memref<256xf32, #tpu.memory_space<vmem>>)
        tpu.yield
      }) : () -> ()
      %add3A_62 = arith.constant 12 : i32
      %add3A_63 = arith.addi %add3A_11, %add3A_62 : i32
      "tpu.region"() ({
        %run_scoped3A = tpu.sem_alloc : memref<!tpu.dma_semaphore, #tpu.memory_space<semaphore_mem>>
        %dma_start3A = arith.constant 3072 : i32
        %dma_start3A_210 = tpu.memref_slice %arg6[%dma_start3A] : memref<4096xi32, #tpu.memory_space<vmem>> -> memref<256xi32, #tpu.memory_space<vmem>>
        %dma_start3A_211 = arith.constant 0 : i32
        %dma_start3A_212 = tpu.memref_slice %arg3[%add3A_63, %dma_start3A_211] : memref<4096x256xi32, #tpu.memory_space<hbm>> -> memref<1x256xi32, #tpu.memory_space<hbm>>
        %dma_start3A_213 = tpu.memref_squeeze %dma_start3A_212 : memref<1x256xi32, #tpu.memory_space<hbm>> -> memref<256xi32, #tpu.memory_space<hbm>>
        %dma_start3A_214 = arith.constant 3072 : i32
        %dma_start3A_215 = tpu.memref_slice %arg6[%dma_start3A_214] : memref<4096xi32, #tpu.memory_space<vmem>> -> memref<256xi32, #tpu.memory_space<vmem>>
        %dma_start3A_216 = arith.constant 0 : i32
        %dma_start3A_217 = tpu.memref_slice %arg3[%add3A_63, %dma_start3A_216] : memref<4096x256xi32, #tpu.memory_space<hbm>> -> memref<1x256xi32, #tpu.memory_space<hbm>>
        %dma_start3A_218 = tpu.memref_squeeze %dma_start3A_217 : memref<1x256xi32, #tpu.memory_space<hbm>> -> memref<256xi32, #tpu.memory_space<hbm>>
        tpu.enqueue_dma source(%dma_start3A_218 : memref<256xi32, #tpu.memory_space<hbm>>) target(%dma_start3A_215 : memref<256xi32, #tpu.memory_space<vmem>>) target_semaphore(%run_scoped3A : memref<!tpu.dma_semaphore, #tpu.memory_space<semaphore_mem>>)
        %dma_wait3A = arith.constant 3072 : i32
        %dma_wait3A_219 = tpu.memref_slice %arg6[%dma_wait3A] : memref<4096xi32, #tpu.memory_space<vmem>> -> memref<256xi32, #tpu.memory_space<vmem>>
        %dma_wait3A_220 = arith.constant 0 : i32
        %dma_wait3A_221 = tpu.memref_slice %arg3[%add3A_63, %dma_wait3A_220] : memref<4096x256xi32, #tpu.memory_space<hbm>> -> memref<1x256xi32, #tpu.memory_space<hbm>>
        %dma_wait3A_222 = tpu.memref_squeeze %dma_wait3A_221 : memref<1x256xi32, #tpu.memory_space<hbm>> -> memref<256xi32, #tpu.memory_space<hbm>>
        %dma_wait3A_223 = arith.constant 3072 : i32
        %dma_wait3A_224 = tpu.memref_slice %arg6[%dma_wait3A_223] : memref<4096xi32, #tpu.memory_space<vmem>> -> memref<256xi32, #tpu.memory_space<vmem>>
        %dma_wait3A_225 = arith.constant 0 : i32
        %dma_wait3A_226 = tpu.memref_slice %arg3[%add3A_63, %dma_wait3A_225] : memref<4096x256xi32, #tpu.memory_space<hbm>> -> memref<1x256xi32, #tpu.memory_space<hbm>>
        %dma_wait3A_227 = tpu.memref_squeeze %dma_wait3A_226 : memref<1x256xi32, #tpu.memory_space<hbm>> -> memref<256xi32, #tpu.memory_space<hbm>>
        tpu.wait_dma2 semaphore(%run_scoped3A : memref<!tpu.dma_semaphore, #tpu.memory_space<semaphore_mem>>) src(%dma_wait3A_227 : memref<256xi32, #tpu.memory_space<hbm>>) dst(%dma_wait3A_224 : memref<256xi32, #tpu.memory_space<vmem>>)
        tpu.yield
      }) : () -> ()
      %add3A_64 = arith.constant 13 : i32
      %add3A_65 = arith.addi %add3A_11, %add3A_64 : i32
      "tpu.region"() ({
        %run_scoped3A = tpu.sem_alloc : memref<!tpu.dma_semaphore, #tpu.memory_space<semaphore_mem>>
        %dma_start3A = arith.constant 3328 : i32
        %dma_start3A_210 = tpu.memref_slice %arg5[%dma_start3A] : memref<4096xf32, #tpu.memory_space<vmem>> -> memref<256xf32, #tpu.memory_space<vmem>>
        %dma_start3A_211 = arith.constant 0 : i32
        %dma_start3A_212 = tpu.memref_slice %arg2[%add3A_65, %dma_start3A_211] : memref<4096x256xf32, #tpu.memory_space<hbm>> -> memref<1x256xf32, #tpu.memory_space<hbm>>
        %dma_start3A_213 = tpu.memref_squeeze %dma_start3A_212 : memref<1x256xf32, #tpu.memory_space<hbm>> -> memref<256xf32, #tpu.memory_space<hbm>>
        %dma_start3A_214 = arith.constant 3328 : i32
        %dma_start3A_215 = tpu.memref_slice %arg5[%dma_start3A_214] : memref<4096xf32, #tpu.memory_space<vmem>> -> memref<256xf32, #tpu.memory_space<vmem>>
        %dma_start3A_216 = arith.constant 0 : i32
        %dma_start3A_217 = tpu.memref_slice %arg2[%add3A_65, %dma_start3A_216] : memref<4096x256xf32, #tpu.memory_space<hbm>> -> memref<1x256xf32, #tpu.memory_space<hbm>>
        %dma_start3A_218 = tpu.memref_squeeze %dma_start3A_217 : memref<1x256xf32, #tpu.memory_space<hbm>> -> memref<256xf32, #tpu.memory_space<hbm>>
        tpu.enqueue_dma source(%dma_start3A_218 : memref<256xf32, #tpu.memory_space<hbm>>) target(%dma_start3A_215 : memref<256xf32, #tpu.memory_space<vmem>>) target_semaphore(%run_scoped3A : memref<!tpu.dma_semaphore, #tpu.memory_space<semaphore_mem>>)
        %dma_wait3A = arith.constant 3328 : i32
        %dma_wait3A_219 = tpu.memref_slice %arg5[%dma_wait3A] : memref<4096xf32, #tpu.memory_space<vmem>> -> memref<256xf32, #tpu.memory_space<vmem>>
        %dma_wait3A_220 = arith.constant 0 : i32
        %dma_wait3A_221 = tpu.memref_slice %arg2[%add3A_65, %dma_wait3A_220] : memref<4096x256xf32, #tpu.memory_space<hbm>> -> memref<1x256xf32, #tpu.memory_space<hbm>>
        %dma_wait3A_222 = tpu.memref_squeeze %dma_wait3A_221 : memref<1x256xf32, #tpu.memory_space<hbm>> -> memref<256xf32, #tpu.memory_space<hbm>>
        %dma_wait3A_223 = arith.constant 3328 : i32
        %dma_wait3A_224 = tpu.memref_slice %arg5[%dma_wait3A_223] : memref<4096xf32, #tpu.memory_space<vmem>> -> memref<256xf32, #tpu.memory_space<vmem>>
        %dma_wait3A_225 = arith.constant 0 : i32
        %dma_wait3A_226 = tpu.memref_slice %arg2[%add3A_65, %dma_wait3A_225] : memref<4096x256xf32, #tpu.memory_space<hbm>> -> memref<1x256xf32, #tpu.memory_space<hbm>>
        %dma_wait3A_227 = tpu.memref_squeeze %dma_wait3A_226 : memref<1x256xf32, #tpu.memory_space<hbm>> -> memref<256xf32, #tpu.memory_space<hbm>>
        tpu.wait_dma2 semaphore(%run_scoped3A : memref<!tpu.dma_semaphore, #tpu.memory_space<semaphore_mem>>) src(%dma_wait3A_227 : memref<256xf32, #tpu.memory_space<hbm>>) dst(%dma_wait3A_224 : memref<256xf32, #tpu.memory_space<vmem>>)
        tpu.yield
      }) : () -> ()
      %add3A_66 = arith.constant 13 : i32
      %add3A_67 = arith.addi %add3A_11, %add3A_66 : i32
      "tpu.region"() ({
        %run_scoped3A = tpu.sem_alloc : memref<!tpu.dma_semaphore, #tpu.memory_space<semaphore_mem>>
        %dma_start3A = arith.constant 3328 : i32
        %dma_start3A_210 = tpu.memref_slice %arg6[%dma_start3A] : memref<4096xi32, #tpu.memory_space<vmem>> -> memref<256xi32, #tpu.memory_space<vmem>>
        %dma_start3A_211 = arith.constant 0 : i32
        %dma_start3A_212 = tpu.memref_slice %arg3[%add3A_67, %dma_start3A_211] : memref<4096x256xi32, #tpu.memory_space<hbm>> -> memref<1x256xi32, #tpu.memory_space<hbm>>
        %dma_start3A_213 = tpu.memref_squeeze %dma_start3A_212 : memref<1x256xi32, #tpu.memory_space<hbm>> -> memref<256xi32, #tpu.memory_space<hbm>>
        %dma_start3A_214 = arith.constant 3328 : i32
        %dma_start3A_215 = tpu.memref_slice %arg6[%dma_start3A_214] : memref<4096xi32, #tpu.memory_space<vmem>> -> memref<256xi32, #tpu.memory_space<vmem>>
        %dma_start3A_216 = arith.constant 0 : i32
        %dma_start3A_217 = tpu.memref_slice %arg3[%add3A_67, %dma_start3A_216] : memref<4096x256xi32, #tpu.memory_space<hbm>> -> memref<1x256xi32, #tpu.memory_space<hbm>>
        %dma_start3A_218 = tpu.memref_squeeze %dma_start3A_217 : memref<1x256xi32, #tpu.memory_space<hbm>> -> memref<256xi32, #tpu.memory_space<hbm>>
        tpu.enqueue_dma source(%dma_start3A_218 : memref<256xi32, #tpu.memory_space<hbm>>) target(%dma_start3A_215 : memref<256xi32, #tpu.memory_space<vmem>>) target_semaphore(%run_scoped3A : memref<!tpu.dma_semaphore, #tpu.memory_space<semaphore_mem>>)
        %dma_wait3A = arith.constant 3328 : i32
        %dma_wait3A_219 = tpu.memref_slice %arg6[%dma_wait3A] : memref<4096xi32, #tpu.memory_space<vmem>> -> memref<256xi32, #tpu.memory_space<vmem>>
        %dma_wait3A_220 = arith.constant 0 : i32
        %dma_wait3A_221 = tpu.memref_slice %arg3[%add3A_67, %dma_wait3A_220] : memref<4096x256xi32, #tpu.memory_space<hbm>> -> memref<1x256xi32, #tpu.memory_space<hbm>>
        %dma_wait3A_222 = tpu.memref_squeeze %dma_wait3A_221 : memref<1x256xi32, #tpu.memory_space<hbm>> -> memref<256xi32, #tpu.memory_space<hbm>>
        %dma_wait3A_223 = arith.constant 3328 : i32
        %dma_wait3A_224 = tpu.memref_slice %arg6[%dma_wait3A_223] : memref<4096xi32, #tpu.memory_space<vmem>> -> memref<256xi32, #tpu.memory_space<vmem>>
        %dma_wait3A_225 = arith.constant 0 : i32
        %dma_wait3A_226 = tpu.memref_slice %arg3[%add3A_67, %dma_wait3A_225] : memref<4096x256xi32, #tpu.memory_space<hbm>> -> memref<1x256xi32, #tpu.memory_space<hbm>>
        %dma_wait3A_227 = tpu.memref_squeeze %dma_wait3A_226 : memref<1x256xi32, #tpu.memory_space<hbm>> -> memref<256xi32, #tpu.memory_space<hbm>>
        tpu.wait_dma2 semaphore(%run_scoped3A : memref<!tpu.dma_semaphore, #tpu.memory_space<semaphore_mem>>) src(%dma_wait3A_227 : memref<256xi32, #tpu.memory_space<hbm>>) dst(%dma_wait3A_224 : memref<256xi32, #tpu.memory_space<vmem>>)
        tpu.yield
      }) : () -> ()
      %add3A_68 = arith.constant 14 : i32
      %add3A_69 = arith.addi %add3A_11, %add3A_68 : i32
      "tpu.region"() ({
        %run_scoped3A = tpu.sem_alloc : memref<!tpu.dma_semaphore, #tpu.memory_space<semaphore_mem>>
        %dma_start3A = arith.constant 3584 : i32
        %dma_start3A_210 = tpu.memref_slice %arg5[%dma_start3A] : memref<4096xf32, #tpu.memory_space<vmem>> -> memref<256xf32, #tpu.memory_space<vmem>>
        %dma_start3A_211 = arith.constant 0 : i32
        %dma_start3A_212 = tpu.memref_slice %arg2[%add3A_69, %dma_start3A_211] : memref<4096x256xf32, #tpu.memory_space<hbm>> -> memref<1x256xf32, #tpu.memory_space<hbm>>
        %dma_start3A_213 = tpu.memref_squeeze %dma_start3A_212 : memref<1x256xf32, #tpu.memory_space<hbm>> -> memref<256xf32, #tpu.memory_space<hbm>>
        %dma_start3A_214 = arith.constant 3584 : i32
        %dma_start3A_215 = tpu.memref_slice %arg5[%dma_start3A_214] : memref<4096xf32, #tpu.memory_space<vmem>> -> memref<256xf32, #tpu.memory_space<vmem>>
        %dma_start3A_216 = arith.constant 0 : i32
        %dma_start3A_217 = tpu.memref_slice %arg2[%add3A_69, %dma_start3A_216] : memref<4096x256xf32, #tpu.memory_space<hbm>> -> memref<1x256xf32, #tpu.memory_space<hbm>>
        %dma_start3A_218 = tpu.memref_squeeze %dma_start3A_217 : memref<1x256xf32, #tpu.memory_space<hbm>> -> memref<256xf32, #tpu.memory_space<hbm>>
        tpu.enqueue_dma source(%dma_start3A_218 : memref<256xf32, #tpu.memory_space<hbm>>) target(%dma_start3A_215 : memref<256xf32, #tpu.memory_space<vmem>>) target_semaphore(%run_scoped3A : memref<!tpu.dma_semaphore, #tpu.memory_space<semaphore_mem>>)
        %dma_wait3A = arith.constant 3584 : i32
        %dma_wait3A_219 = tpu.memref_slice %arg5[%dma_wait3A] : memref<4096xf32, #tpu.memory_space<vmem>> -> memref<256xf32, #tpu.memory_space<vmem>>
        %dma_wait3A_220 = arith.constant 0 : i32
        %dma_wait3A_221 = tpu.memref_slice %arg2[%add3A_69, %dma_wait3A_220] : memref<4096x256xf32, #tpu.memory_space<hbm>> -> memref<1x256xf32, #tpu.memory_space<hbm>>
        %dma_wait3A_222 = tpu.memref_squeeze %dma_wait3A_221 : memref<1x256xf32, #tpu.memory_space<hbm>> -> memref<256xf32, #tpu.memory_space<hbm>>
        %dma_wait3A_223 = arith.constant 3584 : i32
        %dma_wait3A_224 = tpu.memref_slice %arg5[%dma_wait3A_223] : memref<4096xf32, #tpu.memory_space<vmem>> -> memref<256xf32, #tpu.memory_space<vmem>>
        %dma_wait3A_225 = arith.constant 0 : i32
        %dma_wait3A_226 = tpu.memref_slice %arg2[%add3A_69, %dma_wait3A_225] : memref<4096x256xf32, #tpu.memory_space<hbm>> -> memref<1x256xf32, #tpu.memory_space<hbm>>
        %dma_wait3A_227 = tpu.memref_squeeze %dma_wait3A_226 : memref<1x256xf32, #tpu.memory_space<hbm>> -> memref<256xf32, #tpu.memory_space<hbm>>
        tpu.wait_dma2 semaphore(%run_scoped3A : memref<!tpu.dma_semaphore, #tpu.memory_space<semaphore_mem>>) src(%dma_wait3A_227 : memref<256xf32, #tpu.memory_space<hbm>>) dst(%dma_wait3A_224 : memref<256xf32, #tpu.memory_space<vmem>>)
        tpu.yield
      }) : () -> ()
      %add3A_70 = arith.constant 14 : i32
      %add3A_71 = arith.addi %add3A_11, %add3A_70 : i32
      "tpu.region"() ({
        %run_scoped3A = tpu.sem_alloc : memref<!tpu.dma_semaphore, #tpu.memory_space<semaphore_mem>>
        %dma_start3A = arith.constant 3584 : i32
        %dma_start3A_210 = tpu.memref_slice %arg6[%dma_start3A] : memref<4096xi32, #tpu.memory_space<vmem>> -> memref<256xi32, #tpu.memory_space<vmem>>
        %dma_start3A_211 = arith.constant 0 : i32
        %dma_start3A_212 = tpu.memref_slice %arg3[%add3A_71, %dma_start3A_211] : memref<4096x256xi32, #tpu.memory_space<hbm>> -> memref<1x256xi32, #tpu.memory_space<hbm>>
        %dma_start3A_213 = tpu.memref_squeeze %dma_start3A_212 : memref<1x256xi32, #tpu.memory_space<hbm>> -> memref<256xi32, #tpu.memory_space<hbm>>
        %dma_start3A_214 = arith.constant 3584 : i32
        %dma_start3A_215 = tpu.memref_slice %arg6[%dma_start3A_214] : memref<4096xi32, #tpu.memory_space<vmem>> -> memref<256xi32, #tpu.memory_space<vmem>>
        %dma_start3A_216 = arith.constant 0 : i32
        %dma_start3A_217 = tpu.memref_slice %arg3[%add3A_71, %dma_start3A_216] : memref<4096x256xi32, #tpu.memory_space<hbm>> -> memref<1x256xi32, #tpu.memory_space<hbm>>
        %dma_start3A_218 = tpu.memref_squeeze %dma_start3A_217 : memref<1x256xi32, #tpu.memory_space<hbm>> -> memref<256xi32, #tpu.memory_space<hbm>>
        tpu.enqueue_dma source(%dma_start3A_218 : memref<256xi32, #tpu.memory_space<hbm>>) target(%dma_start3A_215 : memref<256xi32, #tpu.memory_space<vmem>>) target_semaphore(%run_scoped3A : memref<!tpu.dma_semaphore, #tpu.memory_space<semaphore_mem>>)
        %dma_wait3A = arith.constant 3584 : i32
        %dma_wait3A_219 = tpu.memref_slice %arg6[%dma_wait3A] : memref<4096xi32, #tpu.memory_space<vmem>> -> memref<256xi32, #tpu.memory_space<vmem>>
        %dma_wait3A_220 = arith.constant 0 : i32
        %dma_wait3A_221 = tpu.memref_slice %arg3[%add3A_71, %dma_wait3A_220] : memref<4096x256xi32, #tpu.memory_space<hbm>> -> memref<1x256xi32, #tpu.memory_space<hbm>>
        %dma_wait3A_222 = tpu.memref_squeeze %dma_wait3A_221 : memref<1x256xi32, #tpu.memory_space<hbm>> -> memref<256xi32, #tpu.memory_space<hbm>>
        %dma_wait3A_223 = arith.constant 3584 : i32
        %dma_wait3A_224 = tpu.memref_slice %arg6[%dma_wait3A_223] : memref<4096xi32, #tpu.memory_space<vmem>> -> memref<256xi32, #tpu.memory_space<vmem>>
        %dma_wait3A_225 = arith.constant 0 : i32
        %dma_wait3A_226 = tpu.memref_slice %arg3[%add3A_71, %dma_wait3A_225] : memref<4096x256xi32, #tpu.memory_space<hbm>> -> memref<1x256xi32, #tpu.memory_space<hbm>>
        %dma_wait3A_227 = tpu.memref_squeeze %dma_wait3A_226 : memref<1x256xi32, #tpu.memory_space<hbm>> -> memref<256xi32, #tpu.memory_space<hbm>>
        tpu.wait_dma2 semaphore(%run_scoped3A : memref<!tpu.dma_semaphore, #tpu.memory_space<semaphore_mem>>) src(%dma_wait3A_227 : memref<256xi32, #tpu.memory_space<hbm>>) dst(%dma_wait3A_224 : memref<256xi32, #tpu.memory_space<vmem>>)
        tpu.yield
      }) : () -> ()
      %add3A_72 = arith.constant 15 : i32
      %add3A_73 = arith.addi %add3A_11, %add3A_72 : i32
      "tpu.region"() ({
        %run_scoped3A = tpu.sem_alloc : memref<!tpu.dma_semaphore, #tpu.memory_space<semaphore_mem>>
        %dma_start3A = arith.constant 3840 : i32
        %dma_start3A_210 = tpu.memref_slice %arg5[%dma_start3A] : memref<4096xf32, #tpu.memory_space<vmem>> -> memref<256xf32, #tpu.memory_space<vmem>>
        %dma_start3A_211 = arith.constant 0 : i32
        %dma_start3A_212 = tpu.memref_slice %arg2[%add3A_73, %dma_start3A_211] : memref<4096x256xf32, #tpu.memory_space<hbm>> -> memref<1x256xf32, #tpu.memory_space<hbm>>
        %dma_start3A_213 = tpu.memref_squeeze %dma_start3A_212 : memref<1x256xf32, #tpu.memory_space<hbm>> -> memref<256xf32, #tpu.memory_space<hbm>>
        %dma_start3A_214 = arith.constant 3840 : i32
        %dma_start3A_215 = tpu.memref_slice %arg5[%dma_start3A_214] : memref<4096xf32, #tpu.memory_space<vmem>> -> memref<256xf32, #tpu.memory_space<vmem>>
        %dma_start3A_216 = arith.constant 0 : i32
        %dma_start3A_217 = tpu.memref_slice %arg2[%add3A_73, %dma_start3A_216] : memref<4096x256xf32, #tpu.memory_space<hbm>> -> memref<1x256xf32, #tpu.memory_space<hbm>>
        %dma_start3A_218 = tpu.memref_squeeze %dma_start3A_217 : memref<1x256xf32, #tpu.memory_space<hbm>> -> memref<256xf32, #tpu.memory_space<hbm>>
        tpu.enqueue_dma source(%dma_start3A_218 : memref<256xf32, #tpu.memory_space<hbm>>) target(%dma_start3A_215 : memref<256xf32, #tpu.memory_space<vmem>>) target_semaphore(%run_scoped3A : memref<!tpu.dma_semaphore, #tpu.memory_space<semaphore_mem>>)
        %dma_wait3A = arith.constant 3840 : i32
        %dma_wait3A_219 = tpu.memref_slice %arg5[%dma_wait3A] : memref<4096xf32, #tpu.memory_space<vmem>> -> memref<256xf32, #tpu.memory_space<vmem>>
        %dma_wait3A_220 = arith.constant 0 : i32
        %dma_wait3A_221 = tpu.memref_slice %arg2[%add3A_73, %dma_wait3A_220] : memref<4096x256xf32, #tpu.memory_space<hbm>> -> memref<1x256xf32, #tpu.memory_space<hbm>>
        %dma_wait3A_222 = tpu.memref_squeeze %dma_wait3A_221 : memref<1x256xf32, #tpu.memory_space<hbm>> -> memref<256xf32, #tpu.memory_space<hbm>>
        %dma_wait3A_223 = arith.constant 3840 : i32
        %dma_wait3A_224 = tpu.memref_slice %arg5[%dma_wait3A_223] : memref<4096xf32, #tpu.memory_space<vmem>> -> memref<256xf32, #tpu.memory_space<vmem>>
        %dma_wait3A_225 = arith.constant 0 : i32
        %dma_wait3A_226 = tpu.memref_slice %arg2[%add3A_73, %dma_wait3A_225] : memref<4096x256xf32, #tpu.memory_space<hbm>> -> memref<1x256xf32, #tpu.memory_space<hbm>>
        %dma_wait3A_227 = tpu.memref_squeeze %dma_wait3A_226 : memref<1x256xf32, #tpu.memory_space<hbm>> -> memref<256xf32, #tpu.memory_space<hbm>>
        tpu.wait_dma2 semaphore(%run_scoped3A : memref<!tpu.dma_semaphore, #tpu.memory_space<semaphore_mem>>) src(%dma_wait3A_227 : memref<256xf32, #tpu.memory_space<hbm>>) dst(%dma_wait3A_224 : memref<256xf32, #tpu.memory_space<vmem>>)
        tpu.yield
      }) : () -> ()
      %add3A_74 = arith.constant 15 : i32
      %add3A_75 = arith.addi %add3A_11, %add3A_74 : i32
      "tpu.region"() ({
        %run_scoped3A = tpu.sem_alloc : memref<!tpu.dma_semaphore, #tpu.memory_space<semaphore_mem>>
        %dma_start3A = arith.constant 3840 : i32
        %dma_start3A_210 = tpu.memref_slice %arg6[%dma_start3A] : memref<4096xi32, #tpu.memory_space<vmem>> -> memref<256xi32, #tpu.memory_space<vmem>>
        %dma_start3A_211 = arith.constant 0 : i32
        %dma_start3A_212 = tpu.memref_slice %arg3[%add3A_75, %dma_start3A_211] : memref<4096x256xi32, #tpu.memory_space<hbm>> -> memref<1x256xi32, #tpu.memory_space<hbm>>
        %dma_start3A_213 = tpu.memref_squeeze %dma_start3A_212 : memref<1x256xi32, #tpu.memory_space<hbm>> -> memref<256xi32, #tpu.memory_space<hbm>>
        %dma_start3A_214 = arith.constant 3840 : i32
        %dma_start3A_215 = tpu.memref_slice %arg6[%dma_start3A_214] : memref<4096xi32, #tpu.memory_space<vmem>> -> memref<256xi32, #tpu.memory_space<vmem>>
        %dma_start3A_216 = arith.constant 0 : i32
        %dma_start3A_217 = tpu.memref_slice %arg3[%add3A_75, %dma_start3A_216] : memref<4096x256xi32, #tpu.memory_space<hbm>> -> memref<1x256xi32, #tpu.memory_space<hbm>>
        %dma_start3A_218 = tpu.memref_squeeze %dma_start3A_217 : memref<1x256xi32, #tpu.memory_space<hbm>> -> memref<256xi32, #tpu.memory_space<hbm>>
        tpu.enqueue_dma source(%dma_start3A_218 : memref<256xi32, #tpu.memory_space<hbm>>) target(%dma_start3A_215 : memref<256xi32, #tpu.memory_space<vmem>>) target_semaphore(%run_scoped3A : memref<!tpu.dma_semaphore, #tpu.memory_space<semaphore_mem>>)
        %dma_wait3A = arith.constant 3840 : i32
        %dma_wait3A_219 = tpu.memref_slice %arg6[%dma_wait3A] : memref<4096xi32, #tpu.memory_space<vmem>> -> memref<256xi32, #tpu.memory_space<vmem>>
        %dma_wait3A_220 = arith.constant 0 : i32
        %dma_wait3A_221 = tpu.memref_slice %arg3[%add3A_75, %dma_wait3A_220] : memref<4096x256xi32, #tpu.memory_space<hbm>> -> memref<1x256xi32, #tpu.memory_space<hbm>>
        %dma_wait3A_222 = tpu.memref_squeeze %dma_wait3A_221 : memref<1x256xi32, #tpu.memory_space<hbm>> -> memref<256xi32, #tpu.memory_space<hbm>>
        %dma_wait3A_223 = arith.constant 3840 : i32
        %dma_wait3A_224 = tpu.memref_slice %arg6[%dma_wait3A_223] : memref<4096xi32, #tpu.memory_space<vmem>> -> memref<256xi32, #tpu.memory_space<vmem>>
        %dma_wait3A_225 = arith.constant 0 : i32
        %dma_wait3A_226 = tpu.memref_slice %arg3[%add3A_75, %dma_wait3A_225] : memref<4096x256xi32, #tpu.memory_space<hbm>> -> memref<1x256xi32, #tpu.memory_space<hbm>>
        %dma_wait3A_227 = tpu.memref_squeeze %dma_wait3A_226 : memref<1x256xi32, #tpu.memory_space<hbm>> -> memref<256xi32, #tpu.memory_space<hbm>>
        tpu.wait_dma2 semaphore(%run_scoped3A : memref<!tpu.dma_semaphore, #tpu.memory_space<semaphore_mem>>) src(%dma_wait3A_227 : memref<256xi32, #tpu.memory_space<hbm>>) dst(%dma_wait3A_224 : memref<256xi32, #tpu.memory_space<vmem>>)
        tpu.yield
      }) : () -> ()
      %scan3A_76 = arith.constant 0 : i32
      %scan3A_77 = arith.constant 0 : i32
      %scan3A_78 = arith.constant 64 : i32
      %scan3A_79 = arith.addi %scan3A_77, %scan3A_78 : i32
      %scan3A_80 = arith.constant 1 : i32
      scf.for %scan3A_210 = %scan3A_77 to %scan3A_79 step %scan3A_80  : i32 {
        %broadcast_in_dim3A = arith.constant 0.000000e+00 : f32
        %broadcast_in_dim3A_211 = vector.broadcast %broadcast_in_dim3A : f32 to vector<16xf32>
        %mul3A_212 = arith.constant 4 : i32
        %mul3A_213 = arith.muli %scan3A_210, %mul3A_212 : i32
        %add3A_214 = arith.constant 0 : i32
        %add3A_215 = arith.addi %mul3A_213, %add3A_214 : i32
        %mul3A_216 = arith.constant 16 : i32
        %mul3A_217 = arith.muli %add3A_215, %mul3A_216 : i32
        %swap3A = arith.index_cast %mul3A_217 : i32 to index
        %swap3A_218 = tpu.vector_load %arg7[%swap3A] {strides = array<i32>} : memref<4096xf32, #tpu.memory_space<vmem>>, vector<16xf32>,
        tpu.vector_store %arg7[%swap3A], %broadcast_in_dim3A_211 {strides = array<i32>} : memref<4096xf32, #tpu.memory_space<vmem>>, vector<16xf32>,
        %broadcast_in_dim3A_219 = arith.constant 0.000000e+00 : f32
        %broadcast_in_dim3A_220 = vector.broadcast %broadcast_in_dim3A_219 : f32 to vector<16xf32>
        %mul3A_221 = arith.constant 4 : i32
        %mul3A_222 = arith.muli %scan3A_210, %mul3A_221 : i32
        %add3A_223 = arith.constant 1 : i32
        %add3A_224 = arith.addi %mul3A_222, %add3A_223 : i32
        %mul3A_225 = arith.constant 16 : i32
        %mul3A_226 = arith.muli %add3A_224, %mul3A_225 : i32
        %swap3A_227 = arith.index_cast %mul3A_226 : i32 to index
        %swap3A_228 = tpu.vector_load %arg7[%swap3A_227] {strides = array<i32>} : memref<4096xf32, #tpu.memory_space<vmem>>, vector<16xf32>,
        tpu.vector_store %arg7[%swap3A_227], %broadcast_in_dim3A_220 {strides = array<i32>} : memref<4096xf32, #tpu.memory_space<vmem>>, vector<16xf32>,
        %broadcast_in_dim3A_229 = arith.constant 0.000000e+00 : f32
        %broadcast_in_dim3A_230 = vector.broadcast %broadcast_in_dim3A_229 : f32 to vector<16xf32>
        %mul3A_231 = arith.constant 4 : i32
        %mul3A_232 = arith.muli %scan3A_210, %mul3A_231 : i32
        %add3A_233 = arith.constant 2 : i32
        %add3A_234 = arith.addi %mul3A_232, %add3A_233 : i32
        %mul3A_235 = arith.constant 16 : i32
        %mul3A_236 = arith.muli %add3A_234, %mul3A_235 : i32
        %swap3A_237 = arith.index_cast %mul3A_236 : i32 to index
        %swap3A_238 = tpu.vector_load %arg7[%swap3A_237] {strides = array<i32>} : memref<4096xf32, #tpu.memory_space<vmem>>, vector<16xf32>,
        tpu.vector_store %arg7[%swap3A_237], %broadcast_in_dim3A_230 {strides = array<i32>} : memref<4096xf32, #tpu.memory_space<vmem>>, vector<16xf32>,
        %broadcast_in_dim3A_239 = arith.constant 0.000000e+00 : f32
        %broadcast_in_dim3A_240 = vector.broadcast %broadcast_in_dim3A_239 : f32 to vector<16xf32>
        %mul3A_241 = arith.constant 4 : i32
        %mul3A_242 = arith.muli %scan3A_210, %mul3A_241 : i32
        %add3A_243 = arith.constant 3 : i32
        %add3A_244 = arith.addi %mul3A_242, %add3A_243 : i32
        %mul3A_245 = arith.constant 16 : i32
        %mul3A_246 = arith.muli %add3A_244, %mul3A_245 : i32
        %swap3A_247 = arith.index_cast %mul3A_246 : i32 to index
        %swap3A_248 = tpu.vector_load %arg7[%swap3A_247] {strides = array<i32>} : memref<4096xf32, #tpu.memory_space<vmem>>, vector<16xf32>,
        tpu.vector_store %arg7[%swap3A_247], %broadcast_in_dim3A_240 {strides = array<i32>} : memref<4096xf32, #tpu.memory_space<vmem>>, vector<16xf32>,
      }
      %scan3A_81 = arith.constant 64 : i32
      %scan3A_82 = arith.constant 0 : i32
      %scan3A_83 = arith.constant 0 : i32
      %scan3A_84 = arith.constant 4 : i32
      %scan3A_85 = arith.addi %scan3A_83, %scan3A_84 : i32
      %scan3A_86 = arith.constant 1 : i32
      scf.for %scan3A_210 = %scan3A_83 to %scan3A_85 step %scan3A_86  : i32 {
        %mul3A_211 = arith.constant 4 : i32
        %mul3A_212 = arith.muli %scan3A_210, %mul3A_211 : i32
        %add3A_213 = arith.constant 0 : i32
        %add3A_214 = arith.addi %mul3A_212, %add3A_213 : i32
        %mul3A_215 = arith.constant 16 : i32
        %mul3A_216 = arith.muli %add3A_214, %mul3A_215 : i32
        %add3A_217 = arith.constant 0 : i32
        %add3A_218 = arith.addi %add3A_217, %mul3A_216 : i32
        %get3A = arith.index_cast %add3A_218 : i32 to index
        %get3A_219 = tpu.vector_load %arg6[%get3A] {strides = array<i32>} : memref<4096xi32, #tpu.memory_space<vmem>>, vector<16xi32>,
        %add3A_220 = arith.constant 0 : i32
        %add3A_221 = vector.broadcast %add3A_220 : i32 to vector<16xi32>
        %add3A_222 = arith.addi %get3A_219, %add3A_221 : vector<16xi32>
        %get3A_223 = arith.index_cast %add3A_218 : i32 to index
        %get3A_224 = tpu.vector_load %arg5[%get3A_223] {strides = array<i32>} : memref<4096xf32, #tpu.memory_space<vmem>>, vector<16xf32>,
        tpu.vector_store_idx %arg7[%add3A_222], %get3A_224 {add = true} : memref<4096xf32, #tpu.memory_space<vmem>>[vector<16xi32>], vector<16xf32>,
        %mul3A_225 = arith.constant 4 : i32
        %mul3A_226 = arith.muli %scan3A_210, %mul3A_225 : i32
        %add3A_227 = arith.constant 1 : i32
        %add3A_228 = arith.addi %mul3A_226, %add3A_227 : i32
        %mul3A_229 = arith.constant 16 : i32
        %mul3A_230 = arith.muli %add3A_228, %mul3A_229 : i32
        %add3A_231 = arith.constant 0 : i32
        %add3A_232 = arith.addi %add3A_231, %mul3A_230 : i32
        %get3A_233 = arith.index_cast %add3A_232 : i32 to index
        %get3A_234 = tpu.vector_load %arg6[%get3A_233] {strides = array<i32>} : memref<4096xi32, #tpu.memory_space<vmem>>, vector<16xi32>,
        %add3A_235 = arith.constant 0 : i32
        %add3A_236 = vector.broadcast %add3A_235 : i32 to vector<16xi32>
        %add3A_237 = arith.addi %get3A_234, %add3A_236 : vector<16xi32>
        %get3A_238 = arith.index_cast %add3A_232 : i32 to index
        %get3A_239 = tpu.vector_load %arg5[%get3A_238] {strides = array<i32>} : memref<4096xf32, #tpu.memory_space<vmem>>, vector<16xf32>,
        tpu.vector_store_idx %arg7[%add3A_237], %get3A_239 {add = true} : memref<4096xf32, #tpu.memory_space<vmem>>[vector<16xi32>], vector<16xf32>,
        %mul3A_240 = arith.constant 4 : i32
        %mul3A_241 = arith.muli %scan3A_210, %mul3A_240 : i32
        %add3A_242 = arith.constant 2 : i32
        %add3A_243 = arith.addi %mul3A_241, %add3A_242 : i32
        %mul3A_244 = arith.constant 16 : i32
        %mul3A_245 = arith.muli %add3A_243, %mul3A_244 : i32
        %add3A_246 = arith.constant 0 : i32
        %add3A_247 = arith.addi %add3A_246, %mul3A_245 : i32
        %get3A_248 = arith.index_cast %add3A_247 : i32 to index
        %get3A_249 = tpu.vector_load %arg6[%get3A_248] {strides = array<i32>} : memref<4096xi32, #tpu.memory_space<vmem>>, vector<16xi32>,
        %add3A_250 = arith.constant 0 : i32
        %add3A_251 = vector.broadcast %add3A_250 : i32 to vector<16xi32>
        %add3A_252 = arith.addi %get3A_249, %add3A_251 : vector<16xi32>
        %get3A_253 = arith.index_cast %add3A_247 : i32 to index
        %get3A_254 = tpu.vector_load %arg5[%get3A_253] {strides = array<i32>} : memref<4096xf32, #tpu.memory_space<vmem>>, vector<16xf32>,
        tpu.vector_store_idx %arg7[%add3A_252], %get3A_254 {add = true} : memref<4096xf32, #tpu.memory_space<vmem>>[vector<16xi32>], vector<16xf32>,
        %mul3A_255 = arith.constant 4 : i32
        %mul3A_256 = arith.muli %scan3A_210, %mul3A_255 : i32
        %add3A_257 = arith.constant 3 : i32
        %add3A_258 = arith.addi %mul3A_256, %add3A_257 : i32
        %mul3A_259 = arith.constant 16 : i32
        %mul3A_260 = arith.muli %add3A_258, %mul3A_259 : i32
        %add3A_261 = arith.constant 0 : i32
        %add3A_262 = arith.addi %add3A_261, %mul3A_260 : i32
        %get3A_263 = arith.index_cast %add3A_262 : i32 to index
        %get3A_264 = tpu.vector_load %arg6[%get3A_263] {strides = array<i32>} : memref<4096xi32, #tpu.memory_space<vmem>>, vector<16xi32>,
        %add3A_265 = arith.constant 0 : i32
        %add3A_266 = vector.broadcast %add3A_265 : i32 to vector<16xi32>
        %add3A_267 = arith.addi %get3A_264, %add3A_266 : vector<16xi32>
        %get3A_268 = arith.index_cast %add3A_262 : i32 to index
        %get3A_269 = tpu.vector_load %arg5[%get3A_268] {strides = array<i32>} : memref<4096xf32, #tpu.memory_space<vmem>>, vector<16xf32>,
        tpu.vector_store_idx %arg7[%add3A_267], %get3A_269 {add = true} : memref<4096xf32, #tpu.memory_space<vmem>>[vector<16xi32>], vector<16xf32>,
      }
      %scan3A_87 = arith.constant 4 : i32
      %scan3A_88 = arith.constant 0 : i32
      %scan3A_89 = arith.constant 0 : i32
      %scan3A_90 = arith.constant 4 : i32
      %scan3A_91 = arith.addi %scan3A_89, %scan3A_90 : i32
      %scan3A_92 = arith.constant 1 : i32
      scf.for %scan3A_210 = %scan3A_89 to %scan3A_91 step %scan3A_92  : i32 {
        %mul3A_211 = arith.constant 4 : i32
        %mul3A_212 = arith.muli %scan3A_210, %mul3A_211 : i32
        %add3A_213 = arith.constant 0 : i32
        %add3A_214 = arith.addi %mul3A_212, %add3A_213 : i32
        %mul3A_215 = arith.constant 16 : i32
        %mul3A_216 = arith.muli %add3A_214, %mul3A_215 : i32
        %add3A_217 = arith.constant 256 : i32
        %add3A_218 = arith.addi %add3A_217, %mul3A_216 : i32
        %get3A = arith.index_cast %add3A_218 : i32 to index
        %get3A_219 = tpu.vector_load %arg6[%get3A] {strides = array<i32>} : memref<4096xi32, #tpu.memory_space<vmem>>, vector<16xi32>,
        %add3A_220 = arith.constant 256 : i32
        %add3A_221 = vector.broadcast %add3A_220 : i32 to vector<16xi32>
        %add3A_222 = arith.addi %get3A_219, %add3A_221 : vector<16xi32>
        %get3A_223 = arith.index_cast %add3A_218 : i32 to index
        %get3A_224 = tpu.vector_load %arg5[%get3A_223] {strides = array<i32>} : memref<4096xf32, #tpu.memory_space<vmem>>, vector<16xf32>,
        tpu.vector_store_idx %arg7[%add3A_222], %get3A_224 {add = true} : memref<4096xf32, #tpu.memory_space<vmem>>[vector<16xi32>], vector<16xf32>,
        %mul3A_225 = arith.constant 4 : i32
        %mul3A_226 = arith.muli %scan3A_210, %mul3A_225 : i32
        %add3A_227 = arith.constant 1 : i32
        %add3A_228 = arith.addi %mul3A_226, %add3A_227 : i32
        %mul3A_229 = arith.constant 16 : i32
        %mul3A_230 = arith.muli %add3A_228, %mul3A_229 : i32
        %add3A_231 = arith.constant 256 : i32
        %add3A_232 = arith.addi %add3A_231, %mul3A_230 : i32
        %get3A_233 = arith.index_cast %add3A_232 : i32 to index
        %get3A_234 = tpu.vector_load %arg6[%get3A_233] {strides = array<i32>} : memref<4096xi32, #tpu.memory_space<vmem>>, vector<16xi32>,
        %add3A_235 = arith.constant 256 : i32
        %add3A_236 = vector.broadcast %add3A_235 : i32 to vector<16xi32>
        %add3A_237 = arith.addi %get3A_234, %add3A_236 : vector<16xi32>
        %get3A_238 = arith.index_cast %add3A_232 : i32 to index
        %get3A_239 = tpu.vector_load %arg5[%get3A_238] {strides = array<i32>} : memref<4096xf32, #tpu.memory_space<vmem>>, vector<16xf32>,
        tpu.vector_store_idx %arg7[%add3A_237], %get3A_239 {add = true} : memref<4096xf32, #tpu.memory_space<vmem>>[vector<16xi32>], vector<16xf32>,
        %mul3A_240 = arith.constant 4 : i32
        %mul3A_241 = arith.muli %scan3A_210, %mul3A_240 : i32
        %add3A_242 = arith.constant 2 : i32
        %add3A_243 = arith.addi %mul3A_241, %add3A_242 : i32
        %mul3A_244 = arith.constant 16 : i32
        %mul3A_245 = arith.muli %add3A_243, %mul3A_244 : i32
        %add3A_246 = arith.constant 256 : i32
        %add3A_247 = arith.addi %add3A_246, %mul3A_245 : i32
        %get3A_248 = arith.index_cast %add3A_247 : i32 to index
        %get3A_249 = tpu.vector_load %arg6[%get3A_248] {strides = array<i32>} : memref<4096xi32, #tpu.memory_space<vmem>>, vector<16xi32>,
        %add3A_250 = arith.constant 256 : i32
        %add3A_251 = vector.broadcast %add3A_250 : i32 to vector<16xi32>
        %add3A_252 = arith.addi %get3A_249, %add3A_251 : vector<16xi32>
        %get3A_253 = arith.index_cast %add3A_247 : i32 to index
        %get3A_254 = tpu.vector_load %arg5[%get3A_253] {strides = array<i32>} : memref<4096xf32, #tpu.memory_space<vmem>>, vector<16xf32>,
        tpu.vector_store_idx %arg7[%add3A_252], %get3A_254 {add = true} : memref<4096xf32, #tpu.memory_space<vmem>>[vector<16xi32>], vector<16xf32>,
        %mul3A_255 = arith.constant 4 : i32
        %mul3A_256 = arith.muli %scan3A_210, %mul3A_255 : i32
        %add3A_257 = arith.constant 3 : i32
        %add3A_258 = arith.addi %mul3A_256, %add3A_257 : i32
        %mul3A_259 = arith.constant 16 : i32
        %mul3A_260 = arith.muli %add3A_258, %mul3A_259 : i32
        %add3A_261 = arith.constant 256 : i32
        %add3A_262 = arith.addi %add3A_261, %mul3A_260 : i32
        %get3A_263 = arith.index_cast %add3A_262 : i32 to index
        %get3A_264 = tpu.vector_load %arg6[%get3A_263] {strides = array<i32>} : memref<4096xi32, #tpu.memory_space<vmem>>, vector<16xi32>,
        %add3A_265 = arith.constant 256 : i32
        %add3A_266 = vector.broadcast %add3A_265 : i32 to vector<16xi32>
        %add3A_267 = arith.addi %get3A_264, %add3A_266 : vector<16xi32>
        %get3A_268 = arith.index_cast %add3A_262 : i32 to index
        %get3A_269 = tpu.vector_load %arg5[%get3A_268] {strides = array<i32>} : memref<4096xf32, #tpu.memory_space<vmem>>, vector<16xf32>,
        tpu.vector_store_idx %arg7[%add3A_267], %get3A_269 {add = true} : memref<4096xf32, #tpu.memory_space<vmem>>[vector<16xi32>], vector<16xf32>,
      }
      %scan3A_93 = arith.constant 4 : i32
      %scan3A_94 = arith.constant 0 : i32
      %scan3A_95 = arith.constant 0 : i32
      %scan3A_96 = arith.constant 4 : i32
      %scan3A_97 = arith.addi %scan3A_95, %scan3A_96 : i32
      %scan3A_98 = arith.constant 1 : i32
      scf.for %scan3A_210 = %scan3A_95 to %scan3A_97 step %scan3A_98  : i32 {
        %mul3A_211 = arith.constant 4 : i32
        %mul3A_212 = arith.muli %scan3A_210, %mul3A_211 : i32
        %add3A_213 = arith.constant 0 : i32
        %add3A_214 = arith.addi %mul3A_212, %add3A_213 : i32
        %mul3A_215 = arith.constant 16 : i32
        %mul3A_216 = arith.muli %add3A_214, %mul3A_215 : i32
        %add3A_217 = arith.constant 512 : i32
        %add3A_218 = arith.addi %add3A_217, %mul3A_216 : i32
        %get3A = arith.index_cast %add3A_218 : i32 to index
        %get3A_219 = tpu.vector_load %arg6[%get3A] {strides = array<i32>} : memref<4096xi32, #tpu.memory_space<vmem>>, vector<16xi32>,
        %add3A_220 = arith.constant 512 : i32
        %add3A_221 = vector.broadcast %add3A_220 : i32 to vector<16xi32>
        %add3A_222 = arith.addi %get3A_219, %add3A_221 : vector<16xi32>
        %get3A_223 = arith.index_cast %add3A_218 : i32 to index
        %get3A_224 = tpu.vector_load %arg5[%get3A_223] {strides = array<i32>} : memref<4096xf32, #tpu.memory_space<vmem>>, vector<16xf32>,
        tpu.vector_store_idx %arg7[%add3A_222], %get3A_224 {add = true} : memref<4096xf32, #tpu.memory_space<vmem>>[vector<16xi32>], vector<16xf32>,
        %mul3A_225 = arith.constant 4 : i32
        %mul3A_226 = arith.muli %scan3A_210, %mul3A_225 : i32
        %add3A_227 = arith.constant 1 : i32
        %add3A_228 = arith.addi %mul3A_226, %add3A_227 : i32
        %mul3A_229 = arith.constant 16 : i32
        %mul3A_230 = arith.muli %add3A_228, %mul3A_229 : i32
        %add3A_231 = arith.constant 512 : i32
        %add3A_232 = arith.addi %add3A_231, %mul3A_230 : i32
        %get3A_233 = arith.index_cast %add3A_232 : i32 to index
        %get3A_234 = tpu.vector_load %arg6[%get3A_233] {strides = array<i32>} : memref<4096xi32, #tpu.memory_space<vmem>>, vector<16xi32>,
        %add3A_235 = arith.constant 512 : i32
        %add3A_236 = vector.broadcast %add3A_235 : i32 to vector<16xi32>
        %add3A_237 = arith.addi %get3A_234, %add3A_236 : vector<16xi32>
        %get3A_238 = arith.index_cast %add3A_232 : i32 to index
        %get3A_239 = tpu.vector_load %arg5[%get3A_238] {strides = array<i32>} : memref<4096xf32, #tpu.memory_space<vmem>>, vector<16xf32>,
        tpu.vector_store_idx %arg7[%add3A_237], %get3A_239 {add = true} : memref<4096xf32, #tpu.memory_space<vmem>>[vector<16xi32>], vector<16xf32>,
        %mul3A_240 = arith.constant 4 : i32
        %mul3A_241 = arith.muli %scan3A_210, %mul3A_240 : i32
        %add3A_242 = arith.constant 2 : i32
        %add3A_243 = arith.addi %mul3A_241, %add3A_242 : i32
        %mul3A_244 = arith.constant 16 : i32
        %mul3A_245 = arith.muli %add3A_243, %mul3A_244 : i32
        %add3A_246 = arith.constant 512 : i32
        %add3A_247 = arith.addi %add3A_246, %mul3A_245 : i32
        %get3A_248 = arith.index_cast %add3A_247 : i32 to index
        %get3A_249 = tpu.vector_load %arg6[%get3A_248] {strides = array<i32>} : memref<4096xi32, #tpu.memory_space<vmem>>, vector<16xi32>,
        %add3A_250 = arith.constant 512 : i32
        %add3A_251 = vector.broadcast %add3A_250 : i32 to vector<16xi32>
        %add3A_252 = arith.addi %get3A_249, %add3A_251 : vector<16xi32>
        %get3A_253 = arith.index_cast %add3A_247 : i32 to index
        %get3A_254 = tpu.vector_load %arg5[%get3A_253] {strides = array<i32>} : memref<4096xf32, #tpu.memory_space<vmem>>, vector<16xf32>,
        tpu.vector_store_idx %arg7[%add3A_252], %get3A_254 {add = true} : memref<4096xf32, #tpu.memory_space<vmem>>[vector<16xi32>], vector<16xf32>,
        %mul3A_255 = arith.constant 4 : i32
        %mul3A_256 = arith.muli %scan3A_210, %mul3A_255 : i32
        %add3A_257 = arith.constant 3 : i32
        %add3A_258 = arith.addi %mul3A_256, %add3A_257 : i32
        %mul3A_259 = arith.constant 16 : i32
        %mul3A_260 = arith.muli %add3A_258, %mul3A_259 : i32
        %add3A_261 = arith.constant 512 : i32
        %add3A_262 = arith.addi %add3A_261, %mul3A_260 : i32
        %get3A_263 = arith.index_cast %add3A_262 : i32 to index
        %get3A_264 = tpu.vector_load %arg6[%get3A_263] {strides = array<i32>} : memref<4096xi32, #tpu.memory_space<vmem>>, vector<16xi32>,
        %add3A_265 = arith.constant 512 : i32
        %add3A_266 = vector.broadcast %add3A_265 : i32 to vector<16xi32>
        %add3A_267 = arith.addi %get3A_264, %add3A_266 : vector<16xi32>
        %get3A_268 = arith.index_cast %add3A_262 : i32 to index
        %get3A_269 = tpu.vector_load %arg5[%get3A_268] {strides = array<i32>} : memref<4096xf32, #tpu.memory_space<vmem>>, vector<16xf32>,
        tpu.vector_store_idx %arg7[%add3A_267], %get3A_269 {add = true} : memref<4096xf32, #tpu.memory_space<vmem>>[vector<16xi32>], vector<16xf32>,
      }
      %scan3A_99 = arith.constant 4 : i32
      %scan3A_100 = arith.constant 0 : i32
      %scan3A_101 = arith.constant 0 : i32
      %scan3A_102 = arith.constant 4 : i32
      %scan3A_103 = arith.addi %scan3A_101, %scan3A_102 : i32
      %scan3A_104 = arith.constant 1 : i32
      scf.for %scan3A_210 = %scan3A_101 to %scan3A_103 step %scan3A_104  : i32 {
        %mul3A_211 = arith.constant 4 : i32
        %mul3A_212 = arith.muli %scan3A_210, %mul3A_211 : i32
        %add3A_213 = arith.constant 0 : i32
        %add3A_214 = arith.addi %mul3A_212, %add3A_213 : i32
        %mul3A_215 = arith.constant 16 : i32
        %mul3A_216 = arith.muli %add3A_214, %mul3A_215 : i32
        %add3A_217 = arith.constant 768 : i32
        %add3A_218 = arith.addi %add3A_217, %mul3A_216 : i32
        %get3A = arith.index_cast %add3A_218 : i32 to index
        %get3A_219 = tpu.vector_load %arg6[%get3A] {strides = array<i32>} : memref<4096xi32, #tpu.memory_space<vmem>>, vector<16xi32>,
        %add3A_220 = arith.constant 768 : i32
        %add3A_221 = vector.broadcast %add3A_220 : i32 to vector<16xi32>
        %add3A_222 = arith.addi %get3A_219, %add3A_221 : vector<16xi32>
        %get3A_223 = arith.index_cast %add3A_218 : i32 to index
        %get3A_224 = tpu.vector_load %arg5[%get3A_223] {strides = array<i32>} : memref<4096xf32, #tpu.memory_space<vmem>>, vector<16xf32>,
        tpu.vector_store_idx %arg7[%add3A_222], %get3A_224 {add = true} : memref<4096xf32, #tpu.memory_space<vmem>>[vector<16xi32>], vector<16xf32>,
        %mul3A_225 = arith.constant 4 : i32
        %mul3A_226 = arith.muli %scan3A_210, %mul3A_225 : i32
        %add3A_227 = arith.constant 1 : i32
        %add3A_228 = arith.addi %mul3A_226, %add3A_227 : i32
        %mul3A_229 = arith.constant 16 : i32
        %mul3A_230 = arith.muli %add3A_228, %mul3A_229 : i32
        %add3A_231 = arith.constant 768 : i32
        %add3A_232 = arith.addi %add3A_231, %mul3A_230 : i32
        %get3A_233 = arith.index_cast %add3A_232 : i32 to index
        %get3A_234 = tpu.vector_load %arg6[%get3A_233] {strides = array<i32>} : memref<4096xi32, #tpu.memory_space<vmem>>, vector<16xi32>,
        %add3A_235 = arith.constant 768 : i32
        %add3A_236 = vector.broadcast %add3A_235 : i32 to vector<16xi32>
        %add3A_237 = arith.addi %get3A_234, %add3A_236 : vector<16xi32>
        %get3A_238 = arith.index_cast %add3A_232 : i32 to index
        %get3A_239 = tpu.vector_load %arg5[%get3A_238] {strides = array<i32>} : memref<4096xf32, #tpu.memory_space<vmem>>, vector<16xf32>,
        tpu.vector_store_idx %arg7[%add3A_237], %get3A_239 {add = true} : memref<4096xf32, #tpu.memory_space<vmem>>[vector<16xi32>], vector<16xf32>,
        %mul3A_240 = arith.constant 4 : i32
        %mul3A_241 = arith.muli %scan3A_210, %mul3A_240 : i32
        %add3A_242 = arith.constant 2 : i32
        %add3A_243 = arith.addi %mul3A_241, %add3A_242 : i32
        %mul3A_244 = arith.constant 16 : i32
        %mul3A_245 = arith.muli %add3A_243, %mul3A_244 : i32
        %add3A_246 = arith.constant 768 : i32
        %add3A_247 = arith.addi %add3A_246, %mul3A_245 : i32
        %get3A_248 = arith.index_cast %add3A_247 : i32 to index
        %get3A_249 = tpu.vector_load %arg6[%get3A_248] {strides = array<i32>} : memref<4096xi32, #tpu.memory_space<vmem>>, vector<16xi32>,
        %add3A_250 = arith.constant 768 : i32
        %add3A_251 = vector.broadcast %add3A_250 : i32 to vector<16xi32>
        %add3A_252 = arith.addi %get3A_249, %add3A_251 : vector<16xi32>
        %get3A_253 = arith.index_cast %add3A_247 : i32 to index
        %get3A_254 = tpu.vector_load %arg5[%get3A_253] {strides = array<i32>} : memref<4096xf32, #tpu.memory_space<vmem>>, vector<16xf32>,
        tpu.vector_store_idx %arg7[%add3A_252], %get3A_254 {add = true} : memref<4096xf32, #tpu.memory_space<vmem>>[vector<16xi32>], vector<16xf32>,
        %mul3A_255 = arith.constant 4 : i32
        %mul3A_256 = arith.muli %scan3A_210, %mul3A_255 : i32
        %add3A_257 = arith.constant 3 : i32
        %add3A_258 = arith.addi %mul3A_256, %add3A_257 : i32
        %mul3A_259 = arith.constant 16 : i32
        %mul3A_260 = arith.muli %add3A_258, %mul3A_259 : i32
        %add3A_261 = arith.constant 768 : i32
        %add3A_262 = arith.addi %add3A_261, %mul3A_260 : i32
        %get3A_263 = arith.index_cast %add3A_262 : i32 to index
        %get3A_264 = tpu.vector_load %arg6[%get3A_263] {strides = array<i32>} : memref<4096xi32, #tpu.memory_space<vmem>>, vector<16xi32>,
        %add3A_265 = arith.constant 768 : i32
        %add3A_266 = vector.broadcast %add3A_265 : i32 to vector<16xi32>
        %add3A_267 = arith.addi %get3A_264, %add3A_266 : vector<16xi32>
        %get3A_268 = arith.index_cast %add3A_262 : i32 to index
        %get3A_269 = tpu.vector_load %arg5[%get3A_268] {strides = array<i32>} : memref<4096xf32, #tpu.memory_space<vmem>>, vector<16xf32>,
        tpu.vector_store_idx %arg7[%add3A_267], %get3A_269 {add = true} : memref<4096xf32, #tpu.memory_space<vmem>>[vector<16xi32>], vector<16xf32>,
      }
      %scan3A_105 = arith.constant 4 : i32
      %scan3A_106 = arith.constant 0 : i32
      %scan3A_107 = arith.constant 0 : i32
      %scan3A_108 = arith.constant 4 : i32
      %scan3A_109 = arith.addi %scan3A_107, %scan3A_108 : i32
      %scan3A_110 = arith.constant 1 : i32
      scf.for %scan3A_210 = %scan3A_107 to %scan3A_109 step %scan3A_110  : i32 {
        %mul3A_211 = arith.constant 4 : i32
        %mul3A_212 = arith.muli %scan3A_210, %mul3A_211 : i32
        %add3A_213 = arith.constant 0 : i32
        %add3A_214 = arith.addi %mul3A_212, %add3A_213 : i32
        %mul3A_215 = arith.constant 16 : i32
        %mul3A_216 = arith.muli %add3A_214, %mul3A_215 : i32
        %add3A_217 = arith.constant 1024 : i32
        %add3A_218 = arith.addi %add3A_217, %mul3A_216 : i32
        %get3A = arith.index_cast %add3A_218 : i32 to index
        %get3A_219 = tpu.vector_load %arg6[%get3A] {strides = array<i32>} : memref<4096xi32, #tpu.memory_space<vmem>>, vector<16xi32>,
        %add3A_220 = arith.constant 1024 : i32
        %add3A_221 = vector.broadcast %add3A_220 : i32 to vector<16xi32>
        %add3A_222 = arith.addi %get3A_219, %add3A_221 : vector<16xi32>
        %get3A_223 = arith.index_cast %add3A_218 : i32 to index
        %get3A_224 = tpu.vector_load %arg5[%get3A_223] {strides = array<i32>} : memref<4096xf32, #tpu.memory_space<vmem>>, vector<16xf32>,
        tpu.vector_store_idx %arg7[%add3A_222], %get3A_224 {add = true} : memref<4096xf32, #tpu.memory_space<vmem>>[vector<16xi32>], vector<16xf32>,
        %mul3A_225 = arith.constant 4 : i32
        %mul3A_226 = arith.muli %scan3A_210, %mul3A_225 : i32
        %add3A_227 = arith.constant 1 : i32
        %add3A_228 = arith.addi %mul3A_226, %add3A_227 : i32
        %mul3A_229 = arith.constant 16 : i32
        %mul3A_230 = arith.muli %add3A_228, %mul3A_229 : i32
        %add3A_231 = arith.constant 1024 : i32
        %add3A_232 = arith.addi %add3A_231, %mul3A_230 : i32
        %get3A_233 = arith.index_cast %add3A_232 : i32 to index
        %get3A_234 = tpu.vector_load %arg6[%get3A_233] {strides = array<i32>} : memref<4096xi32, #tpu.memory_space<vmem>>, vector<16xi32>,
        %add3A_235 = arith.constant 1024 : i32
        %add3A_236 = vector.broadcast %add3A_235 : i32 to vector<16xi32>
        %add3A_237 = arith.addi %get3A_234, %add3A_236 : vector<16xi32>
        %get3A_238 = arith.index_cast %add3A_232 : i32 to index
        %get3A_239 = tpu.vector_load %arg5[%get3A_238] {strides = array<i32>} : memref<4096xf32, #tpu.memory_space<vmem>>, vector<16xf32>,
        tpu.vector_store_idx %arg7[%add3A_237], %get3A_239 {add = true} : memref<4096xf32, #tpu.memory_space<vmem>>[vector<16xi32>], vector<16xf32>,
        %mul3A_240 = arith.constant 4 : i32
        %mul3A_241 = arith.muli %scan3A_210, %mul3A_240 : i32
        %add3A_242 = arith.constant 2 : i32
        %add3A_243 = arith.addi %mul3A_241, %add3A_242 : i32
        %mul3A_244 = arith.constant 16 : i32
        %mul3A_245 = arith.muli %add3A_243, %mul3A_244 : i32
        %add3A_246 = arith.constant 1024 : i32
        %add3A_247 = arith.addi %add3A_246, %mul3A_245 : i32
        %get3A_248 = arith.index_cast %add3A_247 : i32 to index
        %get3A_249 = tpu.vector_load %arg6[%get3A_248] {strides = array<i32>} : memref<4096xi32, #tpu.memory_space<vmem>>, vector<16xi32>,
        %add3A_250 = arith.constant 1024 : i32
        %add3A_251 = vector.broadcast %add3A_250 : i32 to vector<16xi32>
        %add3A_252 = arith.addi %get3A_249, %add3A_251 : vector<16xi32>
        %get3A_253 = arith.index_cast %add3A_247 : i32 to index
        %get3A_254 = tpu.vector_load %arg5[%get3A_253] {strides = array<i32>} : memref<4096xf32, #tpu.memory_space<vmem>>, vector<16xf32>,
        tpu.vector_store_idx %arg7[%add3A_252], %get3A_254 {add = true} : memref<4096xf32, #tpu.memory_space<vmem>>[vector<16xi32>], vector<16xf32>,
        %mul3A_255 = arith.constant 4 : i32
        %mul3A_256 = arith.muli %scan3A_210, %mul3A_255 : i32
        %add3A_257 = arith.constant 3 : i32
        %add3A_258 = arith.addi %mul3A_256, %add3A_257 : i32
        %mul3A_259 = arith.constant 16 : i32
        %mul3A_260 = arith.muli %add3A_258, %mul3A_259 : i32
        %add3A_261 = arith.constant 1024 : i32
        %add3A_262 = arith.addi %add3A_261, %mul3A_260 : i32
        %get3A_263 = arith.index_cast %add3A_262 : i32 to index
        %get3A_264 = tpu.vector_load %arg6[%get3A_263] {strides = array<i32>} : memref<4096xi32, #tpu.memory_space<vmem>>, vector<16xi32>,
        %add3A_265 = arith.constant 1024 : i32
        %add3A_266 = vector.broadcast %add3A_265 : i32 to vector<16xi32>
        %add3A_267 = arith.addi %get3A_264, %add3A_266 : vector<16xi32>
        %get3A_268 = arith.index_cast %add3A_262 : i32 to index
        %get3A_269 = tpu.vector_load %arg5[%get3A_268] {strides = array<i32>} : memref<4096xf32, #tpu.memory_space<vmem>>, vector<16xf32>,
        tpu.vector_store_idx %arg7[%add3A_267], %get3A_269 {add = true} : memref<4096xf32, #tpu.memory_space<vmem>>[vector<16xi32>], vector<16xf32>,
      }
      %scan3A_111 = arith.constant 4 : i32
      %scan3A_112 = arith.constant 0 : i32
      %scan3A_113 = arith.constant 0 : i32
      %scan3A_114 = arith.constant 4 : i32
      %scan3A_115 = arith.addi %scan3A_113, %scan3A_114 : i32
      %scan3A_116 = arith.constant 1 : i32
      scf.for %scan3A_210 = %scan3A_113 to %scan3A_115 step %scan3A_116  : i32 {
        %mul3A_211 = arith.constant 4 : i32
        %mul3A_212 = arith.muli %scan3A_210, %mul3A_211 : i32
        %add3A_213 = arith.constant 0 : i32
        %add3A_214 = arith.addi %mul3A_212, %add3A_213 : i32
        %mul3A_215 = arith.constant 16 : i32
        %mul3A_216 = arith.muli %add3A_214, %mul3A_215 : i32
        %add3A_217 = arith.constant 1280 : i32
        %add3A_218 = arith.addi %add3A_217, %mul3A_216 : i32
        %get3A = arith.index_cast %add3A_218 : i32 to index
        %get3A_219 = tpu.vector_load %arg6[%get3A] {strides = array<i32>} : memref<4096xi32, #tpu.memory_space<vmem>>, vector<16xi32>,
        %add3A_220 = arith.constant 1280 : i32
        %add3A_221 = vector.broadcast %add3A_220 : i32 to vector<16xi32>
        %add3A_222 = arith.addi %get3A_219, %add3A_221 : vector<16xi32>
        %get3A_223 = arith.index_cast %add3A_218 : i32 to index
        %get3A_224 = tpu.vector_load %arg5[%get3A_223] {strides = array<i32>} : memref<4096xf32, #tpu.memory_space<vmem>>, vector<16xf32>,
        tpu.vector_store_idx %arg7[%add3A_222], %get3A_224 {add = true} : memref<4096xf32, #tpu.memory_space<vmem>>[vector<16xi32>], vector<16xf32>,
        %mul3A_225 = arith.constant 4 : i32
        %mul3A_226 = arith.muli %scan3A_210, %mul3A_225 : i32
        %add3A_227 = arith.constant 1 : i32
        %add3A_228 = arith.addi %mul3A_226, %add3A_227 : i32
        %mul3A_229 = arith.constant 16 : i32
        %mul3A_230 = arith.muli %add3A_228, %mul3A_229 : i32
        %add3A_231 = arith.constant 1280 : i32
        %add3A_232 = arith.addi %add3A_231, %mul3A_230 : i32
        %get3A_233 = arith.index_cast %add3A_232 : i32 to index
        %get3A_234 = tpu.vector_load %arg6[%get3A_233] {strides = array<i32>} : memref<4096xi32, #tpu.memory_space<vmem>>, vector<16xi32>,
        %add3A_235 = arith.constant 1280 : i32
        %add3A_236 = vector.broadcast %add3A_235 : i32 to vector<16xi32>
        %add3A_237 = arith.addi %get3A_234, %add3A_236 : vector<16xi32>
        %get3A_238 = arith.index_cast %add3A_232 : i32 to index
        %get3A_239 = tpu.vector_load %arg5[%get3A_238] {strides = array<i32>} : memref<4096xf32, #tpu.memory_space<vmem>>, vector<16xf32>,
        tpu.vector_store_idx %arg7[%add3A_237], %get3A_239 {add = true} : memref<4096xf32, #tpu.memory_space<vmem>>[vector<16xi32>], vector<16xf32>,
        %mul3A_240 = arith.constant 4 : i32
        %mul3A_241 = arith.muli %scan3A_210, %mul3A_240 : i32
        %add3A_242 = arith.constant 2 : i32
        %add3A_243 = arith.addi %mul3A_241, %add3A_242 : i32
        %mul3A_244 = arith.constant 16 : i32
        %mul3A_245 = arith.muli %add3A_243, %mul3A_244 : i32
        %add3A_246 = arith.constant 1280 : i32
        %add3A_247 = arith.addi %add3A_246, %mul3A_245 : i32
        %get3A_248 = arith.index_cast %add3A_247 : i32 to index
        %get3A_249 = tpu.vector_load %arg6[%get3A_248] {strides = array<i32>} : memref<4096xi32, #tpu.memory_space<vmem>>, vector<16xi32>,
        %add3A_250 = arith.constant 1280 : i32
        %add3A_251 = vector.broadcast %add3A_250 : i32 to vector<16xi32>
        %add3A_252 = arith.addi %get3A_249, %add3A_251 : vector<16xi32>
        %get3A_253 = arith.index_cast %add3A_247 : i32 to index
        %get3A_254 = tpu.vector_load %arg5[%get3A_253] {strides = array<i32>} : memref<4096xf32, #tpu.memory_space<vmem>>, vector<16xf32>,
        tpu.vector_store_idx %arg7[%add3A_252], %get3A_254 {add = true} : memref<4096xf32, #tpu.memory_space<vmem>>[vector<16xi32>], vector<16xf32>,
        %mul3A_255 = arith.constant 4 : i32
        %mul3A_256 = arith.muli %scan3A_210, %mul3A_255 : i32
        %add3A_257 = arith.constant 3 : i32
        %add3A_258 = arith.addi %mul3A_256, %add3A_257 : i32
        %mul3A_259 = arith.constant 16 : i32
        %mul3A_260 = arith.muli %add3A_258, %mul3A_259 : i32
        %add3A_261 = arith.constant 1280 : i32
        %add3A_262 = arith.addi %add3A_261, %mul3A_260 : i32
        %get3A_263 = arith.index_cast %add3A_262 : i32 to index
        %get3A_264 = tpu.vector_load %arg6[%get3A_263] {strides = array<i32>} : memref<4096xi32, #tpu.memory_space<vmem>>, vector<16xi32>,
        %add3A_265 = arith.constant 1280 : i32
        %add3A_266 = vector.broadcast %add3A_265 : i32 to vector<16xi32>
        %add3A_267 = arith.addi %get3A_264, %add3A_266 : vector<16xi32>
        %get3A_268 = arith.index_cast %add3A_262 : i32 to index
        %get3A_269 = tpu.vector_load %arg5[%get3A_268] {strides = array<i32>} : memref<4096xf32, #tpu.memory_space<vmem>>, vector<16xf32>,
        tpu.vector_store_idx %arg7[%add3A_267], %get3A_269 {add = true} : memref<4096xf32, #tpu.memory_space<vmem>>[vector<16xi32>], vector<16xf32>,
      }
      %scan3A_117 = arith.constant 4 : i32
      %scan3A_118 = arith.constant 0 : i32
      %scan3A_119 = arith.constant 0 : i32
      %scan3A_120 = arith.constant 4 : i32
      %scan3A_121 = arith.addi %scan3A_119, %scan3A_120 : i32
      %scan3A_122 = arith.constant 1 : i32
      scf.for %scan3A_210 = %scan3A_119 to %scan3A_121 step %scan3A_122  : i32 {
        %mul3A_211 = arith.constant 4 : i32
        %mul3A_212 = arith.muli %scan3A_210, %mul3A_211 : i32
        %add3A_213 = arith.constant 0 : i32
        %add3A_214 = arith.addi %mul3A_212, %add3A_213 : i32
        %mul3A_215 = arith.constant 16 : i32
        %mul3A_216 = arith.muli %add3A_214, %mul3A_215 : i32
        %add3A_217 = arith.constant 1536 : i32
        %add3A_218 = arith.addi %add3A_217, %mul3A_216 : i32
        %get3A = arith.index_cast %add3A_218 : i32 to index
        %get3A_219 = tpu.vector_load %arg6[%get3A] {strides = array<i32>} : memref<4096xi32, #tpu.memory_space<vmem>>, vector<16xi32>,
        %add3A_220 = arith.constant 1536 : i32
        %add3A_221 = vector.broadcast %add3A_220 : i32 to vector<16xi32>
        %add3A_222 = arith.addi %get3A_219, %add3A_221 : vector<16xi32>
        %get3A_223 = arith.index_cast %add3A_218 : i32 to index
        %get3A_224 = tpu.vector_load %arg5[%get3A_223] {strides = array<i32>} : memref<4096xf32, #tpu.memory_space<vmem>>, vector<16xf32>,
        tpu.vector_store_idx %arg7[%add3A_222], %get3A_224 {add = true} : memref<4096xf32, #tpu.memory_space<vmem>>[vector<16xi32>], vector<16xf32>,
        %mul3A_225 = arith.constant 4 : i32
        %mul3A_226 = arith.muli %scan3A_210, %mul3A_225 : i32
        %add3A_227 = arith.constant 1 : i32
        %add3A_228 = arith.addi %mul3A_226, %add3A_227 : i32
        %mul3A_229 = arith.constant 16 : i32
        %mul3A_230 = arith.muli %add3A_228, %mul3A_229 : i32
        %add3A_231 = arith.constant 1536 : i32
        %add3A_232 = arith.addi %add3A_231, %mul3A_230 : i32
        %get3A_233 = arith.index_cast %add3A_232 : i32 to index
        %get3A_234 = tpu.vector_load %arg6[%get3A_233] {strides = array<i32>} : memref<4096xi32, #tpu.memory_space<vmem>>, vector<16xi32>,
        %add3A_235 = arith.constant 1536 : i32
        %add3A_236 = vector.broadcast %add3A_235 : i32 to vector<16xi32>
        %add3A_237 = arith.addi %get3A_234, %add3A_236 : vector<16xi32>
        %get3A_238 = arith.index_cast %add3A_232 : i32 to index
        %get3A_239 = tpu.vector_load %arg5[%get3A_238] {strides = array<i32>} : memref<4096xf32, #tpu.memory_space<vmem>>, vector<16xf32>,
        tpu.vector_store_idx %arg7[%add3A_237], %get3A_239 {add = true} : memref<4096xf32, #tpu.memory_space<vmem>>[vector<16xi32>], vector<16xf32>,
        %mul3A_240 = arith.constant 4 : i32
        %mul3A_241 = arith.muli %scan3A_210, %mul3A_240 : i32
        %add3A_242 = arith.constant 2 : i32
        %add3A_243 = arith.addi %mul3A_241, %add3A_242 : i32
        %mul3A_244 = arith.constant 16 : i32
        %mul3A_245 = arith.muli %add3A_243, %mul3A_244 : i32
        %add3A_246 = arith.constant 1536 : i32
        %add3A_247 = arith.addi %add3A_246, %mul3A_245 : i32
        %get3A_248 = arith.index_cast %add3A_247 : i32 to index
        %get3A_249 = tpu.vector_load %arg6[%get3A_248] {strides = array<i32>} : memref<4096xi32, #tpu.memory_space<vmem>>, vector<16xi32>,
        %add3A_250 = arith.constant 1536 : i32
        %add3A_251 = vector.broadcast %add3A_250 : i32 to vector<16xi32>
        %add3A_252 = arith.addi %get3A_249, %add3A_251 : vector<16xi32>
        %get3A_253 = arith.index_cast %add3A_247 : i32 to index
        %get3A_254 = tpu.vector_load %arg5[%get3A_253] {strides = array<i32>} : memref<4096xf32, #tpu.memory_space<vmem>>, vector<16xf32>,
        tpu.vector_store_idx %arg7[%add3A_252], %get3A_254 {add = true} : memref<4096xf32, #tpu.memory_space<vmem>>[vector<16xi32>], vector<16xf32>,
        %mul3A_255 = arith.constant 4 : i32
        %mul3A_256 = arith.muli %scan3A_210, %mul3A_255 : i32
        %add3A_257 = arith.constant 3 : i32
        %add3A_258 = arith.addi %mul3A_256, %add3A_257 : i32
        %mul3A_259 = arith.constant 16 : i32
        %mul3A_260 = arith.muli %add3A_258, %mul3A_259 : i32
        %add3A_261 = arith.constant 1536 : i32
        %add3A_262 = arith.addi %add3A_261, %mul3A_260 : i32
        %get3A_263 = arith.index_cast %add3A_262 : i32 to index
        %get3A_264 = tpu.vector_load %arg6[%get3A_263] {strides = array<i32>} : memref<4096xi32, #tpu.memory_space<vmem>>, vector<16xi32>,
        %add3A_265 = arith.constant 1536 : i32
        %add3A_266 = vector.broadcast %add3A_265 : i32 to vector<16xi32>
        %add3A_267 = arith.addi %get3A_264, %add3A_266 : vector<16xi32>
        %get3A_268 = arith.index_cast %add3A_262 : i32 to index
        %get3A_269 = tpu.vector_load %arg5[%get3A_268] {strides = array<i32>} : memref<4096xf32, #tpu.memory_space<vmem>>, vector<16xf32>,
        tpu.vector_store_idx %arg7[%add3A_267], %get3A_269 {add = true} : memref<4096xf32, #tpu.memory_space<vmem>>[vector<16xi32>], vector<16xf32>,
      }
      %scan3A_123 = arith.constant 4 : i32
      %scan3A_124 = arith.constant 0 : i32
      %scan3A_125 = arith.constant 0 : i32
      %scan3A_126 = arith.constant 4 : i32
      %scan3A_127 = arith.addi %scan3A_125, %scan3A_126 : i32
      %scan3A_128 = arith.constant 1 : i32
      scf.for %scan3A_210 = %scan3A_125 to %scan3A_127 step %scan3A_128  : i32 {
        %mul3A_211 = arith.constant 4 : i32
        %mul3A_212 = arith.muli %scan3A_210, %mul3A_211 : i32
        %add3A_213 = arith.constant 0 : i32
        %add3A_214 = arith.addi %mul3A_212, %add3A_213 : i32
        %mul3A_215 = arith.constant 16 : i32
        %mul3A_216 = arith.muli %add3A_214, %mul3A_215 : i32
        %add3A_217 = arith.constant 1792 : i32
        %add3A_218 = arith.addi %add3A_217, %mul3A_216 : i32
        %get3A = arith.index_cast %add3A_218 : i32 to index
        %get3A_219 = tpu.vector_load %arg6[%get3A] {strides = array<i32>} : memref<4096xi32, #tpu.memory_space<vmem>>, vector<16xi32>,
        %add3A_220 = arith.constant 1792 : i32
        %add3A_221 = vector.broadcast %add3A_220 : i32 to vector<16xi32>
        %add3A_222 = arith.addi %get3A_219, %add3A_221 : vector<16xi32>
        %get3A_223 = arith.index_cast %add3A_218 : i32 to index
        %get3A_224 = tpu.vector_load %arg5[%get3A_223] {strides = array<i32>} : memref<4096xf32, #tpu.memory_space<vmem>>, vector<16xf32>,
        tpu.vector_store_idx %arg7[%add3A_222], %get3A_224 {add = true} : memref<4096xf32, #tpu.memory_space<vmem>>[vector<16xi32>], vector<16xf32>,
        %mul3A_225 = arith.constant 4 : i32
        %mul3A_226 = arith.muli %scan3A_210, %mul3A_225 : i32
        %add3A_227 = arith.constant 1 : i32
        %add3A_228 = arith.addi %mul3A_226, %add3A_227 : i32
        %mul3A_229 = arith.constant 16 : i32
        %mul3A_230 = arith.muli %add3A_228, %mul3A_229 : i32
        %add3A_231 = arith.constant 1792 : i32
        %add3A_232 = arith.addi %add3A_231, %mul3A_230 : i32
        %get3A_233 = arith.index_cast %add3A_232 : i32 to index
        %get3A_234 = tpu.vector_load %arg6[%get3A_233] {strides = array<i32>} : memref<4096xi32, #tpu.memory_space<vmem>>, vector<16xi32>,
        %add3A_235 = arith.constant 1792 : i32
        %add3A_236 = vector.broadcast %add3A_235 : i32 to vector<16xi32>
        %add3A_237 = arith.addi %get3A_234, %add3A_236 : vector<16xi32>
        %get3A_238 = arith.index_cast %add3A_232 : i32 to index
        %get3A_239 = tpu.vector_load %arg5[%get3A_238] {strides = array<i32>} : memref<4096xf32, #tpu.memory_space<vmem>>, vector<16xf32>,
        tpu.vector_store_idx %arg7[%add3A_237], %get3A_239 {add = true} : memref<4096xf32, #tpu.memory_space<vmem>>[vector<16xi32>], vector<16xf32>,
        %mul3A_240 = arith.constant 4 : i32
        %mul3A_241 = arith.muli %scan3A_210, %mul3A_240 : i32
        %add3A_242 = arith.constant 2 : i32
        %add3A_243 = arith.addi %mul3A_241, %add3A_242 : i32
        %mul3A_244 = arith.constant 16 : i32
        %mul3A_245 = arith.muli %add3A_243, %mul3A_244 : i32
        %add3A_246 = arith.constant 1792 : i32
        %add3A_247 = arith.addi %add3A_246, %mul3A_245 : i32
        %get3A_248 = arith.index_cast %add3A_247 : i32 to index
        %get3A_249 = tpu.vector_load %arg6[%get3A_248] {strides = array<i32>} : memref<4096xi32, #tpu.memory_space<vmem>>, vector<16xi32>,
        %add3A_250 = arith.constant 1792 : i32
        %add3A_251 = vector.broadcast %add3A_250 : i32 to vector<16xi32>
        %add3A_252 = arith.addi %get3A_249, %add3A_251 : vector<16xi32>
        %get3A_253 = arith.index_cast %add3A_247 : i32 to index
        %get3A_254 = tpu.vector_load %arg5[%get3A_253] {strides = array<i32>} : memref<4096xf32, #tpu.memory_space<vmem>>, vector<16xf32>,
        tpu.vector_store_idx %arg7[%add3A_252], %get3A_254 {add = true} : memref<4096xf32, #tpu.memory_space<vmem>>[vector<16xi32>], vector<16xf32>,
        %mul3A_255 = arith.constant 4 : i32
        %mul3A_256 = arith.muli %scan3A_210, %mul3A_255 : i32
        %add3A_257 = arith.constant 3 : i32
        %add3A_258 = arith.addi %mul3A_256, %add3A_257 : i32
        %mul3A_259 = arith.constant 16 : i32
        %mul3A_260 = arith.muli %add3A_258, %mul3A_259 : i32
        %add3A_261 = arith.constant 1792 : i32
        %add3A_262 = arith.addi %add3A_261, %mul3A_260 : i32
        %get3A_263 = arith.index_cast %add3A_262 : i32 to index
        %get3A_264 = tpu.vector_load %arg6[%get3A_263] {strides = array<i32>} : memref<4096xi32, #tpu.memory_space<vmem>>, vector<16xi32>,
        %add3A_265 = arith.constant 1792 : i32
        %add3A_266 = vector.broadcast %add3A_265 : i32 to vector<16xi32>
        %add3A_267 = arith.addi %get3A_264, %add3A_266 : vector<16xi32>
        %get3A_268 = arith.index_cast %add3A_262 : i32 to index
        %get3A_269 = tpu.vector_load %arg5[%get3A_268] {strides = array<i32>} : memref<4096xf32, #tpu.memory_space<vmem>>, vector<16xf32>,
        tpu.vector_store_idx %arg7[%add3A_267], %get3A_269 {add = true} : memref<4096xf32, #tpu.memory_space<vmem>>[vector<16xi32>], vector<16xf32>,
      }
      %scan3A_129 = arith.constant 4 : i32
      %scan3A_130 = arith.constant 0 : i32
      %scan3A_131 = arith.constant 0 : i32
      %scan3A_132 = arith.constant 4 : i32
      %scan3A_133 = arith.addi %scan3A_131, %scan3A_132 : i32
      %scan3A_134 = arith.constant 1 : i32
      scf.for %scan3A_210 = %scan3A_131 to %scan3A_133 step %scan3A_134  : i32 {
        %mul3A_211 = arith.constant 4 : i32
        %mul3A_212 = arith.muli %scan3A_210, %mul3A_211 : i32
        %add3A_213 = arith.constant 0 : i32
        %add3A_214 = arith.addi %mul3A_212, %add3A_213 : i32
        %mul3A_215 = arith.constant 16 : i32
        %mul3A_216 = arith.muli %add3A_214, %mul3A_215 : i32
        %add3A_217 = arith.constant 2048 : i32
        %add3A_218 = arith.addi %add3A_217, %mul3A_216 : i32
        %get3A = arith.index_cast %add3A_218 : i32 to index
        %get3A_219 = tpu.vector_load %arg6[%get3A] {strides = array<i32>} : memref<4096xi32, #tpu.memory_space<vmem>>, vector<16xi32>,
        %add3A_220 = arith.constant 2048 : i32
        %add3A_221 = vector.broadcast %add3A_220 : i32 to vector<16xi32>
        %add3A_222 = arith.addi %get3A_219, %add3A_221 : vector<16xi32>
        %get3A_223 = arith.index_cast %add3A_218 : i32 to index
        %get3A_224 = tpu.vector_load %arg5[%get3A_223] {strides = array<i32>} : memref<4096xf32, #tpu.memory_space<vmem>>, vector<16xf32>,
        tpu.vector_store_idx %arg7[%add3A_222], %get3A_224 {add = true} : memref<4096xf32, #tpu.memory_space<vmem>>[vector<16xi32>], vector<16xf32>,
        %mul3A_225 = arith.constant 4 : i32
        %mul3A_226 = arith.muli %scan3A_210, %mul3A_225 : i32
        %add3A_227 = arith.constant 1 : i32
        %add3A_228 = arith.addi %mul3A_226, %add3A_227 : i32
        %mul3A_229 = arith.constant 16 : i32
        %mul3A_230 = arith.muli %add3A_228, %mul3A_229 : i32
        %add3A_231 = arith.constant 2048 : i32
        %add3A_232 = arith.addi %add3A_231, %mul3A_230 : i32
        %get3A_233 = arith.index_cast %add3A_232 : i32 to index
        %get3A_234 = tpu.vector_load %arg6[%get3A_233] {strides = array<i32>} : memref<4096xi32, #tpu.memory_space<vmem>>, vector<16xi32>,
        %add3A_235 = arith.constant 2048 : i32
        %add3A_236 = vector.broadcast %add3A_235 : i32 to vector<16xi32>
        %add3A_237 = arith.addi %get3A_234, %add3A_236 : vector<16xi32>
        %get3A_238 = arith.index_cast %add3A_232 : i32 to index
        %get3A_239 = tpu.vector_load %arg5[%get3A_238] {strides = array<i32>} : memref<4096xf32, #tpu.memory_space<vmem>>, vector<16xf32>,
        tpu.vector_store_idx %arg7[%add3A_237], %get3A_239 {add = true} : memref<4096xf32, #tpu.memory_space<vmem>>[vector<16xi32>], vector<16xf32>,
        %mul3A_240 = arith.constant 4 : i32
        %mul3A_241 = arith.muli %scan3A_210, %mul3A_240 : i32
        %add3A_242 = arith.constant 2 : i32
        %add3A_243 = arith.addi %mul3A_241, %add3A_242 : i32
        %mul3A_244 = arith.constant 16 : i32
        %mul3A_245 = arith.muli %add3A_243, %mul3A_244 : i32
        %add3A_246 = arith.constant 2048 : i32
        %add3A_247 = arith.addi %add3A_246, %mul3A_245 : i32
        %get3A_248 = arith.index_cast %add3A_247 : i32 to index
        %get3A_249 = tpu.vector_load %arg6[%get3A_248] {strides = array<i32>} : memref<4096xi32, #tpu.memory_space<vmem>>, vector<16xi32>,
        %add3A_250 = arith.constant 2048 : i32
        %add3A_251 = vector.broadcast %add3A_250 : i32 to vector<16xi32>
        %add3A_252 = arith.addi %get3A_249, %add3A_251 : vector<16xi32>
        %get3A_253 = arith.index_cast %add3A_247 : i32 to index
        %get3A_254 = tpu.vector_load %arg5[%get3A_253] {strides = array<i32>} : memref<4096xf32, #tpu.memory_space<vmem>>, vector<16xf32>,
        tpu.vector_store_idx %arg7[%add3A_252], %get3A_254 {add = true} : memref<4096xf32, #tpu.memory_space<vmem>>[vector<16xi32>], vector<16xf32>,
        %mul3A_255 = arith.constant 4 : i32
        %mul3A_256 = arith.muli %scan3A_210, %mul3A_255 : i32
        %add3A_257 = arith.constant 3 : i32
        %add3A_258 = arith.addi %mul3A_256, %add3A_257 : i32
        %mul3A_259 = arith.constant 16 : i32
        %mul3A_260 = arith.muli %add3A_258, %mul3A_259 : i32
        %add3A_261 = arith.constant 2048 : i32
        %add3A_262 = arith.addi %add3A_261, %mul3A_260 : i32
        %get3A_263 = arith.index_cast %add3A_262 : i32 to index
        %get3A_264 = tpu.vector_load %arg6[%get3A_263] {strides = array<i32>} : memref<4096xi32, #tpu.memory_space<vmem>>, vector<16xi32>,
        %add3A_265 = arith.constant 2048 : i32
        %add3A_266 = vector.broadcast %add3A_265 : i32 to vector<16xi32>
        %add3A_267 = arith.addi %get3A_264, %add3A_266 : vector<16xi32>
        %get3A_268 = arith.index_cast %add3A_262 : i32 to index
        %get3A_269 = tpu.vector_load %arg5[%get3A_268] {strides = array<i32>} : memref<4096xf32, #tpu.memory_space<vmem>>, vector<16xf32>,
        tpu.vector_store_idx %arg7[%add3A_267], %get3A_269 {add = true} : memref<4096xf32, #tpu.memory_space<vmem>>[vector<16xi32>], vector<16xf32>,
      }
      %scan3A_135 = arith.constant 4 : i32
      %scan3A_136 = arith.constant 0 : i32
      %scan3A_137 = arith.constant 0 : i32
      %scan3A_138 = arith.constant 4 : i32
      %scan3A_139 = arith.addi %scan3A_137, %scan3A_138 : i32
      %scan3A_140 = arith.constant 1 : i32
      scf.for %scan3A_210 = %scan3A_137 to %scan3A_139 step %scan3A_140  : i32 {
        %mul3A_211 = arith.constant 4 : i32
        %mul3A_212 = arith.muli %scan3A_210, %mul3A_211 : i32
        %add3A_213 = arith.constant 0 : i32
        %add3A_214 = arith.addi %mul3A_212, %add3A_213 : i32
        %mul3A_215 = arith.constant 16 : i32
        %mul3A_216 = arith.muli %add3A_214, %mul3A_215 : i32
        %add3A_217 = arith.constant 2304 : i32
        %add3A_218 = arith.addi %add3A_217, %mul3A_216 : i32
        %get3A = arith.index_cast %add3A_218 : i32 to index
        %get3A_219 = tpu.vector_load %arg6[%get3A] {strides = array<i32>} : memref<4096xi32, #tpu.memory_space<vmem>>, vector<16xi32>,
        %add3A_220 = arith.constant 2304 : i32
        %add3A_221 = vector.broadcast %add3A_220 : i32 to vector<16xi32>
        %add3A_222 = arith.addi %get3A_219, %add3A_221 : vector<16xi32>
        %get3A_223 = arith.index_cast %add3A_218 : i32 to index
        %get3A_224 = tpu.vector_load %arg5[%get3A_223] {strides = array<i32>} : memref<4096xf32, #tpu.memory_space<vmem>>, vector<16xf32>,
        tpu.vector_store_idx %arg7[%add3A_222], %get3A_224 {add = true} : memref<4096xf32, #tpu.memory_space<vmem>>[vector<16xi32>], vector<16xf32>,
        %mul3A_225 = arith.constant 4 : i32
        %mul3A_226 = arith.muli %scan3A_210, %mul3A_225 : i32
        %add3A_227 = arith.constant 1 : i32
        %add3A_228 = arith.addi %mul3A_226, %add3A_227 : i32
        %mul3A_229 = arith.constant 16 : i32
        %mul3A_230 = arith.muli %add3A_228, %mul3A_229 : i32
        %add3A_231 = arith.constant 2304 : i32
        %add3A_232 = arith.addi %add3A_231, %mul3A_230 : i32
        %get3A_233 = arith.index_cast %add3A_232 : i32 to index
        %get3A_234 = tpu.vector_load %arg6[%get3A_233] {strides = array<i32>} : memref<4096xi32, #tpu.memory_space<vmem>>, vector<16xi32>,
        %add3A_235 = arith.constant 2304 : i32
        %add3A_236 = vector.broadcast %add3A_235 : i32 to vector<16xi32>
        %add3A_237 = arith.addi %get3A_234, %add3A_236 : vector<16xi32>
        %get3A_238 = arith.index_cast %add3A_232 : i32 to index
        %get3A_239 = tpu.vector_load %arg5[%get3A_238] {strides = array<i32>} : memref<4096xf32, #tpu.memory_space<vmem>>, vector<16xf32>,
        tpu.vector_store_idx %arg7[%add3A_237], %get3A_239 {add = true} : memref<4096xf32, #tpu.memory_space<vmem>>[vector<16xi32>], vector<16xf32>,
        %mul3A_240 = arith.constant 4 : i32
        %mul3A_241 = arith.muli %scan3A_210, %mul3A_240 : i32
        %add3A_242 = arith.constant 2 : i32
        %add3A_243 = arith.addi %mul3A_241, %add3A_242 : i32
        %mul3A_244 = arith.constant 16 : i32
        %mul3A_245 = arith.muli %add3A_243, %mul3A_244 : i32
        %add3A_246 = arith.constant 2304 : i32
        %add3A_247 = arith.addi %add3A_246, %mul3A_245 : i32
        %get3A_248 = arith.index_cast %add3A_247 : i32 to index
        %get3A_249 = tpu.vector_load %arg6[%get3A_248] {strides = array<i32>} : memref<4096xi32, #tpu.memory_space<vmem>>, vector<16xi32>,
        %add3A_250 = arith.constant 2304 : i32
        %add3A_251 = vector.broadcast %add3A_250 : i32 to vector<16xi32>
        %add3A_252 = arith.addi %get3A_249, %add3A_251 : vector<16xi32>
        %get3A_253 = arith.index_cast %add3A_247 : i32 to index
        %get3A_254 = tpu.vector_load %arg5[%get3A_253] {strides = array<i32>} : memref<4096xf32, #tpu.memory_space<vmem>>, vector<16xf32>,
        tpu.vector_store_idx %arg7[%add3A_252], %get3A_254 {add = true} : memref<4096xf32, #tpu.memory_space<vmem>>[vector<16xi32>], vector<16xf32>,
        %mul3A_255 = arith.constant 4 : i32
        %mul3A_256 = arith.muli %scan3A_210, %mul3A_255 : i32
        %add3A_257 = arith.constant 3 : i32
        %add3A_258 = arith.addi %mul3A_256, %add3A_257 : i32
        %mul3A_259 = arith.constant 16 : i32
        %mul3A_260 = arith.muli %add3A_258, %mul3A_259 : i32
        %add3A_261 = arith.constant 2304 : i32
        %add3A_262 = arith.addi %add3A_261, %mul3A_260 : i32
        %get3A_263 = arith.index_cast %add3A_262 : i32 to index
        %get3A_264 = tpu.vector_load %arg6[%get3A_263] {strides = array<i32>} : memref<4096xi32, #tpu.memory_space<vmem>>, vector<16xi32>,
        %add3A_265 = arith.constant 2304 : i32
        %add3A_266 = vector.broadcast %add3A_265 : i32 to vector<16xi32>
        %add3A_267 = arith.addi %get3A_264, %add3A_266 : vector<16xi32>
        %get3A_268 = arith.index_cast %add3A_262 : i32 to index
        %get3A_269 = tpu.vector_load %arg5[%get3A_268] {strides = array<i32>} : memref<4096xf32, #tpu.memory_space<vmem>>, vector<16xf32>,
        tpu.vector_store_idx %arg7[%add3A_267], %get3A_269 {add = true} : memref<4096xf32, #tpu.memory_space<vmem>>[vector<16xi32>], vector<16xf32>,
      }
      %scan3A_141 = arith.constant 4 : i32
      %scan3A_142 = arith.constant 0 : i32
      %scan3A_143 = arith.constant 0 : i32
      %scan3A_144 = arith.constant 4 : i32
      %scan3A_145 = arith.addi %scan3A_143, %scan3A_144 : i32
      %scan3A_146 = arith.constant 1 : i32
      scf.for %scan3A_210 = %scan3A_143 to %scan3A_145 step %scan3A_146  : i32 {
        %mul3A_211 = arith.constant 4 : i32
        %mul3A_212 = arith.muli %scan3A_210, %mul3A_211 : i32
        %add3A_213 = arith.constant 0 : i32
        %add3A_214 = arith.addi %mul3A_212, %add3A_213 : i32
        %mul3A_215 = arith.constant 16 : i32
        %mul3A_216 = arith.muli %add3A_214, %mul3A_215 : i32
        %add3A_217 = arith.constant 2560 : i32
        %add3A_218 = arith.addi %add3A_217, %mul3A_216 : i32
        %get3A = arith.index_cast %add3A_218 : i32 to index
        %get3A_219 = tpu.vector_load %arg6[%get3A] {strides = array<i32>} : memref<4096xi32, #tpu.memory_space<vmem>>, vector<16xi32>,
        %add3A_220 = arith.constant 2560 : i32
        %add3A_221 = vector.broadcast %add3A_220 : i32 to vector<16xi32>
        %add3A_222 = arith.addi %get3A_219, %add3A_221 : vector<16xi32>
        %get3A_223 = arith.index_cast %add3A_218 : i32 to index
        %get3A_224 = tpu.vector_load %arg5[%get3A_223] {strides = array<i32>} : memref<4096xf32, #tpu.memory_space<vmem>>, vector<16xf32>,
        tpu.vector_store_idx %arg7[%add3A_222], %get3A_224 {add = true} : memref<4096xf32, #tpu.memory_space<vmem>>[vector<16xi32>], vector<16xf32>,
        %mul3A_225 = arith.constant 4 : i32
        %mul3A_226 = arith.muli %scan3A_210, %mul3A_225 : i32
        %add3A_227 = arith.constant 1 : i32
        %add3A_228 = arith.addi %mul3A_226, %add3A_227 : i32
        %mul3A_229 = arith.constant 16 : i32
        %mul3A_230 = arith.muli %add3A_228, %mul3A_229 : i32
        %add3A_231 = arith.constant 2560 : i32
        %add3A_232 = arith.addi %add3A_231, %mul3A_230 : i32
        %get3A_233 = arith.index_cast %add3A_232 : i32 to index
        %get3A_234 = tpu.vector_load %arg6[%get3A_233] {strides = array<i32>} : memref<4096xi32, #tpu.memory_space<vmem>>, vector<16xi32>,
        %add3A_235 = arith.constant 2560 : i32
        %add3A_236 = vector.broadcast %add3A_235 : i32 to vector<16xi32>
        %add3A_237 = arith.addi %get3A_234, %add3A_236 : vector<16xi32>
        %get3A_238 = arith.index_cast %add3A_232 : i32 to index
        %get3A_239 = tpu.vector_load %arg5[%get3A_238] {strides = array<i32>} : memref<4096xf32, #tpu.memory_space<vmem>>, vector<16xf32>,
        tpu.vector_store_idx %arg7[%add3A_237], %get3A_239 {add = true} : memref<4096xf32, #tpu.memory_space<vmem>>[vector<16xi32>], vector<16xf32>,
        %mul3A_240 = arith.constant 4 : i32
        %mul3A_241 = arith.muli %scan3A_210, %mul3A_240 : i32
        %add3A_242 = arith.constant 2 : i32
        %add3A_243 = arith.addi %mul3A_241, %add3A_242 : i32
        %mul3A_244 = arith.constant 16 : i32
        %mul3A_245 = arith.muli %add3A_243, %mul3A_244 : i32
        %add3A_246 = arith.constant 2560 : i32
        %add3A_247 = arith.addi %add3A_246, %mul3A_245 : i32
        %get3A_248 = arith.index_cast %add3A_247 : i32 to index
        %get3A_249 = tpu.vector_load %arg6[%get3A_248] {strides = array<i32>} : memref<4096xi32, #tpu.memory_space<vmem>>, vector<16xi32>,
        %add3A_250 = arith.constant 2560 : i32
        %add3A_251 = vector.broadcast %add3A_250 : i32 to vector<16xi32>
        %add3A_252 = arith.addi %get3A_249, %add3A_251 : vector<16xi32>
        %get3A_253 = arith.index_cast %add3A_247 : i32 to index
        %get3A_254 = tpu.vector_load %arg5[%get3A_253] {strides = array<i32>} : memref<4096xf32, #tpu.memory_space<vmem>>, vector<16xf32>,
        tpu.vector_store_idx %arg7[%add3A_252], %get3A_254 {add = true} : memref<4096xf32, #tpu.memory_space<vmem>>[vector<16xi32>], vector<16xf32>,
        %mul3A_255 = arith.constant 4 : i32
        %mul3A_256 = arith.muli %scan3A_210, %mul3A_255 : i32
        %add3A_257 = arith.constant 3 : i32
        %add3A_258 = arith.addi %mul3A_256, %add3A_257 : i32
        %mul3A_259 = arith.constant 16 : i32
        %mul3A_260 = arith.muli %add3A_258, %mul3A_259 : i32
        %add3A_261 = arith.constant 2560 : i32
        %add3A_262 = arith.addi %add3A_261, %mul3A_260 : i32
        %get3A_263 = arith.index_cast %add3A_262 : i32 to index
        %get3A_264 = tpu.vector_load %arg6[%get3A_263] {strides = array<i32>} : memref<4096xi32, #tpu.memory_space<vmem>>, vector<16xi32>,
        %add3A_265 = arith.constant 2560 : i32
        %add3A_266 = vector.broadcast %add3A_265 : i32 to vector<16xi32>
        %add3A_267 = arith.addi %get3A_264, %add3A_266 : vector<16xi32>
        %get3A_268 = arith.index_cast %add3A_262 : i32 to index
        %get3A_269 = tpu.vector_load %arg5[%get3A_268] {strides = array<i32>} : memref<4096xf32, #tpu.memory_space<vmem>>, vector<16xf32>,
        tpu.vector_store_idx %arg7[%add3A_267], %get3A_269 {add = true} : memref<4096xf32, #tpu.memory_space<vmem>>[vector<16xi32>], vector<16xf32>,
      }
      %scan3A_147 = arith.constant 4 : i32
      %scan3A_148 = arith.constant 0 : i32
      %scan3A_149 = arith.constant 0 : i32
      %scan3A_150 = arith.constant 4 : i32
      %scan3A_151 = arith.addi %scan3A_149, %scan3A_150 : i32
      %scan3A_152 = arith.constant 1 : i32
      scf.for %scan3A_210 = %scan3A_149 to %scan3A_151 step %scan3A_152  : i32 {
        %mul3A_211 = arith.constant 4 : i32
        %mul3A_212 = arith.muli %scan3A_210, %mul3A_211 : i32
        %add3A_213 = arith.constant 0 : i32
        %add3A_214 = arith.addi %mul3A_212, %add3A_213 : i32
        %mul3A_215 = arith.constant 16 : i32
        %mul3A_216 = arith.muli %add3A_214, %mul3A_215 : i32
        %add3A_217 = arith.constant 2816 : i32
        %add3A_218 = arith.addi %add3A_217, %mul3A_216 : i32
        %get3A = arith.index_cast %add3A_218 : i32 to index
        %get3A_219 = tpu.vector_load %arg6[%get3A] {strides = array<i32>} : memref<4096xi32, #tpu.memory_space<vmem>>, vector<16xi32>,
        %add3A_220 = arith.constant 2816 : i32
        %add3A_221 = vector.broadcast %add3A_220 : i32 to vector<16xi32>
        %add3A_222 = arith.addi %get3A_219, %add3A_221 : vector<16xi32>
        %get3A_223 = arith.index_cast %add3A_218 : i32 to index
        %get3A_224 = tpu.vector_load %arg5[%get3A_223] {strides = array<i32>} : memref<4096xf32, #tpu.memory_space<vmem>>, vector<16xf32>,
        tpu.vector_store_idx %arg7[%add3A_222], %get3A_224 {add = true} : memref<4096xf32, #tpu.memory_space<vmem>>[vector<16xi32>], vector<16xf32>,
        %mul3A_225 = arith.constant 4 : i32
        %mul3A_226 = arith.muli %scan3A_210, %mul3A_225 : i32
        %add3A_227 = arith.constant 1 : i32
        %add3A_228 = arith.addi %mul3A_226, %add3A_227 : i32
        %mul3A_229 = arith.constant 16 : i32
        %mul3A_230 = arith.muli %add3A_228, %mul3A_229 : i32
        %add3A_231 = arith.constant 2816 : i32
        %add3A_232 = arith.addi %add3A_231, %mul3A_230 : i32
        %get3A_233 = arith.index_cast %add3A_232 : i32 to index
        %get3A_234 = tpu.vector_load %arg6[%get3A_233] {strides = array<i32>} : memref<4096xi32, #tpu.memory_space<vmem>>, vector<16xi32>,
        %add3A_235 = arith.constant 2816 : i32
        %add3A_236 = vector.broadcast %add3A_235 : i32 to vector<16xi32>
        %add3A_237 = arith.addi %get3A_234, %add3A_236 : vector<16xi32>
        %get3A_238 = arith.index_cast %add3A_232 : i32 to index
        %get3A_239 = tpu.vector_load %arg5[%get3A_238] {strides = array<i32>} : memref<4096xf32, #tpu.memory_space<vmem>>, vector<16xf32>,
        tpu.vector_store_idx %arg7[%add3A_237], %get3A_239 {add = true} : memref<4096xf32, #tpu.memory_space<vmem>>[vector<16xi32>], vector<16xf32>,
        %mul3A_240 = arith.constant 4 : i32
        %mul3A_241 = arith.muli %scan3A_210, %mul3A_240 : i32
        %add3A_242 = arith.constant 2 : i32
        %add3A_243 = arith.addi %mul3A_241, %add3A_242 : i32
        %mul3A_244 = arith.constant 16 : i32
        %mul3A_245 = arith.muli %add3A_243, %mul3A_244 : i32
        %add3A_246 = arith.constant 2816 : i32
        %add3A_247 = arith.addi %add3A_246, %mul3A_245 : i32
        %get3A_248 = arith.index_cast %add3A_247 : i32 to index
        %get3A_249 = tpu.vector_load %arg6[%get3A_248] {strides = array<i32>} : memref<4096xi32, #tpu.memory_space<vmem>>, vector<16xi32>,
        %add3A_250 = arith.constant 2816 : i32
        %add3A_251 = vector.broadcast %add3A_250 : i32 to vector<16xi32>
        %add3A_252 = arith.addi %get3A_249, %add3A_251 : vector<16xi32>
        %get3A_253 = arith.index_cast %add3A_247 : i32 to index
        %get3A_254 = tpu.vector_load %arg5[%get3A_253] {strides = array<i32>} : memref<4096xf32, #tpu.memory_space<vmem>>, vector<16xf32>,
        tpu.vector_store_idx %arg7[%add3A_252], %get3A_254 {add = true} : memref<4096xf32, #tpu.memory_space<vmem>>[vector<16xi32>], vector<16xf32>,
        %mul3A_255 = arith.constant 4 : i32
        %mul3A_256 = arith.muli %scan3A_210, %mul3A_255 : i32
        %add3A_257 = arith.constant 3 : i32
        %add3A_258 = arith.addi %mul3A_256, %add3A_257 : i32
        %mul3A_259 = arith.constant 16 : i32
        %mul3A_260 = arith.muli %add3A_258, %mul3A_259 : i32
        %add3A_261 = arith.constant 2816 : i32
        %add3A_262 = arith.addi %add3A_261, %mul3A_260 : i32
        %get3A_263 = arith.index_cast %add3A_262 : i32 to index
        %get3A_264 = tpu.vector_load %arg6[%get3A_263] {strides = array<i32>} : memref<4096xi32, #tpu.memory_space<vmem>>, vector<16xi32>,
        %add3A_265 = arith.constant 2816 : i32
        %add3A_266 = vector.broadcast %add3A_265 : i32 to vector<16xi32>
        %add3A_267 = arith.addi %get3A_264, %add3A_266 : vector<16xi32>
        %get3A_268 = arith.index_cast %add3A_262 : i32 to index
        %get3A_269 = tpu.vector_load %arg5[%get3A_268] {strides = array<i32>} : memref<4096xf32, #tpu.memory_space<vmem>>, vector<16xf32>,
        tpu.vector_store_idx %arg7[%add3A_267], %get3A_269 {add = true} : memref<4096xf32, #tpu.memory_space<vmem>>[vector<16xi32>], vector<16xf32>,
      }
      %scan3A_153 = arith.constant 4 : i32
      %scan3A_154 = arith.constant 0 : i32
      %scan3A_155 = arith.constant 0 : i32
      %scan3A_156 = arith.constant 4 : i32
      %scan3A_157 = arith.addi %scan3A_155, %scan3A_156 : i32
      %scan3A_158 = arith.constant 1 : i32
      scf.for %scan3A_210 = %scan3A_155 to %scan3A_157 step %scan3A_158  : i32 {
        %mul3A_211 = arith.constant 4 : i32
        %mul3A_212 = arith.muli %scan3A_210, %mul3A_211 : i32
        %add3A_213 = arith.constant 0 : i32
        %add3A_214 = arith.addi %mul3A_212, %add3A_213 : i32
        %mul3A_215 = arith.constant 16 : i32
        %mul3A_216 = arith.muli %add3A_214, %mul3A_215 : i32
        %add3A_217 = arith.constant 3072 : i32
        %add3A_218 = arith.addi %add3A_217, %mul3A_216 : i32
        %get3A = arith.index_cast %add3A_218 : i32 to index
        %get3A_219 = tpu.vector_load %arg6[%get3A] {strides = array<i32>} : memref<4096xi32, #tpu.memory_space<vmem>>, vector<16xi32>,
        %add3A_220 = arith.constant 3072 : i32
        %add3A_221 = vector.broadcast %add3A_220 : i32 to vector<16xi32>
        %add3A_222 = arith.addi %get3A_219, %add3A_221 : vector<16xi32>
        %get3A_223 = arith.index_cast %add3A_218 : i32 to index
        %get3A_224 = tpu.vector_load %arg5[%get3A_223] {strides = array<i32>} : memref<4096xf32, #tpu.memory_space<vmem>>, vector<16xf32>,
        tpu.vector_store_idx %arg7[%add3A_222], %get3A_224 {add = true} : memref<4096xf32, #tpu.memory_space<vmem>>[vector<16xi32>], vector<16xf32>,
        %mul3A_225 = arith.constant 4 : i32
        %mul3A_226 = arith.muli %scan3A_210, %mul3A_225 : i32
        %add3A_227 = arith.constant 1 : i32
        %add3A_228 = arith.addi %mul3A_226, %add3A_227 : i32
        %mul3A_229 = arith.constant 16 : i32
        %mul3A_230 = arith.muli %add3A_228, %mul3A_229 : i32
        %add3A_231 = arith.constant 3072 : i32
        %add3A_232 = arith.addi %add3A_231, %mul3A_230 : i32
        %get3A_233 = arith.index_cast %add3A_232 : i32 to index
        %get3A_234 = tpu.vector_load %arg6[%get3A_233] {strides = array<i32>} : memref<4096xi32, #tpu.memory_space<vmem>>, vector<16xi32>,
        %add3A_235 = arith.constant 3072 : i32
        %add3A_236 = vector.broadcast %add3A_235 : i32 to vector<16xi32>
        %add3A_237 = arith.addi %get3A_234, %add3A_236 : vector<16xi32>
        %get3A_238 = arith.index_cast %add3A_232 : i32 to index
        %get3A_239 = tpu.vector_load %arg5[%get3A_238] {strides = array<i32>} : memref<4096xf32, #tpu.memory_space<vmem>>, vector<16xf32>,
        tpu.vector_store_idx %arg7[%add3A_237], %get3A_239 {add = true} : memref<4096xf32, #tpu.memory_space<vmem>>[vector<16xi32>], vector<16xf32>,
        %mul3A_240 = arith.constant 4 : i32
        %mul3A_241 = arith.muli %scan3A_210, %mul3A_240 : i32
        %add3A_242 = arith.constant 2 : i32
        %add3A_243 = arith.addi %mul3A_241, %add3A_242 : i32
        %mul3A_244 = arith.constant 16 : i32
        %mul3A_245 = arith.muli %add3A_243, %mul3A_244 : i32
        %add3A_246 = arith.constant 3072 : i32
        %add3A_247 = arith.addi %add3A_246, %mul3A_245 : i32
        %get3A_248 = arith.index_cast %add3A_247 : i32 to index
        %get3A_249 = tpu.vector_load %arg6[%get3A_248] {strides = array<i32>} : memref<4096xi32, #tpu.memory_space<vmem>>, vector<16xi32>,
        %add3A_250 = arith.constant 3072 : i32
        %add3A_251 = vector.broadcast %add3A_250 : i32 to vector<16xi32>
        %add3A_252 = arith.addi %get3A_249, %add3A_251 : vector<16xi32>
        %get3A_253 = arith.index_cast %add3A_247 : i32 to index
        %get3A_254 = tpu.vector_load %arg5[%get3A_253] {strides = array<i32>} : memref<4096xf32, #tpu.memory_space<vmem>>, vector<16xf32>,
        tpu.vector_store_idx %arg7[%add3A_252], %get3A_254 {add = true} : memref<4096xf32, #tpu.memory_space<vmem>>[vector<16xi32>], vector<16xf32>,
        %mul3A_255 = arith.constant 4 : i32
        %mul3A_256 = arith.muli %scan3A_210, %mul3A_255 : i32
        %add3A_257 = arith.constant 3 : i32
        %add3A_258 = arith.addi %mul3A_256, %add3A_257 : i32
        %mul3A_259 = arith.constant 16 : i32
        %mul3A_260 = arith.muli %add3A_258, %mul3A_259 : i32
        %add3A_261 = arith.constant 3072 : i32
        %add3A_262 = arith.addi %add3A_261, %mul3A_260 : i32
        %get3A_263 = arith.index_cast %add3A_262 : i32 to index
        %get3A_264 = tpu.vector_load %arg6[%get3A_263] {strides = array<i32>} : memref<4096xi32, #tpu.memory_space<vmem>>, vector<16xi32>,
        %add3A_265 = arith.constant 3072 : i32
        %add3A_266 = vector.broadcast %add3A_265 : i32 to vector<16xi32>
        %add3A_267 = arith.addi %get3A_264, %add3A_266 : vector<16xi32>
        %get3A_268 = arith.index_cast %add3A_262 : i32 to index
        %get3A_269 = tpu.vector_load %arg5[%get3A_268] {strides = array<i32>} : memref<4096xf32, #tpu.memory_space<vmem>>, vector<16xf32>,
        tpu.vector_store_idx %arg7[%add3A_267], %get3A_269 {add = true} : memref<4096xf32, #tpu.memory_space<vmem>>[vector<16xi32>], vector<16xf32>,
      }
      %scan3A_159 = arith.constant 4 : i32
      %scan3A_160 = arith.constant 0 : i32
      %scan3A_161 = arith.constant 0 : i32
      %scan3A_162 = arith.constant 4 : i32
      %scan3A_163 = arith.addi %scan3A_161, %scan3A_162 : i32
      %scan3A_164 = arith.constant 1 : i32
      scf.for %scan3A_210 = %scan3A_161 to %scan3A_163 step %scan3A_164  : i32 {
        %mul3A_211 = arith.constant 4 : i32
        %mul3A_212 = arith.muli %scan3A_210, %mul3A_211 : i32
        %add3A_213 = arith.constant 0 : i32
        %add3A_214 = arith.addi %mul3A_212, %add3A_213 : i32
        %mul3A_215 = arith.constant 16 : i32
        %mul3A_216 = arith.muli %add3A_214, %mul3A_215 : i32
        %add3A_217 = arith.constant 3328 : i32
        %add3A_218 = arith.addi %add3A_217, %mul3A_216 : i32
        %get3A = arith.index_cast %add3A_218 : i32 to index
        %get3A_219 = tpu.vector_load %arg6[%get3A] {strides = array<i32>} : memref<4096xi32, #tpu.memory_space<vmem>>, vector<16xi32>,
        %add3A_220 = arith.constant 3328 : i32
        %add3A_221 = vector.broadcast %add3A_220 : i32 to vector<16xi32>
        %add3A_222 = arith.addi %get3A_219, %add3A_221 : vector<16xi32>
        %get3A_223 = arith.index_cast %add3A_218 : i32 to index
        %get3A_224 = tpu.vector_load %arg5[%get3A_223] {strides = array<i32>} : memref<4096xf32, #tpu.memory_space<vmem>>, vector<16xf32>,
        tpu.vector_store_idx %arg7[%add3A_222], %get3A_224 {add = true} : memref<4096xf32, #tpu.memory_space<vmem>>[vector<16xi32>], vector<16xf32>,
        %mul3A_225 = arith.constant 4 : i32
        %mul3A_226 = arith.muli %scan3A_210, %mul3A_225 : i32
        %add3A_227 = arith.constant 1 : i32
        %add3A_228 = arith.addi %mul3A_226, %add3A_227 : i32
        %mul3A_229 = arith.constant 16 : i32
        %mul3A_230 = arith.muli %add3A_228, %mul3A_229 : i32
        %add3A_231 = arith.constant 3328 : i32
        %add3A_232 = arith.addi %add3A_231, %mul3A_230 : i32
        %get3A_233 = arith.index_cast %add3A_232 : i32 to index
        %get3A_234 = tpu.vector_load %arg6[%get3A_233] {strides = array<i32>} : memref<4096xi32, #tpu.memory_space<vmem>>, vector<16xi32>,
        %add3A_235 = arith.constant 3328 : i32
        %add3A_236 = vector.broadcast %add3A_235 : i32 to vector<16xi32>
        %add3A_237 = arith.addi %get3A_234, %add3A_236 : vector<16xi32>
        %get3A_238 = arith.index_cast %add3A_232 : i32 to index
        %get3A_239 = tpu.vector_load %arg5[%get3A_238] {strides = array<i32>} : memref<4096xf32, #tpu.memory_space<vmem>>, vector<16xf32>,
        tpu.vector_store_idx %arg7[%add3A_237], %get3A_239 {add = true} : memref<4096xf32, #tpu.memory_space<vmem>>[vector<16xi32>], vector<16xf32>,
        %mul3A_240 = arith.constant 4 : i32
        %mul3A_241 = arith.muli %scan3A_210, %mul3A_240 : i32
        %add3A_242 = arith.constant 2 : i32
        %add3A_243 = arith.addi %mul3A_241, %add3A_242 : i32
        %mul3A_244 = arith.constant 16 : i32
        %mul3A_245 = arith.muli %add3A_243, %mul3A_244 : i32
        %add3A_246 = arith.constant 3328 : i32
        %add3A_247 = arith.addi %add3A_246, %mul3A_245 : i32
        %get3A_248 = arith.index_cast %add3A_247 : i32 to index
        %get3A_249 = tpu.vector_load %arg6[%get3A_248] {strides = array<i32>} : memref<4096xi32, #tpu.memory_space<vmem>>, vector<16xi32>,
        %add3A_250 = arith.constant 3328 : i32
        %add3A_251 = vector.broadcast %add3A_250 : i32 to vector<16xi32>
        %add3A_252 = arith.addi %get3A_249, %add3A_251 : vector<16xi32>
        %get3A_253 = arith.index_cast %add3A_247 : i32 to index
        %get3A_254 = tpu.vector_load %arg5[%get3A_253] {strides = array<i32>} : memref<4096xf32, #tpu.memory_space<vmem>>, vector<16xf32>,
        tpu.vector_store_idx %arg7[%add3A_252], %get3A_254 {add = true} : memref<4096xf32, #tpu.memory_space<vmem>>[vector<16xi32>], vector<16xf32>,
        %mul3A_255 = arith.constant 4 : i32
        %mul3A_256 = arith.muli %scan3A_210, %mul3A_255 : i32
        %add3A_257 = arith.constant 3 : i32
        %add3A_258 = arith.addi %mul3A_256, %add3A_257 : i32
        %mul3A_259 = arith.constant 16 : i32
        %mul3A_260 = arith.muli %add3A_258, %mul3A_259 : i32
        %add3A_261 = arith.constant 3328 : i32
        %add3A_262 = arith.addi %add3A_261, %mul3A_260 : i32
        %get3A_263 = arith.index_cast %add3A_262 : i32 to index
        %get3A_264 = tpu.vector_load %arg6[%get3A_263] {strides = array<i32>} : memref<4096xi32, #tpu.memory_space<vmem>>, vector<16xi32>,
        %add3A_265 = arith.constant 3328 : i32
        %add3A_266 = vector.broadcast %add3A_265 : i32 to vector<16xi32>
        %add3A_267 = arith.addi %get3A_264, %add3A_266 : vector<16xi32>
        %get3A_268 = arith.index_cast %add3A_262 : i32 to index
        %get3A_269 = tpu.vector_load %arg5[%get3A_268] {strides = array<i32>} : memref<4096xf32, #tpu.memory_space<vmem>>, vector<16xf32>,
        tpu.vector_store_idx %arg7[%add3A_267], %get3A_269 {add = true} : memref<4096xf32, #tpu.memory_space<vmem>>[vector<16xi32>], vector<16xf32>,
      }
      %scan3A_165 = arith.constant 4 : i32
      %scan3A_166 = arith.constant 0 : i32
      %scan3A_167 = arith.constant 0 : i32
      %scan3A_168 = arith.constant 4 : i32
      %scan3A_169 = arith.addi %scan3A_167, %scan3A_168 : i32
      %scan3A_170 = arith.constant 1 : i32
      scf.for %scan3A_210 = %scan3A_167 to %scan3A_169 step %scan3A_170  : i32 {
        %mul3A_211 = arith.constant 4 : i32
        %mul3A_212 = arith.muli %scan3A_210, %mul3A_211 : i32
        %add3A_213 = arith.constant 0 : i32
        %add3A_214 = arith.addi %mul3A_212, %add3A_213 : i32
        %mul3A_215 = arith.constant 16 : i32
        %mul3A_216 = arith.muli %add3A_214, %mul3A_215 : i32
        %add3A_217 = arith.constant 3584 : i32
        %add3A_218 = arith.addi %add3A_217, %mul3A_216 : i32
        %get3A = arith.index_cast %add3A_218 : i32 to index
        %get3A_219 = tpu.vector_load %arg6[%get3A] {strides = array<i32>} : memref<4096xi32, #tpu.memory_space<vmem>>, vector<16xi32>,
        %add3A_220 = arith.constant 3584 : i32
        %add3A_221 = vector.broadcast %add3A_220 : i32 to vector<16xi32>
        %add3A_222 = arith.addi %get3A_219, %add3A_221 : vector<16xi32>
        %get3A_223 = arith.index_cast %add3A_218 : i32 to index
        %get3A_224 = tpu.vector_load %arg5[%get3A_223] {strides = array<i32>} : memref<4096xf32, #tpu.memory_space<vmem>>, vector<16xf32>,
        tpu.vector_store_idx %arg7[%add3A_222], %get3A_224 {add = true} : memref<4096xf32, #tpu.memory_space<vmem>>[vector<16xi32>], vector<16xf32>,
        %mul3A_225 = arith.constant 4 : i32
        %mul3A_226 = arith.muli %scan3A_210, %mul3A_225 : i32
        %add3A_227 = arith.constant 1 : i32
        %add3A_228 = arith.addi %mul3A_226, %add3A_227 : i32
        %mul3A_229 = arith.constant 16 : i32
        %mul3A_230 = arith.muli %add3A_228, %mul3A_229 : i32
        %add3A_231 = arith.constant 3584 : i32
        %add3A_232 = arith.addi %add3A_231, %mul3A_230 : i32
        %get3A_233 = arith.index_cast %add3A_232 : i32 to index
        %get3A_234 = tpu.vector_load %arg6[%get3A_233] {strides = array<i32>} : memref<4096xi32, #tpu.memory_space<vmem>>, vector<16xi32>,
        %add3A_235 = arith.constant 3584 : i32
        %add3A_236 = vector.broadcast %add3A_235 : i32 to vector<16xi32>
        %add3A_237 = arith.addi %get3A_234, %add3A_236 : vector<16xi32>
        %get3A_238 = arith.index_cast %add3A_232 : i32 to index
        %get3A_239 = tpu.vector_load %arg5[%get3A_238] {strides = array<i32>} : memref<4096xf32, #tpu.memory_space<vmem>>, vector<16xf32>,
        tpu.vector_store_idx %arg7[%add3A_237], %get3A_239 {add = true} : memref<4096xf32, #tpu.memory_space<vmem>>[vector<16xi32>], vector<16xf32>,
        %mul3A_240 = arith.constant 4 : i32
        %mul3A_241 = arith.muli %scan3A_210, %mul3A_240 : i32
        %add3A_242 = arith.constant 2 : i32
        %add3A_243 = arith.addi %mul3A_241, %add3A_242 : i32
        %mul3A_244 = arith.constant 16 : i32
        %mul3A_245 = arith.muli %add3A_243, %mul3A_244 : i32
        %add3A_246 = arith.constant 3584 : i32
        %add3A_247 = arith.addi %add3A_246, %mul3A_245 : i32
        %get3A_248 = arith.index_cast %add3A_247 : i32 to index
        %get3A_249 = tpu.vector_load %arg6[%get3A_248] {strides = array<i32>} : memref<4096xi32, #tpu.memory_space<vmem>>, vector<16xi32>,
        %add3A_250 = arith.constant 3584 : i32
        %add3A_251 = vector.broadcast %add3A_250 : i32 to vector<16xi32>
        %add3A_252 = arith.addi %get3A_249, %add3A_251 : vector<16xi32>
        %get3A_253 = arith.index_cast %add3A_247 : i32 to index
        %get3A_254 = tpu.vector_load %arg5[%get3A_253] {strides = array<i32>} : memref<4096xf32, #tpu.memory_space<vmem>>, vector<16xf32>,
        tpu.vector_store_idx %arg7[%add3A_252], %get3A_254 {add = true} : memref<4096xf32, #tpu.memory_space<vmem>>[vector<16xi32>], vector<16xf32>,
        %mul3A_255 = arith.constant 4 : i32
        %mul3A_256 = arith.muli %scan3A_210, %mul3A_255 : i32
        %add3A_257 = arith.constant 3 : i32
        %add3A_258 = arith.addi %mul3A_256, %add3A_257 : i32
        %mul3A_259 = arith.constant 16 : i32
        %mul3A_260 = arith.muli %add3A_258, %mul3A_259 : i32
        %add3A_261 = arith.constant 3584 : i32
        %add3A_262 = arith.addi %add3A_261, %mul3A_260 : i32
        %get3A_263 = arith.index_cast %add3A_262 : i32 to index
        %get3A_264 = tpu.vector_load %arg6[%get3A_263] {strides = array<i32>} : memref<4096xi32, #tpu.memory_space<vmem>>, vector<16xi32>,
        %add3A_265 = arith.constant 3584 : i32
        %add3A_266 = vector.broadcast %add3A_265 : i32 to vector<16xi32>
        %add3A_267 = arith.addi %get3A_264, %add3A_266 : vector<16xi32>
        %get3A_268 = arith.index_cast %add3A_262 : i32 to index
        %get3A_269 = tpu.vector_load %arg5[%get3A_268] {strides = array<i32>} : memref<4096xf32, #tpu.memory_space<vmem>>, vector<16xf32>,
        tpu.vector_store_idx %arg7[%add3A_267], %get3A_269 {add = true} : memref<4096xf32, #tpu.memory_space<vmem>>[vector<16xi32>], vector<16xf32>,
      }
      %scan3A_171 = arith.constant 4 : i32
      %scan3A_172 = arith.constant 0 : i32
      %scan3A_173 = arith.constant 0 : i32
      %scan3A_174 = arith.constant 4 : i32
      %scan3A_175 = arith.addi %scan3A_173, %scan3A_174 : i32
      %scan3A_176 = arith.constant 1 : i32
      scf.for %scan3A_210 = %scan3A_173 to %scan3A_175 step %scan3A_176  : i32 {
        %mul3A_211 = arith.constant 4 : i32
        %mul3A_212 = arith.muli %scan3A_210, %mul3A_211 : i32
        %add3A_213 = arith.constant 0 : i32
        %add3A_214 = arith.addi %mul3A_212, %add3A_213 : i32
        %mul3A_215 = arith.constant 16 : i32
        %mul3A_216 = arith.muli %add3A_214, %mul3A_215 : i32
        %add3A_217 = arith.constant 3840 : i32
        %add3A_218 = arith.addi %add3A_217, %mul3A_216 : i32
        %get3A = arith.index_cast %add3A_218 : i32 to index
        %get3A_219 = tpu.vector_load %arg6[%get3A] {strides = array<i32>} : memref<4096xi32, #tpu.memory_space<vmem>>, vector<16xi32>,
        %add3A_220 = arith.constant 3840 : i32
        %add3A_221 = vector.broadcast %add3A_220 : i32 to vector<16xi32>
        %add3A_222 = arith.addi %get3A_219, %add3A_221 : vector<16xi32>
        %get3A_223 = arith.index_cast %add3A_218 : i32 to index
        %get3A_224 = tpu.vector_load %arg5[%get3A_223] {strides = array<i32>} : memref<4096xf32, #tpu.memory_space<vmem>>, vector<16xf32>,
        tpu.vector_store_idx %arg7[%add3A_222], %get3A_224 {add = true} : memref<4096xf32, #tpu.memory_space<vmem>>[vector<16xi32>], vector<16xf32>,
        %mul3A_225 = arith.constant 4 : i32
        %mul3A_226 = arith.muli %scan3A_210, %mul3A_225 : i32
        %add3A_227 = arith.constant 1 : i32
        %add3A_228 = arith.addi %mul3A_226, %add3A_227 : i32
        %mul3A_229 = arith.constant 16 : i32
        %mul3A_230 = arith.muli %add3A_228, %mul3A_229 : i32
        %add3A_231 = arith.constant 3840 : i32
        %add3A_232 = arith.addi %add3A_231, %mul3A_230 : i32
        %get3A_233 = arith.index_cast %add3A_232 : i32 to index
        %get3A_234 = tpu.vector_load %arg6[%get3A_233] {strides = array<i32>} : memref<4096xi32, #tpu.memory_space<vmem>>, vector<16xi32>,
        %add3A_235 = arith.constant 3840 : i32
        %add3A_236 = vector.broadcast %add3A_235 : i32 to vector<16xi32>
        %add3A_237 = arith.addi %get3A_234, %add3A_236 : vector<16xi32>
        %get3A_238 = arith.index_cast %add3A_232 : i32 to index
        %get3A_239 = tpu.vector_load %arg5[%get3A_238] {strides = array<i32>} : memref<4096xf32, #tpu.memory_space<vmem>>, vector<16xf32>,
        tpu.vector_store_idx %arg7[%add3A_237], %get3A_239 {add = true} : memref<4096xf32, #tpu.memory_space<vmem>>[vector<16xi32>], vector<16xf32>,
        %mul3A_240 = arith.constant 4 : i32
        %mul3A_241 = arith.muli %scan3A_210, %mul3A_240 : i32
        %add3A_242 = arith.constant 2 : i32
        %add3A_243 = arith.addi %mul3A_241, %add3A_242 : i32
        %mul3A_244 = arith.constant 16 : i32
        %mul3A_245 = arith.muli %add3A_243, %mul3A_244 : i32
        %add3A_246 = arith.constant 3840 : i32
        %add3A_247 = arith.addi %add3A_246, %mul3A_245 : i32
        %get3A_248 = arith.index_cast %add3A_247 : i32 to index
        %get3A_249 = tpu.vector_load %arg6[%get3A_248] {strides = array<i32>} : memref<4096xi32, #tpu.memory_space<vmem>>, vector<16xi32>,
        %add3A_250 = arith.constant 3840 : i32
        %add3A_251 = vector.broadcast %add3A_250 : i32 to vector<16xi32>
        %add3A_252 = arith.addi %get3A_249, %add3A_251 : vector<16xi32>
        %get3A_253 = arith.index_cast %add3A_247 : i32 to index
        %get3A_254 = tpu.vector_load %arg5[%get3A_253] {strides = array<i32>} : memref<4096xf32, #tpu.memory_space<vmem>>, vector<16xf32>,
        tpu.vector_store_idx %arg7[%add3A_252], %get3A_254 {add = true} : memref<4096xf32, #tpu.memory_space<vmem>>[vector<16xi32>], vector<16xf32>,
        %mul3A_255 = arith.constant 4 : i32
        %mul3A_256 = arith.muli %scan3A_210, %mul3A_255 : i32
        %add3A_257 = arith.constant 3 : i32
        %add3A_258 = arith.addi %mul3A_256, %add3A_257 : i32
        %mul3A_259 = arith.constant 16 : i32
        %mul3A_260 = arith.muli %add3A_258, %mul3A_259 : i32
        %add3A_261 = arith.constant 3840 : i32
        %add3A_262 = arith.addi %add3A_261, %mul3A_260 : i32
        %get3A_263 = arith.index_cast %add3A_262 : i32 to index
        %get3A_264 = tpu.vector_load %arg6[%get3A_263] {strides = array<i32>} : memref<4096xi32, #tpu.memory_space<vmem>>, vector<16xi32>,
        %add3A_265 = arith.constant 3840 : i32
        %add3A_266 = vector.broadcast %add3A_265 : i32 to vector<16xi32>
        %add3A_267 = arith.addi %get3A_264, %add3A_266 : vector<16xi32>
        %get3A_268 = arith.index_cast %add3A_262 : i32 to index
        %get3A_269 = tpu.vector_load %arg5[%get3A_268] {strides = array<i32>} : memref<4096xf32, #tpu.memory_space<vmem>>, vector<16xf32>,
        tpu.vector_store_idx %arg7[%add3A_267], %get3A_269 {add = true} : memref<4096xf32, #tpu.memory_space<vmem>>[vector<16xi32>], vector<16xf32>,
      }
      %scan3A_177 = arith.constant 4 : i32
      %add3A_178 = arith.constant 0 : i32
      %add3A_179 = arith.addi %add3A_11, %add3A_178 : i32
      "tpu.region"() ({
        %run_scoped3A = tpu.sem_alloc : memref<!tpu.dma_semaphore, #tpu.memory_space<semaphore_mem>>
        %dma_start3A = arith.constant 0 : i32
        %dma_start3A_210 = tpu.memref_slice %arg7[%dma_start3A] : memref<4096xf32, #tpu.memory_space<vmem>> -> memref<256xf32, #tpu.memory_space<vmem>>
        %dma_start3A_211 = arith.constant 0 : i32
        %dma_start3A_212 = tpu.memref_slice %arg4[%add3A_179, %dma_start3A_211] : memref<4096x256xf32, #tpu.memory_space<hbm>> -> memref<1x256xf32, #tpu.memory_space<hbm>>
        %dma_start3A_213 = tpu.memref_squeeze %dma_start3A_212 : memref<1x256xf32, #tpu.memory_space<hbm>> -> memref<256xf32, #tpu.memory_space<hbm>>
        %dma_start3A_214 = arith.constant 0 : i32
        %dma_start3A_215 = tpu.memref_slice %arg4[%add3A_179, %dma_start3A_214] : memref<4096x256xf32, #tpu.memory_space<hbm>> -> memref<1x256xf32, #tpu.memory_space<hbm>>
        %dma_start3A_216 = tpu.memref_squeeze %dma_start3A_215 : memref<1x256xf32, #tpu.memory_space<hbm>> -> memref<256xf32, #tpu.memory_space<hbm>>
        %dma_start3A_217 = arith.constant 0 : i32
        %dma_start3A_218 = tpu.memref_slice %arg7[%dma_start3A_217] : memref<4096xf32, #tpu.memory_space<vmem>> -> memref<256xf32, #tpu.memory_space<vmem>>
        tpu.enqueue_dma source(%dma_start3A_218 : memref<256xf32, #tpu.memory_space<vmem>>) target(%dma_start3A_216 : memref<256xf32, #tpu.memory_space<hbm>>) target_semaphore(%run_scoped3A : memref<!tpu.dma_semaphore, #tpu.memory_space<semaphore_mem>>)
        %dma_wait3A = arith.constant 0 : i32
        %dma_wait3A_219 = tpu.memref_slice %arg7[%dma_wait3A] : memref<4096xf32, #tpu.memory_space<vmem>> -> memref<256xf32, #tpu.memory_space<vmem>>
        %dma_wait3A_220 = arith.constant 0 : i32
        %dma_wait3A_221 = tpu.memref_slice %arg4[%add3A_179, %dma_wait3A_220] : memref<4096x256xf32, #tpu.memory_space<hbm>> -> memref<1x256xf32, #tpu.memory_space<hbm>>
        %dma_wait3A_222 = tpu.memref_squeeze %dma_wait3A_221 : memref<1x256xf32, #tpu.memory_space<hbm>> -> memref<256xf32, #tpu.memory_space<hbm>>
        %dma_wait3A_223 = arith.constant 0 : i32
        %dma_wait3A_224 = tpu.memref_slice %arg4[%add3A_179, %dma_wait3A_223] : memref<4096x256xf32, #tpu.memory_space<hbm>> -> memref<1x256xf32, #tpu.memory_space<hbm>>
        %dma_wait3A_225 = tpu.memref_squeeze %dma_wait3A_224 : memref<1x256xf32, #tpu.memory_space<hbm>> -> memref<256xf32, #tpu.memory_space<hbm>>
        %dma_wait3A_226 = arith.constant 0 : i32
        %dma_wait3A_227 = tpu.memref_slice %arg7[%dma_wait3A_226] : memref<4096xf32, #tpu.memory_space<vmem>> -> memref<256xf32, #tpu.memory_space<vmem>>
        tpu.wait_dma2 semaphore(%run_scoped3A : memref<!tpu.dma_semaphore, #tpu.memory_space<semaphore_mem>>) src(%dma_wait3A_227 : memref<256xf32, #tpu.memory_space<vmem>>) dst(%dma_wait3A_225 : memref<256xf32, #tpu.memory_space<hbm>>)
        tpu.yield
      }) : () -> ()
      %add3A_180 = arith.constant 1 : i32
      %add3A_181 = arith.addi %add3A_11, %add3A_180 : i32
      "tpu.region"() ({
        %run_scoped3A = tpu.sem_alloc : memref<!tpu.dma_semaphore, #tpu.memory_space<semaphore_mem>>
        %dma_start3A = arith.constant 256 : i32
        %dma_start3A_210 = tpu.memref_slice %arg7[%dma_start3A] : memref<4096xf32, #tpu.memory_space<vmem>> -> memref<256xf32, #tpu.memory_space<vmem>>
        %dma_start3A_211 = arith.constant 0 : i32
        %dma_start3A_212 = tpu.memref_slice %arg4[%add3A_181, %dma_start3A_211] : memref<4096x256xf32, #tpu.memory_space<hbm>> -> memref<1x256xf32, #tpu.memory_space<hbm>>
        %dma_start3A_213 = tpu.memref_squeeze %dma_start3A_212 : memref<1x256xf32, #tpu.memory_space<hbm>> -> memref<256xf32, #tpu.memory_space<hbm>>
        %dma_start3A_214 = arith.constant 0 : i32
        %dma_start3A_215 = tpu.memref_slice %arg4[%add3A_181, %dma_start3A_214] : memref<4096x256xf32, #tpu.memory_space<hbm>> -> memref<1x256xf32, #tpu.memory_space<hbm>>
        %dma_start3A_216 = tpu.memref_squeeze %dma_start3A_215 : memref<1x256xf32, #tpu.memory_space<hbm>> -> memref<256xf32, #tpu.memory_space<hbm>>
        %dma_start3A_217 = arith.constant 256 : i32
        %dma_start3A_218 = tpu.memref_slice %arg7[%dma_start3A_217] : memref<4096xf32, #tpu.memory_space<vmem>> -> memref<256xf32, #tpu.memory_space<vmem>>
        tpu.enqueue_dma source(%dma_start3A_218 : memref<256xf32, #tpu.memory_space<vmem>>) target(%dma_start3A_216 : memref<256xf32, #tpu.memory_space<hbm>>) target_semaphore(%run_scoped3A : memref<!tpu.dma_semaphore, #tpu.memory_space<semaphore_mem>>)
        %dma_wait3A = arith.constant 256 : i32
        %dma_wait3A_219 = tpu.memref_slice %arg7[%dma_wait3A] : memref<4096xf32, #tpu.memory_space<vmem>> -> memref<256xf32, #tpu.memory_space<vmem>>
        %dma_wait3A_220 = arith.constant 0 : i32
        %dma_wait3A_221 = tpu.memref_slice %arg4[%add3A_181, %dma_wait3A_220] : memref<4096x256xf32, #tpu.memory_space<hbm>> -> memref<1x256xf32, #tpu.memory_space<hbm>>
        %dma_wait3A_222 = tpu.memref_squeeze %dma_wait3A_221 : memref<1x256xf32, #tpu.memory_space<hbm>> -> memref<256xf32, #tpu.memory_space<hbm>>
        %dma_wait3A_223 = arith.constant 0 : i32
        %dma_wait3A_224 = tpu.memref_slice %arg4[%add3A_181, %dma_wait3A_223] : memref<4096x256xf32, #tpu.memory_space<hbm>> -> memref<1x256xf32, #tpu.memory_space<hbm>>
        %dma_wait3A_225 = tpu.memref_squeeze %dma_wait3A_224 : memref<1x256xf32, #tpu.memory_space<hbm>> -> memref<256xf32, #tpu.memory_space<hbm>>
        %dma_wait3A_226 = arith.constant 256 : i32
        %dma_wait3A_227 = tpu.memref_slice %arg7[%dma_wait3A_226] : memref<4096xf32, #tpu.memory_space<vmem>> -> memref<256xf32, #tpu.memory_space<vmem>>
        tpu.wait_dma2 semaphore(%run_scoped3A : memref<!tpu.dma_semaphore, #tpu.memory_space<semaphore_mem>>) src(%dma_wait3A_227 : memref<256xf32, #tpu.memory_space<vmem>>) dst(%dma_wait3A_225 : memref<256xf32, #tpu.memory_space<hbm>>)
        tpu.yield
      }) : () -> ()
      %add3A_182 = arith.constant 2 : i32
      %add3A_183 = arith.addi %add3A_11, %add3A_182 : i32
      "tpu.region"() ({
        %run_scoped3A = tpu.sem_alloc : memref<!tpu.dma_semaphore, #tpu.memory_space<semaphore_mem>>
        %dma_start3A = arith.constant 512 : i32
        %dma_start3A_210 = tpu.memref_slice %arg7[%dma_start3A] : memref<4096xf32, #tpu.memory_space<vmem>> -> memref<256xf32, #tpu.memory_space<vmem>>
        %dma_start3A_211 = arith.constant 0 : i32
        %dma_start3A_212 = tpu.memref_slice %arg4[%add3A_183, %dma_start3A_211] : memref<4096x256xf32, #tpu.memory_space<hbm>> -> memref<1x256xf32, #tpu.memory_space<hbm>>
        %dma_start3A_213 = tpu.memref_squeeze %dma_start3A_212 : memref<1x256xf32, #tpu.memory_space<hbm>> -> memref<256xf32, #tpu.memory_space<hbm>>
        %dma_start3A_214 = arith.constant 0 : i32
        %dma_start3A_215 = tpu.memref_slice %arg4[%add3A_183, %dma_start3A_214] : memref<4096x256xf32, #tpu.memory_space<hbm>> -> memref<1x256xf32, #tpu.memory_space<hbm>>
        %dma_start3A_216 = tpu.memref_squeeze %dma_start3A_215 : memref<1x256xf32, #tpu.memory_space<hbm>> -> memref<256xf32, #tpu.memory_space<hbm>>
        %dma_start3A_217 = arith.constant 512 : i32
        %dma_start3A_218 = tpu.memref_slice %arg7[%dma_start3A_217] : memref<4096xf32, #tpu.memory_space<vmem>> -> memref<256xf32, #tpu.memory_space<vmem>>
        tpu.enqueue_dma source(%dma_start3A_218 : memref<256xf32, #tpu.memory_space<vmem>>) target(%dma_start3A_216 : memref<256xf32, #tpu.memory_space<hbm>>) target_semaphore(%run_scoped3A : memref<!tpu.dma_semaphore, #tpu.memory_space<semaphore_mem>>)
        %dma_wait3A = arith.constant 512 : i32
        %dma_wait3A_219 = tpu.memref_slice %arg7[%dma_wait3A] : memref<4096xf32, #tpu.memory_space<vmem>> -> memref<256xf32, #tpu.memory_space<vmem>>
        %dma_wait3A_220 = arith.constant 0 : i32
        %dma_wait3A_221 = tpu.memref_slice %arg4[%add3A_183, %dma_wait3A_220] : memref<4096x256xf32, #tpu.memory_space<hbm>> -> memref<1x256xf32, #tpu.memory_space<hbm>>
        %dma_wait3A_222 = tpu.memref_squeeze %dma_wait3A_221 : memref<1x256xf32, #tpu.memory_space<hbm>> -> memref<256xf32, #tpu.memory_space<hbm>>
        %dma_wait3A_223 = arith.constant 0 : i32
        %dma_wait3A_224 = tpu.memref_slice %arg4[%add3A_183, %dma_wait3A_223] : memref<4096x256xf32, #tpu.memory_space<hbm>> -> memref<1x256xf32, #tpu.memory_space<hbm>>
        %dma_wait3A_225 = tpu.memref_squeeze %dma_wait3A_224 : memref<1x256xf32, #tpu.memory_space<hbm>> -> memref<256xf32, #tpu.memory_space<hbm>>
        %dma_wait3A_226 = arith.constant 512 : i32
        %dma_wait3A_227 = tpu.memref_slice %arg7[%dma_wait3A_226] : memref<4096xf32, #tpu.memory_space<vmem>> -> memref<256xf32, #tpu.memory_space<vmem>>
        tpu.wait_dma2 semaphore(%run_scoped3A : memref<!tpu.dma_semaphore, #tpu.memory_space<semaphore_mem>>) src(%dma_wait3A_227 : memref<256xf32, #tpu.memory_space<vmem>>) dst(%dma_wait3A_225 : memref<256xf32, #tpu.memory_space<hbm>>)
        tpu.yield
      }) : () -> ()
      %add3A_184 = arith.constant 3 : i32
      %add3A_185 = arith.addi %add3A_11, %add3A_184 : i32
      "tpu.region"() ({
        %run_scoped3A = tpu.sem_alloc : memref<!tpu.dma_semaphore, #tpu.memory_space<semaphore_mem>>
        %dma_start3A = arith.constant 768 : i32
        %dma_start3A_210 = tpu.memref_slice %arg7[%dma_start3A] : memref<4096xf32, #tpu.memory_space<vmem>> -> memref<256xf32, #tpu.memory_space<vmem>>
        %dma_start3A_211 = arith.constant 0 : i32
        %dma_start3A_212 = tpu.memref_slice %arg4[%add3A_185, %dma_start3A_211] : memref<4096x256xf32, #tpu.memory_space<hbm>> -> memref<1x256xf32, #tpu.memory_space<hbm>>
        %dma_start3A_213 = tpu.memref_squeeze %dma_start3A_212 : memref<1x256xf32, #tpu.memory_space<hbm>> -> memref<256xf32, #tpu.memory_space<hbm>>
        %dma_start3A_214 = arith.constant 0 : i32
        %dma_start3A_215 = tpu.memref_slice %arg4[%add3A_185, %dma_start3A_214] : memref<4096x256xf32, #tpu.memory_space<hbm>> -> memref<1x256xf32, #tpu.memory_space<hbm>>
        %dma_start3A_216 = tpu.memref_squeeze %dma_start3A_215 : memref<1x256xf32, #tpu.memory_space<hbm>> -> memref<256xf32, #tpu.memory_space<hbm>>
        %dma_start3A_217 = arith.constant 768 : i32
        %dma_start3A_218 = tpu.memref_slice %arg7[%dma_start3A_217] : memref<4096xf32, #tpu.memory_space<vmem>> -> memref<256xf32, #tpu.memory_space<vmem>>
        tpu.enqueue_dma source(%dma_start3A_218 : memref<256xf32, #tpu.memory_space<vmem>>) target(%dma_start3A_216 : memref<256xf32, #tpu.memory_space<hbm>>) target_semaphore(%run_scoped3A : memref<!tpu.dma_semaphore, #tpu.memory_space<semaphore_mem>>)
        %dma_wait3A = arith.constant 768 : i32
        %dma_wait3A_219 = tpu.memref_slice %arg7[%dma_wait3A] : memref<4096xf32, #tpu.memory_space<vmem>> -> memref<256xf32, #tpu.memory_space<vmem>>
        %dma_wait3A_220 = arith.constant 0 : i32
        %dma_wait3A_221 = tpu.memref_slice %arg4[%add3A_185, %dma_wait3A_220] : memref<4096x256xf32, #tpu.memory_space<hbm>> -> memref<1x256xf32, #tpu.memory_space<hbm>>
        %dma_wait3A_222 = tpu.memref_squeeze %dma_wait3A_221 : memref<1x256xf32, #tpu.memory_space<hbm>> -> memref<256xf32, #tpu.memory_space<hbm>>
        %dma_wait3A_223 = arith.constant 0 : i32
        %dma_wait3A_224 = tpu.memref_slice %arg4[%add3A_185, %dma_wait3A_223] : memref<4096x256xf32, #tpu.memory_space<hbm>> -> memref<1x256xf32, #tpu.memory_space<hbm>>
        %dma_wait3A_225 = tpu.memref_squeeze %dma_wait3A_224 : memref<1x256xf32, #tpu.memory_space<hbm>> -> memref<256xf32, #tpu.memory_space<hbm>>
        %dma_wait3A_226 = arith.constant 768 : i32
        %dma_wait3A_227 = tpu.memref_slice %arg7[%dma_wait3A_226] : memref<4096xf32, #tpu.memory_space<vmem>> -> memref<256xf32, #tpu.memory_space<vmem>>
        tpu.wait_dma2 semaphore(%run_scoped3A : memref<!tpu.dma_semaphore, #tpu.memory_space<semaphore_mem>>) src(%dma_wait3A_227 : memref<256xf32, #tpu.memory_space<vmem>>) dst(%dma_wait3A_225 : memref<256xf32, #tpu.memory_space<hbm>>)
        tpu.yield
      }) : () -> ()
      %add3A_186 = arith.constant 4 : i32
      %add3A_187 = arith.addi %add3A_11, %add3A_186 : i32
      "tpu.region"() ({
        %run_scoped3A = tpu.sem_alloc : memref<!tpu.dma_semaphore, #tpu.memory_space<semaphore_mem>>
        %dma_start3A = arith.constant 1024 : i32
        %dma_start3A_210 = tpu.memref_slice %arg7[%dma_start3A] : memref<4096xf32, #tpu.memory_space<vmem>> -> memref<256xf32, #tpu.memory_space<vmem>>
        %dma_start3A_211 = arith.constant 0 : i32
        %dma_start3A_212 = tpu.memref_slice %arg4[%add3A_187, %dma_start3A_211] : memref<4096x256xf32, #tpu.memory_space<hbm>> -> memref<1x256xf32, #tpu.memory_space<hbm>>
        %dma_start3A_213 = tpu.memref_squeeze %dma_start3A_212 : memref<1x256xf32, #tpu.memory_space<hbm>> -> memref<256xf32, #tpu.memory_space<hbm>>
        %dma_start3A_214 = arith.constant 0 : i32
        %dma_start3A_215 = tpu.memref_slice %arg4[%add3A_187, %dma_start3A_214] : memref<4096x256xf32, #tpu.memory_space<hbm>> -> memref<1x256xf32, #tpu.memory_space<hbm>>
        %dma_start3A_216 = tpu.memref_squeeze %dma_start3A_215 : memref<1x256xf32, #tpu.memory_space<hbm>> -> memref<256xf32, #tpu.memory_space<hbm>>
        %dma_start3A_217 = arith.constant 1024 : i32
        %dma_start3A_218 = tpu.memref_slice %arg7[%dma_start3A_217] : memref<4096xf32, #tpu.memory_space<vmem>> -> memref<256xf32, #tpu.memory_space<vmem>>
        tpu.enqueue_dma source(%dma_start3A_218 : memref<256xf32, #tpu.memory_space<vmem>>) target(%dma_start3A_216 : memref<256xf32, #tpu.memory_space<hbm>>) target_semaphore(%run_scoped3A : memref<!tpu.dma_semaphore, #tpu.memory_space<semaphore_mem>>)
        %dma_wait3A = arith.constant 1024 : i32
        %dma_wait3A_219 = tpu.memref_slice %arg7[%dma_wait3A] : memref<4096xf32, #tpu.memory_space<vmem>> -> memref<256xf32, #tpu.memory_space<vmem>>
        %dma_wait3A_220 = arith.constant 0 : i32
        %dma_wait3A_221 = tpu.memref_slice %arg4[%add3A_187, %dma_wait3A_220] : memref<4096x256xf32, #tpu.memory_space<hbm>> -> memref<1x256xf32, #tpu.memory_space<hbm>>
        %dma_wait3A_222 = tpu.memref_squeeze %dma_wait3A_221 : memref<1x256xf32, #tpu.memory_space<hbm>> -> memref<256xf32, #tpu.memory_space<hbm>>
        %dma_wait3A_223 = arith.constant 0 : i32
        %dma_wait3A_224 = tpu.memref_slice %arg4[%add3A_187, %dma_wait3A_223] : memref<4096x256xf32, #tpu.memory_space<hbm>> -> memref<1x256xf32, #tpu.memory_space<hbm>>
        %dma_wait3A_225 = tpu.memref_squeeze %dma_wait3A_224 : memref<1x256xf32, #tpu.memory_space<hbm>> -> memref<256xf32, #tpu.memory_space<hbm>>
        %dma_wait3A_226 = arith.constant 1024 : i32
        %dma_wait3A_227 = tpu.memref_slice %arg7[%dma_wait3A_226] : memref<4096xf32, #tpu.memory_space<vmem>> -> memref<256xf32, #tpu.memory_space<vmem>>
        tpu.wait_dma2 semaphore(%run_scoped3A : memref<!tpu.dma_semaphore, #tpu.memory_space<semaphore_mem>>) src(%dma_wait3A_227 : memref<256xf32, #tpu.memory_space<vmem>>) dst(%dma_wait3A_225 : memref<256xf32, #tpu.memory_space<hbm>>)
        tpu.yield
      }) : () -> ()
      %add3A_188 = arith.constant 5 : i32
      %add3A_189 = arith.addi %add3A_11, %add3A_188 : i32
      "tpu.region"() ({
        %run_scoped3A = tpu.sem_alloc : memref<!tpu.dma_semaphore, #tpu.memory_space<semaphore_mem>>
        %dma_start3A = arith.constant 1280 : i32
        %dma_start3A_210 = tpu.memref_slice %arg7[%dma_start3A] : memref<4096xf32, #tpu.memory_space<vmem>> -> memref<256xf32, #tpu.memory_space<vmem>>
        %dma_start3A_211 = arith.constant 0 : i32
        %dma_start3A_212 = tpu.memref_slice %arg4[%add3A_189, %dma_start3A_211] : memref<4096x256xf32, #tpu.memory_space<hbm>> -> memref<1x256xf32, #tpu.memory_space<hbm>>
        %dma_start3A_213 = tpu.memref_squeeze %dma_start3A_212 : memref<1x256xf32, #tpu.memory_space<hbm>> -> memref<256xf32, #tpu.memory_space<hbm>>
        %dma_start3A_214 = arith.constant 0 : i32
        %dma_start3A_215 = tpu.memref_slice %arg4[%add3A_189, %dma_start3A_214] : memref<4096x256xf32, #tpu.memory_space<hbm>> -> memref<1x256xf32, #tpu.memory_space<hbm>>
        %dma_start3A_216 = tpu.memref_squeeze %dma_start3A_215 : memref<1x256xf32, #tpu.memory_space<hbm>> -> memref<256xf32, #tpu.memory_space<hbm>>
        %dma_start3A_217 = arith.constant 1280 : i32
        %dma_start3A_218 = tpu.memref_slice %arg7[%dma_start3A_217] : memref<4096xf32, #tpu.memory_space<vmem>> -> memref<256xf32, #tpu.memory_space<vmem>>
        tpu.enqueue_dma source(%dma_start3A_218 : memref<256xf32, #tpu.memory_space<vmem>>) target(%dma_start3A_216 : memref<256xf32, #tpu.memory_space<hbm>>) target_semaphore(%run_scoped3A : memref<!tpu.dma_semaphore, #tpu.memory_space<semaphore_mem>>)
        %dma_wait3A = arith.constant 1280 : i32
        %dma_wait3A_219 = tpu.memref_slice %arg7[%dma_wait3A] : memref<4096xf32, #tpu.memory_space<vmem>> -> memref<256xf32, #tpu.memory_space<vmem>>
        %dma_wait3A_220 = arith.constant 0 : i32
        %dma_wait3A_221 = tpu.memref_slice %arg4[%add3A_189, %dma_wait3A_220] : memref<4096x256xf32, #tpu.memory_space<hbm>> -> memref<1x256xf32, #tpu.memory_space<hbm>>
        %dma_wait3A_222 = tpu.memref_squeeze %dma_wait3A_221 : memref<1x256xf32, #tpu.memory_space<hbm>> -> memref<256xf32, #tpu.memory_space<hbm>>
        %dma_wait3A_223 = arith.constant 0 : i32
        %dma_wait3A_224 = tpu.memref_slice %arg4[%add3A_189, %dma_wait3A_223] : memref<4096x256xf32, #tpu.memory_space<hbm>> -> memref<1x256xf32, #tpu.memory_space<hbm>>
        %dma_wait3A_225 = tpu.memref_squeeze %dma_wait3A_224 : memref<1x256xf32, #tpu.memory_space<hbm>> -> memref<256xf32, #tpu.memory_space<hbm>>
        %dma_wait3A_226 = arith.constant 1280 : i32
        %dma_wait3A_227 = tpu.memref_slice %arg7[%dma_wait3A_226] : memref<4096xf32, #tpu.memory_space<vmem>> -> memref<256xf32, #tpu.memory_space<vmem>>
        tpu.wait_dma2 semaphore(%run_scoped3A : memref<!tpu.dma_semaphore, #tpu.memory_space<semaphore_mem>>) src(%dma_wait3A_227 : memref<256xf32, #tpu.memory_space<vmem>>) dst(%dma_wait3A_225 : memref<256xf32, #tpu.memory_space<hbm>>)
        tpu.yield
      }) : () -> ()
      %add3A_190 = arith.constant 6 : i32
      %add3A_191 = arith.addi %add3A_11, %add3A_190 : i32
      "tpu.region"() ({
        %run_scoped3A = tpu.sem_alloc : memref<!tpu.dma_semaphore, #tpu.memory_space<semaphore_mem>>
        %dma_start3A = arith.constant 1536 : i32
        %dma_start3A_210 = tpu.memref_slice %arg7[%dma_start3A] : memref<4096xf32, #tpu.memory_space<vmem>> -> memref<256xf32, #tpu.memory_space<vmem>>
        %dma_start3A_211 = arith.constant 0 : i32
        %dma_start3A_212 = tpu.memref_slice %arg4[%add3A_191, %dma_start3A_211] : memref<4096x256xf32, #tpu.memory_space<hbm>> -> memref<1x256xf32, #tpu.memory_space<hbm>>
        %dma_start3A_213 = tpu.memref_squeeze %dma_start3A_212 : memref<1x256xf32, #tpu.memory_space<hbm>> -> memref<256xf32, #tpu.memory_space<hbm>>
        %dma_start3A_214 = arith.constant 0 : i32
        %dma_start3A_215 = tpu.memref_slice %arg4[%add3A_191, %dma_start3A_214] : memref<4096x256xf32, #tpu.memory_space<hbm>> -> memref<1x256xf32, #tpu.memory_space<hbm>>
        %dma_start3A_216 = tpu.memref_squeeze %dma_start3A_215 : memref<1x256xf32, #tpu.memory_space<hbm>> -> memref<256xf32, #tpu.memory_space<hbm>>
        %dma_start3A_217 = arith.constant 1536 : i32
        %dma_start3A_218 = tpu.memref_slice %arg7[%dma_start3A_217] : memref<4096xf32, #tpu.memory_space<vmem>> -> memref<256xf32, #tpu.memory_space<vmem>>
        tpu.enqueue_dma source(%dma_start3A_218 : memref<256xf32, #tpu.memory_space<vmem>>) target(%dma_start3A_216 : memref<256xf32, #tpu.memory_space<hbm>>) target_semaphore(%run_scoped3A : memref<!tpu.dma_semaphore, #tpu.memory_space<semaphore_mem>>)
        %dma_wait3A = arith.constant 1536 : i32
        %dma_wait3A_219 = tpu.memref_slice %arg7[%dma_wait3A] : memref<4096xf32, #tpu.memory_space<vmem>> -> memref<256xf32, #tpu.memory_space<vmem>>
        %dma_wait3A_220 = arith.constant 0 : i32
        %dma_wait3A_221 = tpu.memref_slice %arg4[%add3A_191, %dma_wait3A_220] : memref<4096x256xf32, #tpu.memory_space<hbm>> -> memref<1x256xf32, #tpu.memory_space<hbm>>
        %dma_wait3A_222 = tpu.memref_squeeze %dma_wait3A_221 : memref<1x256xf32, #tpu.memory_space<hbm>> -> memref<256xf32, #tpu.memory_space<hbm>>
        %dma_wait3A_223 = arith.constant 0 : i32
        %dma_wait3A_224 = tpu.memref_slice %arg4[%add3A_191, %dma_wait3A_223] : memref<4096x256xf32, #tpu.memory_space<hbm>> -> memref<1x256xf32, #tpu.memory_space<hbm>>
        %dma_wait3A_225 = tpu.memref_squeeze %dma_wait3A_224 : memref<1x256xf32, #tpu.memory_space<hbm>> -> memref<256xf32, #tpu.memory_space<hbm>>
        %dma_wait3A_226 = arith.constant 1536 : i32
        %dma_wait3A_227 = tpu.memref_slice %arg7[%dma_wait3A_226] : memref<4096xf32, #tpu.memory_space<vmem>> -> memref<256xf32, #tpu.memory_space<vmem>>
        tpu.wait_dma2 semaphore(%run_scoped3A : memref<!tpu.dma_semaphore, #tpu.memory_space<semaphore_mem>>) src(%dma_wait3A_227 : memref<256xf32, #tpu.memory_space<vmem>>) dst(%dma_wait3A_225 : memref<256xf32, #tpu.memory_space<hbm>>)
        tpu.yield
      }) : () -> ()
      %add3A_192 = arith.constant 7 : i32
      %add3A_193 = arith.addi %add3A_11, %add3A_192 : i32
      "tpu.region"() ({
        %run_scoped3A = tpu.sem_alloc : memref<!tpu.dma_semaphore, #tpu.memory_space<semaphore_mem>>
        %dma_start3A = arith.constant 1792 : i32
        %dma_start3A_210 = tpu.memref_slice %arg7[%dma_start3A] : memref<4096xf32, #tpu.memory_space<vmem>> -> memref<256xf32, #tpu.memory_space<vmem>>
        %dma_start3A_211 = arith.constant 0 : i32
        %dma_start3A_212 = tpu.memref_slice %arg4[%add3A_193, %dma_start3A_211] : memref<4096x256xf32, #tpu.memory_space<hbm>> -> memref<1x256xf32, #tpu.memory_space<hbm>>
        %dma_start3A_213 = tpu.memref_squeeze %dma_start3A_212 : memref<1x256xf32, #tpu.memory_space<hbm>> -> memref<256xf32, #tpu.memory_space<hbm>>
        %dma_start3A_214 = arith.constant 0 : i32
        %dma_start3A_215 = tpu.memref_slice %arg4[%add3A_193, %dma_start3A_214] : memref<4096x256xf32, #tpu.memory_space<hbm>> -> memref<1x256xf32, #tpu.memory_space<hbm>>
        %dma_start3A_216 = tpu.memref_squeeze %dma_start3A_215 : memref<1x256xf32, #tpu.memory_space<hbm>> -> memref<256xf32, #tpu.memory_space<hbm>>
        %dma_start3A_217 = arith.constant 1792 : i32
        %dma_start3A_218 = tpu.memref_slice %arg7[%dma_start3A_217] : memref<4096xf32, #tpu.memory_space<vmem>> -> memref<256xf32, #tpu.memory_space<vmem>>
        tpu.enqueue_dma source(%dma_start3A_218 : memref<256xf32, #tpu.memory_space<vmem>>) target(%dma_start3A_216 : memref<256xf32, #tpu.memory_space<hbm>>) target_semaphore(%run_scoped3A : memref<!tpu.dma_semaphore, #tpu.memory_space<semaphore_mem>>)
        %dma_wait3A = arith.constant 1792 : i32
        %dma_wait3A_219 = tpu.memref_slice %arg7[%dma_wait3A] : memref<4096xf32, #tpu.memory_space<vmem>> -> memref<256xf32, #tpu.memory_space<vmem>>
        %dma_wait3A_220 = arith.constant 0 : i32
        %dma_wait3A_221 = tpu.memref_slice %arg4[%add3A_193, %dma_wait3A_220] : memref<4096x256xf32, #tpu.memory_space<hbm>> -> memref<1x256xf32, #tpu.memory_space<hbm>>
        %dma_wait3A_222 = tpu.memref_squeeze %dma_wait3A_221 : memref<1x256xf32, #tpu.memory_space<hbm>> -> memref<256xf32, #tpu.memory_space<hbm>>
        %dma_wait3A_223 = arith.constant 0 : i32
        %dma_wait3A_224 = tpu.memref_slice %arg4[%add3A_193, %dma_wait3A_223] : memref<4096x256xf32, #tpu.memory_space<hbm>> -> memref<1x256xf32, #tpu.memory_space<hbm>>
        %dma_wait3A_225 = tpu.memref_squeeze %dma_wait3A_224 : memref<1x256xf32, #tpu.memory_space<hbm>> -> memref<256xf32, #tpu.memory_space<hbm>>
        %dma_wait3A_226 = arith.constant 1792 : i32
        %dma_wait3A_227 = tpu.memref_slice %arg7[%dma_wait3A_226] : memref<4096xf32, #tpu.memory_space<vmem>> -> memref<256xf32, #tpu.memory_space<vmem>>
        tpu.wait_dma2 semaphore(%run_scoped3A : memref<!tpu.dma_semaphore, #tpu.memory_space<semaphore_mem>>) src(%dma_wait3A_227 : memref<256xf32, #tpu.memory_space<vmem>>) dst(%dma_wait3A_225 : memref<256xf32, #tpu.memory_space<hbm>>)
        tpu.yield
      }) : () -> ()
      %add3A_194 = arith.constant 8 : i32
      %add3A_195 = arith.addi %add3A_11, %add3A_194 : i32
      "tpu.region"() ({
        %run_scoped3A = tpu.sem_alloc : memref<!tpu.dma_semaphore, #tpu.memory_space<semaphore_mem>>
        %dma_start3A = arith.constant 2048 : i32
        %dma_start3A_210 = tpu.memref_slice %arg7[%dma_start3A] : memref<4096xf32, #tpu.memory_space<vmem>> -> memref<256xf32, #tpu.memory_space<vmem>>
        %dma_start3A_211 = arith.constant 0 : i32
        %dma_start3A_212 = tpu.memref_slice %arg4[%add3A_195, %dma_start3A_211] : memref<4096x256xf32, #tpu.memory_space<hbm>> -> memref<1x256xf32, #tpu.memory_space<hbm>>
        %dma_start3A_213 = tpu.memref_squeeze %dma_start3A_212 : memref<1x256xf32, #tpu.memory_space<hbm>> -> memref<256xf32, #tpu.memory_space<hbm>>
        %dma_start3A_214 = arith.constant 0 : i32
        %dma_start3A_215 = tpu.memref_slice %arg4[%add3A_195, %dma_start3A_214] : memref<4096x256xf32, #tpu.memory_space<hbm>> -> memref<1x256xf32, #tpu.memory_space<hbm>>
        %dma_start3A_216 = tpu.memref_squeeze %dma_start3A_215 : memref<1x256xf32, #tpu.memory_space<hbm>> -> memref<256xf32, #tpu.memory_space<hbm>>
        %dma_start3A_217 = arith.constant 2048 : i32
        %dma_start3A_218 = tpu.memref_slice %arg7[%dma_start3A_217] : memref<4096xf32, #tpu.memory_space<vmem>> -> memref<256xf32, #tpu.memory_space<vmem>>
        tpu.enqueue_dma source(%dma_start3A_218 : memref<256xf32, #tpu.memory_space<vmem>>) target(%dma_start3A_216 : memref<256xf32, #tpu.memory_space<hbm>>) target_semaphore(%run_scoped3A : memref<!tpu.dma_semaphore, #tpu.memory_space<semaphore_mem>>)
        %dma_wait3A = arith.constant 2048 : i32
        %dma_wait3A_219 = tpu.memref_slice %arg7[%dma_wait3A] : memref<4096xf32, #tpu.memory_space<vmem>> -> memref<256xf32, #tpu.memory_space<vmem>>
        %dma_wait3A_220 = arith.constant 0 : i32
        %dma_wait3A_221 = tpu.memref_slice %arg4[%add3A_195, %dma_wait3A_220] : memref<4096x256xf32, #tpu.memory_space<hbm>> -> memref<1x256xf32, #tpu.memory_space<hbm>>
        %dma_wait3A_222 = tpu.memref_squeeze %dma_wait3A_221 : memref<1x256xf32, #tpu.memory_space<hbm>> -> memref<256xf32, #tpu.memory_space<hbm>>
        %dma_wait3A_223 = arith.constant 0 : i32
        %dma_wait3A_224 = tpu.memref_slice %arg4[%add3A_195, %dma_wait3A_223] : memref<4096x256xf32, #tpu.memory_space<hbm>> -> memref<1x256xf32, #tpu.memory_space<hbm>>
        %dma_wait3A_225 = tpu.memref_squeeze %dma_wait3A_224 : memref<1x256xf32, #tpu.memory_space<hbm>> -> memref<256xf32, #tpu.memory_space<hbm>>
        %dma_wait3A_226 = arith.constant 2048 : i32
        %dma_wait3A_227 = tpu.memref_slice %arg7[%dma_wait3A_226] : memref<4096xf32, #tpu.memory_space<vmem>> -> memref<256xf32, #tpu.memory_space<vmem>>
        tpu.wait_dma2 semaphore(%run_scoped3A : memref<!tpu.dma_semaphore, #tpu.memory_space<semaphore_mem>>) src(%dma_wait3A_227 : memref<256xf32, #tpu.memory_space<vmem>>) dst(%dma_wait3A_225 : memref<256xf32, #tpu.memory_space<hbm>>)
        tpu.yield
      }) : () -> ()
      %add3A_196 = arith.constant 9 : i32
      %add3A_197 = arith.addi %add3A_11, %add3A_196 : i32
      "tpu.region"() ({
        %run_scoped3A = tpu.sem_alloc : memref<!tpu.dma_semaphore, #tpu.memory_space<semaphore_mem>>
        %dma_start3A = arith.constant 2304 : i32
        %dma_start3A_210 = tpu.memref_slice %arg7[%dma_start3A] : memref<4096xf32, #tpu.memory_space<vmem>> -> memref<256xf32, #tpu.memory_space<vmem>>
        %dma_start3A_211 = arith.constant 0 : i32
        %dma_start3A_212 = tpu.memref_slice %arg4[%add3A_197, %dma_start3A_211] : memref<4096x256xf32, #tpu.memory_space<hbm>> -> memref<1x256xf32, #tpu.memory_space<hbm>>
        %dma_start3A_213 = tpu.memref_squeeze %dma_start3A_212 : memref<1x256xf32, #tpu.memory_space<hbm>> -> memref<256xf32, #tpu.memory_space<hbm>>
        %dma_start3A_214 = arith.constant 0 : i32
        %dma_start3A_215 = tpu.memref_slice %arg4[%add3A_197, %dma_start3A_214] : memref<4096x256xf32, #tpu.memory_space<hbm>> -> memref<1x256xf32, #tpu.memory_space<hbm>>
        %dma_start3A_216 = tpu.memref_squeeze %dma_start3A_215 : memref<1x256xf32, #tpu.memory_space<hbm>> -> memref<256xf32, #tpu.memory_space<hbm>>
        %dma_start3A_217 = arith.constant 2304 : i32
        %dma_start3A_218 = tpu.memref_slice %arg7[%dma_start3A_217] : memref<4096xf32, #tpu.memory_space<vmem>> -> memref<256xf32, #tpu.memory_space<vmem>>
        tpu.enqueue_dma source(%dma_start3A_218 : memref<256xf32, #tpu.memory_space<vmem>>) target(%dma_start3A_216 : memref<256xf32, #tpu.memory_space<hbm>>) target_semaphore(%run_scoped3A : memref<!tpu.dma_semaphore, #tpu.memory_space<semaphore_mem>>)
        %dma_wait3A = arith.constant 2304 : i32
        %dma_wait3A_219 = tpu.memref_slice %arg7[%dma_wait3A] : memref<4096xf32, #tpu.memory_space<vmem>> -> memref<256xf32, #tpu.memory_space<vmem>>
        %dma_wait3A_220 = arith.constant 0 : i32
        %dma_wait3A_221 = tpu.memref_slice %arg4[%add3A_197, %dma_wait3A_220] : memref<4096x256xf32, #tpu.memory_space<hbm>> -> memref<1x256xf32, #tpu.memory_space<hbm>>
        %dma_wait3A_222 = tpu.memref_squeeze %dma_wait3A_221 : memref<1x256xf32, #tpu.memory_space<hbm>> -> memref<256xf32, #tpu.memory_space<hbm>>
        %dma_wait3A_223 = arith.constant 0 : i32
        %dma_wait3A_224 = tpu.memref_slice %arg4[%add3A_197, %dma_wait3A_223] : memref<4096x256xf32, #tpu.memory_space<hbm>> -> memref<1x256xf32, #tpu.memory_space<hbm>>
        %dma_wait3A_225 = tpu.memref_squeeze %dma_wait3A_224 : memref<1x256xf32, #tpu.memory_space<hbm>> -> memref<256xf32, #tpu.memory_space<hbm>>
        %dma_wait3A_226 = arith.constant 2304 : i32
        %dma_wait3A_227 = tpu.memref_slice %arg7[%dma_wait3A_226] : memref<4096xf32, #tpu.memory_space<vmem>> -> memref<256xf32, #tpu.memory_space<vmem>>
        tpu.wait_dma2 semaphore(%run_scoped3A : memref<!tpu.dma_semaphore, #tpu.memory_space<semaphore_mem>>) src(%dma_wait3A_227 : memref<256xf32, #tpu.memory_space<vmem>>) dst(%dma_wait3A_225 : memref<256xf32, #tpu.memory_space<hbm>>)
        tpu.yield
      }) : () -> ()
      %add3A_198 = arith.constant 10 : i32
      %add3A_199 = arith.addi %add3A_11, %add3A_198 : i32
      "tpu.region"() ({
        %run_scoped3A = tpu.sem_alloc : memref<!tpu.dma_semaphore, #tpu.memory_space<semaphore_mem>>
        %dma_start3A = arith.constant 2560 : i32
        %dma_start3A_210 = tpu.memref_slice %arg7[%dma_start3A] : memref<4096xf32, #tpu.memory_space<vmem>> -> memref<256xf32, #tpu.memory_space<vmem>>
        %dma_start3A_211 = arith.constant 0 : i32
        %dma_start3A_212 = tpu.memref_slice %arg4[%add3A_199, %dma_start3A_211] : memref<4096x256xf32, #tpu.memory_space<hbm>> -> memref<1x256xf32, #tpu.memory_space<hbm>>
        %dma_start3A_213 = tpu.memref_squeeze %dma_start3A_212 : memref<1x256xf32, #tpu.memory_space<hbm>> -> memref<256xf32, #tpu.memory_space<hbm>>
        %dma_start3A_214 = arith.constant 0 : i32
        %dma_start3A_215 = tpu.memref_slice %arg4[%add3A_199, %dma_start3A_214] : memref<4096x256xf32, #tpu.memory_space<hbm>> -> memref<1x256xf32, #tpu.memory_space<hbm>>
        %dma_start3A_216 = tpu.memref_squeeze %dma_start3A_215 : memref<1x256xf32, #tpu.memory_space<hbm>> -> memref<256xf32, #tpu.memory_space<hbm>>
        %dma_start3A_217 = arith.constant 2560 : i32
        %dma_start3A_218 = tpu.memref_slice %arg7[%dma_start3A_217] : memref<4096xf32, #tpu.memory_space<vmem>> -> memref<256xf32, #tpu.memory_space<vmem>>
        tpu.enqueue_dma source(%dma_start3A_218 : memref<256xf32, #tpu.memory_space<vmem>>) target(%dma_start3A_216 : memref<256xf32, #tpu.memory_space<hbm>>) target_semaphore(%run_scoped3A : memref<!tpu.dma_semaphore, #tpu.memory_space<semaphore_mem>>)
        %dma_wait3A = arith.constant 2560 : i32
        %dma_wait3A_219 = tpu.memref_slice %arg7[%dma_wait3A] : memref<4096xf32, #tpu.memory_space<vmem>> -> memref<256xf32, #tpu.memory_space<vmem>>
        %dma_wait3A_220 = arith.constant 0 : i32
        %dma_wait3A_221 = tpu.memref_slice %arg4[%add3A_199, %dma_wait3A_220] : memref<4096x256xf32, #tpu.memory_space<hbm>> -> memref<1x256xf32, #tpu.memory_space<hbm>>
        %dma_wait3A_222 = tpu.memref_squeeze %dma_wait3A_221 : memref<1x256xf32, #tpu.memory_space<hbm>> -> memref<256xf32, #tpu.memory_space<hbm>>
        %dma_wait3A_223 = arith.constant 0 : i32
        %dma_wait3A_224 = tpu.memref_slice %arg4[%add3A_199, %dma_wait3A_223] : memref<4096x256xf32, #tpu.memory_space<hbm>> -> memref<1x256xf32, #tpu.memory_space<hbm>>
        %dma_wait3A_225 = tpu.memref_squeeze %dma_wait3A_224 : memref<1x256xf32, #tpu.memory_space<hbm>> -> memref<256xf32, #tpu.memory_space<hbm>>
        %dma_wait3A_226 = arith.constant 2560 : i32
        %dma_wait3A_227 = tpu.memref_slice %arg7[%dma_wait3A_226] : memref<4096xf32, #tpu.memory_space<vmem>> -> memref<256xf32, #tpu.memory_space<vmem>>
        tpu.wait_dma2 semaphore(%run_scoped3A : memref<!tpu.dma_semaphore, #tpu.memory_space<semaphore_mem>>) src(%dma_wait3A_227 : memref<256xf32, #tpu.memory_space<vmem>>) dst(%dma_wait3A_225 : memref<256xf32, #tpu.memory_space<hbm>>)
        tpu.yield
      }) : () -> ()
      %add3A_200 = arith.constant 11 : i32
      %add3A_201 = arith.addi %add3A_11, %add3A_200 : i32
      "tpu.region"() ({
        %run_scoped3A = tpu.sem_alloc : memref<!tpu.dma_semaphore, #tpu.memory_space<semaphore_mem>>
        %dma_start3A = arith.constant 2816 : i32
        %dma_start3A_210 = tpu.memref_slice %arg7[%dma_start3A] : memref<4096xf32, #tpu.memory_space<vmem>> -> memref<256xf32, #tpu.memory_space<vmem>>
        %dma_start3A_211 = arith.constant 0 : i32
        %dma_start3A_212 = tpu.memref_slice %arg4[%add3A_201, %dma_start3A_211] : memref<4096x256xf32, #tpu.memory_space<hbm>> -> memref<1x256xf32, #tpu.memory_space<hbm>>
        %dma_start3A_213 = tpu.memref_squeeze %dma_start3A_212 : memref<1x256xf32, #tpu.memory_space<hbm>> -> memref<256xf32, #tpu.memory_space<hbm>>
        %dma_start3A_214 = arith.constant 0 : i32
        %dma_start3A_215 = tpu.memref_slice %arg4[%add3A_201, %dma_start3A_214] : memref<4096x256xf32, #tpu.memory_space<hbm>> -> memref<1x256xf32, #tpu.memory_space<hbm>>
        %dma_start3A_216 = tpu.memref_squeeze %dma_start3A_215 : memref<1x256xf32, #tpu.memory_space<hbm>> -> memref<256xf32, #tpu.memory_space<hbm>>
        %dma_start3A_217 = arith.constant 2816 : i32
        %dma_start3A_218 = tpu.memref_slice %arg7[%dma_start3A_217] : memref<4096xf32, #tpu.memory_space<vmem>> -> memref<256xf32, #tpu.memory_space<vmem>>
        tpu.enqueue_dma source(%dma_start3A_218 : memref<256xf32, #tpu.memory_space<vmem>>) target(%dma_start3A_216 : memref<256xf32, #tpu.memory_space<hbm>>) target_semaphore(%run_scoped3A : memref<!tpu.dma_semaphore, #tpu.memory_space<semaphore_mem>>)
        %dma_wait3A = arith.constant 2816 : i32
        %dma_wait3A_219 = tpu.memref_slice %arg7[%dma_wait3A] : memref<4096xf32, #tpu.memory_space<vmem>> -> memref<256xf32, #tpu.memory_space<vmem>>
        %dma_wait3A_220 = arith.constant 0 : i32
        %dma_wait3A_221 = tpu.memref_slice %arg4[%add3A_201, %dma_wait3A_220] : memref<4096x256xf32, #tpu.memory_space<hbm>> -> memref<1x256xf32, #tpu.memory_space<hbm>>
        %dma_wait3A_222 = tpu.memref_squeeze %dma_wait3A_221 : memref<1x256xf32, #tpu.memory_space<hbm>> -> memref<256xf32, #tpu.memory_space<hbm>>
        %dma_wait3A_223 = arith.constant 0 : i32
        %dma_wait3A_224 = tpu.memref_slice %arg4[%add3A_201, %dma_wait3A_223] : memref<4096x256xf32, #tpu.memory_space<hbm>> -> memref<1x256xf32, #tpu.memory_space<hbm>>
        %dma_wait3A_225 = tpu.memref_squeeze %dma_wait3A_224 : memref<1x256xf32, #tpu.memory_space<hbm>> -> memref<256xf32, #tpu.memory_space<hbm>>
        %dma_wait3A_226 = arith.constant 2816 : i32
        %dma_wait3A_227 = tpu.memref_slice %arg7[%dma_wait3A_226] : memref<4096xf32, #tpu.memory_space<vmem>> -> memref<256xf32, #tpu.memory_space<vmem>>
        tpu.wait_dma2 semaphore(%run_scoped3A : memref<!tpu.dma_semaphore, #tpu.memory_space<semaphore_mem>>) src(%dma_wait3A_227 : memref<256xf32, #tpu.memory_space<vmem>>) dst(%dma_wait3A_225 : memref<256xf32, #tpu.memory_space<hbm>>)
        tpu.yield
      }) : () -> ()
      %add3A_202 = arith.constant 12 : i32
      %add3A_203 = arith.addi %add3A_11, %add3A_202 : i32
      "tpu.region"() ({
        %run_scoped3A = tpu.sem_alloc : memref<!tpu.dma_semaphore, #tpu.memory_space<semaphore_mem>>
        %dma_start3A = arith.constant 3072 : i32
        %dma_start3A_210 = tpu.memref_slice %arg7[%dma_start3A] : memref<4096xf32, #tpu.memory_space<vmem>> -> memref<256xf32, #tpu.memory_space<vmem>>
        %dma_start3A_211 = arith.constant 0 : i32
        %dma_start3A_212 = tpu.memref_slice %arg4[%add3A_203, %dma_start3A_211] : memref<4096x256xf32, #tpu.memory_space<hbm>> -> memref<1x256xf32, #tpu.memory_space<hbm>>
        %dma_start3A_213 = tpu.memref_squeeze %dma_start3A_212 : memref<1x256xf32, #tpu.memory_space<hbm>> -> memref<256xf32, #tpu.memory_space<hbm>>
        %dma_start3A_214 = arith.constant 0 : i32
        %dma_start3A_215 = tpu.memref_slice %arg4[%add3A_203, %dma_start3A_214] : memref<4096x256xf32, #tpu.memory_space<hbm>> -> memref<1x256xf32, #tpu.memory_space<hbm>>
        %dma_start3A_216 = tpu.memref_squeeze %dma_start3A_215 : memref<1x256xf32, #tpu.memory_space<hbm>> -> memref<256xf32, #tpu.memory_space<hbm>>
        %dma_start3A_217 = arith.constant 3072 : i32
        %dma_start3A_218 = tpu.memref_slice %arg7[%dma_start3A_217] : memref<4096xf32, #tpu.memory_space<vmem>> -> memref<256xf32, #tpu.memory_space<vmem>>
        tpu.enqueue_dma source(%dma_start3A_218 : memref<256xf32, #tpu.memory_space<vmem>>) target(%dma_start3A_216 : memref<256xf32, #tpu.memory_space<hbm>>) target_semaphore(%run_scoped3A : memref<!tpu.dma_semaphore, #tpu.memory_space<semaphore_mem>>)
        %dma_wait3A = arith.constant 3072 : i32
        %dma_wait3A_219 = tpu.memref_slice %arg7[%dma_wait3A] : memref<4096xf32, #tpu.memory_space<vmem>> -> memref<256xf32, #tpu.memory_space<vmem>>
        %dma_wait3A_220 = arith.constant 0 : i32
        %dma_wait3A_221 = tpu.memref_slice %arg4[%add3A_203, %dma_wait3A_220] : memref<4096x256xf32, #tpu.memory_space<hbm>> -> memref<1x256xf32, #tpu.memory_space<hbm>>
        %dma_wait3A_222 = tpu.memref_squeeze %dma_wait3A_221 : memref<1x256xf32, #tpu.memory_space<hbm>> -> memref<256xf32, #tpu.memory_space<hbm>>
        %dma_wait3A_223 = arith.constant 0 : i32
        %dma_wait3A_224 = tpu.memref_slice %arg4[%add3A_203, %dma_wait3A_223] : memref<4096x256xf32, #tpu.memory_space<hbm>> -> memref<1x256xf32, #tpu.memory_space<hbm>>
        %dma_wait3A_225 = tpu.memref_squeeze %dma_wait3A_224 : memref<1x256xf32, #tpu.memory_space<hbm>> -> memref<256xf32, #tpu.memory_space<hbm>>
        %dma_wait3A_226 = arith.constant 3072 : i32
        %dma_wait3A_227 = tpu.memref_slice %arg7[%dma_wait3A_226] : memref<4096xf32, #tpu.memory_space<vmem>> -> memref<256xf32, #tpu.memory_space<vmem>>
        tpu.wait_dma2 semaphore(%run_scoped3A : memref<!tpu.dma_semaphore, #tpu.memory_space<semaphore_mem>>) src(%dma_wait3A_227 : memref<256xf32, #tpu.memory_space<vmem>>) dst(%dma_wait3A_225 : memref<256xf32, #tpu.memory_space<hbm>>)
        tpu.yield
      }) : () -> ()
      %add3A_204 = arith.constant 13 : i32
      %add3A_205 = arith.addi %add3A_11, %add3A_204 : i32
      "tpu.region"() ({
        %run_scoped3A = tpu.sem_alloc : memref<!tpu.dma_semaphore, #tpu.memory_space<semaphore_mem>>
        %dma_start3A = arith.constant 3328 : i32
        %dma_start3A_210 = tpu.memref_slice %arg7[%dma_start3A] : memref<4096xf32, #tpu.memory_space<vmem>> -> memref<256xf32, #tpu.memory_space<vmem>>
        %dma_start3A_211 = arith.constant 0 : i32
        %dma_start3A_212 = tpu.memref_slice %arg4[%add3A_205, %dma_start3A_211] : memref<4096x256xf32, #tpu.memory_space<hbm>> -> memref<1x256xf32, #tpu.memory_space<hbm>>
        %dma_start3A_213 = tpu.memref_squeeze %dma_start3A_212 : memref<1x256xf32, #tpu.memory_space<hbm>> -> memref<256xf32, #tpu.memory_space<hbm>>
        %dma_start3A_214 = arith.constant 0 : i32
        %dma_start3A_215 = tpu.memref_slice %arg4[%add3A_205, %dma_start3A_214] : memref<4096x256xf32, #tpu.memory_space<hbm>> -> memref<1x256xf32, #tpu.memory_space<hbm>>
        %dma_start3A_216 = tpu.memref_squeeze %dma_start3A_215 : memref<1x256xf32, #tpu.memory_space<hbm>> -> memref<256xf32, #tpu.memory_space<hbm>>
        %dma_start3A_217 = arith.constant 3328 : i32
        %dma_start3A_218 = tpu.memref_slice %arg7[%dma_start3A_217] : memref<4096xf32, #tpu.memory_space<vmem>> -> memref<256xf32, #tpu.memory_space<vmem>>
        tpu.enqueue_dma source(%dma_start3A_218 : memref<256xf32, #tpu.memory_space<vmem>>) target(%dma_start3A_216 : memref<256xf32, #tpu.memory_space<hbm>>) target_semaphore(%run_scoped3A : memref<!tpu.dma_semaphore, #tpu.memory_space<semaphore_mem>>)
        %dma_wait3A = arith.constant 3328 : i32
        %dma_wait3A_219 = tpu.memref_slice %arg7[%dma_wait3A] : memref<4096xf32, #tpu.memory_space<vmem>> -> memref<256xf32, #tpu.memory_space<vmem>>
        %dma_wait3A_220 = arith.constant 0 : i32
        %dma_wait3A_221 = tpu.memref_slice %arg4[%add3A_205, %dma_wait3A_220] : memref<4096x256xf32, #tpu.memory_space<hbm>> -> memref<1x256xf32, #tpu.memory_space<hbm>>
        %dma_wait3A_222 = tpu.memref_squeeze %dma_wait3A_221 : memref<1x256xf32, #tpu.memory_space<hbm>> -> memref<256xf32, #tpu.memory_space<hbm>>
        %dma_wait3A_223 = arith.constant 0 : i32
        %dma_wait3A_224 = tpu.memref_slice %arg4[%add3A_205, %dma_wait3A_223] : memref<4096x256xf32, #tpu.memory_space<hbm>> -> memref<1x256xf32, #tpu.memory_space<hbm>>
        %dma_wait3A_225 = tpu.memref_squeeze %dma_wait3A_224 : memref<1x256xf32, #tpu.memory_space<hbm>> -> memref<256xf32, #tpu.memory_space<hbm>>
        %dma_wait3A_226 = arith.constant 3328 : i32
        %dma_wait3A_227 = tpu.memref_slice %arg7[%dma_wait3A_226] : memref<4096xf32, #tpu.memory_space<vmem>> -> memref<256xf32, #tpu.memory_space<vmem>>
        tpu.wait_dma2 semaphore(%run_scoped3A : memref<!tpu.dma_semaphore, #tpu.memory_space<semaphore_mem>>) src(%dma_wait3A_227 : memref<256xf32, #tpu.memory_space<vmem>>) dst(%dma_wait3A_225 : memref<256xf32, #tpu.memory_space<hbm>>)
        tpu.yield
      }) : () -> ()
      %add3A_206 = arith.constant 14 : i32
      %add3A_207 = arith.addi %add3A_11, %add3A_206 : i32
      "tpu.region"() ({
        %run_scoped3A = tpu.sem_alloc : memref<!tpu.dma_semaphore, #tpu.memory_space<semaphore_mem>>
        %dma_start3A = arith.constant 3584 : i32
        %dma_start3A_210 = tpu.memref_slice %arg7[%dma_start3A] : memref<4096xf32, #tpu.memory_space<vmem>> -> memref<256xf32, #tpu.memory_space<vmem>>
        %dma_start3A_211 = arith.constant 0 : i32
        %dma_start3A_212 = tpu.memref_slice %arg4[%add3A_207, %dma_start3A_211] : memref<4096x256xf32, #tpu.memory_space<hbm>> -> memref<1x256xf32, #tpu.memory_space<hbm>>
        %dma_start3A_213 = tpu.memref_squeeze %dma_start3A_212 : memref<1x256xf32, #tpu.memory_space<hbm>> -> memref<256xf32, #tpu.memory_space<hbm>>
        %dma_start3A_214 = arith.constant 0 : i32
        %dma_start3A_215 = tpu.memref_slice %arg4[%add3A_207, %dma_start3A_214] : memref<4096x256xf32, #tpu.memory_space<hbm>> -> memref<1x256xf32, #tpu.memory_space<hbm>>
        %dma_start3A_216 = tpu.memref_squeeze %dma_start3A_215 : memref<1x256xf32, #tpu.memory_space<hbm>> -> memref<256xf32, #tpu.memory_space<hbm>>
        %dma_start3A_217 = arith.constant 3584 : i32
        %dma_start3A_218 = tpu.memref_slice %arg7[%dma_start3A_217] : memref<4096xf32, #tpu.memory_space<vmem>> -> memref<256xf32, #tpu.memory_space<vmem>>
        tpu.enqueue_dma source(%dma_start3A_218 : memref<256xf32, #tpu.memory_space<vmem>>) target(%dma_start3A_216 : memref<256xf32, #tpu.memory_space<hbm>>) target_semaphore(%run_scoped3A : memref<!tpu.dma_semaphore, #tpu.memory_space<semaphore_mem>>)
        %dma_wait3A = arith.constant 3584 : i32
        %dma_wait3A_219 = tpu.memref_slice %arg7[%dma_wait3A] : memref<4096xf32, #tpu.memory_space<vmem>> -> memref<256xf32, #tpu.memory_space<vmem>>
        %dma_wait3A_220 = arith.constant 0 : i32
        %dma_wait3A_221 = tpu.memref_slice %arg4[%add3A_207, %dma_wait3A_220] : memref<4096x256xf32, #tpu.memory_space<hbm>> -> memref<1x256xf32, #tpu.memory_space<hbm>>
        %dma_wait3A_222 = tpu.memref_squeeze %dma_wait3A_221 : memref<1x256xf32, #tpu.memory_space<hbm>> -> memref<256xf32, #tpu.memory_space<hbm>>
        %dma_wait3A_223 = arith.constant 0 : i32
        %dma_wait3A_224 = tpu.memref_slice %arg4[%add3A_207, %dma_wait3A_223] : memref<4096x256xf32, #tpu.memory_space<hbm>> -> memref<1x256xf32, #tpu.memory_space<hbm>>
        %dma_wait3A_225 = tpu.memref_squeeze %dma_wait3A_224 : memref<1x256xf32, #tpu.memory_space<hbm>> -> memref<256xf32, #tpu.memory_space<hbm>>
        %dma_wait3A_226 = arith.constant 3584 : i32
        %dma_wait3A_227 = tpu.memref_slice %arg7[%dma_wait3A_226] : memref<4096xf32, #tpu.memory_space<vmem>> -> memref<256xf32, #tpu.memory_space<vmem>>
        tpu.wait_dma2 semaphore(%run_scoped3A : memref<!tpu.dma_semaphore, #tpu.memory_space<semaphore_mem>>) src(%dma_wait3A_227 : memref<256xf32, #tpu.memory_space<vmem>>) dst(%dma_wait3A_225 : memref<256xf32, #tpu.memory_space<hbm>>)
        tpu.yield
      }) : () -> ()
      %add3A_208 = arith.constant 15 : i32
      %add3A_209 = arith.addi %add3A_11, %add3A_208 : i32
      "tpu.region"() ({
        %run_scoped3A = tpu.sem_alloc : memref<!tpu.dma_semaphore, #tpu.memory_space<semaphore_mem>>
        %dma_start3A = arith.constant 3840 : i32
        %dma_start3A_210 = tpu.memref_slice %arg7[%dma_start3A] : memref<4096xf32, #tpu.memory_space<vmem>> -> memref<256xf32, #tpu.memory_space<vmem>>
        %dma_start3A_211 = arith.constant 0 : i32
        %dma_start3A_212 = tpu.memref_slice %arg4[%add3A_209, %dma_start3A_211] : memref<4096x256xf32, #tpu.memory_space<hbm>> -> memref<1x256xf32, #tpu.memory_space<hbm>>
        %dma_start3A_213 = tpu.memref_squeeze %dma_start3A_212 : memref<1x256xf32, #tpu.memory_space<hbm>> -> memref<256xf32, #tpu.memory_space<hbm>>
        %dma_start3A_214 = arith.constant 0 : i32
        %dma_start3A_215 = tpu.memref_slice %arg4[%add3A_209, %dma_start3A_214] : memref<4096x256xf32, #tpu.memory_space<hbm>> -> memref<1x256xf32, #tpu.memory_space<hbm>>
        %dma_start3A_216 = tpu.memref_squeeze %dma_start3A_215 : memref<1x256xf32, #tpu.memory_space<hbm>> -> memref<256xf32, #tpu.memory_space<hbm>>
        %dma_start3A_217 = arith.constant 3840 : i32
        %dma_start3A_218 = tpu.memref_slice %arg7[%dma_start3A_217] : memref<4096xf32, #tpu.memory_space<vmem>> -> memref<256xf32, #tpu.memory_space<vmem>>
        tpu.enqueue_dma source(%dma_start3A_218 : memref<256xf32, #tpu.memory_space<vmem>>) target(%dma_start3A_216 : memref<256xf32, #tpu.memory_space<hbm>>) target_semaphore(%run_scoped3A : memref<!tpu.dma_semaphore, #tpu.memory_space<semaphore_mem>>)
        %dma_wait3A = arith.constant 3840 : i32
        %dma_wait3A_219 = tpu.memref_slice %arg7[%dma_wait3A] : memref<4096xf32, #tpu.memory_space<vmem>> -> memref<256xf32, #tpu.memory_space<vmem>>
        %dma_wait3A_220 = arith.constant 0 : i32
        %dma_wait3A_221 = tpu.memref_slice %arg4[%add3A_209, %dma_wait3A_220] : memref<4096x256xf32, #tpu.memory_space<hbm>> -> memref<1x256xf32, #tpu.memory_space<hbm>>
        %dma_wait3A_222 = tpu.memref_squeeze %dma_wait3A_221 : memref<1x256xf32, #tpu.memory_space<hbm>> -> memref<256xf32, #tpu.memory_space<hbm>>
        %dma_wait3A_223 = arith.constant 0 : i32
        %dma_wait3A_224 = tpu.memref_slice %arg4[%add3A_209, %dma_wait3A_223] : memref<4096x256xf32, #tpu.memory_space<hbm>> -> memref<1x256xf32, #tpu.memory_space<hbm>>
        %dma_wait3A_225 = tpu.memref_squeeze %dma_wait3A_224 : memref<1x256xf32, #tpu.memory_space<hbm>> -> memref<256xf32, #tpu.memory_space<hbm>>
        %dma_wait3A_226 = arith.constant 3840 : i32
        %dma_wait3A_227 = tpu.memref_slice %arg7[%dma_wait3A_226] : memref<4096xf32, #tpu.memory_space<vmem>> -> memref<256xf32, #tpu.memory_space<vmem>>
        tpu.wait_dma2 semaphore(%run_scoped3A : memref<!tpu.dma_semaphore, #tpu.memory_space<semaphore_mem>>) src(%dma_wait3A_227 : memref<256xf32, #tpu.memory_space<vmem>>) dst(%dma_wait3A_225 : memref<256xf32, #tpu.memory_space<hbm>>)
        tpu.yield
      }) : () -> ()
    }
    %scan3A_5 = arith.constant 8 : i32
    return
  }
}

module attributes {stable_mosaic.version = 14 : i64} {
  func.func @_stats_label_kernel(%arg0: i32, %arg1: memref<512x256xf32, #tpu.memory_space<vmem>>, %arg2: memref<256x1024xf32, #tpu.memory_space<vmem>>, %arg3: memref<1x1024xf32, #tpu.memory_space<vmem>>, %arg4: memref<2x1024xf32, #tpu.memory_space<vmem>>, %arg5: memref<512x1xi32, #tpu.memory_space<vmem>>) attributes {dimension_semantics = [#tpu.dimension_semantics<arbitrary>], iteration_bounds = array<i64: 8>, scalar_prefetch = 0 : i64, scratch_operands = 0 : i64, tpu.core_type = #tpu.core_type<tc>, window_params = [{transform_indices = @transform_0, window_bounds = array<i64: 512, 256>}, {pipeline_mode = #tpu.pipeline_mode<synchronous>, transform_indices = @transform_1, window_bounds = array<i64: 256, 1024>}, {pipeline_mode = #tpu.pipeline_mode<synchronous>, transform_indices = @transform_2, window_bounds = array<i64: 1, 1024>}, {pipeline_mode = #tpu.pipeline_mode<synchronous>, transform_indices = @transform_3, window_bounds = array<i64: 2, 1024>}, {transform_indices = @transform_4, window_bounds = array<i64: 512, 1>}]} {
    %get3A = arith.constant 0 : index
    %get3A_0 = arith.constant 0 : index
    %get3A_1 = vector.load %arg1[%get3A, %get3A_0] : memref<512x256xf32, #tpu.memory_space<vmem>>, vector<512x256xf32>
    %get3A_2 = arith.constant 0 : index
    %get3A_3 = arith.constant 0 : index
    %get3A_4 = vector.load %arg2[%get3A_2, %get3A_3] : memref<256x1024xf32, #tpu.memory_space<vmem>>, vector<256x1024xf32>
    %dot_general3A = arith.constant dense<0.000000e+00> : vector<512x1024xf32>
    %dot_general3A_5 = tpu.matmul %get3A_1, %get3A_4, %dot_general3A {dimension_numbers = #tpu.dot_dimension_numbers<[1], [0], [0], [1], [0, 0, 1, 1], [], []>, transpose_lhs_hint = false} : vector<512x256xf32>, vector<256x1024xf32>, vector<512x1024xf32> -> vector<512x1024xf32>
    %get3A_6 = arith.constant 0 : index
    %get3A_7 = arith.constant 0 : index
    %get3A_8 = vector.load %arg3[%get3A_6, %get3A_7] : memref<1x1024xf32, #tpu.memory_space<vmem>>, vector<1x1024xf32>
    %add3A = vector.broadcast %get3A_8 : vector<1x1024xf32> to vector<512x1024xf32>
    %add3A_9 = arith.addf %dot_general3A_5, %add3A : vector<512x1024xf32>
    %reduce_sum3A = arith.constant dense<0.000000e+00> : vector<1024xf32>
    %reduce_sum3A_10 = vector.multi_reduction <add>, %add3A_9, %reduce_sum3A [0] : vector<512x1024xf32> to vector<1024xf32>
    %broadcast_in_dim3A = vector.shape_cast %reduce_sum3A_10 : vector<1024xf32> to vector<1x1024xf32>
    %mul3A = arith.mulf %add3A_9, %add3A_9 : vector<512x1024xf32>
    %reduce_sum3A_11 = arith.constant dense<0.000000e+00> : vector<1024xf32>
    %reduce_sum3A_12 = vector.multi_reduction <add>, %mul3A, %reduce_sum3A_11 [0] : vector<512x1024xf32> to vector<1024xf32>
    %broadcast_in_dim3A_13 = vector.shape_cast %reduce_sum3A_12 : vector<1024xf32> to vector<1x1024xf32>
    %concatenate3A = tpu.concatenate %broadcast_in_dim3A, %broadcast_in_dim3A_13 in 0 : vector<1x1024xf32>, vector<1x1024xf32> -> vector<2x1024xf32>
    %eq3A = arith.constant 0 : i32
    %eq3A_14 = arith.cmpi eq, %arg0, %eq3A : i32
    %convert_element_type3A = arith.extui %eq3A_14 : i1 to i32
    %cond3A = arith.constant 0 : i32
    %cond3A_15 = arith.cmpi ne, %convert_element_type3A, %cond3A : i32
    scf.if %cond3A_15 {
      %swap3A_29 = arith.constant 0 : index
      %swap3A_30 = arith.constant 0 : index
      %swap3A_31 = vector.load %arg4[%swap3A_29, %swap3A_30] : memref<2x1024xf32, #tpu.memory_space<vmem>>, vector<2x1024xf32>
      tpu.vector_store %arg4[%swap3A_29, %swap3A_30], %concatenate3A {strides = array<i32>} : memref<2x1024xf32, #tpu.memory_space<vmem>>, vector<2x1024xf32>,
    } else {
    }
    %ne3A = arith.constant 0 : i32
    %ne3A_16 = arith.cmpi ne, %arg0, %ne3A : i32
    %convert_element_type3A_17 = arith.extui %ne3A_16 : i1 to i32
    %cond3A_18 = arith.constant 0 : i32
    %cond3A_19 = arith.cmpi ne, %convert_element_type3A_17, %cond3A_18 : i32
    scf.if %cond3A_19 {
      %get3A_29 = arith.constant 0 : index
      %get3A_30 = arith.constant 0 : index
      %get3A_31 = vector.load %arg4[%get3A_29, %get3A_30] : memref<2x1024xf32, #tpu.memory_space<vmem>>, vector<2x1024xf32>
      %add3A_32 = arith.addf %get3A_31, %concatenate3A : vector<2x1024xf32>
      %swap3A_33 = arith.constant 0 : index
      %swap3A_34 = arith.constant 0 : index
      %swap3A_35 = vector.load %arg4[%swap3A_33, %swap3A_34] : memref<2x1024xf32, #tpu.memory_space<vmem>>, vector<2x1024xf32>
      tpu.vector_store %arg4[%swap3A_33, %swap3A_34], %add3A_32 {strides = array<i32>} : memref<2x1024xf32, #tpu.memory_space<vmem>>, vector<2x1024xf32>,
    } else {
    }
    %reduce_max3A = arith.constant dense<0xFF800000> : vector<512xf32>
    %reduce_max3A_20 = vector.multi_reduction <maximumf>, %get3A_1, %reduce_max3A [1] : vector<512x256xf32> to vector<512xf32>
    %broadcast_in_dim3A_21 = vector.shape_cast %reduce_max3A_20 : vector<512xf32> to vector<512x1xf32>
    %iota3A = tpu.iota {dimensions = array<i32: 1>} : vector<512x256xi32>
    %eq3A_22 = vector.broadcast %broadcast_in_dim3A_21 : vector<512x1xf32> to vector<512x256xf32>
    %eq3A_23 = arith.cmpf oeq, %get3A_1, %eq3A_22 : vector<512x256xf32>
    %jit3A = arith.constant 256 : i32
    %broadcast_in_dim3A_24 = vector.broadcast %jit3A : i32 to vector<512x256xi32>
    %select_n3A = arith.select %eq3A_23, %iota3A, %broadcast_in_dim3A_24 : vector<512x256xi1>, vector<512x256xi32>
    %reduce_min3A = arith.constant dense<2147483647> : vector<512xi32>
    %reduce_min3A_25 = vector.multi_reduction <minsi>, %select_n3A, %reduce_min3A [1] : vector<512x256xi32> to vector<512xi32>
    %broadcast_in_dim3A_26 = vector.shape_cast %reduce_min3A_25 : vector<512xi32> to vector<512x1xi32>
    %swap3A = arith.constant 0 : index
    %swap3A_27 = arith.constant 0 : index
    %swap3A_28 = vector.load %arg5[%swap3A, %swap3A_27] : memref<512x1xi32, #tpu.memory_space<vmem>>, vector<512x1xi32>
    tpu.vector_store %arg5[%swap3A, %swap3A_27], %broadcast_in_dim3A_26 {strides = array<i32>} : memref<512x1xi32, #tpu.memory_space<vmem>>, vector<512x1xi32>,
    return
  }
  func.func @transform_0(%arg0: i32) -> (i32, i32) {
    %c0_i32 = arith.constant 0 : i32
    %c0_i32_0 = arith.constant 0 : i32
    return %arg0, %c0_i32 : i32, i32
  }
  func.func @transform_1(%arg0: i32) -> (i32, i32) {
    %c0_i32 = arith.constant 0 : i32
    %c0_i32_0 = arith.constant 0 : i32
    %c0_i32_1 = arith.constant 0 : i32
    return %c0_i32, %c0_i32_0 : i32, i32
  }
  func.func @transform_2(%arg0: i32) -> (i32, i32) {
    %c0_i32 = arith.constant 0 : i32
    %c0_i32_0 = arith.constant 0 : i32
    %c0_i32_1 = arith.constant 0 : i32
    return %c0_i32, %c0_i32_0 : i32, i32
  }
  func.func @transform_3(%arg0: i32) -> (i32, i32) {
    %c0_i32 = arith.constant 0 : i32
    %c0_i32_0 = arith.constant 0 : i32
    %c0_i32_1 = arith.constant 0 : i32
    return %c0_i32, %c0_i32_0 : i32, i32
  }
  func.func @transform_4(%arg0: i32) -> (i32, i32) {
    %c0_i32 = arith.constant 0 : i32
    %c0_i32_0 = arith.constant 0 : i32
    return %arg0, %c0_i32 : i32, i32
  }
}

module attributes {stable_mosaic.version = 14 : i64} {
  func.func @_bow_kernel(%arg0: i32, %arg1: memref<256x256xf32, #tpu.memory_space<vmem>>, %arg2: memref<256x1024xf32, #tpu.memory_space<vmem>>, %arg3: memref<1x1024xf32, #tpu.memory_space<vmem>>, %arg4: memref<2x1024xf32, #tpu.memory_space<vmem>>, %arg5: memref<1x1024xf32, #tpu.memory_space<vmem>>, %arg6: memref<1x1024xf32, #tpu.memory_space<vmem>>, %arg7: memref<1024x2048xf32, #tpu.memory_space<vmem>>, %arg8: memref<1x2048xf32, #tpu.memory_space<vmem>>, %arg9: memref<256x1995xf32, #tpu.memory_space<vmem>>) attributes {dimension_semantics = [#tpu.dimension_semantics<arbitrary>], iteration_bounds = array<i64: 16>, scalar_prefetch = 0 : i64, scratch_operands = 0 : i64, tpu.core_type = #tpu.core_type<tc>, window_params = [{transform_indices = @transform_0, window_bounds = array<i64: 256, 256>}, {pipeline_mode = #tpu.pipeline_mode<synchronous>, transform_indices = @transform_1, window_bounds = array<i64: 256, 1024>}, {pipeline_mode = #tpu.pipeline_mode<synchronous>, transform_indices = @transform_2, window_bounds = array<i64: 1, 1024>}, {pipeline_mode = #tpu.pipeline_mode<synchronous>, transform_indices = @transform_3, window_bounds = array<i64: 2, 1024>}, {pipeline_mode = #tpu.pipeline_mode<synchronous>, transform_indices = @transform_4, window_bounds = array<i64: 1, 1024>}, {pipeline_mode = #tpu.pipeline_mode<synchronous>, transform_indices = @transform_5, window_bounds = array<i64: 1, 1024>}, {pipeline_mode = #tpu.pipeline_mode<synchronous>, transform_indices = @transform_6, window_bounds = array<i64: 1024, 2048>}, {pipeline_mode = #tpu.pipeline_mode<synchronous>, transform_indices = @transform_7, window_bounds = array<i64: 1, 2048>}, {transform_indices = @transform_8, window_bounds = array<i64: 256, 1995>}]} {
    %get3A = arith.constant 0 : index
    %get3A_0 = arith.constant 0 : index
    %get3A_1 = vector.load %arg1[%get3A, %get3A_0] : memref<256x256xf32, #tpu.memory_space<vmem>>, vector<256x256xf32>
    %get3A_2 = arith.constant 0 : index
    %get3A_3 = arith.constant 0 : index
    %get3A_4 = vector.load %arg2[%get3A_2, %get3A_3] : memref<256x1024xf32, #tpu.memory_space<vmem>>, vector<256x1024xf32>
    %dot_general3A = arith.constant dense<0.000000e+00> : vector<256x1024xf32>
    %dot_general3A_5 = tpu.matmul %get3A_1, %get3A_4, %dot_general3A {dimension_numbers = #tpu.dot_dimension_numbers<[1], [0], [0], [1], [0, 0, 1, 1], [], []>, transpose_lhs_hint = false} : vector<256x256xf32>, vector<256x1024xf32>, vector<256x1024xf32> -> vector<256x1024xf32>
    %get3A_6 = arith.constant 0 : index
    %get3A_7 = arith.constant 0 : index
    %get3A_8 = vector.load %arg3[%get3A_6, %get3A_7] : memref<1x1024xf32, #tpu.memory_space<vmem>>, vector<1x1024xf32>
    %add3A = vector.broadcast %get3A_8 : vector<1x1024xf32> to vector<256x1024xf32>
    %add3A_9 = arith.addf %dot_general3A_5, %add3A : vector<256x1024xf32>
    %get3A_10 = arith.constant 0 : index
    %get3A_11 = arith.constant 0 : index
    %get3A_12 = vector.load %arg4[%get3A_10, %get3A_11] : memref<2x1024xf32, #tpu.memory_space<vmem>>, vector<1x1024xf32>
    %mul3A = arith.constant 2.44140625E-4 : f32
    %mul3A_13 = vector.broadcast %mul3A : f32 to vector<1x1024xf32>
    %mul3A_14 = arith.mulf %get3A_12, %mul3A_13 : vector<1x1024xf32>
    %get3A_15 = arith.constant 1 : index
    %get3A_16 = arith.constant 0 : index
    %get3A_17 = vector.load %arg4[%get3A_15, %get3A_16] : memref<2x1024xf32, #tpu.memory_space<vmem>>, vector<1x1024xf32>
    %mul3A_18 = arith.constant 2.44140625E-4 : f32
    %mul3A_19 = vector.broadcast %mul3A_18 : f32 to vector<1x1024xf32>
    %mul3A_20 = arith.mulf %get3A_17, %mul3A_19 : vector<1x1024xf32>
    %mul3A_21 = arith.mulf %mul3A_14, %mul3A_14 : vector<1x1024xf32>
    %sub3A = arith.subf %mul3A_20, %mul3A_21 : vector<1x1024xf32>
    %sub3A_22 = vector.broadcast %mul3A_14 : vector<1x1024xf32> to vector<256x1024xf32>
    %sub3A_23 = arith.subf %add3A_9, %sub3A_22 : vector<256x1024xf32>
    %add3A_24 = arith.constant 9.99999974E-6 : f32
    %add3A_25 = vector.broadcast %add3A_24 : f32 to vector<1x1024xf32>
    %add3A_26 = arith.addf %sub3A, %add3A_25 : vector<1x1024xf32>
    %sqrt3A = math.sqrt %add3A_26 : vector<1x1024xf32>
    %div3A = vector.broadcast %sqrt3A : vector<1x1024xf32> to vector<256x1024xf32>
    %div3A_27 = arith.divf %sub3A_23, %div3A : vector<256x1024xf32>
    %get3A_28 = arith.constant 0 : index
    %get3A_29 = arith.constant 0 : index
    %get3A_30 = vector.load %arg5[%get3A_28, %get3A_29] : memref<1x1024xf32, #tpu.memory_space<vmem>>, vector<1x1024xf32>
    %mul3A_31 = vector.broadcast %get3A_30 : vector<1x1024xf32> to vector<256x1024xf32>
    %mul3A_32 = arith.mulf %div3A_27, %mul3A_31 : vector<256x1024xf32>
    %get3A_33 = arith.constant 0 : index
    %get3A_34 = arith.constant 0 : index
    %get3A_35 = vector.load %arg6[%get3A_33, %get3A_34] : memref<1x1024xf32, #tpu.memory_space<vmem>>, vector<1x1024xf32>
    %add3A_36 = vector.broadcast %get3A_35 : vector<1x1024xf32> to vector<256x1024xf32>
    %add3A_37 = arith.addf %mul3A_32, %add3A_36 : vector<256x1024xf32>
    %ge3A = arith.constant 0.000000e+00 : f32
    %ge3A_38 = vector.broadcast %ge3A : f32 to vector<256x1024xf32>
    %ge3A_39 = arith.cmpf oge, %add3A_37, %ge3A_38 : vector<256x1024xf32>
    %mul3A_40 = arith.constant 0.00999999977 : f32
    %mul3A_41 = vector.broadcast %mul3A_40 : f32 to vector<256x1024xf32>
    %mul3A_42 = arith.mulf %mul3A_41, %add3A_37 : vector<256x1024xf32>
    %select_n3A = arith.select %ge3A_39, %add3A_37, %mul3A_42 : vector<256x1024xi1>, vector<256x1024xf32>
    %get3A_43 = arith.constant 0 : index
    %get3A_44 = arith.constant 0 : index
    %get3A_45 = vector.load %arg7[%get3A_43, %get3A_44] : memref<1024x2048xf32, #tpu.memory_space<vmem>>, vector<1024x2048xf32>
    %dot_general3A_46 = arith.constant dense<0.000000e+00> : vector<256x2048xf32>
    %dot_general3A_47 = tpu.matmul %select_n3A, %get3A_45, %dot_general3A_46 {dimension_numbers = #tpu.dot_dimension_numbers<[1], [0], [0], [1], [0, 0, 1, 1], [], []>, transpose_lhs_hint = false} : vector<256x1024xf32>, vector<1024x2048xf32>, vector<256x2048xf32> -> vector<256x2048xf32>
    %get3A_48 = arith.constant 0 : index
    %get3A_49 = arith.constant 0 : index
    %get3A_50 = vector.load %arg8[%get3A_48, %get3A_49] : memref<1x2048xf32, #tpu.memory_space<vmem>>, vector<1x2048xf32>
    %add3A_51 = vector.broadcast %get3A_50 : vector<1x2048xf32> to vector<256x2048xf32>
    %add3A_52 = arith.addf %dot_general3A_47, %add3A_51 : vector<256x2048xf32>
    %reduce_max3A = arith.constant dense<0xFF800000> : vector<256xf32>
    %reduce_max3A_53 = vector.multi_reduction <maximumf>, %add3A_52, %reduce_max3A [1] : vector<256x2048xf32> to vector<256xf32>
    %broadcast_in_dim3A = vector.shape_cast %reduce_max3A_53 : vector<256xf32> to vector<256x1xf32>
    %sub3A_54 = vector.broadcast %broadcast_in_dim3A : vector<256x1xf32> to vector<256x2048xf32>
    %sub3A_55 = arith.subf %add3A_52, %sub3A_54 : vector<256x2048xf32>
    %exp3A = math.exp %sub3A_55 : vector<256x2048xf32>
    %reduce_sum3A = arith.constant dense<0.000000e+00> : vector<256xf32>
    %reduce_sum3A_56 = vector.multi_reduction <add>, %exp3A, %reduce_sum3A [1] : vector<256x2048xf32> to vector<256xf32>
    %broadcast_in_dim3A_57 = vector.shape_cast %reduce_sum3A_56 : vector<256xf32> to vector<256x1xf32>
    %div3A_58 = vector.broadcast %broadcast_in_dim3A_57 : vector<256x1xf32> to vector<256x2048xf32>
    %div3A_59 = arith.divf %exp3A, %div3A_58 : vector<256x2048xf32>
    %slice3A = vector.extract_strided_slice %div3A_59 {offsets = [0, 0], sizes = [256, 1995], strides = [1, 1]} : vector<256x2048xf32> to vector<256x1995xf32>
    %swap3A = arith.constant 0 : index
    %swap3A_60 = arith.constant 0 : index
    %swap3A_61 = vector.load %arg9[%swap3A, %swap3A_60] : memref<256x1995xf32, #tpu.memory_space<vmem>>, vector<256x1995xf32>
    tpu.vector_store %arg9[%swap3A, %swap3A_60], %slice3A {strides = array<i32>} : memref<256x1995xf32, #tpu.memory_space<vmem>>, vector<256x1995xf32>,
    return
  }
  func.func @transform_0(%arg0: i32) -> (i32, i32) {
    %c0_i32 = arith.constant 0 : i32
    %c0_i32_0 = arith.constant 0 : i32
    return %arg0, %c0_i32 : i32, i32
  }
  func.func @transform_1(%arg0: i32) -> (i32, i32) {
    %c0_i32 = arith.constant 0 : i32
    %c0_i32_0 = arith.constant 0 : i32
    %c0_i32_1 = arith.constant 0 : i32
    return %c0_i32, %c0_i32_0 : i32, i32
  }
  func.func @transform_2(%arg0: i32) -> (i32, i32) {
    %c0_i32 = arith.constant 0 : i32
    %c0_i32_0 = arith.constant 0 : i32
    %c0_i32_1 = arith.constant 0 : i32
    return %c0_i32, %c0_i32_0 : i32, i32
  }
  func.func @transform_3(%arg0: i32) -> (i32, i32) {
    %c0_i32 = arith.constant 0 : i32
    %c0_i32_0 = arith.constant 0 : i32
    %c0_i32_1 = arith.constant 0 : i32
    return %c0_i32, %c0_i32_0 : i32, i32
  }
  func.func @transform_4(%arg0: i32) -> (i32, i32) {
    %c0_i32 = arith.constant 0 : i32
    %c0_i32_0 = arith.constant 0 : i32
    %c0_i32_1 = arith.constant 0 : i32
    return %c0_i32, %c0_i32_0 : i32, i32
  }
  func.func @transform_5(%arg0: i32) -> (i32, i32) {
    %c0_i32 = arith.constant 0 : i32
    %c0_i32_0 = arith.constant 0 : i32
    %c0_i32_1 = arith.constant 0 : i32
    return %c0_i32, %c0_i32_0 : i32, i32
  }
  func.func @transform_6(%arg0: i32) -> (i32, i32) {
    %c0_i32 = arith.constant 0 : i32
    %c0_i32_0 = arith.constant 0 : i32
    %c0_i32_1 = arith.constant 0 : i32
    return %c0_i32, %c0_i32_0 : i32, i32
  }
  func.func @transform_7(%arg0: i32) -> (i32, i32) {
    %c0_i32 = arith.constant 0 : i32
    %c0_i32_0 = arith.constant 0 : i32
    %c0_i32_1 = arith.constant 0 : i32
    return %c0_i32, %c0_i32_0 : i32, i32
  }
  func.func @transform_8(%arg0: i32) -> (i32, i32) {
    %c0_i32 = arith.constant 0 : i32
    %c0_i32_0 = arith.constant 0 : i32
    return %arg0, %c0_i32 : i32, i32
  }
}

module attributes {stable_mosaic.version = 14 : i64} {
  func.func @_emb_kernel(%arg0: i32, %arg1: memref<512x2048xf32, #tpu.memory_space<vmem>>, %arg2: memref<2048x300xf32, #tpu.memory_space<vmem>>, %arg3: memref<512x256xf32, #tpu.memory_space<vmem>>, %arg4: memref<256x300xf32, #tpu.memory_space<vmem>>, %arg5: memref<512x300xf32, #tpu.memory_space<vmem>>, %arg6: memref<512x300xf32, #tpu.memory_space<vmem>>) attributes {dimension_semantics = [#tpu.dimension_semantics<arbitrary>], iteration_bounds = array<i64: 8>, scalar_prefetch = 0 : i64, scratch_operands = 0 : i64, tpu.core_type = #tpu.core_type<tc>, window_params = [{transform_indices = @transform_0, window_bounds = array<i64: 512, 2048>}, {pipeline_mode = #tpu.pipeline_mode<synchronous>, transform_indices = @transform_1, window_bounds = array<i64: 2048, 300>}, {transform_indices = @transform_2, window_bounds = array<i64: 512, 256>}, {pipeline_mode = #tpu.pipeline_mode<synchronous>, transform_indices = @transform_3, window_bounds = array<i64: 256, 300>}, {transform_indices = @transform_4, window_bounds = array<i64: 512, 300>}, {transform_indices = @transform_5, window_bounds = array<i64: 512, 300>}]} {
    %get3A = arith.constant 0 : index
    %get3A_0 = arith.constant 0 : index
    %get3A_1 = vector.load %arg1[%get3A, %get3A_0] : memref<512x2048xf32, #tpu.memory_space<vmem>>, vector<512x2048xf32>
    %get3A_2 = arith.constant 0 : index
    %get3A_3 = arith.constant 0 : index
    %get3A_4 = vector.load %arg2[%get3A_2, %get3A_3] : memref<2048x300xf32, #tpu.memory_space<vmem>>, vector<2048x300xf32>
    %dot_general3A = arith.constant dense<0.000000e+00> : vector<512x300xf32>
    %dot_general3A_5 = tpu.matmul %get3A_1, %get3A_4, %dot_general3A {dimension_numbers = #tpu.dot_dimension_numbers<[1], [0], [0], [1], [0, 0, 1, 1], [], []>, transpose_lhs_hint = false} : vector<512x2048xf32>, vector<2048x300xf32>, vector<512x300xf32> -> vector<512x300xf32>
    %swap3A = arith.constant 0 : index
    %swap3A_6 = arith.constant 0 : index
    %swap3A_7 = vector.load %arg5[%swap3A, %swap3A_6] : memref<512x300xf32, #tpu.memory_space<vmem>>, vector<512x300xf32>
    tpu.vector_store %arg5[%swap3A, %swap3A_6], %dot_general3A_5 {strides = array<i32>} : memref<512x300xf32, #tpu.memory_space<vmem>>, vector<512x300xf32>,
    %get3A_8 = arith.constant 0 : index
    %get3A_9 = arith.constant 0 : index
    %get3A_10 = vector.load %arg3[%get3A_8, %get3A_9] : memref<512x256xf32, #tpu.memory_space<vmem>>, vector<512x256xf32>
    %get3A_11 = arith.constant 0 : index
    %get3A_12 = arith.constant 0 : index
    %get3A_13 = vector.load %arg4[%get3A_11, %get3A_12] : memref<256x300xf32, #tpu.memory_space<vmem>>, vector<256x300xf32>
    %dot_general3A_14 = arith.constant dense<0.000000e+00> : vector<512x300xf32>
    %dot_general3A_15 = tpu.matmul %get3A_10, %get3A_13, %dot_general3A_14 {dimension_numbers = #tpu.dot_dimension_numbers<[1], [0], [0], [1], [0, 0, 1, 1], [], []>, transpose_lhs_hint = false} : vector<512x256xf32>, vector<256x300xf32>, vector<512x300xf32> -> vector<512x300xf32>
    %swap3A_16 = arith.constant 0 : index
    %swap3A_17 = arith.constant 0 : index
    %swap3A_18 = vector.load %arg6[%swap3A_16, %swap3A_17] : memref<512x300xf32, #tpu.memory_space<vmem>>, vector<512x300xf32>
    tpu.vector_store %arg6[%swap3A_16, %swap3A_17], %dot_general3A_15 {strides = array<i32>} : memref<512x300xf32, #tpu.memory_space<vmem>>, vector<512x300xf32>,
    return
  }
  func.func @transform_0(%arg0: i32) -> (i32, i32) {
    %c0_i32 = arith.constant 0 : i32
    %c0_i32_0 = arith.constant 0 : i32
    return %arg0, %c0_i32 : i32, i32
  }
  func.func @transform_1(%arg0: i32) -> (i32, i32) {
    %c0_i32 = arith.constant 0 : i32
    %c0_i32_0 = arith.constant 0 : i32
    %c0_i32_1 = arith.constant 0 : i32
    return %c0_i32, %c0_i32_0 : i32, i32
  }
  func.func @transform_2(%arg0: i32) -> (i32, i32) {
    %c0_i32 = arith.constant 0 : i32
    %c0_i32_0 = arith.constant 0 : i32
    return %arg0, %c0_i32 : i32, i32
  }
  func.func @transform_3(%arg0: i32) -> (i32, i32) {
    %c0_i32 = arith.constant 0 : i32
    %c0_i32_0 = arith.constant 0 : i32
    %c0_i32_1 = arith.constant 0 : i32
    return %c0_i32, %c0_i32_0 : i32, i32
  }
  func.func @transform_4(%arg0: i32) -> (i32, i32) {
    %c0_i32 = arith.constant 0 : i32
    %c0_i32_0 = arith.constant 0 : i32
    return %arg0, %c0_i32 : i32, i32
  }
  func.func @transform_5(%arg0: i32) -> (i32, i32) {
    %c0_i32 = arith.constant 0 : i32
    %c0_i32_0 = arith.constant 0 : i32
    return %arg0, %c0_i32 : i32, i32
  }
}

</mosaic_0001>

<sc_bundles>
// kernel: kernel.10.cloned.1.call-start
scs
__scs_entry_jumppad:
0x0: {  	(pc) =	sbr.rel $0x88, $3  }
0x1: {  	(tag) =	ssettag $0x0;
	lr =	simm.s32 $0x1  }
0x2: {  	[smem:$0x3F96] =	sst lr;
	_ =	strace $0xD0000000  }
0x3: {  	_ = 	snop  }
0x4: {  	_ = 	snop  }
0x5: {  	_ = 	snop  }
0x6: {  	_ = 	snop  }
0x7: {  	_ = 	snop  }
__scs_overlays_trampoline_lowered:
0x8: {  	[smem:$0x3FA5] =	sst s0  }
0x9: {  	[smem:$0x3FA6] =	sst s1  }
0xa: {  	[smem:$0x3FA7] =	sst s2  }
0xb: {  	[smem:$0x3FA8] =	sst s3  }
0xc: {  	[smem:$0x3FA9] =	sst s4  }
0xd: {  	[smem:$0x3FAA] =	sst s5  }
0xe: {  	[smem:$0x3FAB] =	sst s6  }
0xf: {  	[smem:$0x3FAC] =	sst s7  }
0x10: {  	[smem:$0x3FAD] =	sst s8  }
0x11: {  	[smem:$0x3FAE] =	sst s9;
	s0 =	simm.s32 @!p0 $0x0  }
0x12: {  	s1 =	sld [smem:$0x3F94];
	s0 =	simm.s32 @p0 $0x1  }
0x13: {  	[smem:$0x3FAF] =	sst s0;
	s0 =	simm.s32 @!p1 $0x0  }
0x14: {  	s2 =	sld [smem:$0x3F93];
	s0 =	simm.s32 @p1 $0x1  }
0x15: {  	[smem:$0x3FB0] =	sst s0;
	s0 =	simm.s32 @!p2 $0x0  }
0x16: {  	s3 =	sld [smem:$0x3FDB];
	s0 =	simm.s32 @p2 $0x1  }
0x17: {  	s4 =	simm.s32 $0x1BF5;
	[smem:$0x3FB2] =	sst s0  }
0x18: {  	s0 =	sld [smem:$0x3F95];
	_ =	swait.ge [sflag:s4], $0x0  }
0x19: {  	s7 =	sld [smem:$0x3F96]  }
0x1a: {  	s8 =	sadd.s32 $0xFFFFE003, lr  }
0x1b: {  	s9 =	sadd.s32 $0xFFFFFEF7, lr;
	s5 =	simm.s32 $0xFFFFFFFF;
	p2 =	slt.u32 s8, $0xFFFFF086  }
0x1c: {  	p1 =	slt.u32 s9, $0xF7A;
	s5 =	simm.s32 @!p2 $0x0  }
0x1d: {  	s5 =	simm.s32 @p1 $0x1;
	p0 =	seq.s32 s7, s2  }
0x1e: {  	s7 =	smul.u32 @!p0 $0xF7A, s2;
	p2 =	seq.s32 @!p0 s5, $0x0  }
0x1f: {  	s9 =	smul.u32 $0xF7A, s1;
	s8 =	simm.s32 @!p0 $0x1BF5;
	p2 =	por !p2, p0  }
0x20: {  	[sflag:s8] =	ssyncset.s32 @!p0 $0xFFFFF086;
	s6 =	sadd.s32 @!p0 s3, s7;
	s7 =	simm.s32 @!p0 $0x108  }
0x21: {  	s3 =	sadd.s32 s3, s9;
	s6 =	sadd.s32 @!p0 $0x88, s6;
	s7 =	simm.s32 @p2 $0x1082  }
0x22: {  	[simem:s7], [sflag:s8] =	dma.local @!p0 [hbm:s6], $0xF7A  }
0x23: {  	s9 =	sor.u32 $0xD0000000, s2;
	s6 =	simm.s32 $0x108;
	_ =	swait.ge @!p0 [sflag:s8], $0x0  }
0x24: {  	s3 =	sadd.s32 $0x88, s3;
	s6 =	simm.s32 @!p1 $0x1082;
	[sflag:s4] =	ssyncset.s32 $0xFFFFF086  }
0x25: {  	[simem:s6], [sflag:s4] =	dma.local [hbm:s3], $0xF7A  }
0x26: {  	[smem:$0x3F96] =	sst s1;
	(tag) =	ssettag s2;
	_ =	strace s9  }
0x27: {  	s1 =	sld [smem:$0x3FA6]  }
0x28: {  	s2 =	sld [smem:$0x3FA7]  }
0x29: {  	s4 =	sld [smem:$0x3FA9]  }
0x2a: {  	p0 =	seq.s32 s5, $0x0;
	s5 =	sld [smem:$0x3FAA]  }
0x2b: {  	s6 =	sld [smem:$0x3FAB]  }
0x2c: {  	s7 =	sld [smem:$0x3FAC]  }
0x2d: {  	s3 =	simm.s32 $0x108;
	s8 =	sld [smem:$0x3FAD]  }
0x2e: {  	s3 =	simm.s32 @!p0 $0x1082;
	s9 =	sld [smem:$0x3FAE]  }
0x2f: {  	lr =	sadd.s32 s0, s3;
	s0 =	sld [smem:$0x3FA5]  }
0x30: {  	s3 =	sld [smem:$0x3FA8]  }
0x31: {  	[smem:$0x3FB1] =	sst s10  }
0x32: {  	s10 =	sld [smem:$0x3FAF];
	_ =	sdelay $0x3  }
0x33: {  	p0 =	seq.s32 s10, $0x1;
	s10 =	sld [smem:$0x3FB1];
	_ =	sdelay $0x3  }
0x34: {  	[smem:$0x3FB1] =	sst s10  }
0x35: {  	s10 =	sld [smem:$0x3FB0];
	_ =	sdelay $0x3  }
0x36: {  	p1 =	seq.s32 s10, $0x1;
	s10 =	sld [smem:$0x3FB1];
	_ =	sdelay $0x3  }
0x37: {  	[smem:$0x3FB1] =	sst s10  }
0x38: {  	s10 =	sld [smem:$0x3FB2]  }
0x39: {  	_ = 	snop;
	(pc) =	sbr.ind lr, $3  }
0x3a: {  	_ = 	snop  }
0x3b: {  	_ = 	snop  }
0x3c: {  	p2 =	seq.s32 s10, $0x1;
	s10 =	sld [smem:$0x3FB1]  }
0x3d: {  	_ =	shalt  }
0x3e: {  	_ =	shalt  }
0x3f: {  	_ =	shalt  }
0x40: {  	_ =	shalt  }
0x41: {  	_ =	shalt  }
0x42: {  	_ =	shalt  }
0x43: {  	_ =	shalt  }
0x44: {  	_ =	shalt  }
0x45: {  	_ =	shalt  }
0x46: {  	_ =	shalt  }
0x47: {  	_ =	shalt  }
0x48: {  	_ =	shalt  }
0x49: {  	_ =	shalt  }
0x4a: {  	_ =	shalt  }
0x4b: {  	_ =	shalt  }
0x4c: {  	_ =	shalt  }
0x4d: {  	_ =	shalt  }
0x4e: {  	_ =	shalt  }
0x4f: {  	_ =	shalt  }
0x50: {  	_ =	shalt  }
0x51: {  	_ =	shalt  }
0x52: {  	_ =	shalt  }
0x53: {  	_ =	shalt  }
0x54: {  	_ =	shalt  }
0x55: {  	_ =	shalt  }
0x56: {  	_ =	shalt  }
0x57: {  	_ =	shalt  }
0x58: {  	_ =	shalt  }
0x59: {  	_ =	shalt  }
0x5a: {  	_ =	shalt  }
0x5b: {  	_ =	shalt  }
0x5c: {  	_ =	shalt  }
0x5d: {  	_ =	shalt  }
0x5e: {  	_ =	shalt  }
0x5f: {  	_ =	shalt  }
0x60: {  	_ =	shalt  }
0x61: {  	_ =	shalt  }
0x62: {  	_ =	shalt  }
0x63: {  	_ =	shalt  }
0x64: {  	_ =	shalt  }
0x65: {  	_ =	shalt  }
0x66: {  	_ =	shalt  }
0x67: {  	_ =	shalt  }
0x68: {  	_ =	shalt  }
0x69: {  	_ =	shalt  }
0x6a: {  	_ =	shalt  }
0x6b: {  	_ =	shalt  }
0x6c: {  	_ =	shalt  }
0x6d: {  	_ =	shalt  }
0x6e: {  	_ =	shalt  }
0x6f: {  	_ =	shalt  }
0x70: {  	_ =	shalt  }
0x71: {  	_ =	shalt  }
0x72: {  	_ =	shalt  }
0x73: {  	_ =	shalt  }
0x74: {  	_ =	shalt  }
0x75: {  	_ =	shalt  }
0x76: {  	_ =	shalt  }
0x77: {  	_ =	shalt  }
0x78: {  	_ =	shalt  }
0x79: {  	_ =	shalt  }
0x7a: {  	_ =	shalt  }
0x7b: {  	_ =	shalt  }
0x7c: {  	_ =	shalt  }
0x7d: {  	_ =	shalt  }
0x7e: {  	_ =	shalt  }
0x7f: {  	_ =	shalt  }
0x80: {  	_ =	shalt  }
0x81: {  	_ =	shalt  }
0x82: {  	_ =	shalt  }
0x83: {  	_ =	shalt  }
0x84: {  	_ =	shalt  }
0x85: {  	_ =	shalt  }
0x86: {  	_ =	shalt  }
0x87: {  	_ =	shalt  }
.Lfunc_end0:
.L_simem_size_0:
called_computation.1_lowered:
.L_overlay_start_0:
0x88: {  	s2 =	sld [smem:$0x3FD9]  }
0x89: {  	s3 =	sld [smem:$0x3FFE];
	_ =	sdelay $0x1  }
0x8a: {  	s1 =	srdreg.scid  }
0x8b: {  	s0 =	sand.u32 $0x1, s1  }
0x8c: {  	s16 =	sshll.u32 s0, $0xA;
	s2 =	sadd.s32 s3, s2  }
0x8d: {  	s2 =	sadd.s32 s2, s16  }
0x8e: {  	[smem:$0x3FBD] =	sst s2  }
0x8f: {  	_ = 	snop  }
0x90: {  	(tm) =	ssettm $0x1  }
0x91: {  	s17 =	sld [smem:$0x3FFB];
	_ =	sdelay $0x3  }
0x92: {  	_ =	strace s17  }
0x93: {  	s2 =	sld [smem:$0x3FFC];
	_ =	sdelay $0x3  }
0x94: {  	_ =	strace s2  }
0x95: {  	s2 =	sld [smem:$0x3FFD];
	_ =	sdelay $0x3  }
0x96: {  	_ =	strace s2  }
0x97: {  	_ =	strace $0x8FFFFFFF  }
0x98: {  	s18 =	sld [smem:$0x3FDB];
	_ =	sdelay $0x1  }
0x99: {  	s19 =	simm.s32 $_scs_section_size  }
0x9a: {  	s4 =	simm.s32 $_size__tile_overlayer_lowered;
	s5 =	simm.s32 $_tile_overlayer_lowered  }
0x9b: {  	s22 =	simm.s32 $0x1BFF;
	s21 =	sshll.u32 s5, $0x1;
	s2 =	sadd.s32 s19, s18  }
0x9c: {  	s6 =	simm.s32 $0x0;
	s20 =	sshll.u32 s4, $0x1;
	s4 =	sadd.s32 s21, s2  }
0x9d: {  	[timem:s6], [sflag:s22] =	dma.local [hbm:s4], s20  }
0x9e: {  	_ =	swait.ge [sflag:s22], s20  }
0x9f: {  	s3 =	ssub.s32 $0x0, s20;
	[sflag:s22] =	ssyncset.done $0x0  }
0xa0: {  	[sflag:s22] =	ssyncadd.s32 s3;
	_ =	sdelay $0x1  }
0xa1: {  	s23 =	simm.s32 $0x1B8B  }
0xa2: {  	_ =	swait.ge [sflag:s23], $0x1  }
0xa3: {  	[sflag:s23] =	ssyncset.done $0x0  }
0xa4: {  	s25 =	simm.s32 $0x1B8E;
	s24 =	sld [smem:$0x3FFE];
	[sflag:s23] =	ssyncadd.s32 $0xFFFFFFFF  }
0xa5: {  	s26 =	simm.s32 $execute0_lowered;
	[smem:$0x3FD2] =	sst s25  }
0xa6: {  	s4 =	sshll.u32 s26, $0x1;
	_ =	strace $0x80000046;
	[dreg:$0x1] =	wrdreg $0xFFFFFFFF  }
0xa7: {  	s28 =	simm.s32 $_size_execute0_lowered;
	s2 =	sadd.s32 s2, s4;
	[dreg:$0x0] =	wrdreg $0x0  }
0xa8: {  	s4 =	sshll.u32 s28, $0x1;
	[dreg:$0x2] =	wrdreg s2  }
0xa9: {  	[dreg:$0x3] =	wrdreg s4  }
0xaa: {  	[dreg:$0x4] =	wrdreg $0xC0  }
0xab: {  	_ =	task [dreg:s6], $0x5FFFF  }
0xac: {  	[dreg:$0x1] =	wrdreg $0xFFFFFFFF  }
0xad: {  	[dreg:$0x0] =	wrdreg $0x60  }
0xae: {  	[dreg:$0x2] =	wrdreg s24  }
0xaf: {  	[dreg:$0x3] =	wrdreg $0xA  }
0xb0: {  	_ =	task.clear_ibuf [dreg:s6], $0x4FFFF;
	_ =	strace $0x90000046  }
0xb1: {  	s29 =	simm.s32 $0xA;
	_ =	strace $0x80000048  }
0xb2: {  	_ =	swait.ge [sflag:s29], $0x1  }
0xb3: {  	[sflag:s29] =	ssyncadd.s32 $0xFFFFFFFF  }
0xb4: {  	_ =	strace $0x90000048  }
0xb5: {  	_ =	sfence  }
0xb6: {  	s30 =	sld [smem:$0x0];
	_ =	sdelay $0x2  }
0xb7: {  	s31 =	sshll.u32 s1, $0xD;
	s1 =	sshrl.u32 s1, $0x2  }
0xb8: {  	s3 =	sand.u32 $0x4000, s31;
	s1 =	sadd.s32 s1, s30  }
0xb9: {  	s0 =	sor.u32 s3, s0;
	s1 =	sshll.u32 s1, $0x11  }
0xba: {  	s0 =	sor.u32 s1, s0  }
0xbb: {  	s0 =	sadd.s32 $0x8F2B, s0  }
0xbc: {  	[sflag:s0] =	ssyncadd.remote.s32 $0x1  }
0xbd: {  	_ =	sfence.sel $0xFFFF  }
0xbe: {  	[dreg:$0x0] =	wrdreg $0xFFFFFFFF;
	(pc) =	sbr.abs _section_cstart, $3  }
0xbf: {  	[dreg:$0x1] =	wrdreg $0xFFFFFFFF  }
0xc0: {  	_ =	task.clear_ibuf [dreg:s6], $0x2FFFF;
	_ =	strace $0x9FFFFFFF  }
0xc1: {  	(tm) =	ssettm $0x7FFFFFFF  }
tec
execute0_lowered:
.L_overlay_start_1:
0x0: {  	(tag) =	ssettag $0x1  }
0x1: {  	s0 =	rddreg [dreg:$0x0];
	s1 =	simm.s32 $0x0  }
0x2: {  	s2 =	srdreg.scid;
	s7 =	stileid.u32;
	s8 =	simm.s32 $0x1  }
0x3: {  	s20 =	simm.s32 $0x2EE0;
	s21 =	simm.s32 $0x6D60;
	s22 =	simm.s32 $0x36B0  }
0x4: {  	s23 =	simm.s32 $0x7530;
	s24 =	simm.s32 $0x7D00;
	s28 =	simm.s32 $0x9500  }
0x5: {  	s29 =	simm.s32 $0x9D00;
	s30 =	simm.s32 $0xA500;
	s31 =	simm.s32 $0xAD00  }
0x6: {  	[smem:$0x7FF] =	sst s1;
	s2 =	sand.u32 $0x1, s2;
	s3 =	sadd.s32 $0x212000, s0  }
0x7: {  	s4 =	sadd.s32 $0x112000, s0;
	s5 =	sadd.s32 $0x30C000, s0;
	s6 =	ssub.s32 $0x2, s2  }
0x8: {  	s26 =	sshll.u32 s7, $0x8;
	s7 =	simm.s32 $0x0;
	s25 =	sshrl.u32 s6, $0x1  }
0x9: {  	_ =	strace $0x80000047;
	s2 =	sshll.u32 s2, $0x7;
	s0 =	ssub.s32 s6, s25  }
0xa: {  	s6 =	sor.u32 s2, s26;
	s25 =	simm.s32 $0x8500;
	s0 =	smax.u32 s0, $0x1  }
0xb: {  	v0 =	vimm.f32 $0.0e+00;
	vm0 =	vmmov $0x7ff;
	s26 =	simm.s32 $0x8D00;
	[dreg:$0x2] =	wrdreg s0;
	s0 =	simm.s32 $0xB500  }
.LBB2_1:
0xc: {  	[dreg:$0x3] =	wrdreg s7;
	s7 =	simm.s32 $0x0  }
.LBB2_2:
0xd: {  	s2 =	sshll.u32 s7, $0x3  }
0xe: {  	s2 =	sadd.s32 s6, s2  }
0xf: {  	s9 =	smul.u32 $0xFA, s2;
	_ =	sdelay $0x1  }
0x10: {  	s16 =	simm.s32 $0x0;
	s10 =	sadd.s32 s3, s9  }
0x11: {  	[tilespmem:s16], [sflag:$0x1] =	stream.linear.gather [hbm4b:s10+s16], $0x7CB, $0x38;
	[tilespmem:$0xBD00] =	vst v63  }
0x12: {  	_ =	swait.ge [sflag:s8], $0x7CB  }
0x13: {  	[sflag:s8] =	ssyncset.done $0x0  }
0x14: {  	s12 =	simm.s32 $0x3E80;
	s9 =	sadd.s32 s4, s9;
	[sflag:s8] =	ssyncadd.s32 $0xFFFFF835  }
0x15: {  	[tilespmem:s12], [sflag:$0x1] =	stream.linear.gather [hbm4b:s9+s16], $0x7CB, $0x38;
	[tilespmem:$0xBD00] =	vst v63  }
0x16: {  	s9 =	sor.u32 $0x1, s2  }
0x17: {  	_ =	swait.ge [sflag:s8], $0x7CB;
	s13 =	smul.u32 $0xFA, s9  }
0x18: {  	[sflag:s8] =	ssyncset.done $0x0  }
0x19: {  	s12 =	simm.s32 $0x7D0;
	[sflag:s8] =	ssyncadd.s32 $0xFFFFF835;
	s11 =	sadd.s32 s3, s13  }
0x1a: {  	[tilespmem:s12], [sflag:$0x1] =	stream.linear.gather [hbm4b:s11+s16], $0x7CB, $0x38;
	[tilespmem:$0xBD00] =	vst v63  }
0x1b: {  	_ =	swait.ge [sflag:s8], $0x7CB  }
0x1c: {  	[sflag:s8] =	ssyncset.done $0x0  }
0x1d: {  	s14 =	simm.s32 $0x4650;
	s10 =	sadd.s32 s4, s13;
	[sflag:s8] =	ssyncadd.s32 $0xFFFFF835  }
0x1e: {  	[tilespmem:s14], [sflag:$0x1] =	stream.linear.gather [hbm4b:s10+s16], $0x7CB, $0x38;
	[tilespmem:$0xBD00] =	vst v63  }
0x1f: {  	s10 =	sor.u32 $0x2, s2  }
0x20: {  	_ =	swait.ge [sflag:s8], $0x7CB;
	s15 =	smul.u32 $0xFA, s10  }
0x21: {  	[sflag:s8] =	ssyncset.done $0x0  }
0x22: {  	s13 =	simm.s32 $0xFA0;
	[sflag:s8] =	ssyncadd.s32 $0xFFFFF835;
	s17 =	sadd.s32 s3, s15  }
0x23: {  	[tilespmem:s13], [sflag:$0x1] =	stream.linear.gather [hbm4b:s17+s16], $0x7CB, $0x38;
	[tilespmem:$0xBD00] =	vst v63  }
0x24: {  	_ =	swait.ge [sflag:s8], $0x7CB  }
0x25: {  	[sflag:s8] =	ssyncset.done $0x0  }
0x26: {  	s18 =	simm.s32 $0x4E20;
	s11 =	sadd.s32 s4, s15;
	[sflag:s8] =	ssyncadd.s32 $0xFFFFF835  }
0x27: {  	[tilespmem:s18], [sflag:$0x1] =	stream.linear.gather [hbm4b:s11+s16], $0x7CB, $0x38;
	[tilespmem:$0xBD00] =	vst v63  }
0x28: {  	s11 =	sor.u32 $0x3, s2  }
0x29: {  	_ =	swait.ge [sflag:s8], $0x7CB;
	s19 =	smul.u32 $0xFA, s11  }
0x2a: {  	[sflag:s8] =	ssyncset.done $0x0  }
0x2b: {  	s14 =	simm.s32 $0x1770;
	[sflag:s8] =	ssyncadd.s32 $0xFFFFF835;
	s15 =	sadd.s32 s3, s19  }
0x2c: {  	[tilespmem:s14], [sflag:$0x1] =	stream.linear.gather [hbm4b:s15+s16], $0x7CB, $0x38;
	[tilespmem:$0xBD00] =	vst v63  }
0x2d: {  	_ =	swait.ge [sflag:s8], $0x7CB  }
0x2e: {  	[sflag:s8] =	ssyncset.done $0x0  }
0x2f: {  	s17 =	simm.s32 $0x55F0;
	s12 =	sadd.s32 s4, s19;
	[sflag:s8] =	ssyncadd.s32 $0xFFFFF835  }
0x30: {  	[tilespmem:s17], [sflag:$0x1] =	stream.linear.gather [hbm4b:s12+s16], $0x7CB, $0x38;
	[tilespmem:$0xBD00] =	vst v63  }
0x31: {  	s12 =	sor.u32 $0x4, s2  }
0x32: {  	_ =	swait.ge [sflag:s8], $0x7CB;
	s18 =	smul.u32 $0xFA, s12  }
0x33: {  	[sflag:s8] =	ssyncset.done $0x0  }
0x34: {  	s15 =	simm.s32 $0x1F40;
	[sflag:s8] =	ssyncadd.s32 $0xFFFFF835;
	s19 =	sadd.s32 s3, s18  }
0x35: {  	[tilespmem:s15], [sflag:$0x1] =	stream.linear.gather [hbm4b:s19+s16], $0x7CB, $0x38;
	[tilespmem:$0xBD00] =	vst v63  }
0x36: {  	_ =	swait.ge [sflag:s8], $0x7CB  }
0x37: {  	[sflag:s8] =	ssyncset.done $0x0  }
0x38: {  	s17 =	simm.s32 $0x5DC0;
	s13 =	sadd.s32 s4, s18;
	[sflag:s8] =	ssyncadd.s32 $0xFFFFF835  }
0x39: {  	[tilespmem:s17], [sflag:$0x1] =	stream.linear.gather [hbm4b:s13+s16], $0x7CB, $0x38;
	[tilespmem:$0xBD00] =	vst v63  }
0x3a: {  	s13 =	sor.u32 $0x5, s2  }
0x3b: {  	_ =	swait.ge [sflag:s8], $0x7CB;
	s18 =	smul.u32 $0xFA, s13  }
0x3c: {  	[sflag:s8] =	ssyncset.done $0x0  }
0x3d: {  	s17 =	simm.s32 $0x2710;
	[sflag:s8] =	ssyncadd.s32 $0xFFFFF835;
	s19 =	sadd.s32 s3, s18  }
0x3e: {  	[tilespmem:s17], [sflag:$0x1] =	stream.linear.gather [hbm4b:s19+s16], $0x7CB, $0x38;
	[tilespmem:$0xBD00] =	vst v63  }
0x3f: {  	_ =	swait.ge [sflag:s8], $0x7CB  }
0x40: {  	[sflag:s8] =	ssyncset.done $0x0  }
0x41: {  	s14 =	sadd.s32 s4, s18;
	s18 =	simm.s32 $0x6590;
	[sflag:s8] =	ssyncadd.s32 $0xFFFFF835  }
0x42: {  	[tilespmem:s18], [sflag:$0x1] =	stream.linear.gather [hbm4b:s14+s16], $0x7CB, $0x38;
	[tilespmem:$0xBD00] =	vst v63  }
0x43: {  	s14 =	sor.u32 $0x6, s2  }
0x44: {  	_ =	swait.ge [sflag:s8], $0x7CB;
	s19 =	smul.u32 $0xFA, s14  }
0x45: {  	[sflag:s8] =	ssyncset.done $0x0  }
0x46: {  	[sflag:s8] =	ssyncadd.s32 $0xFFFFF835;
	s18 =	sadd.s32 s3, s19  }
0x47: {  	[tilespmem:s20], [sflag:$0x1] =	stream.linear.gather [hbm4b:s18+s16], $0x7CB, $0x38;
	[tilespmem:$0xBD00] =	vst v63  }
0x48: {  	_ =	swait.ge [sflag:s8], $0x7CB  }
0x49: {  	[sflag:s8] =	ssyncset.done $0x0  }
0x4a: {  	s15 =	sadd.s32 s4, s19;
	[sflag:s8] =	ssyncadd.s32 $0xFFFFF835  }
0x4b: {  	[tilespmem:s21], [sflag:$0x1] =	stream.linear.gather [hbm4b:s15+s16], $0x7CB, $0x38;
	[tilespmem:$0xBD00] =	vst v63  }
0x4c: {  	s15 =	sor.u32 $0x7, s2  }
0x4d: {  	_ =	swait.ge [sflag:s8], $0x7CB;
	s19 =	smul.u32 $0xFA, s15  }
0x4e: {  	[sflag:s8] =	ssyncset.done $0x0  }
0x4f: {  	[sflag:s8] =	ssyncadd.s32 $0xFFFFF835;
	s18 =	sadd.s32 s3, s19  }
0x50: {  	[tilespmem:s22], [sflag:$0x1] =	stream.linear.gather [hbm4b:s18+s16], $0x7CB, $0x38;
	[tilespmem:$0xBD00] =	vst v63  }
0x51: {  	_ =	swait.ge [sflag:s8], $0x7CB  }
0x52: {  	[sflag:s8] =	ssyncset.done $0x0  }
0x53: {  	s17 =	sadd.s32 s4, s19;
	[sflag:s8] =	ssyncadd.s32 $0xFFFFF835  }
0x54: {  	[tilespmem:s23], [sflag:$0x1] =	stream.linear.gather [hbm4b:s17+s16], $0x7CB, $0x38;
	[tilespmem:$0xBD00] =	vst v63  }
0x55: {  	_ =	swait.ge [sflag:s8], $0x7CB  }
0x56: {  	[sflag:s8] =	ssyncset.done $0x0  }
0x57: {  	s18 =	simm.s32 $0x100;
	s17 =	simm.s32 $0x0;
	[sflag:s8] =	ssyncadd.s32 $0xFFFFF835  }
.LBB2_3:
0x58: {  	p0 =	sne.s32 s18, $0xFF00;
	[tilespmem:s17+$0x7D30] =	vst v0;
	s19 =	smov.u32 s18;
	s18 =	sadd.s32 $0x100, s18  }
.Ltmp0:
0x59: {  	[tilespmem:s17+$0x7D20] =	vst v0;
	(pc) =	sbr.rel @p0 .LBB2_3-.Ltmp0, $3  }
0x5a: {  	[tilespmem:s17+$0x7D00] =	vst v0  }
0x5b: {  	[tilespmem:s17+$0x7D10] =	vst v0;
	_ =	sdelay $0x1  }
0x5c: {  	s17 =	sshra.s32 s19, $0x2  }
0x5d: {  	[tilespmem:s17+$0x7D30] =	vst v0  }
0x5e: {  	[tilespmem:s17+$0x7D20] =	vst v0  }
0x5f: {  	[tilespmem:s17+$0x7D00] =	vst v0  }
0x60: {  	[tilespmem:s17+$0x7D10] =	vst v0  }
.LBB2_5:
0x61: {  	s17 =	sshra.s32 s16, $0x2  }
0x62: {  	v1 =	vld [tilespmem:s17+$0x3E80];
	_ =	sdelay $0x2  }
0x63: {  	v2 =	vld [tilespmem:s17+$0x0];
	_ =	sdelay $0x4  }
0x64: {  	[tilespmem:v1+s24+$0x0] =	vst.idx.add.f32.msk $0xffff, v2  }
0x65: {  	v1 =	vld [tilespmem:s17+$0x3E90];
	_ =	sdelay $0x2  }
0x66: {  	v2 =	vld [tilespmem:s17+$0x10];
	_ =	sdelay $0x4  }
0x67: {  	[tilespmem:v1+s24+$0x0] =	vst.idx.add.f32.msk $0xffff, v2  }
0x68: {  	v1 =	vld [tilespmem:s17+$0x3EA0];
	_ =	sdelay $0x2  }
0x69: {  	v2 =	vld [tilespmem:s17+$0x20];
	_ =	sdelay $0x4  }
0x6a: {  	[tilespmem:v1+s24+$0x0] =	vst.idx.add.f32.msk $0xffff, v2  }
0x6b: {  	v1 =	vld [tilespmem:s17+$0x3EB0];
	_ =	sdelay $0x2  }
0x6c: {  	p0 =	sne.s32 s16, $0x1E00;
	v2 =	vld [tilespmem:s17+$0x30]  }
.Ltmp1:
0x6d: {  	_ = 	snop;
	(pc) =	sbr.rel @p0 .LBB2_5-.Ltmp1, $2  }
0x6e: {  	_ =	sdelay $0x2  }
0x6f: {  	s16 =	sadd.s32 $0x100, s16;
	[tilespmem:v1+s24+$0x0] =	vst.idx.add.f32.msk $0xffff, v2  }
0x70: {  	v1 =	vld [tilespmem:$0x4640];
	_ =	sdelay $0x3  }
0x71: {  	v2 =	vld [tilespmem:$0x7C0]  }
0x72: {  	v1 =	vnsel vm0, $0x0, v1;
	_ =	sdelay $0x3  }
0x73: {  	v2 =	vnsel vm0, $0x0, v2  }
0x74: {  	s16 =	simm.s32 $0x0;
	[tilespmem:v1+s24+$0x0] =	vst.idx.add.f32.msk $0xffff, v2  }
.LBB2_7:
0x75: {  	s17 =	sshra.s32 s16, $0x2  }
0x76: {  	v1 =	vld [tilespmem:s17+$0x4650];
	_ =	sdelay $0x4  }
0x77: {  	v2 =	vld [tilespmem:s17+$0x7D0];
	v1 =	vadd.s32 $0x800, v1;
	_ =	sdelay $0x4  }
0x78: {  	[tilespmem:v1+s24+$0x0] =	vst.idx.add.f32.msk $0xffff, v2  }
0x79: {  	v1 =	vld [tilespmem:s17+$0x4660];
	_ =	sdelay $0x4  }
0x7a: {  	v2 =	vld [tilespmem:s17+$0x7E0];
	v1 =	vadd.s32 $0x800, v1;
	_ =	sdelay $0x4  }
0x7b: {  	[tilespmem:v1+s24+$0x0] =	vst.idx.add.f32.msk $0xffff, v2  }
0x7c: {  	v1 =	vld [tilespmem:s17+$0x4670];
	_ =	sdelay $0x4  }
0x7d: {  	v2 =	vld [tilespmem:s17+$0x7F0];
	v1 =	vadd.s32 $0x800, v1;
	_ =	sdelay $0x4  }
0x7e: {  	[tilespmem:v1+s24+$0x0] =	vst.idx.add.f32.msk $0xffff, v2  }
0x7f: {  	v1 =	vld [tilespmem:s17+$0x4680];
	_ =	sdelay $0x4  }
0x80: {  	p0 =	sne.s32 s16, $0x1E00;
	v2 =	vld [tilespmem:s17+$0x800];
	v1 =	vadd.s32 $0x800, v1  }
.Ltmp2:
0x81: {  	_ = 	snop;
	(pc) =	sbr.rel @p0 .LBB2_7-.Ltmp2, $2  }
0x82: {  	_ =	sdelay $0x2  }
0x83: {  	s16 =	sadd.s32 $0x100, s16;
	[tilespmem:v1+s24+$0x0] =	vst.idx.add.f32.msk $0xffff, v2  }
0x84: {  	v1 =	vld [tilespmem:$0x4E10];
	_ =	sdelay $0x4  }
0x85: {  	v2 =	vld [tilespmem:$0xF90];
	v1 =	vnsel vm0, $0x0, v1  }
0x86: {  	v1 =	vadd.s32 $0x800, v1;
	_ =	sdelay $0x3  }
0x87: {  	v2 =	vnsel vm0, $0x0, v2  }
0x88: {  	s16 =	simm.s32 $0x0;
	[tilespmem:v1+s24+$0x0] =	vst.idx.add.f32.msk $0xffff, v2  }
.LBB2_9:
0x89: {  	s17 =	sshra.s32 s16, $0x2  }
0x8a: {  	v1 =	vld [tilespmem:s17+$0x4E20];
	_ =	sdelay $0x4  }
0x8b: {  	v2 =	vld [tilespmem:s17+$0xFA0];
	v1 =	vadd.s32 $0x1000, v1;
	_ =	sdelay $0x4  }
0x8c: {  	[tilespmem:v1+s24+$0x0] =	vst.idx.add.f32.msk $0xffff, v2  }
0x8d: {  	v1 =	vld [tilespmem:s17+$0x4E30];
	_ =	sdelay $0x4  }
0x8e: {  	v2 =	vld [tilespmem:s17+$0xFB0];
	v1 =	vadd.s32 $0x1000, v1;
	_ =	sdelay $0x4  }
0x8f: {  	[tilespmem:v1+s24+$0x0] =	vst.idx.add.f32.msk $0xffff, v2  }
0x90: {  	v1 =	vld [tilespmem:s17+$0x4E40];
	_ =	sdelay $0x4  }
0x91: {  	v2 =	vld [tilespmem:s17+$0xFC0];
	v1 =	vadd.s32 $0x1000, v1;
	_ =	sdelay $0x4  }
0x92: {  	[tilespmem:v1+s24+$0x0] =	vst.idx.add.f32.msk $0xffff, v2  }
0x93: {  	v1 =	vld [tilespmem:s17+$0x4E50];
	_ =	sdelay $0x4  }
0x94: {  	p0 =	sne.s32 s16, $0x1E00;
	v2 =	vld [tilespmem:s17+$0xFD0];
	v1 =	vadd.s32 $0x1000, v1  }
.Ltmp3:
0x95: {  	_ = 	snop;
	(pc) =	sbr.rel @p0 .LBB2_9-.Ltmp3, $2  }
0x96: {  	_ =	sdelay $0x2  }
0x97: {  	s16 =	sadd.s32 $0x100, s16;
	[tilespmem:v1+s24+$0x0] =	vst.idx.add.f32.msk $0xffff, v2  }
0x98: {  	v1 =	vld [tilespmem:$0x55E0];
	_ =	sdelay $0x4  }
0x99: {  	v2 =	vld [tilespmem:$0x1760];
	v1 =	vnsel vm0, $0x0, v1  }
0x9a: {  	v1 =	vadd.s32 $0x1000, v1;
	_ =	sdelay $0x3  }
0x9b: {  	v2 =	vnsel vm0, $0x0, v2  }
0x9c: {  	s16 =	simm.s32 $0x0;
	[tilespmem:v1+s24+$0x0] =	vst.idx.add.f32.msk $0xffff, v2  }
.LBB2_11:
0x9d: {  	s17 =	sshra.s32 s16, $0x2  }
0x9e: {  	v1 =	vld [tilespmem:s17+$0x55F0];
	_ =	sdelay $0x4  }
0x9f: {  	v2 =	vld [tilespmem:s17+$0x1770];
	v1 =	vadd.s32 $0x1800, v1;
	_ =	sdelay $0x4  }
0xa0: {  	[tilespmem:v1+s24+$0x0] =	vst.idx.add.f32.msk $0xffff, v2  }
0xa1: {  	v1 =	vld [tilespmem:s17+$0x5600];
	_ =	sdelay $0x4  }
0xa2: {  	v2 =	vld [tilespmem:s17+$0x1780];
	v1 =	vadd.s32 $0x1800, v1;
	_ =	sdelay $0x4  }
0xa3: {  	[tilespmem:v1+s24+$0x0] =	vst.idx.add.f32.msk $0xffff, v2  }
0xa4: {  	v1 =	vld [tilespmem:s17+$0x5610];
	_ =	sdelay $0x4  }
0xa5: {  	v2 =	vld [tilespmem:s17+$0x1790];
	v1 =	vadd.s32 $0x1800, v1;
	_ =	sdelay $0x4  }
0xa6: {  	[tilespmem:v1+s24+$0x0] =	vst.idx.add.f32.msk $0xffff, v2  }
0xa7: {  	v1 =	vld [tilespmem:s17+$0x5620];
	_ =	sdelay $0x4  }
0xa8: {  	p0 =	sne.s32 s16, $0x1E00;
	v2 =	vld [tilespmem:s17+$0x17A0];
	v1 =	vadd.s32 $0x1800, v1  }
.Ltmp4:
0xa9: {  	_ = 	snop;
	(pc) =	sbr.rel @p0 .LBB2_11-.Ltmp4, $2  }
0xaa: {  	_ =	sdelay $0x2  }
0xab: {  	s16 =	sadd.s32 $0x100, s16;
	[tilespmem:v1+s24+$0x0] =	vst.idx.add.f32.msk $0xffff, v2  }
0xac: {  	v1 =	vld [tilespmem:$0x5DB0];
	_ =	sdelay $0x4  }
0xad: {  	v2 =	vld [tilespmem:$0x1F30];
	v1 =	vnsel vm0, $0x0, v1  }
0xae: {  	v1 =	vadd.s32 $0x1800, v1;
	_ =	sdelay $0x3  }
0xaf: {  	v2 =	vnsel vm0, $0x0, v2  }
0xb0: {  	s16 =	simm.s32 $0x0;
	[tilespmem:v1+s24+$0x0] =	vst.idx.add.f32.msk $0xffff, v2  }
.LBB2_13:
0xb1: {  	s17 =	sshra.s32 s16, $0x2  }
0xb2: {  	v1 =	vld [tilespmem:s17+$0x5DC0];
	_ =	sdelay $0x4  }
0xb3: {  	v2 =	vld [tilespmem:s17+$0x1F40];
	v1 =	vadd.s32 $0x2000, v1;
	_ =	sdelay $0x4  }
0xb4: {  	[tilespmem:v1+s24+$0x0] =	vst.idx.add.f32.msk $0xffff, v2  }
0xb5: {  	v1 =	vld [tilespmem:s17+$0x5DD0];
	_ =	sdelay $0x4  }
0xb6: {  	v2 =	vld [tilespmem:s17+$0x1F50];
	v1 =	vadd.s32 $0x2000, v1;
	_ =	sdelay $0x4  }
0xb7: {  	[tilespmem:v1+s24+$0x0] =	vst.idx.add.f32.msk $0xffff, v2  }
0xb8: {  	v1 =	vld [tilespmem:s17+$0x5DE0];
	_ =	sdelay $0x4  }
0xb9: {  	v2 =	vld [tilespmem:s17+$0x1F60];
	v1 =	vadd.s32 $0x2000, v1;
	_ =	sdelay $0x4  }
0xba: {  	[tilespmem:v1+s24+$0x0] =	vst.idx.add.f32.msk $0xffff, v2  }
0xbb: {  	v1 =	vld [tilespmem:s17+$0x5DF0];
	_ =	sdelay $0x4  }
0xbc: {  	p0 =	sne.s32 s16, $0x1E00;
	v2 =	vld [tilespmem:s17+$0x1F70];
	v1 =	vadd.s32 $0x2000, v1  }
.Ltmp5:
0xbd: {  	_ = 	snop;
	(pc) =	sbr.rel @p0 .LBB2_13-.Ltmp5, $2  }
0xbe: {  	_ =	sdelay $0x2  }
0xbf: {  	s16 =	sadd.s32 $0x100, s16;
	[tilespmem:v1+s24+$0x0] =	vst.idx.add.f32.msk $0xffff, v2  }
0xc0: {  	v1 =	vld [tilespmem:$0x6580];
	_ =	sdelay $0x4  }
0xc1: {  	v2 =	vld [tilespmem:$0x2700];
	v1 =	vnsel vm0, $0x0, v1  }
0xc2: {  	v1 =	vadd.s32 $0x2000, v1;
	_ =	sdelay $0x3  }
0xc3: {  	v2 =	vnsel vm0, $0x0, v2  }
0xc4: {  	s16 =	simm.s32 $0x0;
	[tilespmem:v1+s24+$0x0] =	vst.idx.add.f32.msk $0xffff, v2  }
.LBB2_15:
0xc5: {  	s17 =	sshra.s32 s16, $0x2  }
0xc6: {  	v1 =	vld [tilespmem:s17+$0x6590];
	_ =	sdelay $0x4  }
0xc7: {  	v2 =	vld [tilespmem:s17+$0x2710];
	v1 =	vadd.s32 $0x2800, v1;
	_ =	sdelay $0x4  }
0xc8: {  	[tilespmem:v1+s24+$0x0] =	vst.idx.add.f32.msk $0xffff, v2  }
0xc9: {  	v1 =	vld [tilespmem:s17+$0x65A0];
	_ =	sdelay $0x4  }
0xca: {  	v2 =	vld [tilespmem:s17+$0x2720];
	v1 =	vadd.s32 $0x2800, v1;
	_ =	sdelay $0x4  }
0xcb: {  	[tilespmem:v1+s24+$0x0] =	vst.idx.add.f32.msk $0xffff, v2  }
0xcc: {  	v1 =	vld [tilespmem:s17+$0x65B0];
	_ =	sdelay $0x4  }
0xcd: {  	v2 =	vld [tilespmem:s17+$0x2730];
	v1 =	vadd.s32 $0x2800, v1;
	_ =	sdelay $0x4  }
0xce: {  	[tilespmem:v1+s24+$0x0] =	vst.idx.add.f32.msk $0xffff, v2  }
0xcf: {  	v1 =	vld [tilespmem:s17+$0x65C0];
	_ =	sdelay $0x4  }
0xd0: {  	p0 =	sne.s32 s16, $0x1E00;
	v2 =	vld [tilespmem:s17+$0x2740];
	v1 =	vadd.s32 $0x2800, v1  }
.Ltmp6:
0xd1: {  	_ = 	snop;
	(pc) =	sbr.rel @p0 .LBB2_15-.Ltmp6, $2  }
0xd2: {  	_ =	sdelay $0x2  }
0xd3: {  	s16 =	sadd.s32 $0x100, s16;
	[tilespmem:v1+s24+$0x0] =	vst.idx.add.f32.msk $0xffff, v2  }
0xd4: {  	v1 =	vld [tilespmem:$0x6D50];
	_ =	sdelay $0x4  }
0xd5: {  	v2 =	vld [tilespmem:$0x2ED0];
	v1 =	vnsel vm0, $0x0, v1  }
0xd6: {  	v1 =	vadd.s32 $0x2800, v1;
	_ =	sdelay $0x3  }
0xd7: {  	v2 =	vnsel vm0, $0x0, v2  }
0xd8: {  	s16 =	simm.s32 $0x0;
	[tilespmem:v1+s24+$0x0] =	vst.idx.add.f32.msk $0xffff, v2  }
.LBB2_17:
0xd9: {  	s17 =	sshra.s32 s16, $0x2  }
0xda: {  	v1 =	vld [tilespmem:s17+$0x6D60];
	_ =	sdelay $0x4  }
0xdb: {  	v2 =	vld [tilespmem:s17+$0x2EE0];
	v1 =	vadd.s32 $0x3000, v1;
	_ =	sdelay $0x4  }
0xdc: {  	[tilespmem:v1+s24+$0x0] =	vst.idx.add.f32.msk $0xffff, v2  }
0xdd: {  	v1 =	vld [tilespmem:s17+$0x6D70];
	_ =	sdelay $0x4  }
0xde: {  	v2 =	vld [tilespmem:s17+$0x2EF0];
	v1 =	vadd.s32 $0x3000, v1;
	_ =	sdelay $0x4  }
0xdf: {  	[tilespmem:v1+s24+$0x0] =	vst.idx.add.f32.msk $0xffff, v2  }
0xe0: {  	v1 =	vld [tilespmem:s17+$0x6D80];
	_ =	sdelay $0x4  }
0xe1: {  	v2 =	vld [tilespmem:s17+$0x2F00];
	v1 =	vadd.s32 $0x3000, v1;
	_ =	sdelay $0x4  }
0xe2: {  	[tilespmem:v1+s24+$0x0] =	vst.idx.add.f32.msk $0xffff, v2  }
0xe3: {  	v1 =	vld [tilespmem:s17+$0x6D90];
	_ =	sdelay $0x4  }
0xe4: {  	p0 =	sne.s32 s16, $0x1E00;
	v2 =	vld [tilespmem:s17+$0x2F10];
	v1 =	vadd.s32 $0x3000, v1  }
.Ltmp7:
0xe5: {  	_ = 	snop;
	(pc) =	sbr.rel @p0 .LBB2_17-.Ltmp7, $2  }
0xe6: {  	_ =	sdelay $0x2  }
0xe7: {  	s16 =	sadd.s32 $0x100, s16;
	[tilespmem:v1+s24+$0x0] =	vst.idx.add.f32.msk $0xffff, v2  }
0xe8: {  	v1 =	vld [tilespmem:$0x7520];
	_ =	sdelay $0x4  }
0xe9: {  	v2 =	vld [tilespmem:$0x36A0];
	v1 =	vnsel vm0, $0x0, v1  }
0xea: {  	v1 =	vadd.s32 $0x3000, v1;
	_ =	sdelay $0x3  }
0xeb: {  	v2 =	vnsel vm0, $0x0, v2  }
0xec: {  	s16 =	simm.s32 $0x0;
	[tilespmem:v1+s24+$0x0] =	vst.idx.add.f32.msk $0xffff, v2  }
.LBB2_19:
0xed: {  	s17 =	sshra.s32 s16, $0x2  }
0xee: {  	v1 =	vld [tilespmem:s17+$0x7530];
	_ =	sdelay $0x4  }
0xef: {  	v2 =	vld [tilespmem:s17+$0x36B0];
	v1 =	vadd.s32 $0x3800, v1;
	_ =	sdelay $0x4  }
0xf0: {  	[tilespmem:v1+s24+$0x0] =	vst.idx.add.f32.msk $0xffff, v2  }
0xf1: {  	v1 =	vld [tilespmem:s17+$0x7540];
	_ =	sdelay $0x4  }
0xf2: {  	v2 =	vld [tilespmem:s17+$0x36C0];
	v1 =	vadd.s32 $0x3800, v1;
	_ =	sdelay $0x4  }
0xf3: {  	[tilespmem:v1+s24+$0x0] =	vst.idx.add.f32.msk $0xffff, v2  }
0xf4: {  	v1 =	vld [tilespmem:s17+$0x7550];
	_ =	sdelay $0x4  }
0xf5: {  	v2 =	vld [tilespmem:s17+$0x36D0];
	v1 =	vadd.s32 $0x3800, v1;
	_ =	sdelay $0x4  }
0xf6: {  	[tilespmem:v1+s24+$0x0] =	vst.idx.add.f32.msk $0xffff, v2  }
0xf7: {  	v1 =	vld [tilespmem:s17+$0x7560];
	_ =	sdelay $0x4  }
0xf8: {  	p0 =	sne.s32 s16, $0x1E00;
	v2 =	vld [tilespmem:s17+$0x36E0];
	v1 =	vadd.s32 $0x3800, v1  }
.Ltmp8:
0xf9: {  	_ = 	snop;
	(pc) =	sbr.rel @p0 .LBB2_19-.Ltmp8, $2  }
0xfa: {  	_ =	sdelay $0x2  }
0xfb: {  	s16 =	sadd.s32 $0x100, s16;
	[tilespmem:v1+s24+$0x0] =	vst.idx.add.f32.msk $0xffff, v2  }
0xfc: {  	v1 =	vld [tilespmem:$0x7CF0];
	_ =	sdelay $0x4  }
0xfd: {  	v2 =	vld [tilespmem:$0x3E70];
	v1 =	vnsel vm0, $0x0, v1  }
0xfe: {  	v1 =	vadd.s32 $0x3800, v1;
	_ =	sdelay $0x3  }
0xff: {  	s2 =	sshll.u32 s2, $0x8;
	v2 =	vnsel vm0, $0x0, v2  }
0x100: {  	s2 =	sadd.s32 s5, s2;
	[tilespmem:v1+s24+$0x0] =	vst.idx.add.f32.msk $0xffff, v2  }
0x101: {  	[hbm4b:s2+s1] =	stream.linear.scatter [tilespmem:s24], [sflag:$0x1], $0x800, $0x38;
	[tilespmem:$0xBD00] =	vst v63  }
0x102: {  	s9 =	sshll.u32 s9, $0x8;
	_ =	swait.ge [sflag:s8], $0x800  }
0x103: {  	s2 =	sand.u32 $0x1FFFF900, s9;
	[sflag:s8] =	ssyncset.done $0x0  }
0x104: {  	s2 =	sadd.s32 s5, s2;
	[sflag:s8] =	ssyncadd.s32 $0xFFFFF800  }
0x105: {  	[hbm4b:s2+s1] =	stream.linear.scatter [tilespmem:s25], [sflag:$0x1], $0x800, $0x38;
	[tilespmem:$0xBD00] =	vst v63  }
0x106: {  	s10 =	sshll.u32 s10, $0x8;
	_ =	swait.ge [sflag:s8], $0x800  }
0x107: {  	s2 =	sand.u32 $0x1FFFFA00, s10;
	[sflag:s8] =	ssyncset.done $0x0  }
0x108: {  	s2 =	sadd.s32 s5, s2;
	[sflag:s8] =	ssyncadd.s32 $0xFFFFF800  }
0x109: {  	[hbm4b:s2+s1] =	stream.linear.scatter [tilespmem:s26], [sflag:$0x1], $0x800, $0x38;
	[tilespmem:$0xBD00] =	vst v63  }
0x10a: {  	s11 =	sshll.u32 s11, $0x8;
	_ =	swait.ge [sflag:s8], $0x800  }
0x10b: {  	s2 =	sand.u32 $0x1FFFFB00, s11;
	[sflag:s8] =	ssyncset.done $0x0  }
0x10c: {  	s2 =	sadd.s32 s5, s2;
	[sflag:s8] =	ssyncadd.s32 $0xFFFFF800  }
0x10d: {  	[hbm4b:s2+s1] =	stream.linear.scatter [tilespmem:s28], [sflag:$0x1], $0x800, $0x38;
	[tilespmem:$0xBD00] =	vst v63  }
0x10e: {  	s16 =	sshll.u32 s12, $0x8;
	_ =	swait.ge [sflag:s8], $0x800  }
0x10f: {  	s2 =	sand.u32 $0x1FFFFC00, s16;
	[sflag:s8] =	ssyncset.done $0x0  }
0x110: {  	s2 =	sadd.s32 s5, s2;
	[sflag:s8] =	ssyncadd.s32 $0xFFFFF800  }
0x111: {  	[hbm4b:s2+s1] =	stream.linear.scatter [tilespmem:s29], [sflag:$0x1], $0x800, $0x38;
	[tilespmem:$0xBD00] =	vst v63  }
0x112: {  	s17 =	sshll.u32 s13, $0x8;
	_ =	swait.ge [sflag:s8], $0x800  }
0x113: {  	s2 =	sand.u32 $0x1FFFFD00, s17;
	[sflag:s8] =	ssyncset.done $0x0  }
0x114: {  	s2 =	sadd.s32 s5, s2;
	[sflag:s8] =	ssyncadd.s32 $0xFFFFF800  }
0x115: {  	[hbm4b:s2+s1] =	stream.linear.scatter [tilespmem:s30], [sflag:$0x1], $0x800, $0x38;
	[tilespmem:$0xBD00] =	vst v63  }
0x116: {  	s18 =	sshll.u32 s14, $0x8;
	_ =	swait.ge [sflag:s8], $0x800  }
0x117: {  	s2 =	sand.u32 $0x1FFFFE00, s18;
	[sflag:s8] =	ssyncset.done $0x0  }
0x118: {  	s2 =	sadd.s32 s5, s2;
	[sflag:s8] =	ssyncadd.s32 $0xFFFFF800  }
0x119: {  	[hbm4b:s2+s1] =	stream.linear.scatter [tilespmem:s31], [sflag:$0x1], $0x800, $0x38;
	[tilespmem:$0xBD00] =	vst v63  }
0x11a: {  	s19 =	sshll.u32 s15, $0x8;
	s7 =	sadd.s32 $0x1, s7;
	_ =	swait.ge [sflag:s8], $0x800  }
0x11b: {  	p0 =	sne.s32 s7, $0x10;
	s2 =	sand.u32 $0x1FFFFF00, s19;
	[sflag:s8] =	ssyncset.done $0x0  }
.Ltmp9:
0x11c: {  	s2 =	sadd.s32 s5, s2;
	[sflag:s8] =	ssyncadd.s32 $0xFFFFF800;
	(pc) =	sbr.rel @p0 .LBB2_2-.Ltmp9, $4  }
0x11d: {  	[hbm4b:s2+s1] =	stream.linear.scatter [tilespmem:s0], [sflag:$0x1], $0x800, $0x38;
	[tilespmem:$0xBD00] =	vst v63  }
0x11e: {  	_ =	swait.ge [sflag:s8], $0x800  }
0x11f: {  	[sflag:s8] =	ssyncset.done $0x0  }
0x120: {  	[sflag:s8] =	ssyncadd.s32 $0xFFFFF800  }
0x121: {  	s7 =	rddreg [dreg:$0x3]  }
0x122: {  	s2 =	rddreg [dreg:$0x2];
	s7 =	sadd.s32 $0x1, s7  }
0x123: {  	p0 =	sne.s32 s7, s2  }
.Ltmp10:
0x124: {  	_ = 	snop;
	(pc) =	sbr.rel @p0 .LBB2_1-.Ltmp10, $1  }
0x125: {  	_ =	sdelay $0x3  }
0x126: {  	_ =	sfence.sel $0x180000  }
0x127: {  	[bflag:$0x0] =	sbarrier.arrive $0xFFFF  }
0x128: {  	_ =	strace $0x90000047  }
0x129: {  	s0 =	stileid.u32;
	[bflag:$0x2] =	sbarrier.arrive $0xFFFF  }
0x12a: {  	p0 =	sne.s32 s0, $0x0;
	s0 =	rddreg [dreg:$0x1]  }
0x12b: {  	s0 =	sadd.s32 @!p0 $0x100000, s0  }
0x12c: {  	[sflag:s0] =	ssyncadd.tile.s32 @!p0 $0x1;
	_ =	shalt  }
.Lfunc_end2:
_tile_overlayer_lowered:
.L_overlay_start_2:
0x12d: {  	(tag) =	ssettag $0x2  }
0x12e: {  	s0 =	rddreg [dreg:$0x0];
	s2 =	stileid.u32  }
0x12f: {  	s1 =	rddreg [dreg:$0x1];
	p0 =	sne.s32 s2, $0x0  }
0x130: {  	s3 =	rddreg [dreg:$0x2];
	[bflag:$0x3] =	sbarrier.arrive $0xFFFF;
	s2 =	simm.s32 @!p0 $0x1C01  }
0x131: {  	[timem:s3], [sflag:s2] =	dma.local @!p0 [hbm:s0], s1  }
0x132: {  	s0 =	simm.s32 @!p0 $0x1  }
0x133: {  	_ =	swait.ge @!p0 [sflag:s0], s1  }
0x134: {  	s1 =	ssub.s32 @!p0 $0x0, s1;
	[sflag:s0] =	ssyncset.done @!p0 $0x0  }
0x135: {  	[sflag:s0] =	ssyncadd.s32 @!p0 s1  }
0x136: {  	[bflag:$0x3] =	sbarrier.arrive $0xFFFF  }
0x137: {  	_ =	shalt  }

// kernel: kernel.7.cloned.1.call-start
scs
__scs_entry_jumppad:
0x0: {  	(pc) =	sbr.rel $0x88, $3  }
0x1: {  	(tag) =	ssettag $0x0;
	lr =	simm.s32 $0x1  }
0x2: {  	[smem:$0x3F96] =	sst lr;
	_ =	strace $0xD0000000  }
0x3: {  	_ = 	snop  }
0x4: {  	_ = 	snop  }
0x5: {  	_ = 	snop  }
0x6: {  	_ = 	snop  }
0x7: {  	_ = 	snop  }
__scs_overlays_trampoline_lowered:
0x8: {  	[smem:$0x3FA5] =	sst s0  }
0x9: {  	[smem:$0x3FA6] =	sst s1  }
0xa: {  	[smem:$0x3FA7] =	sst s2  }
0xb: {  	[smem:$0x3FA8] =	sst s3  }
0xc: {  	[smem:$0x3FA9] =	sst s4  }
0xd: {  	[smem:$0x3FAA] =	sst s5  }
0xe: {  	[smem:$0x3FAB] =	sst s6  }
0xf: {  	[smem:$0x3FAC] =	sst s7  }
0x10: {  	[smem:$0x3FAD] =	sst s8  }
0x11: {  	[smem:$0x3FAE] =	sst s9;
	s0 =	simm.s32 @!p0 $0x0  }
0x12: {  	s1 =	sld [smem:$0x3F94];
	s0 =	simm.s32 @p0 $0x1  }
0x13: {  	[smem:$0x3FAF] =	sst s0;
	s0 =	simm.s32 @!p1 $0x0  }
0x14: {  	s2 =	sld [smem:$0x3F93];
	s0 =	simm.s32 @p1 $0x1  }
0x15: {  	[smem:$0x3FB0] =	sst s0;
	s0 =	simm.s32 @!p2 $0x0  }
0x16: {  	s3 =	sld [smem:$0x3FDB];
	s0 =	simm.s32 @p2 $0x1  }
0x17: {  	s4 =	simm.s32 $0x1BF5;
	[smem:$0x3FB2] =	sst s0  }
0x18: {  	s0 =	sld [smem:$0x3F95];
	_ =	swait.ge [sflag:s4], $0x0  }
0x19: {  	s7 =	sld [smem:$0x3F96]  }
0x1a: {  	s8 =	sadd.s32 $0xFFFFE003, lr  }
0x1b: {  	s9 =	sadd.s32 $0xFFFFFEF7, lr;
	s5 =	simm.s32 $0xFFFFFFFF;
	p2 =	slt.u32 s8, $0xFFFFF086  }
0x1c: {  	p1 =	slt.u32 s9, $0xF7A;
	s5 =	simm.s32 @!p2 $0x0  }
0x1d: {  	s5 =	simm.s32 @p1 $0x1;
	p0 =	seq.s32 s7, s2  }
0x1e: {  	s7 =	smul.u32 @!p0 $0xF7A, s2;
	p2 =	seq.s32 @!p0 s5, $0x0  }
0x1f: {  	s9 =	smul.u32 $0xF7A, s1;
	s8 =	simm.s32 @!p0 $0x1BF5;
	p2 =	por !p2, p0  }
0x20: {  	[sflag:s8] =	ssyncset.s32 @!p0 $0xFFFFF086;
	s6 =	sadd.s32 @!p0 s3, s7;
	s7 =	simm.s32 @!p0 $0x108  }
0x21: {  	s3 =	sadd.s32 s3, s9;
	s6 =	sadd.s32 @!p0 $0x88, s6;
	s7 =	simm.s32 @p2 $0x1082  }
0x22: {  	[simem:s7], [sflag:s8] =	dma.local @!p0 [hbm:s6], $0xF7A  }
0x23: {  	s9 =	sor.u32 $0xD0000000, s2;
	s6 =	simm.s32 $0x108;
	_ =	swait.ge @!p0 [sflag:s8], $0x0  }
0x24: {  	s3 =	sadd.s32 $0x88, s3;
	s6 =	simm.s32 @!p1 $0x1082;
	[sflag:s4] =	ssyncset.s32 $0xFFFFF086  }
0x25: {  	[simem:s6], [sflag:s4] =	dma.local [hbm:s3], $0xF7A  }
0x26: {  	[smem:$0x3F96] =	sst s1;
	(tag) =	ssettag s2;
	_ =	strace s9  }
0x27: {  	s1 =	sld [smem:$0x3FA6]  }
0x28: {  	s2 =	sld [smem:$0x3FA7]  }
0x29: {  	s4 =	sld [smem:$0x3FA9]  }
0x2a: {  	p0 =	seq.s32 s5, $0x0;
	s5 =	sld [smem:$0x3FAA]  }
0x2b: {  	s6 =	sld [smem:$0x3FAB]  }
0x2c: {  	s7 =	sld [smem:$0x3FAC]  }
0x2d: {  	s3 =	simm.s32 $0x108;
	s8 =	sld [smem:$0x3FAD]  }
0x2e: {  	s3 =	simm.s32 @!p0 $0x1082;
	s9 =	sld [smem:$0x3FAE]  }
0x2f: {  	lr =	sadd.s32 s0, s3;
	s0 =	sld [smem:$0x3FA5]  }
0x30: {  	s3 =	sld [smem:$0x3FA8]  }
0x31: {  	[smem:$0x3FB1] =	sst s10  }
0x32: {  	s10 =	sld [smem:$0x3FAF];
	_ =	sdelay $0x3  }
0x33: {  	p0 =	seq.s32 s10, $0x1;
	s10 =	sld [smem:$0x3FB1];
	_ =	sdelay $0x3  }
0x34: {  	[smem:$0x3FB1] =	sst s10  }
0x35: {  	s10 =	sld [smem:$0x3FB0];
	_ =	sdelay $0x3  }
0x36: {  	p1 =	seq.s32 s10, $0x1;
	s10 =	sld [smem:$0x3FB1];
	_ =	sdelay $0x3  }
0x37: {  	[smem:$0x3FB1] =	sst s10  }
0x38: {  	s10 =	sld [smem:$0x3FB2]  }
0x39: {  	_ = 	snop;
	(pc) =	sbr.ind lr, $3  }
0x3a: {  	_ = 	snop  }
0x3b: {  	_ = 	snop  }
0x3c: {  	p2 =	seq.s32 s10, $0x1;
	s10 =	sld [smem:$0x3FB1]  }
0x3d: {  	_ =	shalt  }
0x3e: {  	_ =	shalt  }
0x3f: {  	_ =	shalt  }
0x40: {  	_ =	shalt  }
0x41: {  	_ =	shalt  }
0x42: {  	_ =	shalt  }
0x43: {  	_ =	shalt  }
0x44: {  	_ =	shalt  }
0x45: {  	_ =	shalt  }
0x46: {  	_ =	shalt  }
0x47: {  	_ =	shalt  }
0x48: {  	_ =	shalt  }
0x49: {  	_ =	shalt  }
0x4a: {  	_ =	shalt  }
0x4b: {  	_ =	shalt  }
0x4c: {  	_ =	shalt  }
0x4d: {  	_ =	shalt  }
0x4e: {  	_ =	shalt  }
0x4f: {  	_ =	shalt  }
0x50: {  	_ =	shalt  }
0x51: {  	_ =	shalt  }
0x52: {  	_ =	shalt  }
0x53: {  	_ =	shalt  }
0x54: {  	_ =	shalt  }
0x55: {  	_ =	shalt  }
0x56: {  	_ =	shalt  }
0x57: {  	_ =	shalt  }
0x58: {  	_ =	shalt  }
0x59: {  	_ =	shalt  }
0x5a: {  	_ =	shalt  }
0x5b: {  	_ =	shalt  }
0x5c: {  	_ =	shalt  }
0x5d: {  	_ =	shalt  }
0x5e: {  	_ =	shalt  }
0x5f: {  	_ =	shalt  }
0x60: {  	_ =	shalt  }
0x61: {  	_ =	shalt  }
0x62: {  	_ =	shalt  }
0x63: {  	_ =	shalt  }
0x64: {  	_ =	shalt  }
0x65: {  	_ =	shalt  }
0x66: {  	_ =	shalt  }
0x67: {  	_ =	shalt  }
0x68: {  	_ =	shalt  }
0x69: {  	_ =	shalt  }
0x6a: {  	_ =	shalt  }
0x6b: {  	_ =	shalt  }
0x6c: {  	_ =	shalt  }
0x6d: {  	_ =	shalt  }
0x6e: {  	_ =	shalt  }
0x6f: {  	_ =	shalt  }
0x70: {  	_ =	shalt  }
0x71: {  	_ =	shalt  }
0x72: {  	_ =	shalt  }
0x73: {  	_ =	shalt  }
0x74: {  	_ =	shalt  }
0x75: {  	_ =	shalt  }
0x76: {  	_ =	shalt  }
0x77: {  	_ =	shalt  }
0x78: {  	_ =	shalt  }
0x79: {  	_ =	shalt  }
0x7a: {  	_ =	shalt  }
0x7b: {  	_ =	shalt  }
0x7c: {  	_ =	shalt  }
0x7d: {  	_ =	shalt  }
0x7e: {  	_ =	shalt  }
0x7f: {  	_ =	shalt  }
0x80: {  	_ =	shalt  }
0x81: {  	_ =	shalt  }
0x82: {  	_ =	shalt  }
0x83: {  	_ =	shalt  }
0x84: {  	_ =	shalt  }
0x85: {  	_ =	shalt  }
0x86: {  	_ =	shalt  }
0x87: {  	_ =	shalt  }
.Lfunc_end0:
.L_simem_size_0:
called_computation_lowered:
.L_overlay_start_0:
0x88: {  	s2 =	sld [smem:$0x3FD9]  }
0x89: {  	s3 =	sld [smem:$0x3FFE];
	_ =	sdelay $0x1  }
0x8a: {  	s1 =	srdreg.scid  }
0x8b: {  	s0 =	sand.u32 $0x1, s1  }
0x8c: {  	s15 =	sshll.u32 s0, $0xA;
	s2 =	sadd.s32 s3, s2  }
0x8d: {  	s2 =	sadd.s32 s2, s15  }
0x8e: {  	[smem:$0x3FBD] =	sst s2  }
0x8f: {  	_ = 	snop  }
0x90: {  	s2 =	sld [smem:$0x3FD0];
	_ =	sdelay $0x2  }
0x91: {  	s4 =	simm.s32 $0xB;
	s16 =	simm.s32 $0x10  }
0x92: {  	[smem:s16], [sflag:s4] =	dma.local [hbm:s2], $0x1  }
0x93: {  	_ =	swait.eq [sflag:s4], $0x1  }
0x94: {  	[sflag:s4] =	ssyncset.done $0x0  }
0x95: {  	s17 =	sld [smem:$0x11];
	[sflag:s4] =	ssyncadd.s32 $0xFFFFFFFF  }
0x96: {  	s18 =	sld [smem:$0x12];
	(tm) =	ssettm $0x1  }
0x97: {  	s19 =	sld [smem:$0x3FFB];
	_ =	sdelay $0x3  }
0x98: {  	_ =	strace s19  }
0x99: {  	s2 =	sld [smem:$0x3FFC];
	_ =	sdelay $0x3  }
0x9a: {  	_ =	strace s2  }
0x9b: {  	s2 =	sld [smem:$0x3FFD];
	_ =	sdelay $0x3  }
0x9c: {  	_ =	strace s2  }
0x9d: {  	_ =	strace $0x8FFFFFFF  }
0x9e: {  	s20 =	sld [smem:$0x3FDB];
	_ =	sdelay $0x1  }
0x9f: {  	s5 =	simm.s32 $_scs_section_size  }
0xa0: {  	s6 =	simm.s32 $_size__tile_overlayer_lowered;
	s7 =	simm.s32 $_tile_overlayer_lowered  }
0xa1: {  	s8 =	simm.s32 $0x1BFF;
	s21 =	sshll.u32 s7, $0x1;
	s5 =	sadd.s32 s5, s20  }
0xa2: {  	s22 =	simm.s32 $0x0;
	s6 =	sshll.u32 s6, $0x1;
	s7 =	sadd.s32 s21, s5  }
0xa3: {  	[timem:s22], [sflag:s8] =	dma.local [hbm:s7], s6  }
0xa4: {  	_ =	swait.ge [sflag:s8], s6  }
0xa5: {  	s6 =	ssub.s32 $0x0, s6;
	[sflag:s8] =	ssyncset.done $0x0  }
0xa6: {  	[sflag:s8] =	ssyncadd.s32 s6;
	_ =	sdelay $0x1  }
0xa7: {  	s23 =	simm.s32 $0x1B8B  }
0xa8: {  	_ =	swait.ge [sflag:s23], $0x1  }
0xa9: {  	[sflag:s23] =	ssyncset.done $0x0  }
0xaa: {  	[sflag:s23] =	ssyncadd.s32 $0xFFFFFFFF  }
0xab: {  	s6 =	sld [smem:$0x0]  }
0xac: {  	s7 =	sand.u32 $0xFFFFFFFE, s1  }
0xad: {  	p0 =	sne.s32 s1, s7  }
0xae: {  	s7 =	sshll.u32 @p0 s7, $0xE  }
0xaf: {  	s7 =	sadd.s32 @p0 $0x11B8D, s7;
	s8 =	sshll.u32 @p0 s6, $0x11  }
0xb0: {  	s7 =	sor.u32 @p0 s8, s7  }
0xb1: {  	[sflag:s7] =	ssyncadd.remote.s32 @p0 $0x1;
	_ =	sdelay $0x1  }
0xb2: {  	s7 =	simm.s32 @p0 $0x1B8D  }
0xb3: {  	_ =	swait.eq @p0 [sflag:s7], $0x1  }
0xb4: {  	[sflag:s7] =	ssyncadd.s32 @p0 $0xFFFFFFFF  }
0xb5: {  	s8 =	sshll.u32 @!p0 s1, $0xE  }
0xb6: {  	s8 =	sor.u32 @!p0 $0x4000, s8;
	s7 =	simm.s32 @!p0 $0x1B8D  }
0xb7: {  	s6 =	sshll.u32 @!p0 s6, $0x11;
	s8 =	sadd.s32 @!p0 $0x11B8D, s8;
	_ =	swait.eq @!p0 [sflag:s7], $0x1  }
0xb8: {  	s6 =	sor.u32 @!p0 s6, s8;
	[sflag:s7] =	ssyncadd.s32 @!p0 $0xFFFFFFFF  }
0xb9: {  	s25 =	simm.s32 $0x1B8E;
	s24 =	sld [smem:$0x3FFE];
	[sflag:s6] =	ssyncadd.remote.s32 @!p0 $0x1  }
0xba: {  	s26 =	simm.s32 $execute0_lowered;
	[smem:$0x3FD2] =	sst s25  }
0xbb: {  	s7 =	sshll.u32 s26, $0x1;
	_ =	strace $0x80000049;
	[dreg:$0x1] =	wrdreg $0xFFFFFFFF  }
0xbc: {  	s28 =	simm.s32 $_size_execute0_lowered;
	s5 =	sadd.s32 s5, s7;
	[dreg:$0x0] =	wrdreg $0x0  }
0xbd: {  	s7 =	sshll.u32 s28, $0x1;
	[dreg:$0x2] =	wrdreg s5  }
0xbe: {  	[dreg:$0x3] =	wrdreg s7  }
0xbf: {  	[dreg:$0x4] =	wrdreg $0xC0  }
0xc0: {  	_ =	task [dreg:s22], $0x5FFFF  }
0xc1: {  	[dreg:$0x1] =	wrdreg $0xFFFFFFFF  }
0xc2: {  	[dreg:$0x0] =	wrdreg $0x60  }
0xc3: {  	[dreg:$0x2] =	wrdreg s18  }
0xc4: {  	[dreg:$0x3] =	wrdreg s17  }
0xc5: {  	[dreg:$0x4] =	wrdreg s24  }
0xc6: {  	[dreg:$0x5] =	wrdreg $0x9  }
0xc7: {  	_ =	task.clear_ibuf [dreg:s22], $0x6FFFF;
	_ =	strace $0x90000049  }
0xc8: {  	s29 =	simm.s32 $0x9;
	_ =	strace $0x8000004B  }
0xc9: {  	_ =	swait.ge [sflag:s29], $0x1  }
0xca: {  	[sflag:s29] =	ssyncadd.s32 $0xFFFFFFFF  }
0xcb: {  	_ =	strace $0x9000004B  }
0xcc: {  	_ =	sfence  }
0xcd: {  	s30 =	sld [smem:$0x0];
	_ =	sdelay $0x2  }
0xce: {  	s31 =	sshll.u32 s1, $0xD;
	s1 =	sshrl.u32 s1, $0x2  }
0xcf: {  	s4 =	sand.u32 $0x4000, s31;
	s1 =	sadd.s32 s1, s30  }
0xd0: {  	s0 =	sor.u32 s4, s0;
	s1 =	sshll.u32 s1, $0x11  }
0xd1: {  	s0 =	sor.u32 s1, s0  }
0xd2: {  	s0 =	sadd.s32 $0x8F2B, s0  }
0xd3: {  	[sflag:s0] =	ssyncadd.remote.s32 $0x1  }
0xd4: {  	_ =	sfence.sel $0xFFFF  }
0xd5: {  	[dreg:$0x0] =	wrdreg $0xFFFFFFFF;
	(pc) =	sbr.abs _section_cstart, $3  }
0xd6: {  	[dreg:$0x1] =	wrdreg $0xFFFFFFFF  }
0xd7: {  	_ =	task.clear_ibuf [dreg:s22], $0x2FFFF;
	_ =	strace $0x9FFFFFFF  }
0xd8: {  	(tm) =	ssettm $0x7FFFFFFF  }
0xd9: {  	_ =	shalt  }
tec
execute0_lowered:
.L_overlay_start_1:
0x0: {  	(tag) =	ssettag $0x1  }
0x1: {  	s1 =	rddreg [dreg:$0x0]  }
0x2: {  	s2 =	rddreg [dreg:$0x1]  }
0x3: {  	s0 =	rddreg [dreg:$0x2];
	s3 =	simm.s32 $0x0  }
0x4: {  	s4 =	srdreg.scid;
	s7 =	stileid.u32;
	s8 =	simm.s32 $0x1  }
0x5: {  	s15 =	simm.s32 $0x2000;
	s28 =	simm.s32 $0x2C00;
	s4 =	sand.u32 $0x1, s4  }
0x6: {  	s29 =	simm.s32 $0x2D00;
	s30 =	simm.s32 $0x2E00;
	s6 =	ssub.s32 $0x2, s4  }
0x7: {  	s31 =	simm.s32 $0x2F00;
	[smem:$0x7FF] =	sst s3;
	s25 =	sshrl.u32 s6, $0x1  }
0x8: {  	s5 =	sadd.s32 $0x40C000, s0;
	s26 =	sshll.u32 s7, $0xD;
	s0 =	ssub.s32 s6, s25  }
0x9: {  	_ =	strace $0x8000004A;
	s4 =	sshll.u32 s4, $0xC;
	s0 =	smax.u32 s0, $0x1  }
0xa: {  	v0 =	vimm.f32 $0.0e+00;
	s6 =	sor.u32 s4, s26;
	s4 =	simm.s32 $0x0;
	[dreg:$0x4] =	wrdreg s0  }
.LBB2_1:
0xb: {  	[dreg:$0x5] =	wrdreg s4;
	s0 =	simm.s32 $0x0  }
.LBB2_2:
0xc: {  	s4 =	sshll.u32 s0, $0x9  }
0xd: {  	s4 =	sadd.s32 s6, s4  }
0xe: {  	s24 =	simm.s32 $0x0;
	s7 =	sadd.s32 s1, s4  }
0xf: {  	[tilespmem:s24], [sflag:$0x1] =	stream.linear.gather [hbm4b:s7+s24], $0x100, $0x38;
	[tilespmem:$0x3000] =	vst v63  }
0x10: {  	_ =	swait.ge [sflag:s8], $0x100  }
0x11: {  	[sflag:s8] =	ssyncset.done $0x0  }
0x12: {  	s9 =	simm.s32 $0x1000;
	s18 =	sadd.s32 s2, s4;
	[sflag:s8] =	ssyncadd.s32 $0xFFFFFF00  }
0x13: {  	[tilespmem:s9], [sflag:$0x1] =	stream.linear.gather [hbm4b:s18+s24], $0x100, $0x38;
	[tilespmem:$0x3000] =	vst v63  }
0x14: {  	_ =	swait.ge [sflag:s8], $0x100  }
0x15: {  	s7 =	sor.u32 $0x20, s4;
	[sflag:s8] =	ssyncset.done $0x0  }
0x16: {  	s10 =	simm.s32 $0x100;
	s19 =	sadd.s32 s1, s7;
	[sflag:s8] =	ssyncadd.s32 $0xFFFFFF00  }
0x17: {  	[tilespmem:s10], [sflag:$0x1] =	stream.linear.gather [hbm4b:s19+s24], $0x100, $0x38;
	[tilespmem:$0x3000] =	vst v63  }
0x18: {  	_ =	swait.ge [sflag:s8], $0x100  }
0x19: {  	[sflag:s8] =	ssyncset.done $0x0  }
0x1a: {  	s21 =	simm.s32 $0x1100;
	s20 =	sadd.s32 s2, s7;
	[sflag:s8] =	ssyncadd.s32 $0xFFFFFF00  }
0x1b: {  	[tilespmem:s21], [sflag:$0x1] =	stream.linear.gather [hbm4b:s20+s24], $0x100, $0x38;
	[tilespmem:$0x3000] =	vst v63  }
0x1c: {  	_ =	swait.ge [sflag:s8], $0x100  }
0x1d: {  	s9 =	sor.u32 $0x40, s4;
	[sflag:s8] =	ssyncset.done $0x0  }
0x1e: {  	s11 =	simm.s32 $0x200;
	s22 =	sadd.s32 s1, s9;
	[sflag:s8] =	ssyncadd.s32 $0xFFFFFF00  }
0x1f: {  	[tilespmem:s11], [sflag:$0x1] =	stream.linear.gather [hbm4b:s22+s24], $0x100, $0x38;
	[tilespmem:$0x3000] =	vst v63  }
0x20: {  	_ =	swait.ge [sflag:s8], $0x100  }
0x21: {  	[sflag:s8] =	ssyncset.done $0x0  }
0x22: {  	s25 =	simm.s32 $0x1200;
	s23 =	sadd.s32 s2, s9;
	[sflag:s8] =	ssyncadd.s32 $0xFFFFFF00  }
0x23: {  	[tilespmem:s25], [sflag:$0x1] =	stream.linear.gather [hbm4b:s23+s24], $0x100, $0x38;
	[tilespmem:$0x3000] =	vst v63  }
0x24: {  	_ =	swait.ge [sflag:s8], $0x100  }
0x25: {  	s10 =	sor.u32 $0x60, s4;
	[sflag:s8] =	ssyncset.done $0x0  }
0x26: {  	s12 =	simm.s32 $0x300;
	s26 =	sadd.s32 s1, s10;
	[sflag:s8] =	ssyncadd.s32 $0xFFFFFF00  }
0x27: {  	[tilespmem:s12], [sflag:$0x1] =	stream.linear.gather [hbm4b:s26+s24], $0x100, $0x38;
	[tilespmem:$0x3000] =	vst v63  }
0x28: {  	_ =	swait.ge [sflag:s8], $0x100  }
0x29: {  	[sflag:s8] =	ssyncset.done $0x0  }
0x2a: {  	s14 =	simm.s32 $0x1300;
	s13 =	sadd.s32 s2, s10;
	[sflag:s8] =	ssyncadd.s32 $0xFFFFFF00  }
0x2b: {  	[tilespmem:s14], [sflag:$0x1] =	stream.linear.gather [hbm4b:s13+s24], $0x100, $0x38;
	[tilespmem:$0x3000] =	vst v63  }
0x2c: {  	_ =	swait.ge [sflag:s8], $0x100  }
0x2d: {  	s11 =	sor.u32 $0x80, s4;
	[sflag:s8] =	ssyncset.done $0x0  }
0x2e: {  	s16 =	sadd.s32 s1, s11;
	s13 =	simm.s32 $0x400;
	[sflag:s8] =	ssyncadd.s32 $0xFFFFFF00  }
0x2f: {  	[tilespmem:s13], [sflag:$0x1] =	stream.linear.gather [hbm4b:s16+s24], $0x100, $0x38;
	[tilespmem:$0x3000] =	vst v63  }
0x30: {  	_ =	swait.ge [sflag:s8], $0x100  }
0x31: {  	[sflag:s8] =	ssyncset.done $0x0  }
0x32: {  	s18 =	simm.s32 $0x1400;
	s17 =	sadd.s32 s2, s11;
	[sflag:s8] =	ssyncadd.s32 $0xFFFFFF00  }
0x33: {  	[tilespmem:s18], [sflag:$0x1] =	stream.linear.gather [hbm4b:s17+s24], $0x100, $0x38;
	[tilespmem:$0x3000] =	vst v63  }
0x34: {  	_ =	swait.ge [sflag:s8], $0x100  }
0x35: {  	s12 =	sor.u32 $0xA0, s4;
	[sflag:s8] =	ssyncset.done $0x0  }
0x36: {  	s19 =	sadd.s32 s1, s12;
	s14 =	simm.s32 $0x500;
	[sflag:s8] =	ssyncadd.s32 $0xFFFFFF00  }
0x37: {  	[tilespmem:s14], [sflag:$0x1] =	stream.linear.gather [hbm4b:s19+s24], $0x100, $0x38;
	[tilespmem:$0x3000] =	vst v63  }
0x38: {  	_ =	swait.ge [sflag:s8], $0x100  }
0x39: {  	[sflag:s8] =	ssyncset.done $0x0  }
0x3a: {  	s21 =	simm.s32 $0x1500;
	s20 =	sadd.s32 s2, s12;
	[sflag:s8] =	ssyncadd.s32 $0xFFFFFF00  }
0x3b: {  	[tilespmem:s21], [sflag:$0x1] =	stream.linear.gather [hbm4b:s20+s24], $0x100, $0x38;
	[tilespmem:$0x3000] =	vst v63  }
0x3c: {  	_ =	swait.ge [sflag:s8], $0x100  }
0x3d: {  	s13 =	sor.u32 $0xC0, s4;
	[sflag:s8] =	ssyncset.done $0x0  }
0x3e: {  	s16 =	simm.s32 $0x600;
	s22 =	sadd.s32 s1, s13;
	[sflag:s8] =	ssyncadd.s32 $0xFFFFFF00  }
0x3f: {  	[tilespmem:s16], [sflag:$0x1] =	stream.linear.gather [hbm4b:s22+s24], $0x100, $0x38;
	[tilespmem:$0x3000] =	vst v63  }
0x40: {  	_ =	swait.ge [sflag:s8], $0x100  }
0x41: {  	[sflag:s8] =	ssyncset.done $0x0  }
0x42: {  	s25 =	simm.s32 $0x1600;
	s23 =	sadd.s32 s2, s13;
	[sflag:s8] =	ssyncadd.s32 $0xFFFFFF00  }
0x43: {  	[tilespmem:s25], [sflag:$0x1] =	stream.linear.gather [hbm4b:s23+s24], $0x100, $0x38;
	[tilespmem:$0x3000] =	vst v63  }
0x44: {  	_ =	swait.ge [sflag:s8], $0x100  }
0x45: {  	s14 =	sor.u32 $0xE0, s4;
	[sflag:s8] =	ssyncset.done $0x0  }
0x46: {  	s17 =	simm.s32 $0x700;
	s26 =	sadd.s32 s1, s14;
	[sflag:s8] =	ssyncadd.s32 $0xFFFFFF00  }
0x47: {  	[tilespmem:s17], [sflag:$0x1] =	stream.linear.gather [hbm4b:s26+s24], $0x100, $0x38;
	[tilespmem:$0x3000] =	vst v63  }
0x48: {  	_ =	swait.ge [sflag:s8], $0x100  }
0x49: {  	[sflag:s8] =	ssyncset.done $0x0  }
0x4a: {  	s18 =	simm.s32 $0x1700;
	s17 =	sadd.s32 s2, s14;
	[sflag:s8] =	ssyncadd.s32 $0xFFFFFF00  }
0x4b: {  	[tilespmem:s18], [sflag:$0x1] =	stream.linear.gather [hbm4b:s17+s24], $0x100, $0x38;
	[tilespmem:$0x3000] =	vst v63  }
0x4c: {  	_ =	swait.ge [sflag:s8], $0x100  }
0x4d: {  	s16 =	sor.u32 $0x100, s4;
	[sflag:s8] =	ssyncset.done $0x0  }
0x4e: {  	s19 =	sadd.s32 s1, s16;
	s18 =	simm.s32 $0x800;
	[sflag:s8] =	ssyncadd.s32 $0xFFFFFF00  }
0x4f: {  	[tilespmem:s18], [sflag:$0x1] =	stream.linear.gather [hbm4b:s19+s24], $0x100, $0x38;
	[tilespmem:$0x3000] =	vst v63  }
0x50: {  	_ =	swait.ge [sflag:s8], $0x100  }
0x51: {  	[sflag:s8] =	ssyncset.done $0x0  }
0x52: {  	s21 =	simm.s32 $0x1800;
	s20 =	sadd.s32 s2, s16;
	[sflag:s8] =	ssyncadd.s32 $0xFFFFFF00  }
0x53: {  	[tilespmem:s21], [sflag:$0x1] =	stream.linear.gather [hbm4b:s20+s24], $0x100, $0x38;
	[tilespmem:$0x3000] =	vst v63  }
0x54: {  	_ =	swait.ge [sflag:s8], $0x100  }
0x55: {  	s17 =	sor.u32 $0x120, s4;
	[sflag:s8] =	ssyncset.done $0x0  }
0x56: {  	s22 =	sadd.s32 s1, s17;
	s19 =	simm.s32 $0x900;
	[sflag:s8] =	ssyncadd.s32 $0xFFFFFF00  }
0x57: {  	[tilespmem:s19], [sflag:$0x1] =	stream.linear.gather [hbm4b:s22+s24], $0x100, $0x38;
	[tilespmem:$0x3000] =	vst v63  }
0x58: {  	_ =	swait.ge [sflag:s8], $0x100  }
0x59: {  	[sflag:s8] =	ssyncset.done $0x0  }
0x5a: {  	s25 =	simm.s32 $0x1900;
	s23 =	sadd.s32 s2, s17;
	[sflag:s8] =	ssyncadd.s32 $0xFFFFFF00  }
0x5b: {  	[tilespmem:s25], [sflag:$0x1] =	stream.linear.gather [hbm4b:s23+s24], $0x100, $0x38;
	[tilespmem:$0x3000] =	vst v63  }
0x5c: {  	_ =	swait.ge [sflag:s8], $0x100  }
0x5d: {  	s18 =	sor.u32 $0x140, s4;
	[sflag:s8] =	ssyncset.done $0x0  }
0x5e: {  	s26 =	sadd.s32 s1, s18;
	s20 =	simm.s32 $0xA00;
	[sflag:s8] =	ssyncadd.s32 $0xFFFFFF00  }
0x5f: {  	[tilespmem:s20], [sflag:$0x1] =	stream.linear.gather [hbm4b:s26+s24], $0x100, $0x38;
	[tilespmem:$0x3000] =	vst v63  }
0x60: {  	_ =	swait.ge [sflag:s8], $0x100  }
0x61: {  	[sflag:s8] =	ssyncset.done $0x0  }
0x62: {  	s21 =	simm.s32 $0x1A00;
	s20 =	sadd.s32 s2, s18;
	[sflag:s8] =	ssyncadd.s32 $0xFFFFFF00  }
0x63: {  	[tilespmem:s21], [sflag:$0x1] =	stream.linear.gather [hbm4b:s20+s24], $0x100, $0x38;
	[tilespmem:$0x3000] =	vst v63  }
0x64: {  	_ =	swait.ge [sflag:s8], $0x100  }
0x65: {  	s19 =	sor.u32 $0x160, s4;
	[sflag:s8] =	ssyncset.done $0x0  }
0x66: {  	s22 =	sadd.s32 s1, s19;
	s21 =	simm.s32 $0xB00;
	[sflag:s8] =	ssyncadd.s32 $0xFFFFFF00  }
0x67: {  	[tilespmem:s21], [sflag:$0x1] =	stream.linear.gather [hbm4b:s22+s24], $0x100, $0x38;
	[tilespmem:$0x3000] =	vst v63  }
0x68: {  	_ =	swait.ge [sflag:s8], $0x100  }
0x69: {  	[sflag:s8] =	ssyncset.done $0x0  }
0x6a: {  	s23 =	sadd.s32 s2, s19;
	s25 =	simm.s32 $0x1B00;
	[sflag:s8] =	ssyncadd.s32 $0xFFFFFF00  }
0x6b: {  	[tilespmem:s25], [sflag:$0x1] =	stream.linear.gather [hbm4b:s23+s24], $0x100, $0x38;
	[tilespmem:$0x3000] =	vst v63  }
0x6c: {  	_ =	swait.ge [sflag:s8], $0x100  }
0x6d: {  	s20 =	sor.u32 $0x180, s4;
	[sflag:s8] =	ssyncset.done $0x0  }
0x6e: {  	s26 =	sadd.s32 s1, s20;
	s22 =	simm.s32 $0xC00;
	[sflag:s8] =	ssyncadd.s32 $0xFFFFFF00  }
0x6f: {  	[tilespmem:s22], [sflag:$0x1] =	stream.linear.gather [hbm4b:s26+s24], $0x100, $0x38;
	[tilespmem:$0x3000] =	vst v63  }
0x70: {  	_ =	swait.ge [sflag:s8], $0x100  }
0x71: {  	[sflag:s8] =	ssyncset.done $0x0  }
0x72: {  	s23 =	sadd.s32 s2, s20;
	s25 =	simm.s32 $0x1C00;
	[sflag:s8] =	ssyncadd.s32 $0xFFFFFF00  }
0x73: {  	[tilespmem:s25], [sflag:$0x1] =	stream.linear.gather [hbm4b:s23+s24], $0x100, $0x38;
	[tilespmem:$0x3000] =	vst v63  }
0x74: {  	_ =	swait.ge [sflag:s8], $0x100  }
0x75: {  	s21 =	sor.u32 $0x1A0, s4;
	[sflag:s8] =	ssyncset.done $0x0  }
0x76: {  	s26 =	sadd.s32 s1, s21;
	s23 =	simm.s32 $0xD00;
	[sflag:s8] =	ssyncadd.s32 $0xFFFFFF00  }
0x77: {  	[tilespmem:s23], [sflag:$0x1] =	stream.linear.gather [hbm4b:s26+s24], $0x100, $0x38;
	[tilespmem:$0x3000] =	vst v63  }
0x78: {  	_ =	swait.ge [sflag:s8], $0x100  }
0x79: {  	[sflag:s8] =	ssyncset.done $0x0  }
0x7a: {  	s25 =	simm.s32 $0x1D00;
	s23 =	sadd.s32 s2, s21;
	[sflag:s8] =	ssyncadd.s32 $0xFFFFFF00  }
0x7b: {  	[tilespmem:s25], [sflag:$0x1] =	stream.linear.gather [hbm4b:s23+s24], $0x100, $0x38;
	[tilespmem:$0x3000] =	vst v63  }
0x7c: {  	_ =	swait.ge [sflag:s8], $0x100  }
0x7d: {  	s22 =	sor.u32 $0x1C0, s4;
	[sflag:s8] =	ssyncset.done $0x0  }
0x7e: {  	s26 =	sadd.s32 s1, s22;
	s25 =	simm.s32 $0xE00;
	[sflag:s8] =	ssyncadd.s32 $0xFFFFFF00  }
0x7f: {  	[tilespmem:s25], [sflag:$0x1] =	stream.linear.gather [hbm4b:s26+s24], $0x100, $0x38;
	[tilespmem:$0x3000] =	vst v63  }
0x80: {  	_ =	swait.ge [sflag:s8], $0x100  }
0x81: {  	[sflag:s8] =	ssyncset.done $0x0  }
0x82: {  	s25 =	sadd.s32 s2, s22;
	s26 =	simm.s32 $0x1E00;
	[sflag:s8] =	ssyncadd.s32 $0xFFFFFF00  }
0x83: {  	[tilespmem:s26], [sflag:$0x1] =	stream.linear.gather [hbm4b:s25+s24], $0x100, $0x38;
	[tilespmem:$0x3000] =	vst v63  }
0x84: {  	_ =	swait.ge [sflag:s8], $0x100  }
0x85: {  	s23 =	sor.u32 $0x1E0, s4;
	[sflag:s8] =	ssyncset.done $0x0  }
0x86: {  	s25 =	sadd.s32 s1, s23;
	s26 =	simm.s32 $0xF00;
	[sflag:s8] =	ssyncadd.s32 $0xFFFFFF00  }
0x87: {  	[tilespmem:s26], [sflag:$0x1] =	stream.linear.gather [hbm4b:s25+s24], $0x100, $0x38;
	[tilespmem:$0x3000] =	vst v63  }
0x88: {  	_ =	swait.ge [sflag:s8], $0x100  }
0x89: {  	[sflag:s8] =	ssyncset.done $0x0  }
0x8a: {  	s25 =	sadd.s32 s2, s23;
	s26 =	simm.s32 $0x1F00;
	[sflag:s8] =	ssyncadd.s32 $0xFFFFFF00  }
0x8b: {  	[tilespmem:s26], [sflag:$0x1] =	stream.linear.gather [hbm4b:s25+s24], $0x100, $0x38;
	[tilespmem:$0x3000] =	vst v63  }
0x8c: {  	_ =	swait.ge [sflag:s8], $0x100  }
0x8d: {  	[sflag:s8] =	ssyncset.done $0x0  }
0x8e: {  	s25 =	simm.s32 $0x100;
	s24 =	simm.s32 $0x0;
	[sflag:s8] =	ssyncadd.s32 $0xFFFFFF00  }
.LBB2_3:
0x8f: {  	p0 =	sne.s32 s25, $0x3F00;
	[tilespmem:s24+$0x2030] =	vst v0;
	s26 =	smov.u32 s25;
	s25 =	sadd.s32 $0x100, s25  }
.Ltmp0:
0x90: {  	[tilespmem:s24+$0x2020] =	vst v0;
	(pc) =	sbr.rel @p0 .LBB2_3-.Ltmp0, $3  }
0x91: {  	[tilespmem:s24+$0x2000] =	vst v0  }
0x92: {  	[tilespmem:s24+$0x2010] =	vst v0;
	_ =	sdelay $0x1  }
0x93: {  	s24 =	sshra.s32 s26, $0x2  }
0x94: {  	[tilespmem:s24+$0x2030] =	vst v0  }
0x95: {  	[tilespmem:s24+$0x2020] =	vst v0  }
0x96: {  	[tilespmem:s24+$0x2000] =	vst v0  }
0x97: {  	[tilespmem:s24+$0x2010] =	vst v0  }
0x98: {  	v1 =	vld [tilespmem:$0x1000];
	_ =	sdelay $0x2  }
0x99: {  	v2 =	vld [tilespmem:$0x0];
	_ =	sdelay $0x4  }
0x9a: {  	[tilespmem:v1+s15+$0x0] =	vst.idx.add.f32.msk $0xffff, v2  }
0x9b: {  	v1 =	vld [tilespmem:$0x1010];
	_ =	sdelay $0x2  }
0x9c: {  	v2 =	vld [tilespmem:$0x10];
	_ =	sdelay $0x4  }
0x9d: {  	[tilespmem:v1+s15+$0x0] =	vst.idx.add.f32.msk $0xffff, v2  }
0x9e: {  	v1 =	vld [tilespmem:$0x1020];
	_ =	sdelay $0x2  }
0x9f: {  	v2 =	vld [tilespmem:$0x20];
	_ =	sdelay $0x4  }
0xa0: {  	[tilespmem:v1+s15+$0x0] =	vst.idx.add.f32.msk $0xffff, v2  }
0xa1: {  	v1 =	vld [tilespmem:$0x1030];
	_ =	sdelay $0x2  }
0xa2: {  	v2 =	vld [tilespmem:$0x30];
	_ =	sdelay $0x4  }
0xa3: {  	[tilespmem:v1+s15+$0x0] =	vst.idx.add.f32.msk $0xffff, v2  }
0xa4: {  	v1 =	vld [tilespmem:$0x1040];
	_ =	sdelay $0x2  }
0xa5: {  	v2 =	vld [tilespmem:$0x40];
	_ =	sdelay $0x4  }
0xa6: {  	[tilespmem:v1+s15+$0x0] =	vst.idx.add.f32.msk $0xffff, v2  }
0xa7: {  	v1 =	vld [tilespmem:$0x1050];
	_ =	sdelay $0x2  }
0xa8: {  	v2 =	vld [tilespmem:$0x50];
	_ =	sdelay $0x4  }
0xa9: {  	[tilespmem:v1+s15+$0x0] =	vst.idx.add.f32.msk $0xffff, v2  }
0xaa: {  	v1 =	vld [tilespmem:$0x1060];
	_ =	sdelay $0x2  }
0xab: {  	v2 =	vld [tilespmem:$0x60];
	_ =	sdelay $0x4  }
0xac: {  	[tilespmem:v1+s15+$0x0] =	vst.idx.add.f32.msk $0xffff, v2  }
0xad: {  	v1 =	vld [tilespmem:$0x1070];
	_ =	sdelay $0x2  }
0xae: {  	v2 =	vld [tilespmem:$0x70];
	_ =	sdelay $0x4  }
0xaf: {  	[tilespmem:v1+s15+$0x0] =	vst.idx.add.f32.msk $0xffff, v2  }
0xb0: {  	v1 =	vld [tilespmem:$0x1080];
	_ =	sdelay $0x2  }
0xb1: {  	v2 =	vld [tilespmem:$0x80];
	_ =	sdelay $0x4  }
0xb2: {  	[tilespmem:v1+s15+$0x0] =	vst.idx.add.f32.msk $0xffff, v2  }
0xb3: {  	v1 =	vld [tilespmem:$0x1090];
	_ =	sdelay $0x2  }
0xb4: {  	v2 =	vld [tilespmem:$0x90];
	_ =	sdelay $0x4  }
0xb5: {  	[tilespmem:v1+s15+$0x0] =	vst.idx.add.f32.msk $0xffff, v2  }
0xb6: {  	v1 =	vld [tilespmem:$0x10A0];
	_ =	sdelay $0x2  }
0xb7: {  	v2 =	vld [tilespmem:$0xA0];
	_ =	sdelay $0x4  }
0xb8: {  	[tilespmem:v1+s15+$0x0] =	vst.idx.add.f32.msk $0xffff, v2  }
0xb9: {  	v1 =	vld [tilespmem:$0x10B0];
	_ =	sdelay $0x2  }
0xba: {  	v2 =	vld [tilespmem:$0xB0];
	_ =	sdelay $0x4  }
0xbb: {  	[tilespmem:v1+s15+$0x0] =	vst.idx.add.f32.msk $0xffff, v2  }
0xbc: {  	v1 =	vld [tilespmem:$0x10C0];
	_ =	sdelay $0x2  }
0xbd: {  	v2 =	vld [tilespmem:$0xC0];
	_ =	sdelay $0x4  }
0xbe: {  	[tilespmem:v1+s15+$0x0] =	vst.idx.add.f32.msk $0xffff, v2  }
0xbf: {  	v1 =	vld [tilespmem:$0x10D0];
	_ =	sdelay $0x2  }
0xc0: {  	v2 =	vld [tilespmem:$0xD0];
	_ =	sdelay $0x4  }
0xc1: {  	[tilespmem:v1+s15+$0x0] =	vst.idx.add.f32.msk $0xffff, v2  }
0xc2: {  	v1 =	vld [tilespmem:$0x10E0];
	_ =	sdelay $0x2  }
0xc3: {  	v2 =	vld [tilespmem:$0xE0];
	_ =	sdelay $0x4  }
0xc4: {  	[tilespmem:v1+s15+$0x0] =	vst.idx.add.f32.msk $0xffff, v2  }
0xc5: {  	v1 =	vld [tilespmem:$0x10F0];
	_ =	sdelay $0x2  }
0xc6: {  	v2 =	vld [tilespmem:$0xF0];
	_ =	sdelay $0x4  }
0xc7: {  	[tilespmem:v1+s15+$0x0] =	vst.idx.add.f32.msk $0xffff, v2  }
0xc8: {  	v1 =	vld [tilespmem:$0x1100];
	_ =	sdelay $0x4  }
0xc9: {  	v2 =	vld [tilespmem:$0x100];
	v1 =	vadd.s32 $0x100, v1;
	_ =	sdelay $0x4  }
0xca: {  	[tilespmem:v1+s15+$0x0] =	vst.idx.add.f32.msk $0xffff, v2  }
0xcb: {  	v1 =	vld [tilespmem:$0x1110];
	_ =	sdelay $0x4  }
0xcc: {  	v2 =	vld [tilespmem:$0x110];
	v1 =	vadd.s32 $0x100, v1;
	_ =	sdelay $0x4  }
0xcd: {  	[tilespmem:v1+s15+$0x0] =	vst.idx.add.f32.msk $0xffff, v2  }
0xce: {  	v1 =	vld [tilespmem:$0x1120];
	_ =	sdelay $0x4  }
0xcf: {  	v2 =	vld [tilespmem:$0x120];
	v1 =	vadd.s32 $0x100, v1;
	_ =	sdelay $0x4  }
0xd0: {  	[tilespmem:v1+s15+$0x0] =	vst.idx.add.f32.msk $0xffff, v2  }
0xd1: {  	v1 =	vld [tilespmem:$0x1130];
	_ =	sdelay $0x4  }
0xd2: {  	v2 =	vld [tilespmem:$0x130];
	v1 =	vadd.s32 $0x100, v1;
	_ =	sdelay $0x4  }
0xd3: {  	[tilespmem:v1+s15+$0x0] =	vst.idx.add.f32.msk $0xffff, v2  }
0xd4: {  	v1 =	vld [tilespmem:$0x1140];
	_ =	sdelay $0x4  }
0xd5: {  	v2 =	vld [tilespmem:$0x140];
	v1 =	vadd.s32 $0x100, v1;
	_ =	sdelay $0x4  }
0xd6: {  	[tilespmem:v1+s15+$0x0] =	vst.idx.add.f32.msk $0xffff, v2  }
0xd7: {  	v1 =	vld [tilespmem:$0x1150];
	_ =	sdelay $0x4  }
0xd8: {  	v2 =	vld [tilespmem:$0x150];
	v1 =	vadd.s32 $0x100, v1;
	_ =	sdelay $0x4  }
0xd9: {  	[tilespmem:v1+s15+$0x0] =	vst.idx.add.f32.msk $0xffff, v2  }
0xda: {  	v1 =	vld [tilespmem:$0x1160];
	_ =	sdelay $0x4  }
0xdb: {  	v2 =	vld [tilespmem:$0x160];
	v1 =	vadd.s32 $0x100, v1;
	_ =	sdelay $0x4  }
0xdc: {  	[tilespmem:v1+s15+$0x0] =	vst.idx.add.f32.msk $0xffff, v2  }
0xdd: {  	v1 =	vld [tilespmem:$0x1170];
	_ =	sdelay $0x4  }
0xde: {  	v2 =	vld [tilespmem:$0x170];
	v1 =	vadd.s32 $0x100, v1;
	_ =	sdelay $0x4  }
0xdf: {  	[tilespmem:v1+s15+$0x0] =	vst.idx.add.f32.msk $0xffff, v2  }
0xe0: {  	v1 =	vld [tilespmem:$0x1180];
	_ =	sdelay $0x4  }
0xe1: {  	v2 =	vld [tilespmem:$0x180];
	v1 =	vadd.s32 $0x100, v1;
	_ =	sdelay $0x4  }
0xe2: {  	[tilespmem:v1+s15+$0x0] =	vst.idx.add.f32.msk $0xffff, v2  }
0xe3: {  	v1 =	vld [tilespmem:$0x1190];
	_ =	sdelay $0x4  }
0xe4: {  	v2 =	vld [tilespmem:$0x190];
	v1 =	vadd.s32 $0x100, v1;
	_ =	sdelay $0x4  }
0xe5: {  	[tilespmem:v1+s15+$0x0] =	vst.idx.add.f32.msk $0xffff, v2  }
0xe6: {  	v1 =	vld [tilespmem:$0x11A0];
	_ =	sdelay $0x4  }
0xe7: {  	v2 =	vld [tilespmem:$0x1A0];
	v1 =	vadd.s32 $0x100, v1;
	_ =	sdelay $0x4  }
0xe8: {  	[tilespmem:v1+s15+$0x0] =	vst.idx.add.f32.msk $0xffff, v2  }
0xe9: {  	v1 =	vld [tilespmem:$0x11B0];
	_ =	sdelay $0x4  }
0xea: {  	v2 =	vld [tilespmem:$0x1B0];
	v1 =	vadd.s32 $0x100, v1;
	_ =	sdelay $0x4  }
0xeb: {  	[tilespmem:v1+s15+$0x0] =	vst.idx.add.f32.msk $0xffff, v2  }
0xec: {  	v1 =	vld [tilespmem:$0x11C0];
	_ =	sdelay $0x4  }
0xed: {  	v2 =	vld [tilespmem:$0x1C0];
	v1 =	vadd.s32 $0x100, v1;
	_ =	sdelay $0x4  }
0xee: {  	[tilespmem:v1+s15+$0x0] =	vst.idx.add.f32.msk $0xffff, v2  }
0xef: {  	v1 =	vld [tilespmem:$0x11D0];
	_ =	sdelay $0x4  }
0xf0: {  	v2 =	vld [tilespmem:$0x1D0];
	v1 =	vadd.s32 $0x100, v1;
	_ =	sdelay $0x4  }
0xf1: {  	[tilespmem:v1+s15+$0x0] =	vst.idx.add.f32.msk $0xffff, v2  }
0xf2: {  	v1 =	vld [tilespmem:$0x11E0];
	_ =	sdelay $0x4  }
0xf3: {  	v2 =	vld [tilespmem:$0x1E0];
	v1 =	vadd.s32 $0x100, v1;
	_ =	sdelay $0x4  }
0xf4: {  	[tilespmem:v1+s15+$0x0] =	vst.idx.add.f32.msk $0xffff, v2  }
0xf5: {  	v1 =	vld [tilespmem:$0x11F0];
	_ =	sdelay $0x4  }
0xf6: {  	v2 =	vld [tilespmem:$0x1F0];
	v1 =	vadd.s32 $0x100, v1;
	_ =	sdelay $0x4  }
0xf7: {  	[tilespmem:v1+s15+$0x0] =	vst.idx.add.f32.msk $0xffff, v2  }
0xf8: {  	v1 =	vld [tilespmem:$0x1200];
	_ =	sdelay $0x4  }
0xf9: {  	v2 =	vld [tilespmem:$0x200];
	v1 =	vadd.s32 $0x200, v1;
	_ =	sdelay $0x4  }
0xfa: {  	[tilespmem:v1+s15+$0x0] =	vst.idx.add.f32.msk $0xffff, v2  }
0xfb: {  	v1 =	vld [tilespmem:$0x1210];
	_ =	sdelay $0x4  }
0xfc: {  	v2 =	vld [tilespmem:$0x210];
	v1 =	vadd.s32 $0x200, v1;
	_ =	sdelay $0x4  }
0xfd: {  	[tilespmem:v1+s15+$0x0] =	vst.idx.add.f32.msk $0xffff, v2  }
0xfe: {  	v1 =	vld [tilespmem:$0x1220];
	_ =	sdelay $0x4  }
0xff: {  	v2 =	vld [tilespmem:$0x220];
	v1 =	vadd.s32 $0x200, v1;
	_ =	sdelay $0x4  }
0x100: {  	[tilespmem:v1+s15+$0x0] =	vst.idx.add.f32.msk $0xffff, v2  }
0x101: {  	v1 =	vld [tilespmem:$0x1230];
	_ =	sdelay $0x4  }
0x102: {  	v2 =	vld [tilespmem:$0x230];
	v1 =	vadd.s32 $0x200, v1;
	_ =	sdelay $0x4  }
0x103: {  	[tilespmem:v1+s15+$0x0] =	vst.idx.add.f32.msk $0xffff, v2  }
0x104: {  	v1 =	vld [tilespmem:$0x1240];
	_ =	sdelay $0x4  }
0x105: {  	v2 =	vld [tilespmem:$0x240];
	v1 =	vadd.s32 $0x200, v1;
	_ =	sdelay $0x4  }
0x106: {  	[tilespmem:v1+s15+$0x0] =	vst.idx.add.f32.msk $0xffff, v2  }
0x107: {  	v1 =	vld [tilespmem:$0x1250];
	_ =	sdelay $0x4  }
0x108: {  	v2 =	vld [tilespmem:$0x250];
	v1 =	vadd.s32 $0x200, v1;
	_ =	sdelay $0x4  }
0x109: {  	[tilespmem:v1+s15+$0x0] =	vst.idx.add.f32.msk $0xffff, v2  }
0x10a: {  	v1 =	vld [tilespmem:$0x1260];
	_ =	sdelay $0x4  }
0x10b: {  	v2 =	vld [tilespmem:$0x260];
	v1 =	vadd.s32 $0x200, v1;
	_ =	sdelay $0x4  }
0x10c: {  	[tilespmem:v1+s15+$0x0] =	vst.idx.add.f32.msk $0xffff, v2  }
0x10d: {  	v1 =	vld [tilespmem:$0x1270];
	_ =	sdelay $0x4  }
0x10e: {  	v2 =	vld [tilespmem:$0x270];
	v1 =	vadd.s32 $0x200, v1;
	_ =	sdelay $0x4  }
0x10f: {  	[tilespmem:v1+s15+$0x0] =	vst.idx.add.f32.msk $0xffff, v2  }
0x110: {  	v1 =	vld [tilespmem:$0x1280];
	_ =	sdelay $0x4  }
0x111: {  	v2 =	vld [tilespmem:$0x280];
	v1 =	vadd.s32 $0x200, v1;
	_ =	sdelay $0x4  }
0x112: {  	[tilespmem:v1+s15+$0x0] =	vst.idx.add.f32.msk $0xffff, v2  }
0x113: {  	v1 =	vld [tilespmem:$0x1290];
	_ =	sdelay $0x4  }
0x114: {  	v2 =	vld [tilespmem:$0x290];
	v1 =	vadd.s32 $0x200, v1;
	_ =	sdelay $0x4  }
0x115: {  	[tilespmem:v1+s15+$0x0] =	vst.idx.add.f32.msk $0xffff, v2  }
0x116: {  	v1 =	vld [tilespmem:$0x12A0];
	_ =	sdelay $0x4  }
0x117: {  	v2 =	vld [tilespmem:$0x2A0];
	v1 =	vadd.s32 $0x200, v1;
	_ =	sdelay $0x4  }
0x118: {  	[tilespmem:v1+s15+$0x0] =	vst.idx.add.f32.msk $0xffff, v2  }
0x119: {  	v1 =	vld [tilespmem:$0x12B0];
	_ =	sdelay $0x4  }
0x11a: {  	v2 =	vld [tilespmem:$0x2B0];
	v1 =	vadd.s32 $0x200, v1;
	_ =	sdelay $0x4  }
0x11b: {  	[tilespmem:v1+s15+$0x0] =	vst.idx.add.f32.msk $0xffff, v2  }
0x11c: {  	v1 =	vld [tilespmem:$0x12C0];
	_ =	sdelay $0x4  }
0x11d: {  	v2 =	vld [tilespmem:$0x2C0];
	v1 =	vadd.s32 $0x200, v1;
	_ =	sdelay $0x4  }
0x11e: {  	[tilespmem:v1+s15+$0x0] =	vst.idx.add.f32.msk $0xffff, v2  }
0x11f: {  	v1 =	vld [tilespmem:$0x12D0];
	_ =	sdelay $0x4  }
0x120: {  	v2 =	vld [tilespmem:$0x2D0];
	v1 =	vadd.s32 $0x200, v1;
	_ =	sdelay $0x4  }
0x121: {  	[tilespmem:v1+s15+$0x0] =	vst.idx.add.f32.msk $0xffff, v2  }
0x122: {  	v1 =	vld [tilespmem:$0x12E0];
	_ =	sdelay $0x4  }
0x123: {  	v2 =	vld [tilespmem:$0x2E0];
	v1 =	vadd.s32 $0x200, v1;
	_ =	sdelay $0x4  }
0x124: {  	[tilespmem:v1+s15+$0x0] =	vst.idx.add.f32.msk $0xffff, v2  }
0x125: {  	v1 =	vld [tilespmem:$0x12F0];
	_ =	sdelay $0x4  }
0x126: {  	v2 =	vld [tilespmem:$0x2F0];
	v1 =	vadd.s32 $0x200, v1;
	_ =	sdelay $0x4  }
0x127: {  	[tilespmem:v1+s15+$0x0] =	vst.idx.add.f32.msk $0xffff, v2  }
0x128: {  	v1 =	vld [tilespmem:$0x1300];
	_ =	sdelay $0x4  }
0x129: {  	v2 =	vld [tilespmem:$0x300];
	v1 =	vadd.s32 $0x300, v1;
	_ =	sdelay $0x4  }
0x12a: {  	[tilespmem:v1+s15+$0x0] =	vst.idx.add.f32.msk $0xffff, v2  }
0x12b: {  	v1 =	vld [tilespmem:$0x1310];
	_ =	sdelay $0x4  }
0x12c: {  	v2 =	vld [tilespmem:$0x310];
	v1 =	vadd.s32 $0x300, v1;
	_ =	sdelay $0x4  }
0x12d: {  	[tilespmem:v1+s15+$0x0] =	vst.idx.add.f32.msk $0xffff, v2  }
0x12e: {  	v1 =	vld [tilespmem:$0x1320];
	_ =	sdelay $0x4  }
0x12f: {  	v2 =	vld [tilespmem:$0x320];
	v1 =	vadd.s32 $0x300, v1;
	_ =	sdelay $0x4  }
0x130: {  	[tilespmem:v1+s15+$0x0] =	vst.idx.add.f32.msk $0xffff, v2  }
0x131: {  	v1 =	vld [tilespmem:$0x1330];
	_ =	sdelay $0x4  }
0x132: {  	v2 =	vld [tilespmem:$0x330];
	v1 =	vadd.s32 $0x300, v1;
	_ =	sdelay $0x4  }
0x133: {  	[tilespmem:v1+s15+$0x0] =	vst.idx.add.f32.msk $0xffff, v2  }
0x134: {  	v1 =	vld [tilespmem:$0x1340];
	_ =	sdelay $0x4  }
0x135: {  	v2 =	vld [tilespmem:$0x340];
	v1 =	vadd.s32 $0x300, v1;
	_ =	sdelay $0x4  }
0x136: {  	[tilespmem:v1+s15+$0x0] =	vst.idx.add.f32.msk $0xffff, v2  }
0x137: {  	v1 =	vld [tilespmem:$0x1350];
	_ =	sdelay $0x4  }
0x138: {  	v2 =	vld [tilespmem:$0x350];
	v1 =	vadd.s32 $0x300, v1;
	_ =	sdelay $0x4  }
0x139: {  	[tilespmem:v1+s15+$0x0] =	vst.idx.add.f32.msk $0xffff, v2  }
0x13a: {  	v1 =	vld [tilespmem:$0x1360];
	_ =	sdelay $0x4  }
0x13b: {  	v2 =	vld [tilespmem:$0x360];
	v1 =	vadd.s32 $0x300, v1;
	_ =	sdelay $0x4  }
0x13c: {  	[tilespmem:v1+s15+$0x0] =	vst.idx.add.f32.msk $0xffff, v2  }
0x13d: {  	v1 =	vld [tilespmem:$0x1370];
	_ =	sdelay $0x4  }
0x13e: {  	v2 =	vld [tilespmem:$0x370];
	v1 =	vadd.s32 $0x300, v1;
	_ =	sdelay $0x4  }
0x13f: {  	[tilespmem:v1+s15+$0x0] =	vst.idx.add.f32.msk $0xffff, v2  }
0x140: {  	v1 =	vld [tilespmem:$0x1380];
	_ =	sdelay $0x4  }
0x141: {  	v2 =	vld [tilespmem:$0x380];
	v1 =	vadd.s32 $0x300, v1;
	_ =	sdelay $0x4  }
0x142: {  	[tilespmem:v1+s15+$0x0] =	vst.idx.add.f32.msk $0xffff, v2  }
0x143: {  	v1 =	vld [tilespmem:$0x1390];
	_ =	sdelay $0x4  }
0x144: {  	v2 =	vld [tilespmem:$0x390];
	v1 =	vadd.s32 $0x300, v1;
	_ =	sdelay $0x4  }
0x145: {  	[tilespmem:v1+s15+$0x0] =	vst.idx.add.f32.msk $0xffff, v2  }
0x146: {  	v1 =	vld [tilespmem:$0x13A0];
	_ =	sdelay $0x4  }
0x147: {  	v2 =	vld [tilespmem:$0x3A0];
	v1 =	vadd.s32 $0x300, v1;
	_ =	sdelay $0x4  }
0x148: {  	[tilespmem:v1+s15+$0x0] =	vst.idx.add.f32.msk $0xffff, v2  }
0x149: {  	v1 =	vld [tilespmem:$0x13B0];
	_ =	sdelay $0x4  }
0x14a: {  	v2 =	vld [tilespmem:$0x3B0];
	v1 =	vadd.s32 $0x300, v1;
	_ =	sdelay $0x4  }
0x14b: {  	[tilespmem:v1+s15+$0x0] =	vst.idx.add.f32.msk $0xffff, v2  }
0x14c: {  	v1 =	vld [tilespmem:$0x13C0];
	_ =	sdelay $0x4  }
0x14d: {  	v2 =	vld [tilespmem:$0x3C0];
	v1 =	vadd.s32 $0x300, v1;
	_ =	sdelay $0x4  }
0x14e: {  	[tilespmem:v1+s15+$0x0] =	vst.idx.add.f32.msk $0xffff, v2  }
0x14f: {  	v1 =	vld [tilespmem:$0x13D0];
	_ =	sdelay $0x4  }
0x150: {  	v2 =	vld [tilespmem:$0x3D0];
	v1 =	vadd.s32 $0x300, v1;
	_ =	sdelay $0x4  }
0x151: {  	[tilespmem:v1+s15+$0x0] =	vst.idx.add.f32.msk $0xffff, v2  }
0x152: {  	v1 =	vld [tilespmem:$0x13E0];
	_ =	sdelay $0x4  }
0x153: {  	v2 =	vld [tilespmem:$0x3E0];
	v1 =	vadd.s32 $0x300, v1;
	_ =	sdelay $0x4  }
0x154: {  	[tilespmem:v1+s15+$0x0] =	vst.idx.add.f32.msk $0xffff, v2  }
0x155: {  	v1 =	vld [tilespmem:$0x13F0];
	_ =	sdelay $0x4  }
0x156: {  	v2 =	vld [tilespmem:$0x3F0];
	v1 =	vadd.s32 $0x300, v1;
	_ =	sdelay $0x4  }
0x157: {  	[tilespmem:v1+s15+$0x0] =	vst.idx.add.f32.msk $0xffff, v2  }
0x158: {  	v1 =	vld [tilespmem:$0x1400];
	_ =	sdelay $0x4  }
0x159: {  	v2 =	vld [tilespmem:$0x400];
	v1 =	vadd.s32 $0x400, v1;
	_ =	sdelay $0x4  }
0x15a: {  	[tilespmem:v1+s15+$0x0] =	vst.idx.add.f32.msk $0xffff, v2  }
0x15b: {  	v1 =	vld [tilespmem:$0x1410];
	_ =	sdelay $0x4  }
0x15c: {  	v2 =	vld [tilespmem:$0x410];
	v1 =	vadd.s32 $0x400, v1;
	_ =	sdelay $0x4  }
0x15d: {  	[tilespmem:v1+s15+$0x0] =	vst.idx.add.f32.msk $0xffff, v2  }
0x15e: {  	v1 =	vld [tilespmem:$0x1420];
	_ =	sdelay $0x4  }
0x15f: {  	v2 =	vld [tilespmem:$0x420];
	v1 =	vadd.s32 $0x400, v1;
	_ =	sdelay $0x4  }
0x160: {  	[tilespmem:v1+s15+$0x0] =	vst.idx.add.f32.msk $0xffff, v2  }
0x161: {  	v1 =	vld [tilespmem:$0x1430];
	_ =	sdelay $0x4  }
0x162: {  	v2 =	vld [tilespmem:$0x430];
	v1 =	vadd.s32 $0x400, v1;
	_ =	sdelay $0x4  }
0x163: {  	[tilespmem:v1+s15+$0x0] =	vst.idx.add.f32.msk $0xffff, v2  }
0x164: {  	v1 =	vld [tilespmem:$0x1440];
	_ =	sdelay $0x4  }
0x165: {  	v2 =	vld [tilespmem:$0x440];
	v1 =	vadd.s32 $0x400, v1;
	_ =	sdelay $0x4  }
0x166: {  	[tilespmem:v1+s15+$0x0] =	vst.idx.add.f32.msk $0xffff, v2  }
0x167: {  	v1 =	vld [tilespmem:$0x1450];
	_ =	sdelay $0x4  }
0x168: {  	v2 =	vld [tilespmem:$0x450];
	v1 =	vadd.s32 $0x400, v1;
	_ =	sdelay $0x4  }
0x169: {  	[tilespmem:v1+s15+$0x0] =	vst.idx.add.f32.msk $0xffff, v2  }
0x16a: {  	v1 =	vld [tilespmem:$0x1460];
	_ =	sdelay $0x4  }
0x16b: {  	v2 =	vld [tilespmem:$0x460];
	v1 =	vadd.s32 $0x400, v1;
	_ =	sdelay $0x4  }
0x16c: {  	[tilespmem:v1+s15+$0x0] =	vst.idx.add.f32.msk $0xffff, v2  }
0x16d: {  	v1 =	vld [tilespmem:$0x1470];
	_ =	sdelay $0x4  }
0x16e: {  	v2 =	vld [tilespmem:$0x470];
	v1 =	vadd.s32 $0x400, v1;
	_ =	sdelay $0x4  }
0x16f: {  	[tilespmem:v1+s15+$0x0] =	vst.idx.add.f32.msk $0xffff, v2  }
0x170: {  	v1 =	vld [tilespmem:$0x1480];
	_ =	sdelay $0x4  }
0x171: {  	v2 =	vld [tilespmem:$0x480];
	v1 =	vadd.s32 $0x400, v1;
	_ =	sdelay $0x4  }
0x172: {  	[tilespmem:v1+s15+$0x0] =	vst.idx.add.f32.msk $0xffff, v2  }
0x173: {  	v1 =	vld [tilespmem:$0x1490];
	_ =	sdelay $0x4  }
0x174: {  	v2 =	vld [tilespmem:$0x490];
	v1 =	vadd.s32 $0x400, v1;
	_ =	sdelay $0x4  }
0x175: {  	[tilespmem:v1+s15+$0x0] =	vst.idx.add.f32.msk $0xffff, v2  }
0x176: {  	v1 =	vld [tilespmem:$0x14A0];
	_ =	sdelay $0x4  }
0x177: {  	v2 =	vld [tilespmem:$0x4A0];
	v1 =	vadd.s32 $0x400, v1;
	_ =	sdelay $0x4  }
0x178: {  	[tilespmem:v1+s15+$0x0] =	vst.idx.add.f32.msk $0xffff, v2  }
0x179: {  	v1 =	vld [tilespmem:$0x14B0];
	_ =	sdelay $0x4  }
0x17a: {  	v2 =	vld [tilespmem:$0x4B0];
	v1 =	vadd.s32 $0x400, v1;
	_ =	sdelay $0x4  }
0x17b: {  	[tilespmem:v1+s15+$0x0] =	vst.idx.add.f32.msk $0xffff, v2  }
0x17c: {  	v1 =	vld [tilespmem:$0x14C0];
	_ =	sdelay $0x4  }
0x17d: {  	v2 =	vld [tilespmem:$0x4C0];
	v1 =	vadd.s32 $0x400, v1;
	_ =	sdelay $0x4  }
0x17e: {  	[tilespmem:v1+s15+$0x0] =	vst.idx.add.f32.msk $0xffff, v2  }
0x17f: {  	v1 =	vld [tilespmem:$0x14D0];
	_ =	sdelay $0x4  }
0x180: {  	v2 =	vld [tilespmem:$0x4D0];
	v1 =	vadd.s32 $0x400, v1;
	_ =	sdelay $0x4  }
0x181: {  	[tilespmem:v1+s15+$0x0] =	vst.idx.add.f32.msk $0xffff, v2  }
0x182: {  	v1 =	vld [tilespmem:$0x14E0];
	_ =	sdelay $0x4  }
0x183: {  	v2 =	vld [tilespmem:$0x4E0];
	v1 =	vadd.s32 $0x400, v1;
	_ =	sdelay $0x4  }
0x184: {  	[tilespmem:v1+s15+$0x0] =	vst.idx.add.f32.msk $0xffff, v2  }
0x185: {  	v1 =	vld [tilespmem:$0x14F0];
	_ =	sdelay $0x4  }
0x186: {  	v2 =	vld [tilespmem:$0x4F0];
	v1 =	vadd.s32 $0x400, v1;
	_ =	sdelay $0x4  }
0x187: {  	[tilespmem:v1+s15+$0x0] =	vst.idx.add.f32.msk $0xffff, v2  }
0x188: {  	v1 =	vld [tilespmem:$0x1500];
	_ =	sdelay $0x4  }
0x189: {  	v2 =	vld [tilespmem:$0x500];
	v1 =	vadd.s32 $0x500, v1;
	_ =	sdelay $0x4  }
0x18a: {  	[tilespmem:v1+s15+$0x0] =	vst.idx.add.f32.msk $0xffff, v2  }
0x18b: {  	v1 =	vld [tilespmem:$0x1510];
	_ =	sdelay $0x4  }
0x18c: {  	v2 =	vld [tilespmem:$0x510];
	v1 =	vadd.s32 $0x500, v1;
	_ =	sdelay $0x4  }
0x18d: {  	[tilespmem:v1+s15+$0x0] =	vst.idx.add.f32.msk $0xffff, v2  }
0x18e: {  	v1 =	vld [tilespmem:$0x1520];
	_ =	sdelay $0x4  }
0x18f: {  	v2 =	vld [tilespmem:$0x520];
	v1 =	vadd.s32 $0x500, v1;
	_ =	sdelay $0x4  }
0x190: {  	[tilespmem:v1+s15+$0x0] =	vst.idx.add.f32.msk $0xffff, v2  }
0x191: {  	v1 =	vld [tilespmem:$0x1530];
	_ =	sdelay $0x4  }
0x192: {  	v2 =	vld [tilespmem:$0x530];
	v1 =	vadd.s32 $0x500, v1;
	_ =	sdelay $0x4  }
0x193: {  	[tilespmem:v1+s15+$0x0] =	vst.idx.add.f32.msk $0xffff, v2  }
0x194: {  	v1 =	vld [tilespmem:$0x1540];
	_ =	sdelay $0x4  }
0x195: {  	v2 =	vld [tilespmem:$0x540];
	v1 =	vadd.s32 $0x500, v1;
	_ =	sdelay $0x4  }
0x196: {  	[tilespmem:v1+s15+$0x0] =	vst.idx.add.f32.msk $0xffff, v2  }
0x197: {  	v1 =	vld [tilespmem:$0x1550];
	_ =	sdelay $0x4  }
0x198: {  	v2 =	vld [tilespmem:$0x550];
	v1 =	vadd.s32 $0x500, v1;
	_ =	sdelay $0x4  }
0x199: {  	[tilespmem:v1+s15+$0x0] =	vst.idx.add.f32.msk $0xffff, v2  }
0x19a: {  	v1 =	vld [tilespmem:$0x1560];
	_ =	sdelay $0x4  }
0x19b: {  	v2 =	vld [tilespmem:$0x560];
	v1 =	vadd.s32 $0x500, v1;
	_ =	sdelay $0x4  }
0x19c: {  	[tilespmem:v1+s15+$0x0] =	vst.idx.add.f32.msk $0xffff, v2  }
0x19d: {  	v1 =	vld [tilespmem:$0x1570];
	_ =	sdelay $0x4  }
0x19e: {  	v2 =	vld [tilespmem:$0x570];
	v1 =	vadd.s32 $0x500, v1;
	_ =	sdelay $0x4  }
0x19f: {  	[tilespmem:v1+s15+$0x0] =	vst.idx.add.f32.msk $0xffff, v2  }
0x1a0: {  	v1 =	vld [tilespmem:$0x1580];
	_ =	sdelay $0x4  }
0x1a1: {  	v2 =	vld [tilespmem:$0x580];
	v1 =	vadd.s32 $0x500, v1;
	_ =	sdelay $0x4  }
0x1a2: {  	[tilespmem:v1+s15+$0x0] =	vst.idx.add.f32.msk $0xffff, v2  }
0x1a3: {  	v1 =	vld [tilespmem:$0x1590];
	_ =	sdelay $0x4  }
0x1a4: {  	v2 =	vld [tilespmem:$0x590];
	v1 =	vadd.s32 $0x500, v1;
	_ =	sdelay $0x4  }
0x1a5: {  	[tilespmem:v1+s15+$0x0] =	vst.idx.add.f32.msk $0xffff, v2  }
0x1a6: {  	v1 =	vld [tilespmem:$0x15A0];
	_ =	sdelay $0x4  }
0x1a7: {  	v2 =	vld [tilespmem:$0x5A0];
	v1 =	vadd.s32 $0x500, v1;
	_ =	sdelay $0x4  }
0x1a8: {  	[tilespmem:v1+s15+$0x0] =	vst.idx.add.f32.msk $0xffff, v2  }
0x1a9: {  	v1 =	vld [tilespmem:$0x15B0];
	_ =	sdelay $0x4  }
0x1aa: {  	v2 =	vld [tilespmem:$0x5B0];
	v1 =	vadd.s32 $0x500, v1;
	_ =	sdelay $0x4  }
0x1ab: {  	[tilespmem:v1+s15+$0x0] =	vst.idx.add.f32.msk $0xffff, v2  }
0x1ac: {  	v1 =	vld [tilespmem:$0x15C0];
	_ =	sdelay $0x4  }
0x1ad: {  	v2 =	vld [tilespmem:$0x5C0];
	v1 =	vadd.s32 $0x500, v1;
	_ =	sdelay $0x4  }
0x1ae: {  	[tilespmem:v1+s15+$0x0] =	vst.idx.add.f32.msk $0xffff, v2  }
0x1af: {  	v1 =	vld [tilespmem:$0x15D0];
	_ =	sdelay $0x4  }
0x1b0: {  	v2 =	vld [tilespmem:$0x5D0];
	v1 =	vadd.s32 $0x500, v1;
	_ =	sdelay $0x4  }
0x1b1: {  	[tilespmem:v1+s15+$0x0] =	vst.idx.add.f32.msk $0xffff, v2  }
0x1b2: {  	v1 =	vld [tilespmem:$0x15E0];
	_ =	sdelay $0x4  }
0x1b3: {  	v2 =	vld [tilespmem:$0x5E0];
	v1 =	vadd.s32 $0x500, v1;
	_ =	sdelay $0x4  }
0x1b4: {  	[tilespmem:v1+s15+$0x0] =	vst.idx.add.f32.msk $0xffff, v2  }
0x1b5: {  	v1 =	vld [tilespmem:$0x15F0];
	_ =	sdelay $0x4  }
0x1b6: {  	v2 =	vld [tilespmem:$0x5F0];
	v1 =	vadd.s32 $0x500, v1;
	_ =	sdelay $0x4  }
0x1b7: {  	[tilespmem:v1+s15+$0x0] =	vst.idx.add.f32.msk $0xffff, v2  }
0x1b8: {  	v1 =	vld [tilespmem:$0x1600];
	_ =	sdelay $0x4  }
0x1b9: {  	v2 =	vld [tilespmem:$0x600];
	v1 =	vadd.s32 $0x600, v1;
	_ =	sdelay $0x4  }
0x1ba: {  	[tilespmem:v1+s15+$0x0] =	vst.idx.add.f32.msk $0xffff, v2  }
0x1bb: {  	v1 =	vld [tilespmem:$0x1610];
	_ =	sdelay $0x4  }
0x1bc: {  	v2 =	vld [tilespmem:$0x610];
	v1 =	vadd.s32 $0x600, v1;
	_ =	sdelay $0x4  }
0x1bd: {  	[tilespmem:v1+s15+$0x0] =	vst.idx.add.f32.msk $0xffff, v2  }
0x1be: {  	v1 =	vld [tilespmem:$0x1620];
	_ =	sdelay $0x4  }
0x1bf: {  	v2 =	vld [tilespmem:$0x620];
	v1 =	vadd.s32 $0x600, v1;
	_ =	sdelay $0x4  }
0x1c0: {  	[tilespmem:v1+s15+$0x0] =	vst.idx.add.f32.msk $0xffff, v2  }
0x1c1: {  	v1 =	vld [tilespmem:$0x1630];
	_ =	sdelay $0x4  }
0x1c2: {  	v2 =	vld [tilespmem:$0x630];
	v1 =	vadd.s32 $0x600, v1;
	_ =	sdelay $0x4  }
0x1c3: {  	[tilespmem:v1+s15+$0x0] =	vst.idx.add.f32.msk $0xffff, v2  }
0x1c4: {  	v1 =	vld [tilespmem:$0x1640];
	_ =	sdelay $0x4  }
0x1c5: {  	v2 =	vld [tilespmem:$0x640];
	v1 =	vadd.s32 $0x600, v1;
	_ =	sdelay $0x4  }
0x1c6: {  	[tilespmem:v1+s15+$0x0] =	vst.idx.add.f32.msk $0xffff, v2  }
0x1c7: {  	v1 =	vld [tilespmem:$0x1650];
	_ =	sdelay $0x4  }
0x1c8: {  	v2 =	vld [tilespmem:$0x650];
	v1 =	vadd.s32 $0x600, v1;
	_ =	sdelay $0x4  }
0x1c9: {  	[tilespmem:v1+s15+$0x0] =	vst.idx.add.f32.msk $0xffff, v2  }
0x1ca: {  	v1 =	vld [tilespmem:$0x1660];
	_ =	sdelay $0x4  }
0x1cb: {  	v2 =	vld [tilespmem:$0x660];
	v1 =	vadd.s32 $0x600, v1;
	_ =	sdelay $0x4  }
0x1cc: {  	[tilespmem:v1+s15+$0x0] =	vst.idx.add.f32.msk $0xffff, v2  }
0x1cd: {  	v1 =	vld [tilespmem:$0x1670];
	_ =	sdelay $0x4  }
0x1ce: {  	v2 =	vld [tilespmem:$0x670];
	v1 =	vadd.s32 $0x600, v1;
	_ =	sdelay $0x4  }
0x1cf: {  	[tilespmem:v1+s15+$0x0] =	vst.idx.add.f32.msk $0xffff, v2  }
0x1d0: {  	v1 =	vld [tilespmem:$0x1680];
	_ =	sdelay $0x4  }
0x1d1: {  	v2 =	vld [tilespmem:$0x680];
	v1 =	vadd.s32 $0x600, v1;
	_ =	sdelay $0x4  }
0x1d2: {  	[tilespmem:v1+s15+$0x0] =	vst.idx.add.f32.msk $0xffff, v2  }
0x1d3: {  	v1 =	vld [tilespmem:$0x1690];
	_ =	sdelay $0x4  }
0x1d4: {  	v2 =	vld [tilespmem:$0x690];
	v1 =	vadd.s32 $0x600, v1;
	_ =	sdelay $0x4  }
0x1d5: {  	[tilespmem:v1+s15+$0x0] =	vst.idx.add.f32.msk $0xffff, v2  }
0x1d6: {  	v1 =	vld [tilespmem:$0x16A0];
	_ =	sdelay $0x4  }
0x1d7: {  	v2 =	vld [tilespmem:$0x6A0];
	v1 =	vadd.s32 $0x600, v1;
	_ =	sdelay $0x4  }
0x1d8: {  	[tilespmem:v1+s15+$0x0] =	vst.idx.add.f32.msk $0xffff, v2  }
0x1d9: {  	v1 =	vld [tilespmem:$0x16B0];
	_ =	sdelay $0x4  }
0x1da: {  	v2 =	vld [tilespmem:$0x6B0];
	v1 =	vadd.s32 $0x600, v1;
	_ =	sdelay $0x4  }
0x1db: {  	[tilespmem:v1+s15+$0x0] =	vst.idx.add.f32.msk $0xffff, v2  }
0x1dc: {  	v1 =	vld [tilespmem:$0x16C0];
	_ =	sdelay $0x4  }
0x1dd: {  	v2 =	vld [tilespmem:$0x6C0];
	v1 =	vadd.s32 $0x600, v1;
	_ =	sdelay $0x4  }
0x1de: {  	[tilespmem:v1+s15+$0x0] =	vst.idx.add.f32.msk $0xffff, v2  }
0x1df: {  	v1 =	vld [tilespmem:$0x16D0];
	_ =	sdelay $0x4  }
0x1e0: {  	v2 =	vld [tilespmem:$0x6D0];
	v1 =	vadd.s32 $0x600, v1;
	_ =	sdelay $0x4  }
0x1e1: {  	[tilespmem:v1+s15+$0x0] =	vst.idx.add.f32.msk $0xffff, v2  }
0x1e2: {  	v1 =	vld [tilespmem:$0x16E0];
	_ =	sdelay $0x4  }
0x1e3: {  	v2 =	vld [tilespmem:$0x6E0];
	v1 =	vadd.s32 $0x600, v1;
	_ =	sdelay $0x4  }
0x1e4: {  	[tilespmem:v1+s15+$0x0] =	vst.idx.add.f32.msk $0xffff, v2  }
0x1e5: {  	v1 =	vld [tilespmem:$0x16F0];
	_ =	sdelay $0x4  }
0x1e6: {  	v2 =	vld [tilespmem:$0x6F0];
	v1 =	vadd.s32 $0x600, v1;
	_ =	sdelay $0x4  }
0x1e7: {  	[tilespmem:v1+s15+$0x0] =	vst.idx.add.f32.msk $0xffff, v2  }
0x1e8: {  	v1 =	vld [tilespmem:$0x1700];
	_ =	sdelay $0x4  }
0x1e9: {  	v2 =	vld [tilespmem:$0x700];
	v1 =	vadd.s32 $0x700, v1;
	_ =	sdelay $0x4  }
0x1ea: {  	[tilespmem:v1+s15+$0x0] =	vst.idx.add.f32.msk $0xffff, v2  }
0x1eb: {  	v1 =	vld [tilespmem:$0x1710];
	_ =	sdelay $0x4  }
0x1ec: {  	v2 =	vld [tilespmem:$0x710];
	v1 =	vadd.s32 $0x700, v1;
	_ =	sdelay $0x4  }
0x1ed: {  	[tilespmem:v1+s15+$0x0] =	vst.idx.add.f32.msk $0xffff, v2  }
0x1ee: {  	v1 =	vld [tilespmem:$0x1720];
	_ =	sdelay $0x4  }
0x1ef: {  	v2 =	vld [tilespmem:$0x720];
	v1 =	vadd.s32 $0x700, v1;
	_ =	sdelay $0x4  }
0x1f0: {  	[tilespmem:v1+s15+$0x0] =	vst.idx.add.f32.msk $0xffff, v2  }
0x1f1: {  	v1 =	vld [tilespmem:$0x1730];
	_ =	sdelay $0x4  }
0x1f2: {  	v2 =	vld [tilespmem:$0x730];
	v1 =	vadd.s32 $0x700, v1;
	_ =	sdelay $0x4  }
0x1f3: {  	[tilespmem:v1+s15+$0x0] =	vst.idx.add.f32.msk $0xffff, v2  }
0x1f4: {  	v1 =	vld [tilespmem:$0x1740];
	_ =	sdelay $0x4  }
0x1f5: {  	v2 =	vld [tilespmem:$0x740];
	v1 =	vadd.s32 $0x700, v1;
	_ =	sdelay $0x4  }
0x1f6: {  	[tilespmem:v1+s15+$0x0] =	vst.idx.add.f32.msk $0xffff, v2  }
0x1f7: {  	v1 =	vld [tilespmem:$0x1750];
	_ =	sdelay $0x4  }
0x1f8: {  	v2 =	vld [tilespmem:$0x750];
	v1 =	vadd.s32 $0x700, v1;
	_ =	sdelay $0x4  }
0x1f9: {  	[tilespmem:v1+s15+$0x0] =	vst.idx.add.f32.msk $0xffff, v2  }
0x1fa: {  	v1 =	vld [tilespmem:$0x1760];
	_ =	sdelay $0x4  }
0x1fb: {  	v2 =	vld [tilespmem:$0x760];
	v1 =	vadd.s32 $0x700, v1;
	_ =	sdelay $0x4  }
0x1fc: {  	[tilespmem:v1+s15+$0x0] =	vst.idx.add.f32.msk $0xffff, v2  }
0x1fd: {  	v1 =	vld [tilespmem:$0x1770];
	_ =	sdelay $0x4  }
0x1fe: {  	v2 =	vld [tilespmem:$0x770];
	v1 =	vadd.s32 $0x700, v1;
	_ =	sdelay $0x4  }
0x1ff: {  	[tilespmem:v1+s15+$0x0] =	vst.idx.add.f32.msk $0xffff, v2  }
0x200: {  	v1 =	vld [tilespmem:$0x1780];
	_ =	sdelay $0x4  }
0x201: {  	v2 =	vld [tilespmem:$0x780];
	v1 =	vadd.s32 $0x700, v1;
	_ =	sdelay $0x4  }
0x202: {  	[tilespmem:v1+s15+$0x0] =	vst.idx.add.f32.msk $0xffff, v2  }
0x203: {  	v1 =	vld [tilespmem:$0x1790];
	_ =	sdelay $0x4  }
0x204: {  	v2 =	vld [tilespmem:$0x790];
	v1 =	vadd.s32 $0x700, v1;
	_ =	sdelay $0x4  }
0x205: {  	[tilespmem:v1+s15+$0x0] =	vst.idx.add.f32.msk $0xffff, v2  }
0x206: {  	v1 =	vld [tilespmem:$0x17A0];
	_ =	sdelay $0x4  }
0x207: {  	v2 =	vld [tilespmem:$0x7A0];
	v1 =	vadd.s32 $0x700, v1;
	_ =	sdelay $0x4  }
0x208: {  	[tilespmem:v1+s15+$0x0] =	vst.idx.add.f32.msk $0xffff, v2  }
0x209: {  	v1 =	vld [tilespmem:$0x17B0];
	_ =	sdelay $0x4  }
0x20a: {  	v2 =	vld [tilespmem:$0x7B0];
	v1 =	vadd.s32 $0x700, v1;
	_ =	sdelay $0x4  }
0x20b: {  	[tilespmem:v1+s15+$0x0] =	vst.idx.add.f32.msk $0xffff, v2  }
0x20c: {  	v1 =	vld [tilespmem:$0x17C0];
	_ =	sdelay $0x4  }
0x20d: {  	v2 =	vld [tilespmem:$0x7C0];
	v1 =	vadd.s32 $0x700, v1;
	_ =	sdelay $0x4  }
0x20e: {  	[tilespmem:v1+s15+$0x0] =	vst.idx.add.f32.msk $0xffff, v2  }
0x20f: {  	v1 =	vld [tilespmem:$0x17D0];
	_ =	sdelay $0x4  }
0x210: {  	v2 =	vld [tilespmem:$0x7D0];
	v1 =	vadd.s32 $0x700, v1;
	_ =	sdelay $0x4  }
0x211: {  	[tilespmem:v1+s15+$0x0] =	vst.idx.add.f32.msk $0xffff, v2  }
0x212: {  	v1 =	vld [tilespmem:$0x17E0];
	_ =	sdelay $0x4  }
0x213: {  	v2 =	vld [tilespmem:$0x7E0];
	v1 =	vadd.s32 $0x700, v1;
	_ =	sdelay $0x4  }
0x214: {  	[tilespmem:v1+s15+$0x0] =	vst.idx.add.f32.msk $0xffff, v2  }
0x215: {  	v1 =	vld [tilespmem:$0x17F0];
	_ =	sdelay $0x4  }
0x216: {  	v2 =	vld [tilespmem:$0x7F0];
	v1 =	vadd.s32 $0x700, v1;
	_ =	sdelay $0x4  }
0x217: {  	[tilespmem:v1+s15+$0x0] =	vst.idx.add.f32.msk $0xffff, v2  }
0x218: {  	v1 =	vld [tilespmem:$0x1800];
	_ =	sdelay $0x4  }
0x219: {  	v2 =	vld [tilespmem:$0x800];
	v1 =	vadd.s32 $0x800, v1;
	_ =	sdelay $0x4  }
0x21a: {  	[tilespmem:v1+s15+$0x0] =	vst.idx.add.f32.msk $0xffff, v2  }
0x21b: {  	v1 =	vld [tilespmem:$0x1810];
	_ =	sdelay $0x4  }
0x21c: {  	v2 =	vld [tilespmem:$0x810];
	v1 =	vadd.s32 $0x800, v1;
	_ =	sdelay $0x4  }
0x21d: {  	[tilespmem:v1+s15+$0x0] =	vst.idx.add.f32.msk $0xffff, v2  }
0x21e: {  	v1 =	vld [tilespmem:$0x1820];
	_ =	sdelay $0x4  }
0x21f: {  	v2 =	vld [tilespmem:$0x820];
	v1 =	vadd.s32 $0x800, v1;
	_ =	sdelay $0x4  }
0x220: {  	[tilespmem:v1+s15+$0x0] =	vst.idx.add.f32.msk $0xffff, v2  }
0x221: {  	v1 =	vld [tilespmem:$0x1830];
	_ =	sdelay $0x4  }
0x222: {  	v2 =	vld [tilespmem:$0x830];
	v1 =	vadd.s32 $0x800, v1;
	_ =	sdelay $0x4  }
0x223: {  	[tilespmem:v1+s15+$0x0] =	vst.idx.add.f32.msk $0xffff, v2  }
0x224: {  	v1 =	vld [tilespmem:$0x1840];
	_ =	sdelay $0x4  }
0x225: {  	v2 =	vld [tilespmem:$0x840];
	v1 =	vadd.s32 $0x800, v1;
	_ =	sdelay $0x4  }
0x226: {  	[tilespmem:v1+s15+$0x0] =	vst.idx.add.f32.msk $0xffff, v2  }
0x227: {  	v1 =	vld [tilespmem:$0x1850];
	_ =	sdelay $0x4  }
0x228: {  	v2 =	vld [tilespmem:$0x850];
	v1 =	vadd.s32 $0x800, v1;
	_ =	sdelay $0x4  }
0x229: {  	[tilespmem:v1+s15+$0x0] =	vst.idx.add.f32.msk $0xffff, v2  }
0x22a: {  	v1 =	vld [tilespmem:$0x1860];
	_ =	sdelay $0x4  }
0x22b: {  	v2 =	vld [tilespmem:$0x860];
	v1 =	vadd.s32 $0x800, v1;
	_ =	sdelay $0x4  }
0x22c: {  	[tilespmem:v1+s15+$0x0] =	vst.idx.add.f32.msk $0xffff, v2  }
0x22d: {  	v1 =	vld [tilespmem:$0x1870];
	_ =	sdelay $0x4  }
0x22e: {  	v2 =	vld [tilespmem:$0x870];
	v1 =	vadd.s32 $0x800, v1;
	_ =	sdelay $0x4  }
0x22f: {  	[tilespmem:v1+s15+$0x0] =	vst.idx.add.f32.msk $0xffff, v2  }
0x230: {  	v1 =	vld [tilespmem:$0x1880];
	_ =	sdelay $0x4  }
0x231: {  	v2 =	vld [tilespmem:$0x880];
	v1 =	vadd.s32 $0x800, v1;
	_ =	sdelay $0x4  }
0x232: {  	[tilespmem:v1+s15+$0x0] =	vst.idx.add.f32.msk $0xffff, v2  }
0x233: {  	v1 =	vld [tilespmem:$0x1890];
	_ =	sdelay $0x4  }
0x234: {  	v2 =	vld [tilespmem:$0x890];
	v1 =	vadd.s32 $0x800, v1;
	_ =	sdelay $0x4  }
0x235: {  	[tilespmem:v1+s15+$0x0] =	vst.idx.add.f32.msk $0xffff, v2  }
0x236: {  	v1 =	vld [tilespmem:$0x18A0];
	_ =	sdelay $0x4  }
0x237: {  	v2 =	vld [tilespmem:$0x8A0];
	v1 =	vadd.s32 $0x800, v1;
	_ =	sdelay $0x4  }
0x238: {  	[tilespmem:v1+s15+$0x0] =	vst.idx.add.f32.msk $0xffff, v2  }
0x239: {  	v1 =	vld [tilespmem:$0x18B0];
	_ =	sdelay $0x4  }
0x23a: {  	v2 =	vld [tilespmem:$0x8B0];
	v1 =	vadd.s32 $0x800, v1;
	_ =	sdelay $0x4  }
0x23b: {  	[tilespmem:v1+s15+$0x0] =	vst.idx.add.f32.msk $0xffff, v2  }
0x23c: {  	v1 =	vld [tilespmem:$0x18C0];
	_ =	sdelay $0x4  }
0x23d: {  	v2 =	vld [tilespmem:$0x8C0];
	v1 =	vadd.s32 $0x800, v1;
	_ =	sdelay $0x4  }
0x23e: {  	[tilespmem:v1+s15+$0x0] =	vst.idx.add.f32.msk $0xffff, v2  }
0x23f: {  	v1 =	vld [tilespmem:$0x18D0];
	_ =	sdelay $0x4  }
0x240: {  	v2 =	vld [tilespmem:$0x8D0];
	v1 =	vadd.s32 $0x800, v1;
	_ =	sdelay $0x4  }
0x241: {  	[tilespmem:v1+s15+$0x0] =	vst.idx.add.f32.msk $0xffff, v2  }
0x242: {  	v1 =	vld [tilespmem:$0x18E0];
	_ =	sdelay $0x4  }
0x243: {  	v2 =	vld [tilespmem:$0x8E0];
	v1 =	vadd.s32 $0x800, v1;
	_ =	sdelay $0x4  }
0x244: {  	[tilespmem:v1+s15+$0x0] =	vst.idx.add.f32.msk $0xffff, v2  }
0x245: {  	v1 =	vld [tilespmem:$0x18F0];
	_ =	sdelay $0x4  }
0x246: {  	v2 =	vld [tilespmem:$0x8F0];
	v1 =	vadd.s32 $0x800, v1;
	_ =	sdelay $0x4  }
0x247: {  	[tilespmem:v1+s15+$0x0] =	vst.idx.add.f32.msk $0xffff, v2  }
0x248: {  	v1 =	vld [tilespmem:$0x1900];
	_ =	sdelay $0x4  }
0x249: {  	v2 =	vld [tilespmem:$0x900];
	v1 =	vadd.s32 $0x900, v1;
	_ =	sdelay $0x4  }
0x24a: {  	[tilespmem:v1+s15+$0x0] =	vst.idx.add.f32.msk $0xffff, v2  }
0x24b: {  	v1 =	vld [tilespmem:$0x1910];
	_ =	sdelay $0x4  }
0x24c: {  	v2 =	vld [tilespmem:$0x910];
	v1 =	vadd.s32 $0x900, v1;
	_ =	sdelay $0x4  }
0x24d: {  	[tilespmem:v1+s15+$0x0] =	vst.idx.add.f32.msk $0xffff, v2  }
0x24e: {  	v1 =	vld [tilespmem:$0x1920];
	_ =	sdelay $0x4  }
0x24f: {  	v2 =	vld [tilespmem:$0x920];
	v1 =	vadd.s32 $0x900, v1;
	_ =	sdelay $0x4  }
0x250: {  	[tilespmem:v1+s15+$0x0] =	vst.idx.add.f32.msk $0xffff, v2  }
0x251: {  	v1 =	vld [tilespmem:$0x1930];
	_ =	sdelay $0x4  }
0x252: {  	v2 =	vld [tilespmem:$0x930];
	v1 =	vadd.s32 $0x900, v1;
	_ =	sdelay $0x4  }
0x253: {  	[tilespmem:v1+s15+$0x0] =	vst.idx.add.f32.msk $0xffff, v2  }
0x254: {  	v1 =	vld [tilespmem:$0x1940];
	_ =	sdelay $0x4  }
0x255: {  	v2 =	vld [tilespmem:$0x940];
	v1 =	vadd.s32 $0x900, v1;
	_ =	sdelay $0x4  }
0x256: {  	[tilespmem:v1+s15+$0x0] =	vst.idx.add.f32.msk $0xffff, v2  }
0x257: {  	v1 =	vld [tilespmem:$0x1950];
	_ =	sdelay $0x4  }
0x258: {  	v2 =	vld [tilespmem:$0x950];
	v1 =	vadd.s32 $0x900, v1;
	_ =	sdelay $0x4  }
0x259: {  	[tilespmem:v1+s15+$0x0] =	vst.idx.add.f32.msk $0xffff, v2  }
0x25a: {  	v1 =	vld [tilespmem:$0x1960];
	_ =	sdelay $0x4  }
0x25b: {  	v2 =	vld [tilespmem:$0x960];
	v1 =	vadd.s32 $0x900, v1;
	_ =	sdelay $0x4  }
0x25c: {  	[tilespmem:v1+s15+$0x0] =	vst.idx.add.f32.msk $0xffff, v2  }
0x25d: {  	v1 =	vld [tilespmem:$0x1970];
	_ =	sdelay $0x4  }
0x25e: {  	v2 =	vld [tilespmem:$0x970];
	v1 =	vadd.s32 $0x900, v1;
	_ =	sdelay $0x4  }
0x25f: {  	[tilespmem:v1+s15+$0x0] =	vst.idx.add.f32.msk $0xffff, v2  }
0x260: {  	v1 =	vld [tilespmem:$0x1980];
	_ =	sdelay $0x4  }
0x261: {  	v2 =	vld [tilespmem:$0x980];
	v1 =	vadd.s32 $0x900, v1;
	_ =	sdelay $0x4  }
0x262: {  	[tilespmem:v1+s15+$0x0] =	vst.idx.add.f32.msk $0xffff, v2  }
0x263: {  	v1 =	vld [tilespmem:$0x1990];
	_ =	sdelay $0x4  }
0x264: {  	v2 =	vld [tilespmem:$0x990];
	v1 =	vadd.s32 $0x900, v1;
	_ =	sdelay $0x4  }
0x265: {  	[tilespmem:v1+s15+$0x0] =	vst.idx.add.f32.msk $0xffff, v2  }
0x266: {  	v1 =	vld [tilespmem:$0x19A0];
	_ =	sdelay $0x4  }
0x267: {  	v2 =	vld [tilespmem:$0x9A0];
	v1 =	vadd.s32 $0x900, v1;
	_ =	sdelay $0x4  }
0x268: {  	[tilespmem:v1+s15+$0x0] =	vst.idx.add.f32.msk $0xffff, v2  }
0x269: {  	v1 =	vld [tilespmem:$0x19B0];
	_ =	sdelay $0x4  }
0x26a: {  	v2 =	vld [tilespmem:$0x9B0];
	v1 =	vadd.s32 $0x900, v1;
	_ =	sdelay $0x4  }
0x26b: {  	[tilespmem:v1+s15+$0x0] =	vst.idx.add.f32.msk $0xffff, v2  }
0x26c: {  	v1 =	vld [tilespmem:$0x19C0];
	_ =	sdelay $0x4  }
0x26d: {  	v2 =	vld [tilespmem:$0x9C0];
	v1 =	vadd.s32 $0x900, v1;
	_ =	sdelay $0x4  }
0x26e: {  	[tilespmem:v1+s15+$0x0] =	vst.idx.add.f32.msk $0xffff, v2  }
0x26f: {  	v1 =	vld [tilespmem:$0x19D0];
	_ =	sdelay $0x4  }
0x270: {  	v2 =	vld [tilespmem:$0x9D0];
	v1 =	vadd.s32 $0x900, v1;
	_ =	sdelay $0x4  }
0x271: {  	[tilespmem:v1+s15+$0x0] =	vst.idx.add.f32.msk $0xffff, v2  }
0x272: {  	v1 =	vld [tilespmem:$0x19E0];
	_ =	sdelay $0x4  }
0x273: {  	v2 =	vld [tilespmem:$0x9E0];
	v1 =	vadd.s32 $0x900, v1;
	_ =	sdelay $0x4  }
0x274: {  	[tilespmem:v1+s15+$0x0] =	vst.idx.add.f32.msk $0xffff, v2  }
0x275: {  	v1 =	vld [tilespmem:$0x19F0];
	_ =	sdelay $0x4  }
0x276: {  	v2 =	vld [tilespmem:$0x9F0];
	v1 =	vadd.s32 $0x900, v1;
	_ =	sdelay $0x4  }
0x277: {  	[tilespmem:v1+s15+$0x0] =	vst.idx.add.f32.msk $0xffff, v2  }
0x278: {  	v1 =	vld [tilespmem:$0x1A00];
	_ =	sdelay $0x4  }
0x279: {  	v2 =	vld [tilespmem:$0xA00];
	v1 =	vadd.s32 $0xA00, v1;
	_ =	sdelay $0x4  }
0x27a: {  	[tilespmem:v1+s15+$0x0] =	vst.idx.add.f32.msk $0xffff, v2  }
0x27b: {  	v1 =	vld [tilespmem:$0x1A10];
	_ =	sdelay $0x4  }
0x27c: {  	v2 =	vld [tilespmem:$0xA10];
	v1 =	vadd.s32 $0xA00, v1;
	_ =	sdelay $0x4  }
0x27d: {  	[tilespmem:v1+s15+$0x0] =	vst.idx.add.f32.msk $0xffff, v2  }
0x27e: {  	v1 =	vld [tilespmem:$0x1A20];
	_ =	sdelay $0x4  }
0x27f: {  	v2 =	vld [tilespmem:$0xA20];
	v1 =	vadd.s32 $0xA00, v1;
	_ =	sdelay $0x4  }
0x280: {  	[tilespmem:v1+s15+$0x0] =	vst.idx.add.f32.msk $0xffff, v2  }
0x281: {  	v1 =	vld [tilespmem:$0x1A30];
	_ =	sdelay $0x4  }
0x282: {  	v2 =	vld [tilespmem:$0xA30];
	v1 =	vadd.s32 $0xA00, v1;
	_ =	sdelay $0x4  }
0x283: {  	[tilespmem:v1+s15+$0x0] =	vst.idx.add.f32.msk $0xffff, v2  }
0x284: {  	v1 =	vld [tilespmem:$0x1A40];
	_ =	sdelay $0x4  }
0x285: {  	v2 =	vld [tilespmem:$0xA40];
	v1 =	vadd.s32 $0xA00, v1;
	_ =	sdelay $0x4  }
0x286: {  	[tilespmem:v1+s15+$0x0] =	vst.idx.add.f32.msk $0xffff, v2  }
0x287: {  	v1 =	vld [tilespmem:$0x1A50];
	_ =	sdelay $0x4  }
0x288: {  	v2 =	vld [tilespmem:$0xA50];
	v1 =	vadd.s32 $0xA00, v1;
	_ =	sdelay $0x4  }
0x289: {  	[tilespmem:v1+s15+$0x0] =	vst.idx.add.f32.msk $0xffff, v2  }
0x28a: {  	v1 =	vld [tilespmem:$0x1A60];
	_ =	sdelay $0x4  }
0x28b: {  	v2 =	vld [tilespmem:$0xA60];
	v1 =	vadd.s32 $0xA00, v1;
	_ =	sdelay $0x4  }
0x28c: {  	[tilespmem:v1+s15+$0x0] =	vst.idx.add.f32.msk $0xffff, v2  }
0x28d: {  	v1 =	vld [tilespmem:$0x1A70];
	_ =	sdelay $0x4  }
0x28e: {  	v2 =	vld [tilespmem:$0xA70];
	v1 =	vadd.s32 $0xA00, v1;
	_ =	sdelay $0x4  }
0x28f: {  	[tilespmem:v1+s15+$0x0] =	vst.idx.add.f32.msk $0xffff, v2  }
0x290: {  	v1 =	vld [tilespmem:$0x1A80];
	_ =	sdelay $0x4  }
0x291: {  	v2 =	vld [tilespmem:$0xA80];
	v1 =	vadd.s32 $0xA00, v1;
	_ =	sdelay $0x4  }
0x292: {  	[tilespmem:v1+s15+$0x0] =	vst.idx.add.f32.msk $0xffff, v2  }
0x293: {  	v1 =	vld [tilespmem:$0x1A90];
	_ =	sdelay $0x4  }
0x294: {  	v2 =	vld [tilespmem:$0xA90];
	v1 =	vadd.s32 $0xA00, v1;
	_ =	sdelay $0x4  }
0x295: {  	[tilespmem:v1+s15+$0x0] =	vst.idx.add.f32.msk $0xffff, v2  }
0x296: {  	v1 =	vld [tilespmem:$0x1AA0];
	_ =	sdelay $0x4  }
0x297: {  	v2 =	vld [tilespmem:$0xAA0];
	v1 =	vadd.s32 $0xA00, v1;
	_ =	sdelay $0x4  }
0x298: {  	[tilespmem:v1+s15+$0x0] =	vst.idx.add.f32.msk $0xffff, v2  }
0x299: {  	v1 =	vld [tilespmem:$0x1AB0];
	_ =	sdelay $0x4  }
0x29a: {  	v2 =	vld [tilespmem:$0xAB0];
	v1 =	vadd.s32 $0xA00, v1;
	_ =	sdelay $0x4  }
0x29b: {  	[tilespmem:v1+s15+$0x0] =	vst.idx.add.f32.msk $0xffff, v2  }
0x29c: {  	v1 =	vld [tilespmem:$0x1AC0];
	_ =	sdelay $0x4  }
0x29d: {  	v2 =	vld [tilespmem:$0xAC0];
	v1 =	vadd.s32 $0xA00, v1;
	_ =	sdelay $0x4  }
0x29e: {  	[tilespmem:v1+s15+$0x0] =	vst.idx.add.f32.msk $0xffff, v2  }
0x29f: {  	v1 =	vld [tilespmem:$0x1AD0];
	_ =	sdelay $0x4  }
0x2a0: {  	v2 =	vld [tilespmem:$0xAD0];
	v1 =	vadd.s32 $0xA00, v1;
	_ =	sdelay $0x4  }
0x2a1: {  	[tilespmem:v1+s15+$0x0] =	vst.idx.add.f32.msk $0xffff, v2  }
0x2a2: {  	v1 =	vld [tilespmem:$0x1AE0];
	_ =	sdelay $0x4  }
0x2a3: {  	v2 =	vld [tilespmem:$0xAE0];
	v1 =	vadd.s32 $0xA00, v1;
	_ =	sdelay $0x4  }
0x2a4: {  	[tilespmem:v1+s15+$0x0] =	vst.idx.add.f32.msk $0xffff, v2  }
0x2a5: {  	v1 =	vld [tilespmem:$0x1AF0];
	_ =	sdelay $0x4  }
0x2a6: {  	v2 =	vld [tilespmem:$0xAF0];
	v1 =	vadd.s32 $0xA00, v1;
	_ =	sdelay $0x4  }
0x2a7: {  	[tilespmem:v1+s15+$0x0] =	vst.idx.add.f32.msk $0xffff, v2  }
0x2a8: {  	v1 =	vld [tilespmem:$0x1B00];
	_ =	sdelay $0x4  }
0x2a9: {  	v2 =	vld [tilespmem:$0xB00];
	v1 =	vadd.s32 $0xB00, v1;
	_ =	sdelay $0x4  }
0x2aa: {  	[tilespmem:v1+s15+$0x0] =	vst.idx.add.f32.msk $0xffff, v2  }
0x2ab: {  	v1 =	vld [tilespmem:$0x1B10];
	_ =	sdelay $0x4  }
0x2ac: {  	v2 =	vld [tilespmem:$0xB10];
	v1 =	vadd.s32 $0xB00, v1;
	_ =	sdelay $0x4  }
0x2ad: {  	[tilespmem:v1+s15+$0x0] =	vst.idx.add.f32.msk $0xffff, v2  }
0x2ae: {  	v1 =	vld [tilespmem:$0x1B20];
	_ =	sdelay $0x4  }
0x2af: {  	v2 =	vld [tilespmem:$0xB20];
	v1 =	vadd.s32 $0xB00, v1;
	_ =	sdelay $0x4  }
0x2b0: {  	[tilespmem:v1+s15+$0x0] =	vst.idx.add.f32.msk $0xffff, v2  }
0x2b1: {  	v1 =	vld [tilespmem:$0x1B30];
	_ =	sdelay $0x4  }
0x2b2: {  	v2 =	vld [tilespmem:$0xB30];
	v1 =	vadd.s32 $0xB00, v1;
	_ =	sdelay $0x4  }
0x2b3: {  	[tilespmem:v1+s15+$0x0] =	vst.idx.add.f32.msk $0xffff, v2  }
0x2b4: {  	v1 =	vld [tilespmem:$0x1B40];
	_ =	sdelay $0x4  }
0x2b5: {  	v2 =	vld [tilespmem:$0xB40];
	v1 =	vadd.s32 $0xB00, v1;
	_ =	sdelay $0x4  }
0x2b6: {  	[tilespmem:v1+s15+$0x0] =	vst.idx.add.f32.msk $0xffff, v2  }
0x2b7: {  	v1 =	vld [tilespmem:$0x1B50];
	_ =	sdelay $0x4  }
0x2b8: {  	v2 =	vld [tilespmem:$0xB50];
	v1 =	vadd.s32 $0xB00, v1;
	_ =	sdelay $0x4  }
0x2b9: {  	[tilespmem:v1+s15+$0x0] =	vst.idx.add.f32.msk $0xffff, v2  }
0x2ba: {  	v1 =	vld [tilespmem:$0x1B60];
	_ =	sdelay $0x4  }
0x2bb: {  	v2 =	vld [tilespmem:$0xB60];
	v1 =	vadd.s32 $0xB00, v1;
	_ =	sdelay $0x4  }
0x2bc: {  	[tilespmem:v1+s15+$0x0] =	vst.idx.add.f32.msk $0xffff, v2  }
0x2bd: {  	v1 =	vld [tilespmem:$0x1B70];
	_ =	sdelay $0x4  }
0x2be: {  	v2 =	vld [tilespmem:$0xB70];
	v1 =	vadd.s32 $0xB00, v1;
	_ =	sdelay $0x4  }
0x2bf: {  	[tilespmem:v1+s15+$0x0] =	vst.idx.add.f32.msk $0xffff, v2  }
0x2c0: {  	v1 =	vld [tilespmem:$0x1B80];
	_ =	sdelay $0x4  }
0x2c1: {  	v2 =	vld [tilespmem:$0xB80];
	v1 =	vadd.s32 $0xB00, v1;
	_ =	sdelay $0x4  }
0x2c2: {  	[tilespmem:v1+s15+$0x0] =	vst.idx.add.f32.msk $0xffff, v2  }
0x2c3: {  	v1 =	vld [tilespmem:$0x1B90];
	_ =	sdelay $0x4  }
0x2c4: {  	v2 =	vld [tilespmem:$0xB90];
	v1 =	vadd.s32 $0xB00, v1;
	_ =	sdelay $0x4  }
0x2c5: {  	[tilespmem:v1+s15+$0x0] =	vst.idx.add.f32.msk $0xffff, v2  }
0x2c6: {  	v1 =	vld [tilespmem:$0x1BA0];
	_ =	sdelay $0x4  }
0x2c7: {  	v2 =	vld [tilespmem:$0xBA0];
	v1 =	vadd.s32 $0xB00, v1;
	_ =	sdelay $0x4  }
0x2c8: {  	[tilespmem:v1+s15+$0x0] =	vst.idx.add.f32.msk $0xffff, v2  }
0x2c9: {  	v1 =	vld [tilespmem:$0x1BB0];
	_ =	sdelay $0x4  }
0x2ca: {  	v2 =	vld [tilespmem:$0xBB0];
	v1 =	vadd.s32 $0xB00, v1;
	_ =	sdelay $0x4  }
0x2cb: {  	[tilespmem:v1+s15+$0x0] =	vst.idx.add.f32.msk $0xffff, v2  }
0x2cc: {  	v1 =	vld [tilespmem:$0x1BC0];
	_ =	sdelay $0x4  }
0x2cd: {  	v2 =	vld [tilespmem:$0xBC0];
	v1 =	vadd.s32 $0xB00, v1;
	_ =	sdelay $0x4  }
0x2ce: {  	[tilespmem:v1+s15+$0x0] =	vst.idx.add.f32.msk $0xffff, v2  }
0x2cf: {  	v1 =	vld [tilespmem:$0x1BD0];
	_ =	sdelay $0x4  }
0x2d0: {  	v2 =	vld [tilespmem:$0xBD0];
	v1 =	vadd.s32 $0xB00, v1;
	_ =	sdelay $0x4  }
0x2d1: {  	[tilespmem:v1+s15+$0x0] =	vst.idx.add.f32.msk $0xffff, v2  }
0x2d2: {  	v1 =	vld [tilespmem:$0x1BE0];
	_ =	sdelay $0x4  }
0x2d3: {  	v2 =	vld [tilespmem:$0xBE0];
	v1 =	vadd.s32 $0xB00, v1;
	_ =	sdelay $0x4  }
0x2d4: {  	[tilespmem:v1+s15+$0x0] =	vst.idx.add.f32.msk $0xffff, v2  }
0x2d5: {  	v1 =	vld [tilespmem:$0x1BF0];
	_ =	sdelay $0x4  }
0x2d6: {  	v2 =	vld [tilespmem:$0xBF0];
	v1 =	vadd.s32 $0xB00, v1;
	_ =	sdelay $0x4  }
0x2d7: {  	[tilespmem:v1+s15+$0x0] =	vst.idx.add.f32.msk $0xffff, v2  }
0x2d8: {  	v1 =	vld [tilespmem:$0x1C00];
	_ =	sdelay $0x4  }
0x2d9: {  	v2 =	vld [tilespmem:$0xC00];
	v1 =	vadd.s32 $0xC00, v1;
	_ =	sdelay $0x4  }
0x2da: {  	[tilespmem:v1+s15+$0x0] =	vst.idx.add.f32.msk $0xffff, v2  }
0x2db: {  	v1 =	vld [tilespmem:$0x1C10];
	_ =	sdelay $0x4  }
0x2dc: {  	v2 =	vld [tilespmem:$0xC10];
	v1 =	vadd.s32 $0xC00, v1;
	_ =	sdelay $0x4  }
0x2dd: {  	[tilespmem:v1+s15+$0x0] =	vst.idx.add.f32.msk $0xffff, v2  }
0x2de: {  	v1 =	vld [tilespmem:$0x1C20];
	_ =	sdelay $0x4  }
0x2df: {  	v2 =	vld [tilespmem:$0xC20];
	v1 =	vadd.s32 $0xC00, v1;
	_ =	sdelay $0x4  }
0x2e0: {  	[tilespmem:v1+s15+$0x0] =	vst.idx.add.f32.msk $0xffff, v2  }
0x2e1: {  	v1 =	vld [tilespmem:$0x1C30];
	_ =	sdelay $0x4  }
0x2e2: {  	v2 =	vld [tilespmem:$0xC30];
	v1 =	vadd.s32 $0xC00, v1;
	_ =	sdelay $0x4  }
0x2e3: {  	[tilespmem:v1+s15+$0x0] =	vst.idx.add.f32.msk $0xffff, v2  }
0x2e4: {  	v1 =	vld [tilespmem:$0x1C40];
	_ =	sdelay $0x4  }
0x2e5: {  	v2 =	vld [tilespmem:$0xC40];
	v1 =	vadd.s32 $0xC00, v1;
	_ =	sdelay $0x4  }
0x2e6: {  	[tilespmem:v1+s15+$0x0] =	vst.idx.add.f32.msk $0xffff, v2  }
0x2e7: {  	v1 =	vld [tilespmem:$0x1C50];
	_ =	sdelay $0x4  }
0x2e8: {  	v2 =	vld [tilespmem:$0xC50];
	v1 =	vadd.s32 $0xC00, v1;
	_ =	sdelay $0x4  }
0x2e9: {  	[tilespmem:v1+s15+$0x0] =	vst.idx.add.f32.msk $0xffff, v2  }
0x2ea: {  	v1 =	vld [tilespmem:$0x1C60];
	_ =	sdelay $0x4  }
0x2eb: {  	v2 =	vld [tilespmem:$0xC60];
	v1 =	vadd.s32 $0xC00, v1;
	_ =	sdelay $0x4  }
0x2ec: {  	[tilespmem:v1+s15+$0x0] =	vst.idx.add.f32.msk $0xffff, v2  }
0x2ed: {  	v1 =	vld [tilespmem:$0x1C70];
	_ =	sdelay $0x4  }
0x2ee: {  	v2 =	vld [tilespmem:$0xC70];
	v1 =	vadd.s32 $0xC00, v1;
	_ =	sdelay $0x4  }
0x2ef: {  	[tilespmem:v1+s15+$0x0] =	vst.idx.add.f32.msk $0xffff, v2  }
0x2f0: {  	v1 =	vld [tilespmem:$0x1C80];
	_ =	sdelay $0x4  }
0x2f1: {  	v2 =	vld [tilespmem:$0xC80];
	v1 =	vadd.s32 $0xC00, v1;
	_ =	sdelay $0x4  }
0x2f2: {  	[tilespmem:v1+s15+$0x0] =	vst.idx.add.f32.msk $0xffff, v2  }
0x2f3: {  	v1 =	vld [tilespmem:$0x1C90];
	_ =	sdelay $0x4  }
0x2f4: {  	v2 =	vld [tilespmem:$0xC90];
	v1 =	vadd.s32 $0xC00, v1;
	_ =	sdelay $0x4  }
0x2f5: {  	[tilespmem:v1+s15+$0x0] =	vst.idx.add.f32.msk $0xffff, v2  }
0x2f6: {  	v1 =	vld [tilespmem:$0x1CA0];
	_ =	sdelay $0x4  }
0x2f7: {  	v2 =	vld [tilespmem:$0xCA0];
	v1 =	vadd.s32 $0xC00, v1;
	_ =	sdelay $0x4  }
0x2f8: {  	[tilespmem:v1+s15+$0x0] =	vst.idx.add.f32.msk $0xffff, v2  }
0x2f9: {  	v1 =	vld [tilespmem:$0x1CB0];
	_ =	sdelay $0x4  }
0x2fa: {  	v2 =	vld [tilespmem:$0xCB0];
	v1 =	vadd.s32 $0xC00, v1;
	_ =	sdelay $0x4  }
0x2fb: {  	[tilespmem:v1+s15+$0x0] =	vst.idx.add.f32.msk $0xffff, v2  }
0x2fc: {  	v1 =	vld [tilespmem:$0x1CC0];
	_ =	sdelay $0x4  }
0x2fd: {  	v2 =	vld [tilespmem:$0xCC0];
	v1 =	vadd.s32 $0xC00, v1;
	_ =	sdelay $0x4  }
0x2fe: {  	[tilespmem:v1+s15+$0x0] =	vst.idx.add.f32.msk $0xffff, v2  }
0x2ff: {  	v1 =	vld [tilespmem:$0x1CD0];
	_ =	sdelay $0x4  }
0x300: {  	v2 =	vld [tilespmem:$0xCD0];
	v1 =	vadd.s32 $0xC00, v1;
	_ =	sdelay $0x4  }
0x301: {  	[tilespmem:v1+s15+$0x0] =	vst.idx.add.f32.msk $0xffff, v2  }
0x302: {  	v1 =	vld [tilespmem:$0x1CE0];
	_ =	sdelay $0x4  }
0x303: {  	v2 =	vld [tilespmem:$0xCE0];
	v1 =	vadd.s32 $0xC00, v1;
	_ =	sdelay $0x4  }
0x304: {  	[tilespmem:v1+s15+$0x0] =	vst.idx.add.f32.msk $0xffff, v2  }
0x305: {  	v1 =	vld [tilespmem:$0x1CF0];
	_ =	sdelay $0x4  }
0x306: {  	v2 =	vld [tilespmem:$0xCF0];
	v1 =	vadd.s32 $0xC00, v1;
	_ =	sdelay $0x4  }
0x307: {  	[tilespmem:v1+s15+$0x0] =	vst.idx.add.f32.msk $0xffff, v2  }
0x308: {  	v1 =	vld [tilespmem:$0x1D00];
	_ =	sdelay $0x4  }
0x309: {  	v2 =	vld [tilespmem:$0xD00];
	v1 =	vadd.s32 $0xD00, v1;
	_ =	sdelay $0x4  }
0x30a: {  	[tilespmem:v1+s15+$0x0] =	vst.idx.add.f32.msk $0xffff, v2  }
0x30b: {  	v1 =	vld [tilespmem:$0x1D10];
	_ =	sdelay $0x4  }
0x30c: {  	v2 =	vld [tilespmem:$0xD10];
	v1 =	vadd.s32 $0xD00, v1;
	_ =	sdelay $0x4  }
0x30d: {  	[tilespmem:v1+s15+$0x0] =	vst.idx.add.f32.msk $0xffff, v2  }
0x30e: {  	v1 =	vld [tilespmem:$0x1D20];
	_ =	sdelay $0x4  }
0x30f: {  	v2 =	vld [tilespmem:$0xD20];
	v1 =	vadd.s32 $0xD00, v1;
	_ =	sdelay $0x4  }
0x310: {  	[tilespmem:v1+s15+$0x0] =	vst.idx.add.f32.msk $0xffff, v2  }
0x311: {  	v1 =	vld [tilespmem:$0x1D30];
	_ =	sdelay $0x4  }
0x312: {  	v2 =	vld [tilespmem:$0xD30];
	v1 =	vadd.s32 $0xD00, v1;
	_ =	sdelay $0x4  }
0x313: {  	[tilespmem:v1+s15+$0x0] =	vst.idx.add.f32.msk $0xffff, v2  }
0x314: {  	v1 =	vld [tilespmem:$0x1D40];
	_ =	sdelay $0x4  }
0x315: {  	v2 =	vld [tilespmem:$0xD40];
	v1 =	vadd.s32 $0xD00, v1;
	_ =	sdelay $0x4  }
0x316: {  	[tilespmem:v1+s15+$0x0] =	vst.idx.add.f32.msk $0xffff, v2  }
0x317: {  	v1 =	vld [tilespmem:$0x1D50];
	_ =	sdelay $0x4  }
0x318: {  	v2 =	vld [tilespmem:$0xD50];
	v1 =	vadd.s32 $0xD00, v1;
	_ =	sdelay $0x4  }
0x319: {  	[tilespmem:v1+s15+$0x0] =	vst.idx.add.f32.msk $0xffff, v2  }
0x31a: {  	v1 =	vld [tilespmem:$0x1D60];
	_ =	sdelay $0x4  }
0x31b: {  	v2 =	vld [tilespmem:$0xD60];
	v1 =	vadd.s32 $0xD00, v1;
	_ =	sdelay $0x4  }
0x31c: {  	[tilespmem:v1+s15+$0x0] =	vst.idx.add.f32.msk $0xffff, v2  }
0x31d: {  	v1 =	vld [tilespmem:$0x1D70];
	_ =	sdelay $0x4  }
0x31e: {  	v2 =	vld [tilespmem:$0xD70];
	v1 =	vadd.s32 $0xD00, v1;
	_ =	sdelay $0x4  }
0x31f: {  	[tilespmem:v1+s15+$0x0] =	vst.idx.add.f32.msk $0xffff, v2  }
0x320: {  	v1 =	vld [tilespmem:$0x1D80];
	_ =	sdelay $0x4  }
0x321: {  	v2 =	vld [tilespmem:$0xD80];
	v1 =	vadd.s32 $0xD00, v1;
	_ =	sdelay $0x4  }
0x322: {  	[tilespmem:v1+s15+$0x0] =	vst.idx.add.f32.msk $0xffff, v2  }
0x323: {  	v1 =	vld [tilespmem:$0x1D90];
	_ =	sdelay $0x4  }
0x324: {  	v2 =	vld [tilespmem:$0xD90];
	v1 =	vadd.s32 $0xD00, v1;
	_ =	sdelay $0x4  }
0x325: {  	[tilespmem:v1+s15+$0x0] =	vst.idx.add.f32.msk $0xffff, v2  }
0x326: {  	v1 =	vld [tilespmem:$0x1DA0];
	_ =	sdelay $0x4  }
0x327: {  	v2 =	vld [tilespmem:$0xDA0];
	v1 =	vadd.s32 $0xD00, v1;
	_ =	sdelay $0x4  }
0x328: {  	[tilespmem:v1+s15+$0x0] =	vst.idx.add.f32.msk $0xffff, v2  }
0x329: {  	v1 =	vld [tilespmem:$0x1DB0];
	_ =	sdelay $0x4  }
0x32a: {  	v2 =	vld [tilespmem:$0xDB0];
	v1 =	vadd.s32 $0xD00, v1;
	_ =	sdelay $0x4  }
0x32b: {  	[tilespmem:v1+s15+$0x0] =	vst.idx.add.f32.msk $0xffff, v2  }
0x32c: {  	v1 =	vld [tilespmem:$0x1DC0];
	_ =	sdelay $0x4  }
0x32d: {  	v2 =	vld [tilespmem:$0xDC0];
	v1 =	vadd.s32 $0xD00, v1;
	_ =	sdelay $0x4  }
0x32e: {  	[tilespmem:v1+s15+$0x0] =	vst.idx.add.f32.msk $0xffff, v2  }
0x32f: {  	v1 =	vld [tilespmem:$0x1DD0];
	_ =	sdelay $0x4  }
0x330: {  	v2 =	vld [tilespmem:$0xDD0];
	v1 =	vadd.s32 $0xD00, v1;
	_ =	sdelay $0x4  }
0x331: {  	[tilespmem:v1+s15+$0x0] =	vst.idx.add.f32.msk $0xffff, v2  }
0x332: {  	v1 =	vld [tilespmem:$0x1DE0];
	_ =	sdelay $0x4  }
0x333: {  	v2 =	vld [tilespmem:$0xDE0];
	v1 =	vadd.s32 $0xD00, v1;
	_ =	sdelay $0x4  }
0x334: {  	[tilespmem:v1+s15+$0x0] =	vst.idx.add.f32.msk $0xffff, v2  }
0x335: {  	v1 =	vld [tilespmem:$0x1DF0];
	_ =	sdelay $0x4  }
0x336: {  	v2 =	vld [tilespmem:$0xDF0];
	v1 =	vadd.s32 $0xD00, v1;
	_ =	sdelay $0x4  }
0x337: {  	[tilespmem:v1+s15+$0x0] =	vst.idx.add.f32.msk $0xffff, v2  }
0x338: {  	v1 =	vld [tilespmem:$0x1E00];
	_ =	sdelay $0x4  }
0x339: {  	v2 =	vld [tilespmem:$0xE00];
	v1 =	vadd.s32 $0xE00, v1;
	_ =	sdelay $0x4  }
0x33a: {  	[tilespmem:v1+s15+$0x0] =	vst.idx.add.f32.msk $0xffff, v2  }
0x33b: {  	v1 =	vld [tilespmem:$0x1E10];
	_ =	sdelay $0x4  }
0x33c: {  	v2 =	vld [tilespmem:$0xE10];
	v1 =	vadd.s32 $0xE00, v1;
	_ =	sdelay $0x4  }
0x33d: {  	[tilespmem:v1+s15+$0x0] =	vst.idx.add.f32.msk $0xffff, v2  }
0x33e: {  	v1 =	vld [tilespmem:$0x1E20];
	_ =	sdelay $0x4  }
0x33f: {  	v2 =	vld [tilespmem:$0xE20];
	v1 =	vadd.s32 $0xE00, v1;
	_ =	sdelay $0x4  }
0x340: {  	[tilespmem:v1+s15+$0x0] =	vst.idx.add.f32.msk $0xffff, v2  }
0x341: {  	v1 =	vld [tilespmem:$0x1E30];
	_ =	sdelay $0x4  }
0x342: {  	v2 =	vld [tilespmem:$0xE30];
	v1 =	vadd.s32 $0xE00, v1;
	_ =	sdelay $0x4  }
0x343: {  	[tilespmem:v1+s15+$0x0] =	vst.idx.add.f32.msk $0xffff, v2  }
0x344: {  	v1 =	vld [tilespmem:$0x1E40];
	_ =	sdelay $0x4  }
0x345: {  	v2 =	vld [tilespmem:$0xE40];
	v1 =	vadd.s32 $0xE00, v1;
	_ =	sdelay $0x4  }
0x346: {  	[tilespmem:v1+s15+$0x0] =	vst.idx.add.f32.msk $0xffff, v2  }
0x347: {  	v1 =	vld [tilespmem:$0x1E50];
	_ =	sdelay $0x4  }
0x348: {  	v2 =	vld [tilespmem:$0xE50];
	v1 =	vadd.s32 $0xE00, v1;
	_ =	sdelay $0x4  }
0x349: {  	[tilespmem:v1+s15+$0x0] =	vst.idx.add.f32.msk $0xffff, v2  }
0x34a: {  	v1 =	vld [tilespmem:$0x1E60];
	_ =	sdelay $0x4  }
0x34b: {  	v2 =	vld [tilespmem:$0xE60];
	v1 =	vadd.s32 $0xE00, v1;
	_ =	sdelay $0x4  }
0x34c: {  	[tilespmem:v1+s15+$0x0] =	vst.idx.add.f32.msk $0xffff, v2  }
0x34d: {  	v1 =	vld [tilespmem:$0x1E70];
	_ =	sdelay $0x4  }
0x34e: {  	v2 =	vld [tilespmem:$0xE70];
	v1 =	vadd.s32 $0xE00, v1;
	_ =	sdelay $0x4  }
0x34f: {  	[tilespmem:v1+s15+$0x0] =	vst.idx.add.f32.msk $0xffff, v2  }
0x350: {  	v1 =	vld [tilespmem:$0x1E80];
	_ =	sdelay $0x4  }
0x351: {  	v2 =	vld [tilespmem:$0xE80];
	v1 =	vadd.s32 $0xE00, v1;
	_ =	sdelay $0x4  }
0x352: {  	[tilespmem:v1+s15+$0x0] =	vst.idx.add.f32.msk $0xffff, v2  }
0x353: {  	v1 =	vld [tilespmem:$0x1E90];
	_ =	sdelay $0x4  }
0x354: {  	v2 =	vld [tilespmem:$0xE90];
	v1 =	vadd.s32 $0xE00, v1;
	_ =	sdelay $0x4  }
0x355: {  	[tilespmem:v1+s15+$0x0] =	vst.idx.add.f32.msk $0xffff, v2  }
0x356: {  	v1 =	vld [tilespmem:$0x1EA0];
	_ =	sdelay $0x4  }
0x357: {  	v2 =	vld [tilespmem:$0xEA0];
	v1 =	vadd.s32 $0xE00, v1;
	_ =	sdelay $0x4  }
0x358: {  	[tilespmem:v1+s15+$0x0] =	vst.idx.add.f32.msk $0xffff, v2  }
0x359: {  	v1 =	vld [tilespmem:$0x1EB0];
	_ =	sdelay $0x4  }
0x35a: {  	v2 =	vld [tilespmem:$0xEB0];
	v1 =	vadd.s32 $0xE00, v1;
	_ =	sdelay $0x4  }
0x35b: {  	[tilespmem:v1+s15+$0x0] =	vst.idx.add.f32.msk $0xffff, v2  }
0x35c: {  	v1 =	vld [tilespmem:$0x1EC0];
	_ =	sdelay $0x4  }
0x35d: {  	v2 =	vld [tilespmem:$0xEC0];
	v1 =	vadd.s32 $0xE00, v1;
	_ =	sdelay $0x4  }
0x35e: {  	[tilespmem:v1+s15+$0x0] =	vst.idx.add.f32.msk $0xffff, v2  }
0x35f: {  	v1 =	vld [tilespmem:$0x1ED0];
	_ =	sdelay $0x4  }
0x360: {  	v2 =	vld [tilespmem:$0xED0];
	v1 =	vadd.s32 $0xE00, v1;
	_ =	sdelay $0x4  }
0x361: {  	[tilespmem:v1+s15+$0x0] =	vst.idx.add.f32.msk $0xffff, v2  }
0x362: {  	v1 =	vld [tilespmem:$0x1EE0];
	_ =	sdelay $0x4  }
0x363: {  	v2 =	vld [tilespmem:$0xEE0];
	v1 =	vadd.s32 $0xE00, v1;
	_ =	sdelay $0x4  }
0x364: {  	[tilespmem:v1+s15+$0x0] =	vst.idx.add.f32.msk $0xffff, v2  }
0x365: {  	v1 =	vld [tilespmem:$0x1EF0];
	_ =	sdelay $0x4  }
0x366: {  	v2 =	vld [tilespmem:$0xEF0];
	v1 =	vadd.s32 $0xE00, v1;
	_ =	sdelay $0x4  }
0x367: {  	[tilespmem:v1+s15+$0x0] =	vst.idx.add.f32.msk $0xffff, v2  }
0x368: {  	v1 =	vld [tilespmem:$0x1F00];
	_ =	sdelay $0x4  }
0x369: {  	v2 =	vld [tilespmem:$0xF00];
	v1 =	vadd.s32 $0xF00, v1;
	_ =	sdelay $0x4  }
0x36a: {  	[tilespmem:v1+s15+$0x0] =	vst.idx.add.f32.msk $0xffff, v2  }
0x36b: {  	v1 =	vld [tilespmem:$0x1F10];
	_ =	sdelay $0x4  }
0x36c: {  	v2 =	vld [tilespmem:$0xF10];
	v1 =	vadd.s32 $0xF00, v1;
	_ =	sdelay $0x4  }
0x36d: {  	[tilespmem:v1+s15+$0x0] =	vst.idx.add.f32.msk $0xffff, v2  }
0x36e: {  	v1 =	vld [tilespmem:$0x1F20];
	_ =	sdelay $0x4  }
0x36f: {  	v2 =	vld [tilespmem:$0xF20];
	v1 =	vadd.s32 $0xF00, v1;
	_ =	sdelay $0x4  }
0x370: {  	[tilespmem:v1+s15+$0x0] =	vst.idx.add.f32.msk $0xffff, v2  }
0x371: {  	v1 =	vld [tilespmem:$0x1F30];
	_ =	sdelay $0x4  }
0x372: {  	v2 =	vld [tilespmem:$0xF30];
	v1 =	vadd.s32 $0xF00, v1;
	_ =	sdelay $0x4  }
0x373: {  	[tilespmem:v1+s15+$0x0] =	vst.idx.add.f32.msk $0xffff, v2  }
0x374: {  	v1 =	vld [tilespmem:$0x1F40];
	_ =	sdelay $0x4  }
0x375: {  	v2 =	vld [tilespmem:$0xF40];
	v1 =	vadd.s32 $0xF00, v1;
	_ =	sdelay $0x4  }
0x376: {  	[tilespmem:v1+s15+$0x0] =	vst.idx.add.f32.msk $0xffff, v2  }
0x377: {  	v1 =	vld [tilespmem:$0x1F50];
	_ =	sdelay $0x4  }
0x378: {  	v2 =	vld [tilespmem:$0xF50];
	v1 =	vadd.s32 $0xF00, v1;
	_ =	sdelay $0x4  }
0x379: {  	[tilespmem:v1+s15+$0x0] =	vst.idx.add.f32.msk $0xffff, v2  }
0x37a: {  	v1 =	vld [tilespmem:$0x1F60];
	_ =	sdelay $0x4  }
0x37b: {  	v2 =	vld [tilespmem:$0xF60];
	v1 =	vadd.s32 $0xF00, v1;
	_ =	sdelay $0x4  }
0x37c: {  	[tilespmem:v1+s15+$0x0] =	vst.idx.add.f32.msk $0xffff, v2  }
0x37d: {  	v1 =	vld [tilespmem:$0x1F70];
	_ =	sdelay $0x4  }
0x37e: {  	v2 =	vld [tilespmem:$0xF70];
	v1 =	vadd.s32 $0xF00, v1;
	_ =	sdelay $0x4  }
0x37f: {  	[tilespmem:v1+s15+$0x0] =	vst.idx.add.f32.msk $0xffff, v2  }
0x380: {  	v1 =	vld [tilespmem:$0x1F80];
	_ =	sdelay $0x4  }
0x381: {  	v2 =	vld [tilespmem:$0xF80];
	v1 =	vadd.s32 $0xF00, v1;
	_ =	sdelay $0x4  }
0x382: {  	[tilespmem:v1+s15+$0x0] =	vst.idx.add.f32.msk $0xffff, v2  }
0x383: {  	v1 =	vld [tilespmem:$0x1F90];
	_ =	sdelay $0x4  }
0x384: {  	v2 =	vld [tilespmem:$0xF90];
	v1 =	vadd.s32 $0xF00, v1;
	_ =	sdelay $0x4  }
0x385: {  	[tilespmem:v1+s15+$0x0] =	vst.idx.add.f32.msk $0xffff, v2  }
0x386: {  	v1 =	vld [tilespmem:$0x1FA0];
	_ =	sdelay $0x4  }
0x387: {  	v2 =	vld [tilespmem:$0xFA0];
	v1 =	vadd.s32 $0xF00, v1;
	_ =	sdelay $0x4  }
0x388: {  	[tilespmem:v1+s15+$0x0] =	vst.idx.add.f32.msk $0xffff, v2  }
0x389: {  	v1 =	vld [tilespmem:$0x1FB0];
	_ =	sdelay $0x4  }
0x38a: {  	v2 =	vld [tilespmem:$0xFB0];
	v1 =	vadd.s32 $0xF00, v1;
	_ =	sdelay $0x4  }
0x38b: {  	[tilespmem:v1+s15+$0x0] =	vst.idx.add.f32.msk $0xffff, v2  }
0x38c: {  	v1 =	vld [tilespmem:$0x1FC0];
	_ =	sdelay $0x4  }
0x38d: {  	v2 =	vld [tilespmem:$0xFC0];
	v1 =	vadd.s32 $0xF00, v1;
	_ =	sdelay $0x4  }
0x38e: {  	[tilespmem:v1+s15+$0x0] =	vst.idx.add.f32.msk $0xffff, v2  }
0x38f: {  	v1 =	vld [tilespmem:$0x1FD0];
	_ =	sdelay $0x4  }
0x390: {  	v2 =	vld [tilespmem:$0xFD0];
	v1 =	vadd.s32 $0xF00, v1;
	_ =	sdelay $0x4  }
0x391: {  	[tilespmem:v1+s15+$0x0] =	vst.idx.add.f32.msk $0xffff, v2  }
0x392: {  	v1 =	vld [tilespmem:$0x1FE0];
	_ =	sdelay $0x4  }
0x393: {  	v2 =	vld [tilespmem:$0xFE0];
	v1 =	vadd.s32 $0xF00, v1;
	_ =	sdelay $0x4  }
0x394: {  	[tilespmem:v1+s15+$0x0] =	vst.idx.add.f32.msk $0xffff, v2  }
0x395: {  	v1 =	vld [tilespmem:$0x1FF0];
	_ =	sdelay $0x4  }
0x396: {  	v2 =	vld [tilespmem:$0xFF0];
	v1 =	vadd.s32 $0xF00, v1;
	_ =	sdelay $0x4  }
0x397: {  	s4 =	sadd.s32 s5, s4;
	[tilespmem:v1+s15+$0x0] =	vst.idx.add.f32.msk $0xffff, v2  }
0x398: {  	[hbm4b:s4+s3] =	stream.linear.scatter [tilespmem:s15], [sflag:$0x1], $0x100, $0x38;
	[tilespmem:$0x3000] =	vst v63  }
0x399: {  	_ =	swait.ge [sflag:s8], $0x100  }
0x39a: {  	[sflag:s8] =	ssyncset.done $0x0  }
0x39b: {  	s7 =	sadd.s32 s5, s7;
	s24 =	simm.s32 $0x2100;
	[sflag:s8] =	ssyncadd.s32 $0xFFFFFF00  }
0x39c: {  	[hbm4b:s7+s3] =	stream.linear.scatter [tilespmem:s24], [sflag:$0x1], $0x100, $0x38;
	[tilespmem:$0x3000] =	vst v63  }
0x39d: {  	_ =	swait.ge [sflag:s8], $0x100  }
0x39e: {  	[sflag:s8] =	ssyncset.done $0x0  }
0x39f: {  	s25 =	sadd.s32 s5, s9;
	s26 =	simm.s32 $0x2200;
	[sflag:s8] =	ssyncadd.s32 $0xFFFFFF00  }
0x3a0: {  	[hbm4b:s25+s3] =	stream.linear.scatter [tilespmem:s26], [sflag:$0x1], $0x100, $0x38;
	[tilespmem:$0x3000] =	vst v63  }
0x3a1: {  	_ =	swait.ge [sflag:s8], $0x100  }
0x3a2: {  	[sflag:s8] =	ssyncset.done $0x0  }
0x3a3: {  	s9 =	simm.s32 $0x2300;
	s7 =	sadd.s32 s5, s10;
	[sflag:s8] =	ssyncadd.s32 $0xFFFFFF00  }
0x3a4: {  	[hbm4b:s7+s3] =	stream.linear.scatter [tilespmem:s9], [sflag:$0x1], $0x100, $0x38;
	[tilespmem:$0x3000] =	vst v63  }
0x3a5: {  	_ =	swait.ge [sflag:s8], $0x100  }
0x3a6: {  	[sflag:s8] =	ssyncset.done $0x0  }
0x3a7: {  	s10 =	sadd.s32 s5, s11;
	s11 =	simm.s32 $0x2400;
	[sflag:s8] =	ssyncadd.s32 $0xFFFFFF00  }
0x3a8: {  	[hbm4b:s10+s3] =	stream.linear.scatter [tilespmem:s11], [sflag:$0x1], $0x100, $0x38;
	[tilespmem:$0x3000] =	vst v63  }
0x3a9: {  	_ =	swait.ge [sflag:s8], $0x100  }
0x3aa: {  	[sflag:s8] =	ssyncset.done $0x0  }
0x3ab: {  	s12 =	sadd.s32 s5, s12;
	s24 =	simm.s32 $0x2500;
	[sflag:s8] =	ssyncadd.s32 $0xFFFFFF00  }
0x3ac: {  	[hbm4b:s12+s3] =	stream.linear.scatter [tilespmem:s24], [sflag:$0x1], $0x100, $0x38;
	[tilespmem:$0x3000] =	vst v63  }
0x3ad: {  	_ =	swait.ge [sflag:s8], $0x100  }
0x3ae: {  	[sflag:s8] =	ssyncset.done $0x0  }
0x3af: {  	s25 =	sadd.s32 s5, s13;
	s26 =	simm.s32 $0x2600;
	[sflag:s8] =	ssyncadd.s32 $0xFFFFFF00  }
0x3b0: {  	[hbm4b:s25+s3] =	stream.linear.scatter [tilespmem:s26], [sflag:$0x1], $0x100, $0x38;
	[tilespmem:$0x3000] =	vst v63  }
0x3b1: {  	_ =	swait.ge [sflag:s8], $0x100  }
0x3b2: {  	[sflag:s8] =	ssyncset.done $0x0  }
0x3b3: {  	s9 =	sadd.s32 s5, s14;
	s10 =	simm.s32 $0x2700;
	[sflag:s8] =	ssyncadd.s32 $0xFFFFFF00  }
0x3b4: {  	[hbm4b:s9+s3] =	stream.linear.scatter [tilespmem:s10], [sflag:$0x1], $0x100, $0x38;
	[tilespmem:$0x3000] =	vst v63  }
0x3b5: {  	_ =	swait.ge [sflag:s8], $0x100  }
0x3b6: {  	[sflag:s8] =	ssyncset.done $0x0  }
0x3b7: {  	s11 =	sadd.s32 s5, s16;
	s12 =	simm.s32 $0x2800;
	[sflag:s8] =	ssyncadd.s32 $0xFFFFFF00  }
0x3b8: {  	[hbm4b:s11+s3] =	stream.linear.scatter [tilespmem:s12], [sflag:$0x1], $0x100, $0x38;
	[tilespmem:$0x3000] =	vst v63  }
0x3b9: {  	_ =	swait.ge [sflag:s8], $0x100  }
0x3ba: {  	[sflag:s8] =	ssyncset.done $0x0  }
0x3bb: {  	s13 =	sadd.s32 s5, s17;
	s14 =	simm.s32 $0x2900;
	[sflag:s8] =	ssyncadd.s32 $0xFFFFFF00  }
0x3bc: {  	[hbm4b:s13+s3] =	stream.linear.scatter [tilespmem:s14], [sflag:$0x1], $0x100, $0x38;
	[tilespmem:$0x3000] =	vst v63  }
0x3bd: {  	_ =	swait.ge [sflag:s8], $0x100  }
0x3be: {  	[sflag:s8] =	ssyncset.done $0x0  }
0x3bf: {  	s17 =	simm.s32 $0x2A00;
	s16 =	sadd.s32 s5, s18;
	[sflag:s8] =	ssyncadd.s32 $0xFFFFFF00  }
0x3c0: {  	[hbm4b:s16+s3] =	stream.linear.scatter [tilespmem:s17], [sflag:$0x1], $0x100, $0x38;
	[tilespmem:$0x3000] =	vst v63  }
0x3c1: {  	_ =	swait.ge [sflag:s8], $0x100  }
0x3c2: {  	[sflag:s8] =	ssyncset.done $0x0  }
0x3c3: {  	s18 =	sadd.s32 s5, s19;
	s19 =	simm.s32 $0x2B00;
	[sflag:s8] =	ssyncadd.s32 $0xFFFFFF00  }
0x3c4: {  	[hbm4b:s18+s3] =	stream.linear.scatter [tilespmem:s19], [sflag:$0x1], $0x100, $0x38;
	[tilespmem:$0x3000] =	vst v63  }
0x3c5: {  	_ =	swait.ge [sflag:s8], $0x100  }
0x3c6: {  	[sflag:s8] =	ssyncset.done $0x0  }
0x3c7: {  	s20 =	sadd.s32 s5, s20;
	[sflag:s8] =	ssyncadd.s32 $0xFFFFFF00  }
0x3c8: {  	[hbm4b:s20+s3] =	stream.linear.scatter [tilespmem:s28], [sflag:$0x1], $0x100, $0x38;
	[tilespmem:$0x3000] =	vst v63  }
0x3c9: {  	_ =	swait.ge [sflag:s8], $0x100  }
0x3ca: {  	[sflag:s8] =	ssyncset.done $0x0  }
0x3cb: {  	s24 =	sadd.s32 s5, s21;
	[sflag:s8] =	ssyncadd.s32 $0xFFFFFF00  }
0x3cc: {  	[hbm4b:s24+s3] =	stream.linear.scatter [tilespmem:s29], [sflag:$0x1], $0x100, $0x38;
	[tilespmem:$0x3000] =	vst v63  }
0x3cd: {  	_ =	swait.ge [sflag:s8], $0x100  }
0x3ce: {  	[sflag:s8] =	ssyncset.done $0x0  }
0x3cf: {  	s25 =	sadd.s32 s5, s22;
	[sflag:s8] =	ssyncadd.s32 $0xFFFFFF00  }
0x3d0: {  	[hbm4b:s25+s3] =	stream.linear.scatter [tilespmem:s30], [sflag:$0x1], $0x100, $0x38;
	[tilespmem:$0x3000] =	vst v63  }
0x3d1: {  	s0 =	sadd.s32 $0x1, s0;
	_ =	swait.ge [sflag:s8], $0x100  }
0x3d2: {  	p0 =	sne.s32 s0, $0x8;
	[sflag:s8] =	ssyncset.done $0x0  }
.Ltmp1:
0x3d3: {  	s26 =	sadd.s32 s5, s23;
	[sflag:s8] =	ssyncadd.s32 $0xFFFFFF00;
	(pc) =	sbr.rel @p0 .LBB2_2-.Ltmp1, $4  }
0x3d4: {  	[hbm4b:s26+s3] =	stream.linear.scatter [tilespmem:s31], [sflag:$0x1], $0x100, $0x38;
	[tilespmem:$0x3000] =	vst v63  }
0x3d5: {  	_ =	swait.ge [sflag:s8], $0x100  }
0x3d6: {  	[sflag:s8] =	ssyncset.done $0x0  }
0x3d7: {  	[sflag:s8] =	ssyncadd.s32 $0xFFFFFF00  }
0x3d8: {  	s4 =	rddreg [dreg:$0x5]  }
0x3d9: {  	s0 =	rddreg [dreg:$0x4];
	s4 =	sadd.s32 $0x1, s4  }
0x3da: {  	p0 =	sne.s32 s4, s0  }
.Ltmp2:
0x3db: {  	_ = 	snop;
	(pc) =	sbr.rel @p0 .LBB2_1-.Ltmp2, $1  }
0x3dc: {  	_ =	sdelay $0x3  }
0x3dd: {  	_ =	sfence.sel $0x180000  }
0x3de: {  	[bflag:$0x0] =	sbarrier.arrive $0xFFFF  }
0x3df: {  	_ =	strace $0x9000004A  }
0x3e0: {  	s0 =	stileid.u32;
	[bflag:$0x2] =	sbarrier.arrive $0xFFFF  }
0x3e1: {  	p0 =	sne.s32 s0, $0x0;
	s0 =	rddreg [dreg:$0x3]  }
0x3e2: {  	s0 =	sadd.s32 @!p0 $0x100000, s0  }
0x3e3: {  	[sflag:s0] =	ssyncadd.tile.s32 @!p0 $0x1;
	_ =	shalt  }
.Lfunc_end2:
_tile_overlayer_lowered:
.L_overlay_start_2:
0x3e4: {  	(tag) =	ssettag $0x2  }
0x3e5: {  	s0 =	rddreg [dreg:$0x0];
	s2 =	stileid.u32  }
0x3e6: {  	s1 =	rddreg [dreg:$0x1];
	p0 =	sne.s32 s2, $0x0  }
0x3e7: {  	s3 =	rddreg [dreg:$0x2];
	[bflag:$0x3] =	sbarrier.arrive $0xFFFF;
	s2 =	simm.s32 @!p0 $0x1C01  }
0x3e8: {  	[timem:s3], [sflag:s2] =	dma.local @!p0 [hbm:s0], s1  }
0x3e9: {  	s0 =	simm.s32 @!p0 $0x1  }
0x3ea: {  	_ =	swait.ge @!p0 [sflag:s0], s1  }
0x3eb: {  	s1 =	ssub.s32 @!p0 $0x0, s1;
	[sflag:s0] =	ssyncset.done @!p0 $0x0  }
0x3ec: {  	[sflag:s0] =	ssyncadd.s32 @!p0 s1  }
0x3ed: {  	[bflag:$0x3] =	sbarrier.arrive $0xFFFF  }
0x3ee: {  	_ =	shalt  }

</sc_bundles>
